<compile_context>
chip_gen: v7x
topology: tpu7x:2x2x1
jax: 0.10.2.dev20260603
libtpu: 0.0.44.dev20260713+nightly
codegen_flags: <defaults>
</compile_context>

<pallas_src>
import functools

import jax
import jax.numpy as jnp
from jax import lax
from jax.experimental import pallas as pl
from jax.experimental.pallas import tpu as pltpu
from jax.experimental.pallas import tpu_sc as plsc

N_PAD = 10240
N_ACC = 10112
CHUNK = 96
NUM_SC = 2
NUM_SUB = 16
NW = NUM_SC * NUM_SUB
D = 128
ROW_BLK = 1280



def _make_sc_scatter(e_pad, indirect):
    cpt = e_pad // (NW * CHUNK)
    rps = N_ACC // NUM_SUB
    mesh = plsc.VectorSubcoreMesh(core_axis_name="c", subcore_axis_name="s")

    NB = 4

    def body(*refs):
        if indirect:
            feat, src, dst, zd, p_out = refs[:5]
            rest = refs[5:]
            srcs, rest = rest[:NB], rest[NB:]
        else:
            feat, dst, zd, p_out = refs[:4]
            rest = refs[4:]
            srcs = (None,) * NB
            src = None
        dsts, rest = rest[:NB], rest[NB:]
        rows, rest = rest[:NB], rest[NB:]
        acc_sh, isem, gsem = rest

        c = lax.axis_index("c")
        s = lax.axis_index("s")
        wid = s * NUM_SC + c
        r0 = pl.multiple_of(s * rps, 8)
        tile_base = wid * (cpt * CHUNK)

        def hslice(ci):
            return pl.ds(pl.multiple_of(tile_base + ci * CHUNK, 8), CHUNK)

        def issue_idx(ci, b):
            pltpu.async_copy(dst.at[hslice(ci)], dsts[b], isem)
            if indirect:
                pltpu.async_copy(src.at[hslice(ci)], srcs[b], isem)

        def wait_idx(ci, b):
            pltpu.make_async_copy(dst.at[hslice(ci)], dsts[b], isem).wait()
            if indirect:
                pltpu.make_async_copy(src.at[hslice(ci)], srcs[b], isem).wait()

        def issue_gather(ci, b):
            if indirect:
                pltpu.async_copy(feat.at[srcs[b]], rows[b], gsem)
            else:
                pltpu.async_copy(feat.at[hslice(ci)], rows[b], gsem)

        def wait_gather(b):
            pltpu.make_async_copy(feat.at[pl.ds(0, CHUNK)], rows[b],
                                  gsem).wait()

        def step(ci, b, gather_next, idx_next):
            if gather_next:
                wait_idx(ci + 2, (b + 2) % NB)
                issue_gather(ci + 2, (b + 2) % NB)
            if idx_next:
                issue_idx(ci + 3, (b + 3) % NB)
            wait_gather(b)
            pltpu.sync_copy(rows[b], acc_sh.at[dsts[b]], add=True)

        pltpu.sync_copy(zd, acc_sh.at[pl.ds(r0, rps)])
        plsc.subcore_barrier()

        issue_idx(0, 0)
        issue_idx(1, 1)
        issue_idx(2, 2)
        wait_idx(0, 0)
        issue_gather(0, 0)
        wait_idx(1, 1)
        issue_gather(1, 1)
        step(0, 0, True, True)
        step(1, 1, True, True)

        nq = max(0, (cpt - 6) // NB)

        def spin(q, carry):
            for j in range(NB):
                ci = 2 + NB * q + j
                step(ci, (2 + j) % NB, True, True)
            return carry

        lax.fori_loop(0, nq, spin, 0)
        for ci in range(2 + NB * nq, cpt):
            step(ci, ci % NB, ci + 2 < cpt, ci + 3 < cpt)
        plsc.subcore_barrier()

        pltpu.sync_copy(acc_sh.at[pl.ds(r0, rps)], p_out.at[c, pl.ds(r0, rps)])

    scratch = []
    if indirect:
        scratch += [pltpu.VMEM((CHUNK,), jnp.int32)] * NB
    scratch += [pltpu.VMEM((CHUNK,), jnp.int32)] * NB
    scratch += [pltpu.VMEM((CHUNK, D), jnp.float32)] * NB
    scratch += [
        pltpu.VMEM_SHARED((N_ACC, D), jnp.float32),
        pltpu.SemaphoreType.DMA,
        pltpu.SemaphoreType.DMA,
    ]
    return pl.kernel(
        body, out_type=[jax.ShapeDtypeStruct((NUM_SC, N_PAD, D), jnp.float32)],
        mesh=mesh, scratch_types=scratch)



def _tc_layer_body(x_ref, p_ref, ds_ref, wa_ref, wb_ref, we_ref, b_ref,
                   o_ref, *, relu):
    ds = ds_ref[0] + ds_ref[1]
    deg = ds[:, 4:5] + 1.0
    sh = x_ref[...] + p_ref[0] + p_ref[1]
    acc = jnp.dot(sh, wb_ref[...], preferred_element_type=jnp.float32)
    acc += deg * jnp.dot(x_ref[...], wa_ref[...],
                         preferred_element_type=jnp.float32)
    acc += jnp.dot(ds, we_ref[...], preferred_element_type=jnp.float32)
    acc += b_ref[...]
    o_ref[...] = jnp.maximum(acc, 0.0) if relu else acc


def _tc_layer(x, p, ds, wa, wb, we, b, relu):
    din, dout = wa.shape
    grid = N_PAD // ROW_BLK
    return pl.pallas_call(
        functools.partial(_tc_layer_body, relu=relu),
        grid=(grid,),
        in_specs=[
            pl.BlockSpec((ROW_BLK, din), lambda i: (i, 0)),
            pl.BlockSpec((NUM_SC, ROW_BLK, din), lambda i: (0, i, 0)),
            pl.BlockSpec((NUM_SC, ROW_BLK, D), lambda i: (0, i, 0)),
            pl.BlockSpec((din, dout), lambda i: (0, 0)),
            pl.BlockSpec((din, dout), lambda i: (0, 0)),
            pl.BlockSpec((D, dout), lambda i: (0, 0)),
            pl.BlockSpec((1, dout), lambda i: (0, 0)),
        ],
        out_specs=pl.BlockSpec((ROW_BLK, dout), lambda i: (i, 0)),
        out_shape=jax.ShapeDtypeStruct((N_PAD, dout), jnp.float32),
    )(x, p, ds, wa, wb, we, b)


def _tc_final_body(x_ref, p_ref, ds_ref, wa_ref, wb_ref, we_ref, b_ref,
                   wc_ref, bc_ref, o_ref):
    ds = ds_ref[0] + ds_ref[1]
    deg = ds[:, 4:5] + 1.0
    sh = x_ref[...] + p_ref[0] + p_ref[1]
    h = jnp.dot(sh, wb_ref[...], preferred_element_type=jnp.float32)
    h += deg * jnp.dot(x_ref[...], wa_ref[...],
                       preferred_element_type=jnp.float32)
    h += jnp.dot(ds, we_ref[...], preferred_element_type=jnp.float32)
    h += b_ref[...]
    logits = jnp.dot(h, wc_ref[...],
                     preferred_element_type=jnp.float32) + bc_ref[...]
    m = jnp.max(logits, axis=1, keepdims=True)
    lse = m + jnp.log(jnp.sum(jnp.exp(logits - m), axis=1, keepdims=True))
    o_ref[...] = logits - lse


def _tc_final(x, p, ds, wa, wb, we, b, wc, bc):
    din, dout = wa.shape
    nc = wc.shape[1]
    grid = N_PAD // ROW_BLK
    return pl.pallas_call(
        _tc_final_body,
        grid=(grid,),
        in_specs=[
            pl.BlockSpec((ROW_BLK, din), lambda i: (i, 0)),
            pl.BlockSpec((NUM_SC, ROW_BLK, din), lambda i: (0, i, 0)),
            pl.BlockSpec((NUM_SC, ROW_BLK, D), lambda i: (0, i, 0)),
            pl.BlockSpec((din, dout), lambda i: (0, 0)),
            pl.BlockSpec((din, dout), lambda i: (0, 0)),
            pl.BlockSpec((D, dout), lambda i: (0, 0)),
            pl.BlockSpec((1, dout), lambda i: (0, 0)),
            pl.BlockSpec((dout, nc), lambda i: (0, 0)),
            pl.BlockSpec((1, nc), lambda i: (0, 0)),
        ],
        out_specs=pl.BlockSpec((ROW_BLK, nc), lambda i: (i, 0)),
        out_shape=jax.ShapeDtypeStruct((N_PAD, nc), jnp.float32),
    )(x, p, ds, wa, wb, we, b, wc, bc)



def _split_w(w, din, b):
    de = w.shape[0] - 2 * din
    wa = w[:din]
    wb = w[din:2 * din]
    we = jnp.zeros((D, w.shape[1]), jnp.float32)
    we = we.at[:de].set(w[2 * din:])
    we = we.at[4].set(b)
    return wa, wb, we


def kernel(x, edge_index, edge_attr, W1, b1, W2, b2, W3, b3, Wc, bc):
    n = x.shape[0]
    e = edge_index.shape[1]
    cpt = -(-e // (NW * CHUNK))
    if cpt % 2 == 0:
        cpt += 1
    e_pad = cpt * NW * CHUNK

    src = jnp.pad(edge_index[0].astype(jnp.int32), (0, e_pad - e))
    dst = jnp.pad(edge_index[1].astype(jnp.int32), (0, e_pad - e),
                  constant_values=n)
    de = edge_attr.shape[1]
    pay = jnp.concatenate(
        [jnp.pad(edge_attr, ((0, e_pad - e), (0, 0))),
         jnp.pad(jnp.ones((e, 1), jnp.float32), ((0, e_pad - e), (0, 0))),
         jnp.zeros((e_pad, D - de - 1), jnp.float32)], axis=1)

    x_pad = jnp.pad(x, ((0, N_PAD - n), (0, 0)))
    zd = jnp.zeros((N_ACC // NUM_SUB, D), jnp.float32)

    w1a, w1b, w1e = _split_w(W1, 128, b1)
    w2a, w2b, w2e = _split_w(W2, 128, b2)
    w3a, w3b, w3e = _split_w(W3, 64, b3)

    pad_c = lambda w: jnp.pad(w, ((0, 0), (0, 128 - w.shape[1])))
    pad_r = lambda w: jnp.pad(w, ((0, 64), (0, 0)))
    w2a, w2b, w2e = pad_c(w2a), pad_c(w2b), pad_c(w2e)
    w3a, w3b = pad_r(w3a), pad_r(w3b)

    b1r = b1.reshape(1, -1)
    b2r = jnp.pad(b2, (0, 64)).reshape(1, -1)
    b3r = b3.reshape(1, -1)
    bcr = bc.reshape(1, -1)

    featscat = _make_sc_scatter(e_pad, indirect=True)
    payscat = _make_sc_scatter(e_pad, indirect=False)

    (p1,) = featscat(x_pad, src, dst, zd)
    (dsum,) = payscat(pay, dst, zd)
    h1 = _tc_layer(x_pad, p1, dsum, w1a, w1b, w1e, b1r, relu=True)
    (p2,) = featscat(h1, src, dst, zd)
    h2 = _tc_layer(h1, p2, dsum, w2a, w2b, w2e, b2r, relu=True)
    (p3,) = featscat(h2, src, dst, zd)
    out = _tc_final(h2, p3, dsum, w3a, w3b, w3e, b3r, Wc, bcr)
    return out[:n]

# --- scband reference (transcript-rebuilt; emitter-appended) ---
"""Pipeline reference for scband-gcn-7172595384884 (READ-ONLY COPY).

The authoritative reference and input builder live on the scoring server;
editing this copy changes nothing except your own understanding.
"""

import jax, jax.numpy as jnp
import numpy as np

N = 10000
E = 320000
DF = 128
DE = 4
NC = 16


def setup_inputs(seed: int = 0) -> dict:
    key = jax.random.key(seed)
    ks = jax.random.split(key, 12)
    x = jax.random.normal(ks[0], (N, DF), dtype=jnp.float32)
    edge_index = jax.random.randint(ks[1], (2, E), 0, N)
    edge_attr = jax.random.uniform(ks[2], (E, DE), dtype=jnp.float32)
    # EdgeConv message concatenates [x_i, x_j, edge_attr]; lin in_features sized to actual concat dim
    d1_in = 2 * DF + DE      # 260
    d2_in = 2 * 128 + DE     # 260
    d3_in = 2 * 64 + DE      # 132
    W1 = jax.random.normal(ks[3], (d1_in, 128), dtype=jnp.float32) / np.sqrt(d1_in)
    b1 = jnp.zeros((128,), dtype=jnp.float32)
    W2 = jax.random.normal(ks[4], (d2_in, 64), dtype=jnp.float32) / np.sqrt(d2_in)
    b2 = jnp.zeros((64,), dtype=jnp.float32)
    W3 = jax.random.normal(ks[5], (d3_in, 32), dtype=jnp.float32) / np.sqrt(d3_in)
    b3 = jnp.zeros((32,), dtype=jnp.float32)
    Wc = jax.random.normal(ks[6], (32, NC), dtype=jnp.float32) / np.sqrt(32.0)
    bc = jnp.zeros((NC,), dtype=jnp.float32)
    return {"x": x, "edge_index": edge_index, "edge_attr": edge_attr,
            "W1": W1, "b1": b1, "W2": W2, "b2": b2, "W3": W3, "b3": b3,
            "Wc": Wc, "bc": bc}


def _edge_conv(x, edge_index, edge_attr, W, b):
    # EdgeConv.forward: add self loops, propagate with aggr='add' at dst (edge_index[1])
    n = x.shape[0]
    loop = jnp.arange(n, dtype=edge_index.dtype)
    src = jnp.concatenate([edge_index[0], loop])
    dst = jnp.concatenate([edge_index[1], loop])
    ea = jnp.concatenate([edge_attr, jnp.zeros((n, edge_attr.shape[1]), edge_attr.dtype)], axis=0)
    x_i = jnp.take(x, dst, axis=0)  # target node features
    x_j = jnp.take(x, src, axis=0)  # source node features
    msg = jnp.concatenate([x_i, x_j, ea], axis=1) @ W + b
    return jax.ops.segment_sum(msg, dst, num_segments=n)


def reference(x, edge_index, edge_attr, W1, b1, W2, b2, W3, b3, Wc, bc):
    h = _edge_conv(x, edge_index, edge_attr, W1, b1)
    h = jax.nn.relu(h)
    # dropout is identity in eval/reference mode
    h = _edge_conv(h, edge_index, edge_attr, W2, b2)
    h = jax.nn.relu(h)
    h = _edge_conv(h, edge_index, edge_attr, W3, b3)
    logits = h @ Wc + bc
    return jax.nn.log_softmax(logits, axis=1)

if __name__ == "__main__":
    import jax
    _d = setup_inputs()
    print(jax.jit(kernel)(*tuple(_d.values())))

</pallas_src>

<mosaic_0001>
#map = affine_map<(d0, d1) -> (0, 0)>
#map1 = affine_map<(d0, d1) -> (0)>
#map2 = affine_map<(d0, d1) -> (0, 0, 0)>
module attributes {stable_mosaic.version = 14 : i64} {
  func.func @body(%arg0: i32, %arg1: i32, %arg2: memref<10240x128xf32, #tpu.memory_space<hbm>>, %arg3: memref<322560xi32, #tpu.memory_space<hbm>>, %arg4: memref<322560xi32, #tpu.memory_space<hbm>>, %arg5: memref<632x128xf32, #tpu.memory_space<hbm>>, %arg6: memref<2x10240x128xf32, #tpu.memory_space<hbm>>, %arg7: memref<96xi32, #tpu.memory_space<vmem>>, %arg8: memref<96xi32, #tpu.memory_space<vmem>>, %arg9: memref<96xi32, #tpu.memory_space<vmem>>, %arg10: memref<96xi32, #tpu.memory_space<vmem>>, %arg11: memref<96xi32, #tpu.memory_space<vmem>>, %arg12: memref<96xi32, #tpu.memory_space<vmem>>, %arg13: memref<96xi32, #tpu.memory_space<vmem>>, %arg14: memref<96xi32, #tpu.memory_space<vmem>>, %arg15: memref<96x128xf32, #tpu.memory_space<vmem>>, %arg16: memref<96x128xf32, #tpu.memory_space<vmem>>, %arg17: memref<96x128xf32, #tpu.memory_space<vmem>>, %arg18: memref<96x128xf32, #tpu.memory_space<vmem>>, %arg19: memref<10112x128xf32, #tpu.memory_space<vmem_shared>>, %arg20: memref<!tpu.dma_semaphore, #tpu.memory_space<semaphore_mem>>, %arg21: memref<!tpu.dma_semaphore, #tpu.memory_space<semaphore_mem>>) attributes {dimension_semantics = [#tpu.dimension_semantics<core_parallel>, #tpu.dimension_semantics<subcore_parallel>], iteration_bounds = array<i64: 2, 16>, scalar_prefetch = 0 : i64, scratch_operands = 15 : i64, tpu.core_type = #tpu.core_type<sc_vector_subcore>, window_params = [{transform_indices = #map}, {transform_indices = #map1}, {transform_indices = #map1}, {transform_indices = #map}, {transform_indices = #map2}]} {
    %mul3A = arith.constant 2 : i32
    %mul3A_0 = arith.muli %arg1, %mul3A : i32
    %add3A = arith.addi %mul3A_0, %arg0 : i32
    %mul3A_1 = arith.constant 632 : i32
    %mul3A_2 = arith.muli %arg1, %mul3A_1 : i32
    %multiple_of3A = tpu.assume_multiple %mul3A_2, 8 : i32
    %mul3A_3 = arith.constant 10080 : i32
    %mul3A_4 = arith.muli %add3A, %mul3A_3 : i32
    "tpu.region"() ({
      %run_scoped3A = tpu.sem_alloc : memref<!tpu.dma_semaphore, #tpu.memory_space<semaphore_mem>>
      %dma_start3A_270 = arith.constant 0 : i32
      %dma_start3A_271 = tpu.memref_slice %arg19[%multiple_of3A, %dma_start3A_270] : memref<10112x128xf32, #tpu.memory_space<vmem_shared>> -> memref<632x128xf32, #tpu.memory_space<vmem_shared>>
      tpu.enqueue_dma source(%arg5 : memref<632x128xf32, #tpu.memory_space<hbm>>) target(%dma_start3A_271 : memref<632x128xf32, #tpu.memory_space<vmem_shared>>) target_semaphore(%run_scoped3A : memref<!tpu.dma_semaphore, #tpu.memory_space<semaphore_mem>>)
      %dma_wait3A_272 = arith.constant 0 : i32
      %dma_wait3A_273 = tpu.memref_slice %arg19[%multiple_of3A, %dma_wait3A_272] : memref<10112x128xf32, #tpu.memory_space<vmem_shared>> -> memref<632x128xf32, #tpu.memory_space<vmem_shared>>
      tpu.wait_dma2 semaphore(%run_scoped3A : memref<!tpu.dma_semaphore, #tpu.memory_space<semaphore_mem>>) src(%arg5 : memref<632x128xf32, #tpu.memory_space<hbm>>) dst(%dma_wait3A_273 : memref<632x128xf32, #tpu.memory_space<vmem_shared>>)
      tpu.yield
    }) : () -> ()
    %barrier3A = arith.constant 0 : index
    tpu.barrier barrier_id(%barrier3A)
    %add3A_5 = arith.constant 0 : i32
    %add3A_6 = arith.addi %mul3A_4, %add3A_5 : i32
    %multiple_of3A_7 = tpu.assume_multiple %add3A_6, 8 : i32
    %dma_start3A = tpu.memref_slice %arg4[%multiple_of3A_7] : memref<322560xi32, #tpu.memory_space<hbm>> -> memref<96xi32, #tpu.memory_space<hbm>>
    %dma_start3A_8 = tpu.memref_slice %arg4[%multiple_of3A_7] : memref<322560xi32, #tpu.memory_space<hbm>> -> memref<96xi32, #tpu.memory_space<hbm>>
    tpu.enqueue_dma source(%dma_start3A_8 : memref<96xi32, #tpu.memory_space<hbm>>) target(%arg11 : memref<96xi32, #tpu.memory_space<vmem>>) target_semaphore(%arg20 : memref<!tpu.dma_semaphore, #tpu.memory_space<semaphore_mem>>)
    %add3A_9 = arith.constant 0 : i32
    %add3A_10 = arith.addi %mul3A_4, %add3A_9 : i32
    %multiple_of3A_11 = tpu.assume_multiple %add3A_10, 8 : i32
    %dma_start3A_12 = tpu.memref_slice %arg3[%multiple_of3A_11] : memref<322560xi32, #tpu.memory_space<hbm>> -> memref<96xi32, #tpu.memory_space<hbm>>
    %dma_start3A_13 = tpu.memref_slice %arg3[%multiple_of3A_11] : memref<322560xi32, #tpu.memory_space<hbm>> -> memref<96xi32, #tpu.memory_space<hbm>>
    tpu.enqueue_dma source(%dma_start3A_13 : memref<96xi32, #tpu.memory_space<hbm>>) target(%arg7 : memref<96xi32, #tpu.memory_space<vmem>>) target_semaphore(%arg20 : memref<!tpu.dma_semaphore, #tpu.memory_space<semaphore_mem>>)
    %add3A_14 = arith.constant 96 : i32
    %add3A_15 = arith.addi %mul3A_4, %add3A_14 : i32
    %multiple_of3A_16 = tpu.assume_multiple %add3A_15, 8 : i32
    %dma_start3A_17 = tpu.memref_slice %arg4[%multiple_of3A_16] : memref<322560xi32, #tpu.memory_space<hbm>> -> memref<96xi32, #tpu.memory_space<hbm>>
    %dma_start3A_18 = tpu.memref_slice %arg4[%multiple_of3A_16] : memref<322560xi32, #tpu.memory_space<hbm>> -> memref<96xi32, #tpu.memory_space<hbm>>
    tpu.enqueue_dma source(%dma_start3A_18 : memref<96xi32, #tpu.memory_space<hbm>>) target(%arg12 : memref<96xi32, #tpu.memory_space<vmem>>) target_semaphore(%arg20 : memref<!tpu.dma_semaphore, #tpu.memory_space<semaphore_mem>>)
    %add3A_19 = arith.constant 96 : i32
    %add3A_20 = arith.addi %mul3A_4, %add3A_19 : i32
    %multiple_of3A_21 = tpu.assume_multiple %add3A_20, 8 : i32
    %dma_start3A_22 = tpu.memref_slice %arg3[%multiple_of3A_21] : memref<322560xi32, #tpu.memory_space<hbm>> -> memref<96xi32, #tpu.memory_space<hbm>>
    %dma_start3A_23 = tpu.memref_slice %arg3[%multiple_of3A_21] : memref<322560xi32, #tpu.memory_space<hbm>> -> memref<96xi32, #tpu.memory_space<hbm>>
    tpu.enqueue_dma source(%dma_start3A_23 : memref<96xi32, #tpu.memory_space<hbm>>) target(%arg8 : memref<96xi32, #tpu.memory_space<vmem>>) target_semaphore(%arg20 : memref<!tpu.dma_semaphore, #tpu.memory_space<semaphore_mem>>)
    %add3A_24 = arith.constant 192 : i32
    %add3A_25 = arith.addi %mul3A_4, %add3A_24 : i32
    %multiple_of3A_26 = tpu.assume_multiple %add3A_25, 8 : i32
    %dma_start3A_27 = tpu.memref_slice %arg4[%multiple_of3A_26] : memref<322560xi32, #tpu.memory_space<hbm>> -> memref<96xi32, #tpu.memory_space<hbm>>
    %dma_start3A_28 = tpu.memref_slice %arg4[%multiple_of3A_26] : memref<322560xi32, #tpu.memory_space<hbm>> -> memref<96xi32, #tpu.memory_space<hbm>>
    tpu.enqueue_dma source(%dma_start3A_28 : memref<96xi32, #tpu.memory_space<hbm>>) target(%arg13 : memref<96xi32, #tpu.memory_space<vmem>>) target_semaphore(%arg20 : memref<!tpu.dma_semaphore, #tpu.memory_space<semaphore_mem>>)
    %add3A_29 = arith.constant 192 : i32
    %add3A_30 = arith.addi %mul3A_4, %add3A_29 : i32
    %multiple_of3A_31 = tpu.assume_multiple %add3A_30, 8 : i32
    %dma_start3A_32 = tpu.memref_slice %arg3[%multiple_of3A_31] : memref<322560xi32, #tpu.memory_space<hbm>> -> memref<96xi32, #tpu.memory_space<hbm>>
    %dma_start3A_33 = tpu.memref_slice %arg3[%multiple_of3A_31] : memref<322560xi32, #tpu.memory_space<hbm>> -> memref<96xi32, #tpu.memory_space<hbm>>
    tpu.enqueue_dma source(%dma_start3A_33 : memref<96xi32, #tpu.memory_space<hbm>>) target(%arg9 : memref<96xi32, #tpu.memory_space<vmem>>) target_semaphore(%arg20 : memref<!tpu.dma_semaphore, #tpu.memory_space<semaphore_mem>>)
    %add3A_34 = arith.constant 0 : i32
    %add3A_35 = arith.addi %mul3A_4, %add3A_34 : i32
    %multiple_of3A_36 = tpu.assume_multiple %add3A_35, 8 : i32
    %dma_wait3A = tpu.memref_slice %arg4[%multiple_of3A_36] : memref<322560xi32, #tpu.memory_space<hbm>> -> memref<96xi32, #tpu.memory_space<hbm>>
    %dma_wait3A_37 = tpu.memref_slice %arg4[%multiple_of3A_36] : memref<322560xi32, #tpu.memory_space<hbm>> -> memref<96xi32, #tpu.memory_space<hbm>>
    tpu.wait_dma2 semaphore(%arg20 : memref<!tpu.dma_semaphore, #tpu.memory_space<semaphore_mem>>) src(%dma_wait3A_37 : memref<96xi32, #tpu.memory_space<hbm>>) dst(%arg11 : memref<96xi32, #tpu.memory_space<vmem>>)
    %add3A_38 = arith.constant 0 : i32
    %add3A_39 = arith.addi %mul3A_4, %add3A_38 : i32
    %multiple_of3A_40 = tpu.assume_multiple %add3A_39, 8 : i32
    %dma_wait3A_41 = tpu.memref_slice %arg3[%multiple_of3A_40] : memref<322560xi32, #tpu.memory_space<hbm>> -> memref<96xi32, #tpu.memory_space<hbm>>
    %dma_wait3A_42 = tpu.memref_slice %arg3[%multiple_of3A_40] : memref<322560xi32, #tpu.memory_space<hbm>> -> memref<96xi32, #tpu.memory_space<hbm>>
    tpu.wait_dma2 semaphore(%arg20 : memref<!tpu.dma_semaphore, #tpu.memory_space<semaphore_mem>>) src(%dma_wait3A_42 : memref<96xi32, #tpu.memory_space<hbm>>) dst(%arg7 : memref<96xi32, #tpu.memory_space<vmem>>)
    %dma_start3A_43 = arith.constant 0 : i32
    %dma_start3A_44 = arith.constant 0 : i32
    %dma_start3A_45 = tpu.memref_slice %arg2[%dma_start3A_43, %dma_start3A_44] : memref<10240x128xf32, #tpu.memory_space<hbm>> -> memref<10240x128xf32, #tpu.memory_space<hbm>>
    tpu.enqueue_indirect_dma source(%dma_start3A_45 : memref<10240x128xf32, #tpu.memory_space<hbm>>) target(%arg15 : memref<96x128xf32, #tpu.memory_space<vmem>>) offsets(%arg7 : memref<96xi32, #tpu.memory_space<vmem>>) semaphore(%arg21 : memref<!tpu.dma_semaphore, #tpu.memory_space<semaphore_mem>>)
    %add3A_46 = arith.constant 96 : i32
    %add3A_47 = arith.addi %mul3A_4, %add3A_46 : i32
    %multiple_of3A_48 = tpu.assume_multiple %add3A_47, 8 : i32
    %dma_wait3A_49 = tpu.memref_slice %arg4[%multiple_of3A_48] : memref<322560xi32, #tpu.memory_space<hbm>> -> memref<96xi32, #tpu.memory_space<hbm>>
    %dma_wait3A_50 = tpu.memref_slice %arg4[%multiple_of3A_48] : memref<322560xi32, #tpu.memory_space<hbm>> -> memref<96xi32, #tpu.memory_space<hbm>>
    tpu.wait_dma2 semaphore(%arg20 : memref<!tpu.dma_semaphore, #tpu.memory_space<semaphore_mem>>) src(%dma_wait3A_50 : memref<96xi32, #tpu.memory_space<hbm>>) dst(%arg12 : memref<96xi32, #tpu.memory_space<vmem>>)
    %add3A_51 = arith.constant 96 : i32
    %add3A_52 = arith.addi %mul3A_4, %add3A_51 : i32
    %multiple_of3A_53 = tpu.assume_multiple %add3A_52, 8 : i32
    %dma_wait3A_54 = tpu.memref_slice %arg3[%multiple_of3A_53] : memref<322560xi32, #tpu.memory_space<hbm>> -> memref<96xi32, #tpu.memory_space<hbm>>
    %dma_wait3A_55 = tpu.memref_slice %arg3[%multiple_of3A_53] : memref<322560xi32, #tpu.memory_space<hbm>> -> memref<96xi32, #tpu.memory_space<hbm>>
    tpu.wait_dma2 semaphore(%arg20 : memref<!tpu.dma_semaphore, #tpu.memory_space<semaphore_mem>>) src(%dma_wait3A_55 : memref<96xi32, #tpu.memory_space<hbm>>) dst(%arg8 : memref<96xi32, #tpu.memory_space<vmem>>)
    %dma_start3A_56 = arith.constant 0 : i32
    %dma_start3A_57 = arith.constant 0 : i32
    %dma_start3A_58 = tpu.memref_slice %arg2[%dma_start3A_56, %dma_start3A_57] : memref<10240x128xf32, #tpu.memory_space<hbm>> -> memref<10240x128xf32, #tpu.memory_space<hbm>>
    tpu.enqueue_indirect_dma source(%dma_start3A_58 : memref<10240x128xf32, #tpu.memory_space<hbm>>) target(%arg16 : memref<96x128xf32, #tpu.memory_space<vmem>>) offsets(%arg8 : memref<96xi32, #tpu.memory_space<vmem>>) semaphore(%arg21 : memref<!tpu.dma_semaphore, #tpu.memory_space<semaphore_mem>>)
    %add3A_59 = arith.constant 192 : i32
    %add3A_60 = arith.addi %mul3A_4, %add3A_59 : i32
    %multiple_of3A_61 = tpu.assume_multiple %add3A_60, 8 : i32
    %dma_wait3A_62 = tpu.memref_slice %arg4[%multiple_of3A_61] : memref<322560xi32, #tpu.memory_space<hbm>> -> memref<96xi32, #tpu.memory_space<hbm>>
    %dma_wait3A_63 = tpu.memref_slice %arg4[%multiple_of3A_61] : memref<322560xi32, #tpu.memory_space<hbm>> -> memref<96xi32, #tpu.memory_space<hbm>>
    tpu.wait_dma2 semaphore(%arg20 : memref<!tpu.dma_semaphore, #tpu.memory_space<semaphore_mem>>) src(%dma_wait3A_63 : memref<96xi32, #tpu.memory_space<hbm>>) dst(%arg13 : memref<96xi32, #tpu.memory_space<vmem>>)
    %add3A_64 = arith.constant 192 : i32
    %add3A_65 = arith.addi %mul3A_4, %add3A_64 : i32
    %multiple_of3A_66 = tpu.assume_multiple %add3A_65, 8 : i32
    %dma_wait3A_67 = tpu.memref_slice %arg3[%multiple_of3A_66] : memref<322560xi32, #tpu.memory_space<hbm>> -> memref<96xi32, #tpu.memory_space<hbm>>
    %dma_wait3A_68 = tpu.memref_slice %arg3[%multiple_of3A_66] : memref<322560xi32, #tpu.memory_space<hbm>> -> memref<96xi32, #tpu.memory_space<hbm>>
    tpu.wait_dma2 semaphore(%arg20 : memref<!tpu.dma_semaphore, #tpu.memory_space<semaphore_mem>>) src(%dma_wait3A_68 : memref<96xi32, #tpu.memory_space<hbm>>) dst(%arg9 : memref<96xi32, #tpu.memory_space<vmem>>)
    %dma_start3A_69 = arith.constant 0 : i32
    %dma_start3A_70 = arith.constant 0 : i32
    %dma_start3A_71 = tpu.memref_slice %arg2[%dma_start3A_69, %dma_start3A_70] : memref<10240x128xf32, #tpu.memory_space<hbm>> -> memref<10240x128xf32, #tpu.memory_space<hbm>>
    tpu.enqueue_indirect_dma source(%dma_start3A_71 : memref<10240x128xf32, #tpu.memory_space<hbm>>) target(%arg17 : memref<96x128xf32, #tpu.memory_space<vmem>>) offsets(%arg9 : memref<96xi32, #tpu.memory_space<vmem>>) semaphore(%arg21 : memref<!tpu.dma_semaphore, #tpu.memory_space<semaphore_mem>>)
    %add3A_72 = arith.constant 288 : i32
    %add3A_73 = arith.addi %mul3A_4, %add3A_72 : i32
    %multiple_of3A_74 = tpu.assume_multiple %add3A_73, 8 : i32
    %dma_start3A_75 = tpu.memref_slice %arg4[%multiple_of3A_74] : memref<322560xi32, #tpu.memory_space<hbm>> -> memref<96xi32, #tpu.memory_space<hbm>>
    %dma_start3A_76 = tpu.memref_slice %arg4[%multiple_of3A_74] : memref<322560xi32, #tpu.memory_space<hbm>> -> memref<96xi32, #tpu.memory_space<hbm>>
    tpu.enqueue_dma source(%dma_start3A_76 : memref<96xi32, #tpu.memory_space<hbm>>) target(%arg14 : memref<96xi32, #tpu.memory_space<vmem>>) target_semaphore(%arg20 : memref<!tpu.dma_semaphore, #tpu.memory_space<semaphore_mem>>)
    %add3A_77 = arith.constant 288 : i32
    %add3A_78 = arith.addi %mul3A_4, %add3A_77 : i32
    %multiple_of3A_79 = tpu.assume_multiple %add3A_78, 8 : i32
    %dma_start3A_80 = tpu.memref_slice %arg3[%multiple_of3A_79] : memref<322560xi32, #tpu.memory_space<hbm>> -> memref<96xi32, #tpu.memory_space<hbm>>
    %dma_start3A_81 = tpu.memref_slice %arg3[%multiple_of3A_79] : memref<322560xi32, #tpu.memory_space<hbm>> -> memref<96xi32, #tpu.memory_space<hbm>>
    tpu.enqueue_dma source(%dma_start3A_81 : memref<96xi32, #tpu.memory_space<hbm>>) target(%arg10 : memref<96xi32, #tpu.memory_space<vmem>>) target_semaphore(%arg20 : memref<!tpu.dma_semaphore, #tpu.memory_space<semaphore_mem>>)
    %dma_wait3A_82 = arith.constant 0 : i32
    %dma_wait3A_83 = arith.constant 0 : i32
    %dma_wait3A_84 = tpu.memref_slice %arg2[%dma_wait3A_82, %dma_wait3A_83] : memref<10240x128xf32, #tpu.memory_space<hbm>> -> memref<96x128xf32, #tpu.memory_space<hbm>>
    %dma_wait3A_85 = arith.constant 0 : i32
    %dma_wait3A_86 = arith.constant 0 : i32
    %dma_wait3A_87 = tpu.memref_slice %arg2[%dma_wait3A_85, %dma_wait3A_86] : memref<10240x128xf32, #tpu.memory_space<hbm>> -> memref<96x128xf32, #tpu.memory_space<hbm>>
    tpu.wait_dma2 semaphore(%arg21 : memref<!tpu.dma_semaphore, #tpu.memory_space<semaphore_mem>>) src(%dma_wait3A_87 : memref<96x128xf32, #tpu.memory_space<hbm>>) dst(%arg15 : memref<96x128xf32, #tpu.memory_space<vmem>>)
    "tpu.region"() ({
      %run_scoped3A = tpu.sem_alloc : memref<!tpu.dma_semaphore, #tpu.memory_space<semaphore_mem>>
      %dma_start3A_270 = arith.constant 0 : i32
      %dma_start3A_271 = arith.constant 0 : i32
      %dma_start3A_272 = tpu.memref_slice %arg19[%dma_start3A_270, %dma_start3A_271] : memref<10112x128xf32, #tpu.memory_space<vmem_shared>> -> memref<10112x128xf32, #tpu.memory_space<vmem_shared>>
      tpu.enqueue_indirect_dma source(%arg15 : memref<96x128xf32, #tpu.memory_space<vmem>>) target(%dma_start3A_272 : memref<10112x128xf32, #tpu.memory_space<vmem_shared>>) offsets(%arg11 : memref<96xi32, #tpu.memory_space<vmem>>) semaphore(%run_scoped3A : memref<!tpu.dma_semaphore, #tpu.memory_space<semaphore_mem>>) {add = true}
      %dma_wait3A_273 = arith.constant 0 : i32
      %dma_wait3A_274 = arith.constant 0 : i32
      %dma_wait3A_275 = tpu.memref_slice %arg19[%dma_wait3A_273, %dma_wait3A_274] : memref<10112x128xf32, #tpu.memory_space<vmem_shared>> -> memref<10112x128xf32, #tpu.memory_space<vmem_shared>>
      tpu.wait_indirect_dma semaphore(%run_scoped3A : memref<!tpu.dma_semaphore, #tpu.memory_space<semaphore_mem>>) src(%arg15 : memref<96x128xf32, #tpu.memory_space<vmem>>) dst(%dma_wait3A_275 : memref<10112x128xf32, #tpu.memory_space<vmem_shared>>)
      tpu.yield
    }) : () -> ()
    %add3A_88 = arith.constant 288 : i32
    %add3A_89 = arith.addi %mul3A_4, %add3A_88 : i32
    %multiple_of3A_90 = tpu.assume_multiple %add3A_89, 8 : i32
    %dma_wait3A_91 = tpu.memref_slice %arg4[%multiple_of3A_90] : memref<322560xi32, #tpu.memory_space<hbm>> -> memref<96xi32, #tpu.memory_space<hbm>>
    %dma_wait3A_92 = tpu.memref_slice %arg4[%multiple_of3A_90] : memref<322560xi32, #tpu.memory_space<hbm>> -> memref<96xi32, #tpu.memory_space<hbm>>
    tpu.wait_dma2 semaphore(%arg20 : memref<!tpu.dma_semaphore, #tpu.memory_space<semaphore_mem>>) src(%dma_wait3A_92 : memref<96xi32, #tpu.memory_space<hbm>>) dst(%arg14 : memref<96xi32, #tpu.memory_space<vmem>>)
    %add3A_93 = arith.constant 288 : i32
    %add3A_94 = arith.addi %mul3A_4, %add3A_93 : i32
    %multiple_of3A_95 = tpu.assume_multiple %add3A_94, 8 : i32
    %dma_wait3A_96 = tpu.memref_slice %arg3[%multiple_of3A_95] : memref<322560xi32, #tpu.memory_space<hbm>> -> memref<96xi32, #tpu.memory_space<hbm>>
    %dma_wait3A_97 = tpu.memref_slice %arg3[%multiple_of3A_95] : memref<322560xi32, #tpu.memory_space<hbm>> -> memref<96xi32, #tpu.memory_space<hbm>>
    tpu.wait_dma2 semaphore(%arg20 : memref<!tpu.dma_semaphore, #tpu.memory_space<semaphore_mem>>) src(%dma_wait3A_97 : memref<96xi32, #tpu.memory_space<hbm>>) dst(%arg10 : memref<96xi32, #tpu.memory_space<vmem>>)
    %dma_start3A_98 = arith.constant 0 : i32
    %dma_start3A_99 = arith.constant 0 : i32
    %dma_start3A_100 = tpu.memref_slice %arg2[%dma_start3A_98, %dma_start3A_99] : memref<10240x128xf32, #tpu.memory_space<hbm>> -> memref<10240x128xf32, #tpu.memory_space<hbm>>
    tpu.enqueue_indirect_dma source(%dma_start3A_100 : memref<10240x128xf32, #tpu.memory_space<hbm>>) target(%arg18 : memref<96x128xf32, #tpu.memory_space<vmem>>) offsets(%arg10 : memref<96xi32, #tpu.memory_space<vmem>>) semaphore(%arg21 : memref<!tpu.dma_semaphore, #tpu.memory_space<semaphore_mem>>)
    %add3A_101 = arith.constant 384 : i32
    %add3A_102 = arith.addi %mul3A_4, %add3A_101 : i32
    %multiple_of3A_103 = tpu.assume_multiple %add3A_102, 8 : i32
    %dma_start3A_104 = tpu.memref_slice %arg4[%multiple_of3A_103] : memref<322560xi32, #tpu.memory_space<hbm>> -> memref<96xi32, #tpu.memory_space<hbm>>
    %dma_start3A_105 = tpu.memref_slice %arg4[%multiple_of3A_103] : memref<322560xi32, #tpu.memory_space<hbm>> -> memref<96xi32, #tpu.memory_space<hbm>>
    tpu.enqueue_dma source(%dma_start3A_105 : memref<96xi32, #tpu.memory_space<hbm>>) target(%arg11 : memref<96xi32, #tpu.memory_space<vmem>>) target_semaphore(%arg20 : memref<!tpu.dma_semaphore, #tpu.memory_space<semaphore_mem>>)
    %add3A_106 = arith.constant 384 : i32
    %add3A_107 = arith.addi %mul3A_4, %add3A_106 : i32
    %multiple_of3A_108 = tpu.assume_multiple %add3A_107, 8 : i32
    %dma_start3A_109 = tpu.memref_slice %arg3[%multiple_of3A_108] : memref<322560xi32, #tpu.memory_space<hbm>> -> memref<96xi32, #tpu.memory_space<hbm>>
    %dma_start3A_110 = tpu.memref_slice %arg3[%multiple_of3A_108] : memref<322560xi32, #tpu.memory_space<hbm>> -> memref<96xi32, #tpu.memory_space<hbm>>
    tpu.enqueue_dma source(%dma_start3A_110 : memref<96xi32, #tpu.memory_space<hbm>>) target(%arg7 : memref<96xi32, #tpu.memory_space<vmem>>) target_semaphore(%arg20 : memref<!tpu.dma_semaphore, #tpu.memory_space<semaphore_mem>>)
    %dma_wait3A_111 = arith.constant 0 : i32
    %dma_wait3A_112 = arith.constant 0 : i32
    %dma_wait3A_113 = tpu.memref_slice %arg2[%dma_wait3A_111, %dma_wait3A_112] : memref<10240x128xf32, #tpu.memory_space<hbm>> -> memref<96x128xf32, #tpu.memory_space<hbm>>
    %dma_wait3A_114 = arith.constant 0 : i32
    %dma_wait3A_115 = arith.constant 0 : i32
    %dma_wait3A_116 = tpu.memref_slice %arg2[%dma_wait3A_114, %dma_wait3A_115] : memref<10240x128xf32, #tpu.memory_space<hbm>> -> memref<96x128xf32, #tpu.memory_space<hbm>>
    tpu.wait_dma2 semaphore(%arg21 : memref<!tpu.dma_semaphore, #tpu.memory_space<semaphore_mem>>) src(%dma_wait3A_116 : memref<96x128xf32, #tpu.memory_space<hbm>>) dst(%arg16 : memref<96x128xf32, #tpu.memory_space<vmem>>)
    "tpu.region"() ({
      %run_scoped3A = tpu.sem_alloc : memref<!tpu.dma_semaphore, #tpu.memory_space<semaphore_mem>>
      %dma_start3A_270 = arith.constant 0 : i32
      %dma_start3A_271 = arith.constant 0 : i32
      %dma_start3A_272 = tpu.memref_slice %arg19[%dma_start3A_270, %dma_start3A_271] : memref<10112x128xf32, #tpu.memory_space<vmem_shared>> -> memref<10112x128xf32, #tpu.memory_space<vmem_shared>>
      tpu.enqueue_indirect_dma source(%arg16 : memref<96x128xf32, #tpu.memory_space<vmem>>) target(%dma_start3A_272 : memref<10112x128xf32, #tpu.memory_space<vmem_shared>>) offsets(%arg12 : memref<96xi32, #tpu.memory_space<vmem>>) semaphore(%run_scoped3A : memref<!tpu.dma_semaphore, #tpu.memory_space<semaphore_mem>>) {add = true}
      %dma_wait3A_273 = arith.constant 0 : i32
      %dma_wait3A_274 = arith.constant 0 : i32
      %dma_wait3A_275 = tpu.memref_slice %arg19[%dma_wait3A_273, %dma_wait3A_274] : memref<10112x128xf32, #tpu.memory_space<vmem_shared>> -> memref<10112x128xf32, #tpu.memory_space<vmem_shared>>
      tpu.wait_indirect_dma semaphore(%run_scoped3A : memref<!tpu.dma_semaphore, #tpu.memory_space<semaphore_mem>>) src(%arg16 : memref<96x128xf32, #tpu.memory_space<vmem>>) dst(%dma_wait3A_275 : memref<10112x128xf32, #tpu.memory_space<vmem_shared>>)
      tpu.yield
    }) : () -> ()
    %scan3A = arith.constant 0 : i32
    %scan3A_117 = arith.constant 0 : i32
    %scan3A_118 = arith.constant 24 : i32
    %scan3A_119 = arith.addi %scan3A_117, %scan3A_118 : i32
    %scan3A_120 = arith.constant 1 : i32
    scf.for %scan3A_270 = %scan3A_117 to %scan3A_119 step %scan3A_120  : i32 {
      %mul3A_271 = arith.constant 4 : i32
      %mul3A_272 = arith.muli %mul3A_271, %scan3A_270 : i32
      %add3A_273 = arith.constant 2 : i32
      %add3A_274 = arith.addi %add3A_273, %mul3A_272 : i32
      %add3A_275 = arith.constant 0 : i32
      %add3A_276 = arith.addi %add3A_274, %add3A_275 : i32
      %add3A_277 = arith.constant 2 : i32
      %add3A_278 = arith.addi %add3A_276, %add3A_277 : i32
      %mul3A_279 = arith.constant 96 : i32
      %mul3A_280 = arith.muli %add3A_278, %mul3A_279 : i32
      %add3A_281 = arith.addi %mul3A_4, %mul3A_280 : i32
      %multiple_of3A_282 = tpu.assume_multiple %add3A_281, 8 : i32
      %dma_wait3A_283 = tpu.memref_slice %arg4[%multiple_of3A_282] : memref<322560xi32, #tpu.memory_space<hbm>> -> memref<96xi32, #tpu.memory_space<hbm>>
      %dma_wait3A_284 = tpu.memref_slice %arg4[%multiple_of3A_282] : memref<322560xi32, #tpu.memory_space<hbm>> -> memref<96xi32, #tpu.memory_space<hbm>>
      tpu.wait_dma2 semaphore(%arg20 : memref<!tpu.dma_semaphore, #tpu.memory_space<semaphore_mem>>) src(%dma_wait3A_284 : memref<96xi32, #tpu.memory_space<hbm>>) dst(%arg11 : memref<96xi32, #tpu.memory_space<vmem>>)
      %mul3A_285 = arith.constant 96 : i32
      %mul3A_286 = arith.muli %add3A_278, %mul3A_285 : i32
      %add3A_287 = arith.addi %mul3A_4, %mul3A_286 : i32
      %multiple_of3A_288 = tpu.assume_multiple %add3A_287, 8 : i32
      %dma_wait3A_289 = tpu.memref_slice %arg3[%multiple_of3A_288] : memref<322560xi32, #tpu.memory_space<hbm>> -> memref<96xi32, #tpu.memory_space<hbm>>
      %dma_wait3A_290 = tpu.memref_slice %arg3[%multiple_of3A_288] : memref<322560xi32, #tpu.memory_space<hbm>> -> memref<96xi32, #tpu.memory_space<hbm>>
      tpu.wait_dma2 semaphore(%arg20 : memref<!tpu.dma_semaphore, #tpu.memory_space<semaphore_mem>>) src(%dma_wait3A_290 : memref<96xi32, #tpu.memory_space<hbm>>) dst(%arg7 : memref<96xi32, #tpu.memory_space<vmem>>)
      %add3A_291 = arith.constant 2 : i32
      %add3A_292 = arith.addi %add3A_276, %add3A_291 : i32
      %dma_start3A_293 = arith.constant 0 : i32
      %dma_start3A_294 = arith.constant 0 : i32
      %dma_start3A_295 = tpu.memref_slice %arg2[%dma_start3A_293, %dma_start3A_294] : memref<10240x128xf32, #tpu.memory_space<hbm>> -> memref<10240x128xf32, #tpu.memory_space<hbm>>
      tpu.enqueue_indirect_dma source(%dma_start3A_295 : memref<10240x128xf32, #tpu.memory_space<hbm>>) target(%arg15 : memref<96x128xf32, #tpu.memory_space<vmem>>) offsets(%arg7 : memref<96xi32, #tpu.memory_space<vmem>>) semaphore(%arg21 : memref<!tpu.dma_semaphore, #tpu.memory_space<semaphore_mem>>)
      %add3A_296 = arith.constant 3 : i32
      %add3A_297 = arith.addi %add3A_276, %add3A_296 : i32
      %mul3A_298 = arith.constant 96 : i32
      %mul3A_299 = arith.muli %add3A_297, %mul3A_298 : i32
      %add3A_300 = arith.addi %mul3A_4, %mul3A_299 : i32
      %multiple_of3A_301 = tpu.assume_multiple %add3A_300, 8 : i32
      %dma_start3A_302 = tpu.memref_slice %arg4[%multiple_of3A_301] : memref<322560xi32, #tpu.memory_space<hbm>> -> memref<96xi32, #tpu.memory_space<hbm>>
      %dma_start3A_303 = tpu.memref_slice %arg4[%multiple_of3A_301] : memref<322560xi32, #tpu.memory_space<hbm>> -> memref<96xi32, #tpu.memory_space<hbm>>
      tpu.enqueue_dma source(%dma_start3A_303 : memref<96xi32, #tpu.memory_space<hbm>>) target(%arg12 : memref<96xi32, #tpu.memory_space<vmem>>) target_semaphore(%arg20 : memref<!tpu.dma_semaphore, #tpu.memory_space<semaphore_mem>>)
      %mul3A_304 = arith.constant 96 : i32
      %mul3A_305 = arith.muli %add3A_297, %mul3A_304 : i32
      %add3A_306 = arith.addi %mul3A_4, %mul3A_305 : i32
      %multiple_of3A_307 = tpu.assume_multiple %add3A_306, 8 : i32
      %dma_start3A_308 = tpu.memref_slice %arg3[%multiple_of3A_307] : memref<322560xi32, #tpu.memory_space<hbm>> -> memref<96xi32, #tpu.memory_space<hbm>>
      %dma_start3A_309 = tpu.memref_slice %arg3[%multiple_of3A_307] : memref<322560xi32, #tpu.memory_space<hbm>> -> memref<96xi32, #tpu.memory_space<hbm>>
      tpu.enqueue_dma source(%dma_start3A_309 : memref<96xi32, #tpu.memory_space<hbm>>) target(%arg8 : memref<96xi32, #tpu.memory_space<vmem>>) target_semaphore(%arg20 : memref<!tpu.dma_semaphore, #tpu.memory_space<semaphore_mem>>)
      %dma_wait3A_310 = arith.constant 0 : i32
      %dma_wait3A_311 = arith.constant 0 : i32
      %dma_wait3A_312 = tpu.memref_slice %arg2[%dma_wait3A_310, %dma_wait3A_311] : memref<10240x128xf32, #tpu.memory_space<hbm>> -> memref<96x128xf32, #tpu.memory_space<hbm>>
      %dma_wait3A_313 = arith.constant 0 : i32
      %dma_wait3A_314 = arith.constant 0 : i32
      %dma_wait3A_315 = tpu.memref_slice %arg2[%dma_wait3A_313, %dma_wait3A_314] : memref<10240x128xf32, #tpu.memory_space<hbm>> -> memref<96x128xf32, #tpu.memory_space<hbm>>
      tpu.wait_dma2 semaphore(%arg21 : memref<!tpu.dma_semaphore, #tpu.memory_space<semaphore_mem>>) src(%dma_wait3A_315 : memref<96x128xf32, #tpu.memory_space<hbm>>) dst(%arg17 : memref<96x128xf32, #tpu.memory_space<vmem>>)
      "tpu.region"() ({
        %run_scoped3A = tpu.sem_alloc : memref<!tpu.dma_semaphore, #tpu.memory_space<semaphore_mem>>
        %dma_start3A_451 = arith.constant 0 : i32
        %dma_start3A_452 = arith.constant 0 : i32
        %dma_start3A_453 = tpu.memref_slice %arg19[%dma_start3A_451, %dma_start3A_452] : memref<10112x128xf32, #tpu.memory_space<vmem_shared>> -> memref<10112x128xf32, #tpu.memory_space<vmem_shared>>
        tpu.enqueue_indirect_dma source(%arg17 : memref<96x128xf32, #tpu.memory_space<vmem>>) target(%dma_start3A_453 : memref<10112x128xf32, #tpu.memory_space<vmem_shared>>) offsets(%arg13 : memref<96xi32, #tpu.memory_space<vmem>>) semaphore(%run_scoped3A : memref<!tpu.dma_semaphore, #tpu.memory_space<semaphore_mem>>) {add = true}
        %dma_wait3A_454 = arith.constant 0 : i32
        %dma_wait3A_455 = arith.constant 0 : i32
        %dma_wait3A_456 = tpu.memref_slice %arg19[%dma_wait3A_454, %dma_wait3A_455] : memref<10112x128xf32, #tpu.memory_space<vmem_shared>> -> memref<10112x128xf32, #tpu.memory_space<vmem_shared>>
        tpu.wait_indirect_dma semaphore(%run_scoped3A : memref<!tpu.dma_semaphore, #tpu.memory_space<semaphore_mem>>) src(%arg17 : memref<96x128xf32, #tpu.memory_space<vmem>>) dst(%dma_wait3A_456 : memref<10112x128xf32, #tpu.memory_space<vmem_shared>>)
        tpu.yield
      }) : () -> ()
      %mul3A_316 = arith.constant 4 : i32
      %mul3A_317 = arith.muli %mul3A_316, %scan3A_270 : i32
      %add3A_318 = arith.constant 2 : i32
      %add3A_319 = arith.addi %add3A_318, %mul3A_317 : i32
      %add3A_320 = arith.constant 1 : i32
      %add3A_321 = arith.addi %add3A_319, %add3A_320 : i32
      %add3A_322 = arith.constant 2 : i32
      %add3A_323 = arith.addi %add3A_321, %add3A_322 : i32
      %mul3A_324 = arith.constant 96 : i32
      %mul3A_325 = arith.muli %add3A_323, %mul3A_324 : i32
      %add3A_326 = arith.addi %mul3A_4, %mul3A_325 : i32
      %multiple_of3A_327 = tpu.assume_multiple %add3A_326, 8 : i32
      %dma_wait3A_328 = tpu.memref_slice %arg4[%multiple_of3A_327] : memref<322560xi32, #tpu.memory_space<hbm>> -> memref<96xi32, #tpu.memory_space<hbm>>
      %dma_wait3A_329 = tpu.memref_slice %arg4[%multiple_of3A_327] : memref<322560xi32, #tpu.memory_space<hbm>> -> memref<96xi32, #tpu.memory_space<hbm>>
      tpu.wait_dma2 semaphore(%arg20 : memref<!tpu.dma_semaphore, #tpu.memory_space<semaphore_mem>>) src(%dma_wait3A_329 : memref<96xi32, #tpu.memory_space<hbm>>) dst(%arg12 : memref<96xi32, #tpu.memory_space<vmem>>)
      %mul3A_330 = arith.constant 96 : i32
      %mul3A_331 = arith.muli %add3A_323, %mul3A_330 : i32
      %add3A_332 = arith.addi %mul3A_4, %mul3A_331 : i32
      %multiple_of3A_333 = tpu.assume_multiple %add3A_332, 8 : i32
      %dma_wait3A_334 = tpu.memref_slice %arg3[%multiple_of3A_333] : memref<322560xi32, #tpu.memory_space<hbm>> -> memref<96xi32, #tpu.memory_space<hbm>>
      %dma_wait3A_335 = tpu.memref_slice %arg3[%multiple_of3A_333] : memref<322560xi32, #tpu.memory_space<hbm>> -> memref<96xi32, #tpu.memory_space<hbm>>
      tpu.wait_dma2 semaphore(%arg20 : memref<!tpu.dma_semaphore, #tpu.memory_space<semaphore_mem>>) src(%dma_wait3A_335 : memref<96xi32, #tpu.memory_space<hbm>>) dst(%arg8 : memref<96xi32, #tpu.memory_space<vmem>>)
      %add3A_336 = arith.constant 2 : i32
      %add3A_337 = arith.addi %add3A_321, %add3A_336 : i32
      %dma_start3A_338 = arith.constant 0 : i32
      %dma_start3A_339 = arith.constant 0 : i32
      %dma_start3A_340 = tpu.memref_slice %arg2[%dma_start3A_338, %dma_start3A_339] : memref<10240x128xf32, #tpu.memory_space<hbm>> -> memref<10240x128xf32, #tpu.memory_space<hbm>>
      tpu.enqueue_indirect_dma source(%dma_start3A_340 : memref<10240x128xf32, #tpu.memory_space<hbm>>) target(%arg16 : memref<96x128xf32, #tpu.memory_space<vmem>>) offsets(%arg8 : memref<96xi32, #tpu.memory_space<vmem>>) semaphore(%arg21 : memref<!tpu.dma_semaphore, #tpu.memory_space<semaphore_mem>>)
      %add3A_341 = arith.constant 3 : i32
      %add3A_342 = arith.addi %add3A_321, %add3A_341 : i32
      %mul3A_343 = arith.constant 96 : i32
      %mul3A_344 = arith.muli %add3A_342, %mul3A_343 : i32
      %add3A_345 = arith.addi %mul3A_4, %mul3A_344 : i32
      %multiple_of3A_346 = tpu.assume_multiple %add3A_345, 8 : i32
      %dma_start3A_347 = tpu.memref_slice %arg4[%multiple_of3A_346] : memref<322560xi32, #tpu.memory_space<hbm>> -> memref<96xi32, #tpu.memory_space<hbm>>
      %dma_start3A_348 = tpu.memref_slice %arg4[%multiple_of3A_346] : memref<322560xi32, #tpu.memory_space<hbm>> -> memref<96xi32, #tpu.memory_space<hbm>>
      tpu.enqueue_dma source(%dma_start3A_348 : memref<96xi32, #tpu.memory_space<hbm>>) target(%arg13 : memref<96xi32, #tpu.memory_space<vmem>>) target_semaphore(%arg20 : memref<!tpu.dma_semaphore, #tpu.memory_space<semaphore_mem>>)
      %mul3A_349 = arith.constant 96 : i32
      %mul3A_350 = arith.muli %add3A_342, %mul3A_349 : i32
      %add3A_351 = arith.addi %mul3A_4, %mul3A_350 : i32
      %multiple_of3A_352 = tpu.assume_multiple %add3A_351, 8 : i32
      %dma_start3A_353 = tpu.memref_slice %arg3[%multiple_of3A_352] : memref<322560xi32, #tpu.memory_space<hbm>> -> memref<96xi32, #tpu.memory_space<hbm>>
      %dma_start3A_354 = tpu.memref_slice %arg3[%multiple_of3A_352] : memref<322560xi32, #tpu.memory_space<hbm>> -> memref<96xi32, #tpu.memory_space<hbm>>
      tpu.enqueue_dma source(%dma_start3A_354 : memref<96xi32, #tpu.memory_space<hbm>>) target(%arg9 : memref<96xi32, #tpu.memory_space<vmem>>) target_semaphore(%arg20 : memref<!tpu.dma_semaphore, #tpu.memory_space<semaphore_mem>>)
      %dma_wait3A_355 = arith.constant 0 : i32
      %dma_wait3A_356 = arith.constant 0 : i32
      %dma_wait3A_357 = tpu.memref_slice %arg2[%dma_wait3A_355, %dma_wait3A_356] : memref<10240x128xf32, #tpu.memory_space<hbm>> -> memref<96x128xf32, #tpu.memory_space<hbm>>
      %dma_wait3A_358 = arith.constant 0 : i32
      %dma_wait3A_359 = arith.constant 0 : i32
      %dma_wait3A_360 = tpu.memref_slice %arg2[%dma_wait3A_358, %dma_wait3A_359] : memref<10240x128xf32, #tpu.memory_space<hbm>> -> memref<96x128xf32, #tpu.memory_space<hbm>>
      tpu.wait_dma2 semaphore(%arg21 : memref<!tpu.dma_semaphore, #tpu.memory_space<semaphore_mem>>) src(%dma_wait3A_360 : memref<96x128xf32, #tpu.memory_space<hbm>>) dst(%arg18 : memref<96x128xf32, #tpu.memory_space<vmem>>)
      "tpu.region"() ({
        %run_scoped3A = tpu.sem_alloc : memref<!tpu.dma_semaphore, #tpu.memory_space<semaphore_mem>>
        %dma_start3A_451 = arith.constant 0 : i32
        %dma_start3A_452 = arith.constant 0 : i32
        %dma_start3A_453 = tpu.memref_slice %arg19[%dma_start3A_451, %dma_start3A_452] : memref<10112x128xf32, #tpu.memory_space<vmem_shared>> -> memref<10112x128xf32, #tpu.memory_space<vmem_shared>>
        tpu.enqueue_indirect_dma source(%arg18 : memref<96x128xf32, #tpu.memory_space<vmem>>) target(%dma_start3A_453 : memref<10112x128xf32, #tpu.memory_space<vmem_shared>>) offsets(%arg14 : memref<96xi32, #tpu.memory_space<vmem>>) semaphore(%run_scoped3A : memref<!tpu.dma_semaphore, #tpu.memory_space<semaphore_mem>>) {add = true}
        %dma_wait3A_454 = arith.constant 0 : i32
        %dma_wait3A_455 = arith.constant 0 : i32
        %dma_wait3A_456 = tpu.memref_slice %arg19[%dma_wait3A_454, %dma_wait3A_455] : memref<10112x128xf32, #tpu.memory_space<vmem_shared>> -> memref<10112x128xf32, #tpu.memory_space<vmem_shared>>
        tpu.wait_indirect_dma semaphore(%run_scoped3A : memref<!tpu.dma_semaphore, #tpu.memory_space<semaphore_mem>>) src(%arg18 : memref<96x128xf32, #tpu.memory_space<vmem>>) dst(%dma_wait3A_456 : memref<10112x128xf32, #tpu.memory_space<vmem_shared>>)
        tpu.yield
      }) : () -> ()
      %mul3A_361 = arith.constant 4 : i32
      %mul3A_362 = arith.muli %mul3A_361, %scan3A_270 : i32
      %add3A_363 = arith.constant 2 : i32
      %add3A_364 = arith.addi %add3A_363, %mul3A_362 : i32
      %add3A_365 = arith.constant 2 : i32
      %add3A_366 = arith.addi %add3A_364, %add3A_365 : i32
      %add3A_367 = arith.constant 2 : i32
      %add3A_368 = arith.addi %add3A_366, %add3A_367 : i32
      %mul3A_369 = arith.constant 96 : i32
      %mul3A_370 = arith.muli %add3A_368, %mul3A_369 : i32
      %add3A_371 = arith.addi %mul3A_4, %mul3A_370 : i32
      %multiple_of3A_372 = tpu.assume_multiple %add3A_371, 8 : i32
      %dma_wait3A_373 = tpu.memref_slice %arg4[%multiple_of3A_372] : memref<322560xi32, #tpu.memory_space<hbm>> -> memref<96xi32, #tpu.memory_space<hbm>>
      %dma_wait3A_374 = tpu.memref_slice %arg4[%multiple_of3A_372] : memref<322560xi32, #tpu.memory_space<hbm>> -> memref<96xi32, #tpu.memory_space<hbm>>
      tpu.wait_dma2 semaphore(%arg20 : memref<!tpu.dma_semaphore, #tpu.memory_space<semaphore_mem>>) src(%dma_wait3A_374 : memref<96xi32, #tpu.memory_space<hbm>>) dst(%arg13 : memref<96xi32, #tpu.memory_space<vmem>>)
      %mul3A_375 = arith.constant 96 : i32
      %mul3A_376 = arith.muli %add3A_368, %mul3A_375 : i32
      %add3A_377 = arith.addi %mul3A_4, %mul3A_376 : i32
      %multiple_of3A_378 = tpu.assume_multiple %add3A_377, 8 : i32
      %dma_wait3A_379 = tpu.memref_slice %arg3[%multiple_of3A_378] : memref<322560xi32, #tpu.memory_space<hbm>> -> memref<96xi32, #tpu.memory_space<hbm>>
      %dma_wait3A_380 = tpu.memref_slice %arg3[%multiple_of3A_378] : memref<322560xi32, #tpu.memory_space<hbm>> -> memref<96xi32, #tpu.memory_space<hbm>>
      tpu.wait_dma2 semaphore(%arg20 : memref<!tpu.dma_semaphore, #tpu.memory_space<semaphore_mem>>) src(%dma_wait3A_380 : memref<96xi32, #tpu.memory_space<hbm>>) dst(%arg9 : memref<96xi32, #tpu.memory_space<vmem>>)
      %add3A_381 = arith.constant 2 : i32
      %add3A_382 = arith.addi %add3A_366, %add3A_381 : i32
      %dma_start3A_383 = arith.constant 0 : i32
      %dma_start3A_384 = arith.constant 0 : i32
      %dma_start3A_385 = tpu.memref_slice %arg2[%dma_start3A_383, %dma_start3A_384] : memref<10240x128xf32, #tpu.memory_space<hbm>> -> memref<10240x128xf32, #tpu.memory_space<hbm>>
      tpu.enqueue_indirect_dma source(%dma_start3A_385 : memref<10240x128xf32, #tpu.memory_space<hbm>>) target(%arg17 : memref<96x128xf32, #tpu.memory_space<vmem>>) offsets(%arg9 : memref<96xi32, #tpu.memory_space<vmem>>) semaphore(%arg21 : memref<!tpu.dma_semaphore, #tpu.memory_space<semaphore_mem>>)
      %add3A_386 = arith.constant 3 : i32
      %add3A_387 = arith.addi %add3A_366, %add3A_386 : i32
      %mul3A_388 = arith.constant 96 : i32
      %mul3A_389 = arith.muli %add3A_387, %mul3A_388 : i32
      %add3A_390 = arith.addi %mul3A_4, %mul3A_389 : i32
      %multiple_of3A_391 = tpu.assume_multiple %add3A_390, 8 : i32
      %dma_start3A_392 = tpu.memref_slice %arg4[%multiple_of3A_391] : memref<322560xi32, #tpu.memory_space<hbm>> -> memref<96xi32, #tpu.memory_space<hbm>>
      %dma_start3A_393 = tpu.memref_slice %arg4[%multiple_of3A_391] : memref<322560xi32, #tpu.memory_space<hbm>> -> memref<96xi32, #tpu.memory_space<hbm>>
      tpu.enqueue_dma source(%dma_start3A_393 : memref<96xi32, #tpu.memory_space<hbm>>) target(%arg14 : memref<96xi32, #tpu.memory_space<vmem>>) target_semaphore(%arg20 : memref<!tpu.dma_semaphore, #tpu.memory_space<semaphore_mem>>)
      %mul3A_394 = arith.constant 96 : i32
      %mul3A_395 = arith.muli %add3A_387, %mul3A_394 : i32
      %add3A_396 = arith.addi %mul3A_4, %mul3A_395 : i32
      %multiple_of3A_397 = tpu.assume_multiple %add3A_396, 8 : i32
      %dma_start3A_398 = tpu.memref_slice %arg3[%multiple_of3A_397] : memref<322560xi32, #tpu.memory_space<hbm>> -> memref<96xi32, #tpu.memory_space<hbm>>
      %dma_start3A_399 = tpu.memref_slice %arg3[%multiple_of3A_397] : memref<322560xi32, #tpu.memory_space<hbm>> -> memref<96xi32, #tpu.memory_space<hbm>>
      tpu.enqueue_dma source(%dma_start3A_399 : memref<96xi32, #tpu.memory_space<hbm>>) target(%arg10 : memref<96xi32, #tpu.memory_space<vmem>>) target_semaphore(%arg20 : memref<!tpu.dma_semaphore, #tpu.memory_space<semaphore_mem>>)
      %dma_wait3A_400 = arith.constant 0 : i32
      %dma_wait3A_401 = arith.constant 0 : i32
      %dma_wait3A_402 = tpu.memref_slice %arg2[%dma_wait3A_400, %dma_wait3A_401] : memref<10240x128xf32, #tpu.memory_space<hbm>> -> memref<96x128xf32, #tpu.memory_space<hbm>>
      %dma_wait3A_403 = arith.constant 0 : i32
      %dma_wait3A_404 = arith.constant 0 : i32
      %dma_wait3A_405 = tpu.memref_slice %arg2[%dma_wait3A_403, %dma_wait3A_404] : memref<10240x128xf32, #tpu.memory_space<hbm>> -> memref<96x128xf32, #tpu.memory_space<hbm>>
      tpu.wait_dma2 semaphore(%arg21 : memref<!tpu.dma_semaphore, #tpu.memory_space<semaphore_mem>>) src(%dma_wait3A_405 : memref<96x128xf32, #tpu.memory_space<hbm>>) dst(%arg15 : memref<96x128xf32, #tpu.memory_space<vmem>>)
      "tpu.region"() ({
        %run_scoped3A = tpu.sem_alloc : memref<!tpu.dma_semaphore, #tpu.memory_space<semaphore_mem>>
        %dma_start3A_451 = arith.constant 0 : i32
        %dma_start3A_452 = arith.constant 0 : i32
        %dma_start3A_453 = tpu.memref_slice %arg19[%dma_start3A_451, %dma_start3A_452] : memref<10112x128xf32, #tpu.memory_space<vmem_shared>> -> memref<10112x128xf32, #tpu.memory_space<vmem_shared>>
        tpu.enqueue_indirect_dma source(%arg15 : memref<96x128xf32, #tpu.memory_space<vmem>>) target(%dma_start3A_453 : memref<10112x128xf32, #tpu.memory_space<vmem_shared>>) offsets(%arg11 : memref<96xi32, #tpu.memory_space<vmem>>) semaphore(%run_scoped3A : memref<!tpu.dma_semaphore, #tpu.memory_space<semaphore_mem>>) {add = true}
        %dma_wait3A_454 = arith.constant 0 : i32
        %dma_wait3A_455 = arith.constant 0 : i32
        %dma_wait3A_456 = tpu.memref_slice %arg19[%dma_wait3A_454, %dma_wait3A_455] : memref<10112x128xf32, #tpu.memory_space<vmem_shared>> -> memref<10112x128xf32, #tpu.memory_space<vmem_shared>>
        tpu.wait_indirect_dma semaphore(%run_scoped3A : memref<!tpu.dma_semaphore, #tpu.memory_space<semaphore_mem>>) src(%arg15 : memref<96x128xf32, #tpu.memory_space<vmem>>) dst(%dma_wait3A_456 : memref<10112x128xf32, #tpu.memory_space<vmem_shared>>)
        tpu.yield
      }) : () -> ()
      %mul3A_406 = arith.constant 4 : i32
      %mul3A_407 = arith.muli %mul3A_406, %scan3A_270 : i32
      %add3A_408 = arith.constant 2 : i32
      %add3A_409 = arith.addi %add3A_408, %mul3A_407 : i32
      %add3A_410 = arith.constant 3 : i32
      %add3A_411 = arith.addi %add3A_409, %add3A_410 : i32
      %add3A_412 = arith.constant 2 : i32
      %add3A_413 = arith.addi %add3A_411, %add3A_412 : i32
      %mul3A_414 = arith.constant 96 : i32
      %mul3A_415 = arith.muli %add3A_413, %mul3A_414 : i32
      %add3A_416 = arith.addi %mul3A_4, %mul3A_415 : i32
      %multiple_of3A_417 = tpu.assume_multiple %add3A_416, 8 : i32
      %dma_wait3A_418 = tpu.memref_slice %arg4[%multiple_of3A_417] : memref<322560xi32, #tpu.memory_space<hbm>> -> memref<96xi32, #tpu.memory_space<hbm>>
      %dma_wait3A_419 = tpu.memref_slice %arg4[%multiple_of3A_417] : memref<322560xi32, #tpu.memory_space<hbm>> -> memref<96xi32, #tpu.memory_space<hbm>>
      tpu.wait_dma2 semaphore(%arg20 : memref<!tpu.dma_semaphore, #tpu.memory_space<semaphore_mem>>) src(%dma_wait3A_419 : memref<96xi32, #tpu.memory_space<hbm>>) dst(%arg14 : memref<96xi32, #tpu.memory_space<vmem>>)
      %mul3A_420 = arith.constant 96 : i32
      %mul3A_421 = arith.muli %add3A_413, %mul3A_420 : i32
      %add3A_422 = arith.addi %mul3A_4, %mul3A_421 : i32
      %multiple_of3A_423 = tpu.assume_multiple %add3A_422, 8 : i32
      %dma_wait3A_424 = tpu.memref_slice %arg3[%multiple_of3A_423] : memref<322560xi32, #tpu.memory_space<hbm>> -> memref<96xi32, #tpu.memory_space<hbm>>
      %dma_wait3A_425 = tpu.memref_slice %arg3[%multiple_of3A_423] : memref<322560xi32, #tpu.memory_space<hbm>> -> memref<96xi32, #tpu.memory_space<hbm>>
      tpu.wait_dma2 semaphore(%arg20 : memref<!tpu.dma_semaphore, #tpu.memory_space<semaphore_mem>>) src(%dma_wait3A_425 : memref<96xi32, #tpu.memory_space<hbm>>) dst(%arg10 : memref<96xi32, #tpu.memory_space<vmem>>)
      %add3A_426 = arith.constant 2 : i32
      %add3A_427 = arith.addi %add3A_411, %add3A_426 : i32
      %dma_start3A_428 = arith.constant 0 : i32
      %dma_start3A_429 = arith.constant 0 : i32
      %dma_start3A_430 = tpu.memref_slice %arg2[%dma_start3A_428, %dma_start3A_429] : memref<10240x128xf32, #tpu.memory_space<hbm>> -> memref<10240x128xf32, #tpu.memory_space<hbm>>
      tpu.enqueue_indirect_dma source(%dma_start3A_430 : memref<10240x128xf32, #tpu.memory_space<hbm>>) target(%arg18 : memref<96x128xf32, #tpu.memory_space<vmem>>) offsets(%arg10 : memref<96xi32, #tpu.memory_space<vmem>>) semaphore(%arg21 : memref<!tpu.dma_semaphore, #tpu.memory_space<semaphore_mem>>)
      %add3A_431 = arith.constant 3 : i32
      %add3A_432 = arith.addi %add3A_411, %add3A_431 : i32
      %mul3A_433 = arith.constant 96 : i32
      %mul3A_434 = arith.muli %add3A_432, %mul3A_433 : i32
      %add3A_435 = arith.addi %mul3A_4, %mul3A_434 : i32
      %multiple_of3A_436 = tpu.assume_multiple %add3A_435, 8 : i32
      %dma_start3A_437 = tpu.memref_slice %arg4[%multiple_of3A_436] : memref<322560xi32, #tpu.memory_space<hbm>> -> memref<96xi32, #tpu.memory_space<hbm>>
      %dma_start3A_438 = tpu.memref_slice %arg4[%multiple_of3A_436] : memref<322560xi32, #tpu.memory_space<hbm>> -> memref<96xi32, #tpu.memory_space<hbm>>
      tpu.enqueue_dma source(%dma_start3A_438 : memref<96xi32, #tpu.memory_space<hbm>>) target(%arg11 : memref<96xi32, #tpu.memory_space<vmem>>) target_semaphore(%arg20 : memref<!tpu.dma_semaphore, #tpu.memory_space<semaphore_mem>>)
      %mul3A_439 = arith.constant 96 : i32
      %mul3A_440 = arith.muli %add3A_432, %mul3A_439 : i32
      %add3A_441 = arith.addi %mul3A_4, %mul3A_440 : i32
      %multiple_of3A_442 = tpu.assume_multiple %add3A_441, 8 : i32
      %dma_start3A_443 = tpu.memref_slice %arg3[%multiple_of3A_442] : memref<322560xi32, #tpu.memory_space<hbm>> -> memref<96xi32, #tpu.memory_space<hbm>>
      %dma_start3A_444 = tpu.memref_slice %arg3[%multiple_of3A_442] : memref<322560xi32, #tpu.memory_space<hbm>> -> memref<96xi32, #tpu.memory_space<hbm>>
      tpu.enqueue_dma source(%dma_start3A_444 : memref<96xi32, #tpu.memory_space<hbm>>) target(%arg7 : memref<96xi32, #tpu.memory_space<vmem>>) target_semaphore(%arg20 : memref<!tpu.dma_semaphore, #tpu.memory_space<semaphore_mem>>)
      %dma_wait3A_445 = arith.constant 0 : i32
      %dma_wait3A_446 = arith.constant 0 : i32
      %dma_wait3A_447 = tpu.memref_slice %arg2[%dma_wait3A_445, %dma_wait3A_446] : memref<10240x128xf32, #tpu.memory_space<hbm>> -> memref<96x128xf32, #tpu.memory_space<hbm>>
      %dma_wait3A_448 = arith.constant 0 : i32
      %dma_wait3A_449 = arith.constant 0 : i32
      %dma_wait3A_450 = tpu.memref_slice %arg2[%dma_wait3A_448, %dma_wait3A_449] : memref<10240x128xf32, #tpu.memory_space<hbm>> -> memref<96x128xf32, #tpu.memory_space<hbm>>
      tpu.wait_dma2 semaphore(%arg21 : memref<!tpu.dma_semaphore, #tpu.memory_space<semaphore_mem>>) src(%dma_wait3A_450 : memref<96x128xf32, #tpu.memory_space<hbm>>) dst(%arg16 : memref<96x128xf32, #tpu.memory_space<vmem>>)
      "tpu.region"() ({
        %run_scoped3A = tpu.sem_alloc : memref<!tpu.dma_semaphore, #tpu.memory_space<semaphore_mem>>
        %dma_start3A_451 = arith.constant 0 : i32
        %dma_start3A_452 = arith.constant 0 : i32
        %dma_start3A_453 = tpu.memref_slice %arg19[%dma_start3A_451, %dma_start3A_452] : memref<10112x128xf32, #tpu.memory_space<vmem_shared>> -> memref<10112x128xf32, #tpu.memory_space<vmem_shared>>
        tpu.enqueue_indirect_dma source(%arg16 : memref<96x128xf32, #tpu.memory_space<vmem>>) target(%dma_start3A_453 : memref<10112x128xf32, #tpu.memory_space<vmem_shared>>) offsets(%arg12 : memref<96xi32, #tpu.memory_space<vmem>>) semaphore(%run_scoped3A : memref<!tpu.dma_semaphore, #tpu.memory_space<semaphore_mem>>) {add = true}
        %dma_wait3A_454 = arith.constant 0 : i32
        %dma_wait3A_455 = arith.constant 0 : i32
        %dma_wait3A_456 = tpu.memref_slice %arg19[%dma_wait3A_454, %dma_wait3A_455] : memref<10112x128xf32, #tpu.memory_space<vmem_shared>> -> memref<10112x128xf32, #tpu.memory_space<vmem_shared>>
        tpu.wait_indirect_dma semaphore(%run_scoped3A : memref<!tpu.dma_semaphore, #tpu.memory_space<semaphore_mem>>) src(%arg16 : memref<96x128xf32, #tpu.memory_space<vmem>>) dst(%dma_wait3A_456 : memref<10112x128xf32, #tpu.memory_space<vmem_shared>>)
        tpu.yield
      }) : () -> ()
    }
    %scan3A_121 = arith.constant 24 : i32
    %add3A_122 = arith.constant 9600 : i32
    %add3A_123 = arith.addi %mul3A_4, %add3A_122 : i32
    %multiple_of3A_124 = tpu.assume_multiple %add3A_123, 8 : i32
    %dma_wait3A_125 = tpu.memref_slice %arg4[%multiple_of3A_124] : memref<322560xi32, #tpu.memory_space<hbm>> -> memref<96xi32, #tpu.memory_space<hbm>>
    %dma_wait3A_126 = tpu.memref_slice %arg4[%multiple_of3A_124] : memref<322560xi32, #tpu.memory_space<hbm>> -> memref<96xi32, #tpu.memory_space<hbm>>
    tpu.wait_dma2 semaphore(%arg20 : memref<!tpu.dma_semaphore, #tpu.memory_space<semaphore_mem>>) src(%dma_wait3A_126 : memref<96xi32, #tpu.memory_space<hbm>>) dst(%arg11 : memref<96xi32, #tpu.memory_space<vmem>>)
    %add3A_127 = arith.constant 9600 : i32
    %add3A_128 = arith.addi %mul3A_4, %add3A_127 : i32
    %multiple_of3A_129 = tpu.assume_multiple %add3A_128, 8 : i32
    %dma_wait3A_130 = tpu.memref_slice %arg3[%multiple_of3A_129] : memref<322560xi32, #tpu.memory_space<hbm>> -> memref<96xi32, #tpu.memory_space<hbm>>
    %dma_wait3A_131 = tpu.memref_slice %arg3[%multiple_of3A_129] : memref<322560xi32, #tpu.memory_space<hbm>> -> memref<96xi32, #tpu.memory_space<hbm>>
    tpu.wait_dma2 semaphore(%arg20 : memref<!tpu.dma_semaphore, #tpu.memory_space<semaphore_mem>>) src(%dma_wait3A_131 : memref<96xi32, #tpu.memory_space<hbm>>) dst(%arg7 : memref<96xi32, #tpu.memory_space<vmem>>)
    %dma_start3A_132 = arith.constant 0 : i32
    %dma_start3A_133 = arith.constant 0 : i32
    %dma_start3A_134 = tpu.memref_slice %arg2[%dma_start3A_132, %dma_start3A_133] : memref<10240x128xf32, #tpu.memory_space<hbm>> -> memref<10240x128xf32, #tpu.memory_space<hbm>>
    tpu.enqueue_indirect_dma source(%dma_start3A_134 : memref<10240x128xf32, #tpu.memory_space<hbm>>) target(%arg15 : memref<96x128xf32, #tpu.memory_space<vmem>>) offsets(%arg7 : memref<96xi32, #tpu.memory_space<vmem>>) semaphore(%arg21 : memref<!tpu.dma_semaphore, #tpu.memory_space<semaphore_mem>>)
    %add3A_135 = arith.constant 9696 : i32
    %add3A_136 = arith.addi %mul3A_4, %add3A_135 : i32
    %multiple_of3A_137 = tpu.assume_multiple %add3A_136, 8 : i32
    %dma_start3A_138 = tpu.memref_slice %arg4[%multiple_of3A_137] : memref<322560xi32, #tpu.memory_space<hbm>> -> memref<96xi32, #tpu.memory_space<hbm>>
    %dma_start3A_139 = tpu.memref_slice %arg4[%multiple_of3A_137] : memref<322560xi32, #tpu.memory_space<hbm>> -> memref<96xi32, #tpu.memory_space<hbm>>
    tpu.enqueue_dma source(%dma_start3A_139 : memref<96xi32, #tpu.memory_space<hbm>>) target(%arg12 : memref<96xi32, #tpu.memory_space<vmem>>) target_semaphore(%arg20 : memref<!tpu.dma_semaphore, #tpu.memory_space<semaphore_mem>>)
    %add3A_140 = arith.constant 9696 : i32
    %add3A_141 = arith.addi %mul3A_4, %add3A_140 : i32
    %multiple_of3A_142 = tpu.assume_multiple %add3A_141, 8 : i32
    %dma_start3A_143 = tpu.memref_slice %arg3[%multiple_of3A_142] : memref<322560xi32, #tpu.memory_space<hbm>> -> memref<96xi32, #tpu.memory_space<hbm>>
    %dma_start3A_144 = tpu.memref_slice %arg3[%multiple_of3A_142] : memref<322560xi32, #tpu.memory_space<hbm>> -> memref<96xi32, #tpu.memory_space<hbm>>
    tpu.enqueue_dma source(%dma_start3A_144 : memref<96xi32, #tpu.memory_space<hbm>>) target(%arg8 : memref<96xi32, #tpu.memory_space<vmem>>) target_semaphore(%arg20 : memref<!tpu.dma_semaphore, #tpu.memory_space<semaphore_mem>>)
    %dma_wait3A_145 = arith.constant 0 : i32
    %dma_wait3A_146 = arith.constant 0 : i32
    %dma_wait3A_147 = tpu.memref_slice %arg2[%dma_wait3A_145, %dma_wait3A_146] : memref<10240x128xf32, #tpu.memory_space<hbm>> -> memref<96x128xf32, #tpu.memory_space<hbm>>
    %dma_wait3A_148 = arith.constant 0 : i32
    %dma_wait3A_149 = arith.constant 0 : i32
    %dma_wait3A_150 = tpu.memref_slice %arg2[%dma_wait3A_148, %dma_wait3A_149] : memref<10240x128xf32, #tpu.memory_space<hbm>> -> memref<96x128xf32, #tpu.memory_space<hbm>>
    tpu.wait_dma2 semaphore(%arg21 : memref<!tpu.dma_semaphore, #tpu.memory_space<semaphore_mem>>) src(%dma_wait3A_150 : memref<96x128xf32, #tpu.memory_space<hbm>>) dst(%arg17 : memref<96x128xf32, #tpu.memory_space<vmem>>)
    "tpu.region"() ({
      %run_scoped3A = tpu.sem_alloc : memref<!tpu.dma_semaphore, #tpu.memory_space<semaphore_mem>>
      %dma_start3A_270 = arith.constant 0 : i32
      %dma_start3A_271 = arith.constant 0 : i32
      %dma_start3A_272 = tpu.memref_slice %arg19[%dma_start3A_270, %dma_start3A_271] : memref<10112x128xf32, #tpu.memory_space<vmem_shared>> -> memref<10112x128xf32, #tpu.memory_space<vmem_shared>>
      tpu.enqueue_indirect_dma source(%arg17 : memref<96x128xf32, #tpu.memory_space<vmem>>) target(%dma_start3A_272 : memref<10112x128xf32, #tpu.memory_space<vmem_shared>>) offsets(%arg13 : memref<96xi32, #tpu.memory_space<vmem>>) semaphore(%run_scoped3A : memref<!tpu.dma_semaphore, #tpu.memory_space<semaphore_mem>>) {add = true}
      %dma_wait3A_273 = arith.constant 0 : i32
      %dma_wait3A_274 = arith.constant 0 : i32
      %dma_wait3A_275 = tpu.memref_slice %arg19[%dma_wait3A_273, %dma_wait3A_274] : memref<10112x128xf32, #tpu.memory_space<vmem_shared>> -> memref<10112x128xf32, #tpu.memory_space<vmem_shared>>
      tpu.wait_indirect_dma semaphore(%run_scoped3A : memref<!tpu.dma_semaphore, #tpu.memory_space<semaphore_mem>>) src(%arg17 : memref<96x128xf32, #tpu.memory_space<vmem>>) dst(%dma_wait3A_275 : memref<10112x128xf32, #tpu.memory_space<vmem_shared>>)
      tpu.yield
    }) : () -> ()
    %add3A_151 = arith.constant 9696 : i32
    %add3A_152 = arith.addi %mul3A_4, %add3A_151 : i32
    %multiple_of3A_153 = tpu.assume_multiple %add3A_152, 8 : i32
    %dma_wait3A_154 = tpu.memref_slice %arg4[%multiple_of3A_153] : memref<322560xi32, #tpu.memory_space<hbm>> -> memref<96xi32, #tpu.memory_space<hbm>>
    %dma_wait3A_155 = tpu.memref_slice %arg4[%multiple_of3A_153] : memref<322560xi32, #tpu.memory_space<hbm>> -> memref<96xi32, #tpu.memory_space<hbm>>
    tpu.wait_dma2 semaphore(%arg20 : memref<!tpu.dma_semaphore, #tpu.memory_space<semaphore_mem>>) src(%dma_wait3A_155 : memref<96xi32, #tpu.memory_space<hbm>>) dst(%arg12 : memref<96xi32, #tpu.memory_space<vmem>>)
    %add3A_156 = arith.constant 9696 : i32
    %add3A_157 = arith.addi %mul3A_4, %add3A_156 : i32
    %multiple_of3A_158 = tpu.assume_multiple %add3A_157, 8 : i32
    %dma_wait3A_159 = tpu.memref_slice %arg3[%multiple_of3A_158] : memref<322560xi32, #tpu.memory_space<hbm>> -> memref<96xi32, #tpu.memory_space<hbm>>
    %dma_wait3A_160 = tpu.memref_slice %arg3[%multiple_of3A_158] : memref<322560xi32, #tpu.memory_space<hbm>> -> memref<96xi32, #tpu.memory_space<hbm>>
    tpu.wait_dma2 semaphore(%arg20 : memref<!tpu.dma_semaphore, #tpu.memory_space<semaphore_mem>>) src(%dma_wait3A_160 : memref<96xi32, #tpu.memory_space<hbm>>) dst(%arg8 : memref<96xi32, #tpu.memory_space<vmem>>)
    %dma_start3A_161 = arith.constant 0 : i32
    %dma_start3A_162 = arith.constant 0 : i32
    %dma_start3A_163 = tpu.memref_slice %arg2[%dma_start3A_161, %dma_start3A_162] : memref<10240x128xf32, #tpu.memory_space<hbm>> -> memref<10240x128xf32, #tpu.memory_space<hbm>>
    tpu.enqueue_indirect_dma source(%dma_start3A_163 : memref<10240x128xf32, #tpu.memory_space<hbm>>) target(%arg16 : memref<96x128xf32, #tpu.memory_space<vmem>>) offsets(%arg8 : memref<96xi32, #tpu.memory_space<vmem>>) semaphore(%arg21 : memref<!tpu.dma_semaphore, #tpu.memory_space<semaphore_mem>>)
    %add3A_164 = arith.constant 9792 : i32
    %add3A_165 = arith.addi %mul3A_4, %add3A_164 : i32
    %multiple_of3A_166 = tpu.assume_multiple %add3A_165, 8 : i32
    %dma_start3A_167 = tpu.memref_slice %arg4[%multiple_of3A_166] : memref<322560xi32, #tpu.memory_space<hbm>> -> memref<96xi32, #tpu.memory_space<hbm>>
    %dma_start3A_168 = tpu.memref_slice %arg4[%multiple_of3A_166] : memref<322560xi32, #tpu.memory_space<hbm>> -> memref<96xi32, #tpu.memory_space<hbm>>
    tpu.enqueue_dma source(%dma_start3A_168 : memref<96xi32, #tpu.memory_space<hbm>>) target(%arg13 : memref<96xi32, #tpu.memory_space<vmem>>) target_semaphore(%arg20 : memref<!tpu.dma_semaphore, #tpu.memory_space<semaphore_mem>>)
    %add3A_169 = arith.constant 9792 : i32
    %add3A_170 = arith.addi %mul3A_4, %add3A_169 : i32
    %multiple_of3A_171 = tpu.assume_multiple %add3A_170, 8 : i32
    %dma_start3A_172 = tpu.memref_slice %arg3[%multiple_of3A_171] : memref<322560xi32, #tpu.memory_space<hbm>> -> memref<96xi32, #tpu.memory_space<hbm>>
    %dma_start3A_173 = tpu.memref_slice %arg3[%multiple_of3A_171] : memref<322560xi32, #tpu.memory_space<hbm>> -> memref<96xi32, #tpu.memory_space<hbm>>
    tpu.enqueue_dma source(%dma_start3A_173 : memref<96xi32, #tpu.memory_space<hbm>>) target(%arg9 : memref<96xi32, #tpu.memory_space<vmem>>) target_semaphore(%arg20 : memref<!tpu.dma_semaphore, #tpu.memory_space<semaphore_mem>>)
    %dma_wait3A_174 = arith.constant 0 : i32
    %dma_wait3A_175 = arith.constant 0 : i32
    %dma_wait3A_176 = tpu.memref_slice %arg2[%dma_wait3A_174, %dma_wait3A_175] : memref<10240x128xf32, #tpu.memory_space<hbm>> -> memref<96x128xf32, #tpu.memory_space<hbm>>
    %dma_wait3A_177 = arith.constant 0 : i32
    %dma_wait3A_178 = arith.constant 0 : i32
    %dma_wait3A_179 = tpu.memref_slice %arg2[%dma_wait3A_177, %dma_wait3A_178] : memref<10240x128xf32, #tpu.memory_space<hbm>> -> memref<96x128xf32, #tpu.memory_space<hbm>>
    tpu.wait_dma2 semaphore(%arg21 : memref<!tpu.dma_semaphore, #tpu.memory_space<semaphore_mem>>) src(%dma_wait3A_179 : memref<96x128xf32, #tpu.memory_space<hbm>>) dst(%arg18 : memref<96x128xf32, #tpu.memory_space<vmem>>)
    "tpu.region"() ({
      %run_scoped3A = tpu.sem_alloc : memref<!tpu.dma_semaphore, #tpu.memory_space<semaphore_mem>>
      %dma_start3A_270 = arith.constant 0 : i32
      %dma_start3A_271 = arith.constant 0 : i32
      %dma_start3A_272 = tpu.memref_slice %arg19[%dma_start3A_270, %dma_start3A_271] : memref<10112x128xf32, #tpu.memory_space<vmem_shared>> -> memref<10112x128xf32, #tpu.memory_space<vmem_shared>>
      tpu.enqueue_indirect_dma source(%arg18 : memref<96x128xf32, #tpu.memory_space<vmem>>) target(%dma_start3A_272 : memref<10112x128xf32, #tpu.memory_space<vmem_shared>>) offsets(%arg14 : memref<96xi32, #tpu.memory_space<vmem>>) semaphore(%run_scoped3A : memref<!tpu.dma_semaphore, #tpu.memory_space<semaphore_mem>>) {add = true}
      %dma_wait3A_273 = arith.constant 0 : i32
      %dma_wait3A_274 = arith.constant 0 : i32
      %dma_wait3A_275 = tpu.memref_slice %arg19[%dma_wait3A_273, %dma_wait3A_274] : memref<10112x128xf32, #tpu.memory_space<vmem_shared>> -> memref<10112x128xf32, #tpu.memory_space<vmem_shared>>
      tpu.wait_indirect_dma semaphore(%run_scoped3A : memref<!tpu.dma_semaphore, #tpu.memory_space<semaphore_mem>>) src(%arg18 : memref<96x128xf32, #tpu.memory_space<vmem>>) dst(%dma_wait3A_275 : memref<10112x128xf32, #tpu.memory_space<vmem_shared>>)
      tpu.yield
    }) : () -> ()
    %add3A_180 = arith.constant 9792 : i32
    %add3A_181 = arith.addi %mul3A_4, %add3A_180 : i32
    %multiple_of3A_182 = tpu.assume_multiple %add3A_181, 8 : i32
    %dma_wait3A_183 = tpu.memref_slice %arg4[%multiple_of3A_182] : memref<322560xi32, #tpu.memory_space<hbm>> -> memref<96xi32, #tpu.memory_space<hbm>>
    %dma_wait3A_184 = tpu.memref_slice %arg4[%multiple_of3A_182] : memref<322560xi32, #tpu.memory_space<hbm>> -> memref<96xi32, #tpu.memory_space<hbm>>
    tpu.wait_dma2 semaphore(%arg20 : memref<!tpu.dma_semaphore, #tpu.memory_space<semaphore_mem>>) src(%dma_wait3A_184 : memref<96xi32, #tpu.memory_space<hbm>>) dst(%arg13 : memref<96xi32, #tpu.memory_space<vmem>>)
    %add3A_185 = arith.constant 9792 : i32
    %add3A_186 = arith.addi %mul3A_4, %add3A_185 : i32
    %multiple_of3A_187 = tpu.assume_multiple %add3A_186, 8 : i32
    %dma_wait3A_188 = tpu.memref_slice %arg3[%multiple_of3A_187] : memref<322560xi32, #tpu.memory_space<hbm>> -> memref<96xi32, #tpu.memory_space<hbm>>
    %dma_wait3A_189 = tpu.memref_slice %arg3[%multiple_of3A_187] : memref<322560xi32, #tpu.memory_space<hbm>> -> memref<96xi32, #tpu.memory_space<hbm>>
    tpu.wait_dma2 semaphore(%arg20 : memref<!tpu.dma_semaphore, #tpu.memory_space<semaphore_mem>>) src(%dma_wait3A_189 : memref<96xi32, #tpu.memory_space<hbm>>) dst(%arg9 : memref<96xi32, #tpu.memory_space<vmem>>)
    %dma_start3A_190 = arith.constant 0 : i32
    %dma_start3A_191 = arith.constant 0 : i32
    %dma_start3A_192 = tpu.memref_slice %arg2[%dma_start3A_190, %dma_start3A_191] : memref<10240x128xf32, #tpu.memory_space<hbm>> -> memref<10240x128xf32, #tpu.memory_space<hbm>>
    tpu.enqueue_indirect_dma source(%dma_start3A_192 : memref<10240x128xf32, #tpu.memory_space<hbm>>) target(%arg17 : memref<96x128xf32, #tpu.memory_space<vmem>>) offsets(%arg9 : memref<96xi32, #tpu.memory_space<vmem>>) semaphore(%arg21 : memref<!tpu.dma_semaphore, #tpu.memory_space<semaphore_mem>>)
    %add3A_193 = arith.constant 9888 : i32
    %add3A_194 = arith.addi %mul3A_4, %add3A_193 : i32
    %multiple_of3A_195 = tpu.assume_multiple %add3A_194, 8 : i32
    %dma_start3A_196 = tpu.memref_slice %arg4[%multiple_of3A_195] : memref<322560xi32, #tpu.memory_space<hbm>> -> memref<96xi32, #tpu.memory_space<hbm>>
    %dma_start3A_197 = tpu.memref_slice %arg4[%multiple_of3A_195] : memref<322560xi32, #tpu.memory_space<hbm>> -> memref<96xi32, #tpu.memory_space<hbm>>
    tpu.enqueue_dma source(%dma_start3A_197 : memref<96xi32, #tpu.memory_space<hbm>>) target(%arg14 : memref<96xi32, #tpu.memory_space<vmem>>) target_semaphore(%arg20 : memref<!tpu.dma_semaphore, #tpu.memory_space<semaphore_mem>>)
    %add3A_198 = arith.constant 9888 : i32
    %add3A_199 = arith.addi %mul3A_4, %add3A_198 : i32
    %multiple_of3A_200 = tpu.assume_multiple %add3A_199, 8 : i32
    %dma_start3A_201 = tpu.memref_slice %arg3[%multiple_of3A_200] : memref<322560xi32, #tpu.memory_space<hbm>> -> memref<96xi32, #tpu.memory_space<hbm>>
    %dma_start3A_202 = tpu.memref_slice %arg3[%multiple_of3A_200] : memref<322560xi32, #tpu.memory_space<hbm>> -> memref<96xi32, #tpu.memory_space<hbm>>
    tpu.enqueue_dma source(%dma_start3A_202 : memref<96xi32, #tpu.memory_space<hbm>>) target(%arg10 : memref<96xi32, #tpu.memory_space<vmem>>) target_semaphore(%arg20 : memref<!tpu.dma_semaphore, #tpu.memory_space<semaphore_mem>>)
    %dma_wait3A_203 = arith.constant 0 : i32
    %dma_wait3A_204 = arith.constant 0 : i32
    %dma_wait3A_205 = tpu.memref_slice %arg2[%dma_wait3A_203, %dma_wait3A_204] : memref<10240x128xf32, #tpu.memory_space<hbm>> -> memref<96x128xf32, #tpu.memory_space<hbm>>
    %dma_wait3A_206 = arith.constant 0 : i32
    %dma_wait3A_207 = arith.constant 0 : i32
    %dma_wait3A_208 = tpu.memref_slice %arg2[%dma_wait3A_206, %dma_wait3A_207] : memref<10240x128xf32, #tpu.memory_space<hbm>> -> memref<96x128xf32, #tpu.memory_space<hbm>>
    tpu.wait_dma2 semaphore(%arg21 : memref<!tpu.dma_semaphore, #tpu.memory_space<semaphore_mem>>) src(%dma_wait3A_208 : memref<96x128xf32, #tpu.memory_space<hbm>>) dst(%arg15 : memref<96x128xf32, #tpu.memory_space<vmem>>)
    "tpu.region"() ({
      %run_scoped3A = tpu.sem_alloc : memref<!tpu.dma_semaphore, #tpu.memory_space<semaphore_mem>>
      %dma_start3A_270 = arith.constant 0 : i32
      %dma_start3A_271 = arith.constant 0 : i32
      %dma_start3A_272 = tpu.memref_slice %arg19[%dma_start3A_270, %dma_start3A_271] : memref<10112x128xf32, #tpu.memory_space<vmem_shared>> -> memref<10112x128xf32, #tpu.memory_space<vmem_shared>>
      tpu.enqueue_indirect_dma source(%arg15 : memref<96x128xf32, #tpu.memory_space<vmem>>) target(%dma_start3A_272 : memref<10112x128xf32, #tpu.memory_space<vmem_shared>>) offsets(%arg11 : memref<96xi32, #tpu.memory_space<vmem>>) semaphore(%run_scoped3A : memref<!tpu.dma_semaphore, #tpu.memory_space<semaphore_mem>>) {add = true}
      %dma_wait3A_273 = arith.constant 0 : i32
      %dma_wait3A_274 = arith.constant 0 : i32
      %dma_wait3A_275 = tpu.memref_slice %arg19[%dma_wait3A_273, %dma_wait3A_274] : memref<10112x128xf32, #tpu.memory_space<vmem_shared>> -> memref<10112x128xf32, #tpu.memory_space<vmem_shared>>
      tpu.wait_indirect_dma semaphore(%run_scoped3A : memref<!tpu.dma_semaphore, #tpu.memory_space<semaphore_mem>>) src(%arg15 : memref<96x128xf32, #tpu.memory_space<vmem>>) dst(%dma_wait3A_275 : memref<10112x128xf32, #tpu.memory_space<vmem_shared>>)
      tpu.yield
    }) : () -> ()
    %add3A_209 = arith.constant 9888 : i32
    %add3A_210 = arith.addi %mul3A_4, %add3A_209 : i32
    %multiple_of3A_211 = tpu.assume_multiple %add3A_210, 8 : i32
    %dma_wait3A_212 = tpu.memref_slice %arg4[%multiple_of3A_211] : memref<322560xi32, #tpu.memory_space<hbm>> -> memref<96xi32, #tpu.memory_space<hbm>>
    %dma_wait3A_213 = tpu.memref_slice %arg4[%multiple_of3A_211] : memref<322560xi32, #tpu.memory_space<hbm>> -> memref<96xi32, #tpu.memory_space<hbm>>
    tpu.wait_dma2 semaphore(%arg20 : memref<!tpu.dma_semaphore, #tpu.memory_space<semaphore_mem>>) src(%dma_wait3A_213 : memref<96xi32, #tpu.memory_space<hbm>>) dst(%arg14 : memref<96xi32, #tpu.memory_space<vmem>>)
    %add3A_214 = arith.constant 9888 : i32
    %add3A_215 = arith.addi %mul3A_4, %add3A_214 : i32
    %multiple_of3A_216 = tpu.assume_multiple %add3A_215, 8 : i32
    %dma_wait3A_217 = tpu.memref_slice %arg3[%multiple_of3A_216] : memref<322560xi32, #tpu.memory_space<hbm>> -> memref<96xi32, #tpu.memory_space<hbm>>
    %dma_wait3A_218 = tpu.memref_slice %arg3[%multiple_of3A_216] : memref<322560xi32, #tpu.memory_space<hbm>> -> memref<96xi32, #tpu.memory_space<hbm>>
    tpu.wait_dma2 semaphore(%arg20 : memref<!tpu.dma_semaphore, #tpu.memory_space<semaphore_mem>>) src(%dma_wait3A_218 : memref<96xi32, #tpu.memory_space<hbm>>) dst(%arg10 : memref<96xi32, #tpu.memory_space<vmem>>)
    %dma_start3A_219 = arith.constant 0 : i32
    %dma_start3A_220 = arith.constant 0 : i32
    %dma_start3A_221 = tpu.memref_slice %arg2[%dma_start3A_219, %dma_start3A_220] : memref<10240x128xf32, #tpu.memory_space<hbm>> -> memref<10240x128xf32, #tpu.memory_space<hbm>>
    tpu.enqueue_indirect_dma source(%dma_start3A_221 : memref<10240x128xf32, #tpu.memory_space<hbm>>) target(%arg18 : memref<96x128xf32, #tpu.memory_space<vmem>>) offsets(%arg10 : memref<96xi32, #tpu.memory_space<vmem>>) semaphore(%arg21 : memref<!tpu.dma_semaphore, #tpu.memory_space<semaphore_mem>>)
    %add3A_222 = arith.constant 9984 : i32
    %add3A_223 = arith.addi %mul3A_4, %add3A_222 : i32
    %multiple_of3A_224 = tpu.assume_multiple %add3A_223, 8 : i32
    %dma_start3A_225 = tpu.memref_slice %arg4[%multiple_of3A_224] : memref<322560xi32, #tpu.memory_space<hbm>> -> memref<96xi32, #tpu.memory_space<hbm>>
    %dma_start3A_226 = tpu.memref_slice %arg4[%multiple_of3A_224] : memref<322560xi32, #tpu.memory_space<hbm>> -> memref<96xi32, #tpu.memory_space<hbm>>
    tpu.enqueue_dma source(%dma_start3A_226 : memref<96xi32, #tpu.memory_space<hbm>>) target(%arg11 : memref<96xi32, #tpu.memory_space<vmem>>) target_semaphore(%arg20 : memref<!tpu.dma_semaphore, #tpu.memory_space<semaphore_mem>>)
    %add3A_227 = arith.constant 9984 : i32
    %add3A_228 = arith.addi %mul3A_4, %add3A_227 : i32
    %multiple_of3A_229 = tpu.assume_multiple %add3A_228, 8 : i32
    %dma_start3A_230 = tpu.memref_slice %arg3[%multiple_of3A_229] : memref<322560xi32, #tpu.memory_space<hbm>> -> memref<96xi32, #tpu.memory_space<hbm>>
    %dma_start3A_231 = tpu.memref_slice %arg3[%multiple_of3A_229] : memref<322560xi32, #tpu.memory_space<hbm>> -> memref<96xi32, #tpu.memory_space<hbm>>
    tpu.enqueue_dma source(%dma_start3A_231 : memref<96xi32, #tpu.memory_space<hbm>>) target(%arg7 : memref<96xi32, #tpu.memory_space<vmem>>) target_semaphore(%arg20 : memref<!tpu.dma_semaphore, #tpu.memory_space<semaphore_mem>>)
    %dma_wait3A_232 = arith.constant 0 : i32
    %dma_wait3A_233 = arith.constant 0 : i32
    %dma_wait3A_234 = tpu.memref_slice %arg2[%dma_wait3A_232, %dma_wait3A_233] : memref<10240x128xf32, #tpu.memory_space<hbm>> -> memref<96x128xf32, #tpu.memory_space<hbm>>
    %dma_wait3A_235 = arith.constant 0 : i32
    %dma_wait3A_236 = arith.constant 0 : i32
    %dma_wait3A_237 = tpu.memref_slice %arg2[%dma_wait3A_235, %dma_wait3A_236] : memref<10240x128xf32, #tpu.memory_space<hbm>> -> memref<96x128xf32, #tpu.memory_space<hbm>>
    tpu.wait_dma2 semaphore(%arg21 : memref<!tpu.dma_semaphore, #tpu.memory_space<semaphore_mem>>) src(%dma_wait3A_237 : memref<96x128xf32, #tpu.memory_space<hbm>>) dst(%arg16 : memref<96x128xf32, #tpu.memory_space<vmem>>)
    "tpu.region"() ({
      %run_scoped3A = tpu.sem_alloc : memref<!tpu.dma_semaphore, #tpu.memory_space<semaphore_mem>>
      %dma_start3A_270 = arith.constant 0 : i32
      %dma_start3A_271 = arith.constant 0 : i32
      %dma_start3A_272 = tpu.memref_slice %arg19[%dma_start3A_270, %dma_start3A_271] : memref<10112x128xf32, #tpu.memory_space<vmem_shared>> -> memref<10112x128xf32, #tpu.memory_space<vmem_shared>>
      tpu.enqueue_indirect_dma source(%arg16 : memref<96x128xf32, #tpu.memory_space<vmem>>) target(%dma_start3A_272 : memref<10112x128xf32, #tpu.memory_space<vmem_shared>>) offsets(%arg12 : memref<96xi32, #tpu.memory_space<vmem>>) semaphore(%run_scoped3A : memref<!tpu.dma_semaphore, #tpu.memory_space<semaphore_mem>>) {add = true}
      %dma_wait3A_273 = arith.constant 0 : i32
      %dma_wait3A_274 = arith.constant 0 : i32
      %dma_wait3A_275 = tpu.memref_slice %arg19[%dma_wait3A_273, %dma_wait3A_274] : memref<10112x128xf32, #tpu.memory_space<vmem_shared>> -> memref<10112x128xf32, #tpu.memory_space<vmem_shared>>
      tpu.wait_indirect_dma semaphore(%run_scoped3A : memref<!tpu.dma_semaphore, #tpu.memory_space<semaphore_mem>>) src(%arg16 : memref<96x128xf32, #tpu.memory_space<vmem>>) dst(%dma_wait3A_275 : memref<10112x128xf32, #tpu.memory_space<vmem_shared>>)
      tpu.yield
    }) : () -> ()
    %add3A_238 = arith.constant 9984 : i32
    %add3A_239 = arith.addi %mul3A_4, %add3A_238 : i32
    %multiple_of3A_240 = tpu.assume_multiple %add3A_239, 8 : i32
    %dma_wait3A_241 = tpu.memref_slice %arg4[%multiple_of3A_240] : memref<322560xi32, #tpu.memory_space<hbm>> -> memref<96xi32, #tpu.memory_space<hbm>>
    %dma_wait3A_242 = tpu.memref_slice %arg4[%multiple_of3A_240] : memref<322560xi32, #tpu.memory_space<hbm>> -> memref<96xi32, #tpu.memory_space<hbm>>
    tpu.wait_dma2 semaphore(%arg20 : memref<!tpu.dma_semaphore, #tpu.memory_space<semaphore_mem>>) src(%dma_wait3A_242 : memref<96xi32, #tpu.memory_space<hbm>>) dst(%arg11 : memref<96xi32, #tpu.memory_space<vmem>>)
    %add3A_243 = arith.constant 9984 : i32
    %add3A_244 = arith.addi %mul3A_4, %add3A_243 : i32
    %multiple_of3A_245 = tpu.assume_multiple %add3A_244, 8 : i32
    %dma_wait3A_246 = tpu.memref_slice %arg3[%multiple_of3A_245] : memref<322560xi32, #tpu.memory_space<hbm>> -> memref<96xi32, #tpu.memory_space<hbm>>
    %dma_wait3A_247 = tpu.memref_slice %arg3[%multiple_of3A_245] : memref<322560xi32, #tpu.memory_space<hbm>> -> memref<96xi32, #tpu.memory_space<hbm>>
    tpu.wait_dma2 semaphore(%arg20 : memref<!tpu.dma_semaphore, #tpu.memory_space<semaphore_mem>>) src(%dma_wait3A_247 : memref<96xi32, #tpu.memory_space<hbm>>) dst(%arg7 : memref<96xi32, #tpu.memory_space<vmem>>)
    %dma_start3A_248 = arith.constant 0 : i32
    %dma_start3A_249 = arith.constant 0 : i32
    %dma_start3A_250 = tpu.memref_slice %arg2[%dma_start3A_248, %dma_start3A_249] : memref<10240x128xf32, #tpu.memory_space<hbm>> -> memref<10240x128xf32, #tpu.memory_space<hbm>>
    tpu.enqueue_indirect_dma source(%dma_start3A_250 : memref<10240x128xf32, #tpu.memory_space<hbm>>) target(%arg15 : memref<96x128xf32, #tpu.memory_space<vmem>>) offsets(%arg7 : memref<96xi32, #tpu.memory_space<vmem>>) semaphore(%arg21 : memref<!tpu.dma_semaphore, #tpu.memory_space<semaphore_mem>>)
    %dma_wait3A_251 = arith.constant 0 : i32
    %dma_wait3A_252 = arith.constant 0 : i32
    %dma_wait3A_253 = tpu.memref_slice %arg2[%dma_wait3A_251, %dma_wait3A_252] : memref<10240x128xf32, #tpu.memory_space<hbm>> -> memref<96x128xf32, #tpu.memory_space<hbm>>
    %dma_wait3A_254 = arith.constant 0 : i32
    %dma_wait3A_255 = arith.constant 0 : i32
    %dma_wait3A_256 = tpu.memref_slice %arg2[%dma_wait3A_254, %dma_wait3A_255] : memref<10240x128xf32, #tpu.memory_space<hbm>> -> memref<96x128xf32, #tpu.memory_space<hbm>>
    tpu.wait_dma2 semaphore(%arg21 : memref<!tpu.dma_semaphore, #tpu.memory_space<semaphore_mem>>) src(%dma_wait3A_256 : memref<96x128xf32, #tpu.memory_space<hbm>>) dst(%arg17 : memref<96x128xf32, #tpu.memory_space<vmem>>)
    "tpu.region"() ({
      %run_scoped3A = tpu.sem_alloc : memref<!tpu.dma_semaphore, #tpu.memory_space<semaphore_mem>>
      %dma_start3A_270 = arith.constant 0 : i32
      %dma_start3A_271 = arith.constant 0 : i32
      %dma_start3A_272 = tpu.memref_slice %arg19[%dma_start3A_270, %dma_start3A_271] : memref<10112x128xf32, #tpu.memory_space<vmem_shared>> -> memref<10112x128xf32, #tpu.memory_space<vmem_shared>>
      tpu.enqueue_indirect_dma source(%arg17 : memref<96x128xf32, #tpu.memory_space<vmem>>) target(%dma_start3A_272 : memref<10112x128xf32, #tpu.memory_space<vmem_shared>>) offsets(%arg13 : memref<96xi32, #tpu.memory_space<vmem>>) semaphore(%run_scoped3A : memref<!tpu.dma_semaphore, #tpu.memory_space<semaphore_mem>>) {add = true}
      %dma_wait3A_273 = arith.constant 0 : i32
      %dma_wait3A_274 = arith.constant 0 : i32
      %dma_wait3A_275 = tpu.memref_slice %arg19[%dma_wait3A_273, %dma_wait3A_274] : memref<10112x128xf32, #tpu.memory_space<vmem_shared>> -> memref<10112x128xf32, #tpu.memory_space<vmem_shared>>
      tpu.wait_indirect_dma semaphore(%run_scoped3A : memref<!tpu.dma_semaphore, #tpu.memory_space<semaphore_mem>>) src(%arg17 : memref<96x128xf32, #tpu.memory_space<vmem>>) dst(%dma_wait3A_275 : memref<10112x128xf32, #tpu.memory_space<vmem_shared>>)
      tpu.yield
    }) : () -> ()
    %dma_wait3A_257 = arith.constant 0 : i32
    %dma_wait3A_258 = arith.constant 0 : i32
    %dma_wait3A_259 = tpu.memref_slice %arg2[%dma_wait3A_257, %dma_wait3A_258] : memref<10240x128xf32, #tpu.memory_space<hbm>> -> memref<96x128xf32, #tpu.memory_space<hbm>>
    %dma_wait3A_260 = arith.constant 0 : i32
    %dma_wait3A_261 = arith.constant 0 : i32
    %dma_wait3A_262 = tpu.memref_slice %arg2[%dma_wait3A_260, %dma_wait3A_261] : memref<10240x128xf32, #tpu.memory_space<hbm>> -> memref<96x128xf32, #tpu.memory_space<hbm>>
    tpu.wait_dma2 semaphore(%arg21 : memref<!tpu.dma_semaphore, #tpu.memory_space<semaphore_mem>>) src(%dma_wait3A_262 : memref<96x128xf32, #tpu.memory_space<hbm>>) dst(%arg18 : memref<96x128xf32, #tpu.memory_space<vmem>>)
    "tpu.region"() ({
      %run_scoped3A = tpu.sem_alloc : memref<!tpu.dma_semaphore, #tpu.memory_space<semaphore_mem>>
      %dma_start3A_270 = arith.constant 0 : i32
      %dma_start3A_271 = arith.constant 0 : i32
      %dma_start3A_272 = tpu.memref_slice %arg19[%dma_start3A_270, %dma_start3A_271] : memref<10112x128xf32, #tpu.memory_space<vmem_shared>> -> memref<10112x128xf32, #tpu.memory_space<vmem_shared>>
      tpu.enqueue_indirect_dma source(%arg18 : memref<96x128xf32, #tpu.memory_space<vmem>>) target(%dma_start3A_272 : memref<10112x128xf32, #tpu.memory_space<vmem_shared>>) offsets(%arg14 : memref<96xi32, #tpu.memory_space<vmem>>) semaphore(%run_scoped3A : memref<!tpu.dma_semaphore, #tpu.memory_space<semaphore_mem>>) {add = true}
      %dma_wait3A_273 = arith.constant 0 : i32
      %dma_wait3A_274 = arith.constant 0 : i32
      %dma_wait3A_275 = tpu.memref_slice %arg19[%dma_wait3A_273, %dma_wait3A_274] : memref<10112x128xf32, #tpu.memory_space<vmem_shared>> -> memref<10112x128xf32, #tpu.memory_space<vmem_shared>>
      tpu.wait_indirect_dma semaphore(%run_scoped3A : memref<!tpu.dma_semaphore, #tpu.memory_space<semaphore_mem>>) src(%arg18 : memref<96x128xf32, #tpu.memory_space<vmem>>) dst(%dma_wait3A_275 : memref<10112x128xf32, #tpu.memory_space<vmem_shared>>)
      tpu.yield
    }) : () -> ()
    %dma_wait3A_263 = arith.constant 0 : i32
    %dma_wait3A_264 = arith.constant 0 : i32
    %dma_wait3A_265 = tpu.memref_slice %arg2[%dma_wait3A_263, %dma_wait3A_264] : memref<10240x128xf32, #tpu.memory_space<hbm>> -> memref<96x128xf32, #tpu.memory_space<hbm>>
    %dma_wait3A_266 = arith.constant 0 : i32
    %dma_wait3A_267 = arith.constant 0 : i32
    %dma_wait3A_268 = tpu.memref_slice %arg2[%dma_wait3A_266, %dma_wait3A_267] : memref<10240x128xf32, #tpu.memory_space<hbm>> -> memref<96x128xf32, #tpu.memory_space<hbm>>
    tpu.wait_dma2 semaphore(%arg21 : memref<!tpu.dma_semaphore, #tpu.memory_space<semaphore_mem>>) src(%dma_wait3A_268 : memref<96x128xf32, #tpu.memory_space<hbm>>) dst(%arg15 : memref<96x128xf32, #tpu.memory_space<vmem>>)
    "tpu.region"() ({
      %run_scoped3A = tpu.sem_alloc : memref<!tpu.dma_semaphore, #tpu.memory_space<semaphore_mem>>
      %dma_start3A_270 = arith.constant 0 : i32
      %dma_start3A_271 = arith.constant 0 : i32
      %dma_start3A_272 = tpu.memref_slice %arg19[%dma_start3A_270, %dma_start3A_271] : memref<10112x128xf32, #tpu.memory_space<vmem_shared>> -> memref<10112x128xf32, #tpu.memory_space<vmem_shared>>
      tpu.enqueue_indirect_dma source(%arg15 : memref<96x128xf32, #tpu.memory_space<vmem>>) target(%dma_start3A_272 : memref<10112x128xf32, #tpu.memory_space<vmem_shared>>) offsets(%arg11 : memref<96xi32, #tpu.memory_space<vmem>>) semaphore(%run_scoped3A : memref<!tpu.dma_semaphore, #tpu.memory_space<semaphore_mem>>) {add = true}
      %dma_wait3A_273 = arith.constant 0 : i32
      %dma_wait3A_274 = arith.constant 0 : i32
      %dma_wait3A_275 = tpu.memref_slice %arg19[%dma_wait3A_273, %dma_wait3A_274] : memref<10112x128xf32, #tpu.memory_space<vmem_shared>> -> memref<10112x128xf32, #tpu.memory_space<vmem_shared>>
      tpu.wait_indirect_dma semaphore(%run_scoped3A : memref<!tpu.dma_semaphore, #tpu.memory_space<semaphore_mem>>) src(%arg15 : memref<96x128xf32, #tpu.memory_space<vmem>>) dst(%dma_wait3A_275 : memref<10112x128xf32, #tpu.memory_space<vmem_shared>>)
      tpu.yield
    }) : () -> ()
    %barrier3A_269 = arith.constant 0 : index
    tpu.barrier barrier_id(%barrier3A_269)
    "tpu.region"() ({
      %run_scoped3A = tpu.sem_alloc : memref<!tpu.dma_semaphore, #tpu.memory_space<semaphore_mem>>
      %dma_start3A_270 = arith.constant 0 : i32
      %dma_start3A_271 = tpu.memref_slice %arg6[%arg0, %multiple_of3A, %dma_start3A_270] : memref<2x10240x128xf32, #tpu.memory_space<hbm>> -> memref<1x632x128xf32, #tpu.memory_space<hbm>>
      %dma_start3A_272 = tpu.memref_squeeze %dma_start3A_271 : memref<1x632x128xf32, #tpu.memory_space<hbm>> -> memref<632x128xf32, #tpu.memory_space<hbm>>
      %dma_start3A_273 = arith.constant 0 : i32
      %dma_start3A_274 = tpu.memref_slice %arg19[%multiple_of3A, %dma_start3A_273] : memref<10112x128xf32, #tpu.memory_space<vmem_shared>> -> memref<632x128xf32, #tpu.memory_space<vmem_shared>>
      tpu.enqueue_dma source(%dma_start3A_274 : memref<632x128xf32, #tpu.memory_space<vmem_shared>>) target(%dma_start3A_272 : memref<632x128xf32, #tpu.memory_space<hbm>>) target_semaphore(%run_scoped3A : memref<!tpu.dma_semaphore, #tpu.memory_space<semaphore_mem>>)
      %dma_wait3A_275 = arith.constant 0 : i32
      %dma_wait3A_276 = tpu.memref_slice %arg6[%arg0, %multiple_of3A, %dma_wait3A_275] : memref<2x10240x128xf32, #tpu.memory_space<hbm>> -> memref<1x632x128xf32, #tpu.memory_space<hbm>>
      %dma_wait3A_277 = tpu.memref_squeeze %dma_wait3A_276 : memref<1x632x128xf32, #tpu.memory_space<hbm>> -> memref<632x128xf32, #tpu.memory_space<hbm>>
      %dma_wait3A_278 = arith.constant 0 : i32
      %dma_wait3A_279 = tpu.memref_slice %arg19[%multiple_of3A, %dma_wait3A_278] : memref<10112x128xf32, #tpu.memory_space<vmem_shared>> -> memref<632x128xf32, #tpu.memory_space<vmem_shared>>
      tpu.wait_dma2 semaphore(%run_scoped3A : memref<!tpu.dma_semaphore, #tpu.memory_space<semaphore_mem>>) src(%dma_wait3A_279 : memref<632x128xf32, #tpu.memory_space<vmem_shared>>) dst(%dma_wait3A_277 : memref<632x128xf32, #tpu.memory_space<hbm>>)
      tpu.yield
    }) : () -> ()
    return
  }
}

#map = affine_map<(d0, d1) -> (0, 0)>
#map1 = affine_map<(d0, d1) -> (0)>
#map2 = affine_map<(d0, d1) -> (0, 0, 0)>
module attributes {stable_mosaic.version = 14 : i64} {
  func.func @body(%arg0: i32, %arg1: i32, %arg2: memref<10240x128xf32, #tpu.memory_space<hbm>>, %arg3: memref<322560xi32, #tpu.memory_space<hbm>>, %arg4: memref<322560xi32, #tpu.memory_space<hbm>>, %arg5: memref<632x128xf32, #tpu.memory_space<hbm>>, %arg6: memref<2x10240x128xf32, #tpu.memory_space<hbm>>, %arg7: memref<96xi32, #tpu.memory_space<vmem>>, %arg8: memref<96xi32, #tpu.memory_space<vmem>>, %arg9: memref<96xi32, #tpu.memory_space<vmem>>, %arg10: memref<96xi32, #tpu.memory_space<vmem>>, %arg11: memref<96xi32, #tpu.memory_space<vmem>>, %arg12: memref<96xi32, #tpu.memory_space<vmem>>, %arg13: memref<96xi32, #tpu.memory_space<vmem>>, %arg14: memref<96xi32, #tpu.memory_space<vmem>>, %arg15: memref<96x128xf32, #tpu.memory_space<vmem>>, %arg16: memref<96x128xf32, #tpu.memory_space<vmem>>, %arg17: memref<96x128xf32, #tpu.memory_space<vmem>>, %arg18: memref<96x128xf32, #tpu.memory_space<vmem>>, %arg19: memref<10112x128xf32, #tpu.memory_space<vmem_shared>>, %arg20: memref<!tpu.dma_semaphore, #tpu.memory_space<semaphore_mem>>, %arg21: memref<!tpu.dma_semaphore, #tpu.memory_space<semaphore_mem>>) attributes {dimension_semantics = [#tpu.dimension_semantics<core_parallel>, #tpu.dimension_semantics<subcore_parallel>], iteration_bounds = array<i64: 2, 16>, scalar_prefetch = 0 : i64, scratch_operands = 15 : i64, tpu.core_type = #tpu.core_type<sc_vector_subcore>, window_params = [{transform_indices = #map}, {transform_indices = #map1}, {transform_indices = #map1}, {transform_indices = #map}, {transform_indices = #map2}]} {
    %mul3A = arith.constant 2 : i32
    %mul3A_0 = arith.muli %arg1, %mul3A : i32
    %add3A = arith.addi %mul3A_0, %arg0 : i32
    %mul3A_1 = arith.constant 632 : i32
    %mul3A_2 = arith.muli %arg1, %mul3A_1 : i32
    %multiple_of3A = tpu.assume_multiple %mul3A_2, 8 : i32
    %mul3A_3 = arith.constant 10080 : i32
    %mul3A_4 = arith.muli %add3A, %mul3A_3 : i32
    "tpu.region"() ({
      %run_scoped3A = tpu.sem_alloc : memref<!tpu.dma_semaphore, #tpu.memory_space<semaphore_mem>>
      %dma_start3A_270 = arith.constant 0 : i32
      %dma_start3A_271 = tpu.memref_slice %arg19[%multiple_of3A, %dma_start3A_270] : memref<10112x128xf32, #tpu.memory_space<vmem_shared>> -> memref<632x128xf32, #tpu.memory_space<vmem_shared>>
      tpu.enqueue_dma source(%arg5 : memref<632x128xf32, #tpu.memory_space<hbm>>) target(%dma_start3A_271 : memref<632x128xf32, #tpu.memory_space<vmem_shared>>) target_semaphore(%run_scoped3A : memref<!tpu.dma_semaphore, #tpu.memory_space<semaphore_mem>>)
      %dma_wait3A_272 = arith.constant 0 : i32
      %dma_wait3A_273 = tpu.memref_slice %arg19[%multiple_of3A, %dma_wait3A_272] : memref<10112x128xf32, #tpu.memory_space<vmem_shared>> -> memref<632x128xf32, #tpu.memory_space<vmem_shared>>
      tpu.wait_dma2 semaphore(%run_scoped3A : memref<!tpu.dma_semaphore, #tpu.memory_space<semaphore_mem>>) src(%arg5 : memref<632x128xf32, #tpu.memory_space<hbm>>) dst(%dma_wait3A_273 : memref<632x128xf32, #tpu.memory_space<vmem_shared>>)
      tpu.yield
    }) : () -> ()
    %barrier3A = arith.constant 0 : index
    tpu.barrier barrier_id(%barrier3A)
    %add3A_5 = arith.constant 0 : i32
    %add3A_6 = arith.addi %mul3A_4, %add3A_5 : i32
    %multiple_of3A_7 = tpu.assume_multiple %add3A_6, 8 : i32
    %dma_start3A = tpu.memref_slice %arg4[%multiple_of3A_7] : memref<322560xi32, #tpu.memory_space<hbm>> -> memref<96xi32, #tpu.memory_space<hbm>>
    %dma_start3A_8 = tpu.memref_slice %arg4[%multiple_of3A_7] : memref<322560xi32, #tpu.memory_space<hbm>> -> memref<96xi32, #tpu.memory_space<hbm>>
    tpu.enqueue_dma source(%dma_start3A_8 : memref<96xi32, #tpu.memory_space<hbm>>) target(%arg11 : memref<96xi32, #tpu.memory_space<vmem>>) target_semaphore(%arg20 : memref<!tpu.dma_semaphore, #tpu.memory_space<semaphore_mem>>)
    %add3A_9 = arith.constant 0 : i32
    %add3A_10 = arith.addi %mul3A_4, %add3A_9 : i32
    %multiple_of3A_11 = tpu.assume_multiple %add3A_10, 8 : i32
    %dma_start3A_12 = tpu.memref_slice %arg3[%multiple_of3A_11] : memref<322560xi32, #tpu.memory_space<hbm>> -> memref<96xi32, #tpu.memory_space<hbm>>
    %dma_start3A_13 = tpu.memref_slice %arg3[%multiple_of3A_11] : memref<322560xi32, #tpu.memory_space<hbm>> -> memref<96xi32, #tpu.memory_space<hbm>>
    tpu.enqueue_dma source(%dma_start3A_13 : memref<96xi32, #tpu.memory_space<hbm>>) target(%arg7 : memref<96xi32, #tpu.memory_space<vmem>>) target_semaphore(%arg20 : memref<!tpu.dma_semaphore, #tpu.memory_space<semaphore_mem>>)
    %add3A_14 = arith.constant 96 : i32
    %add3A_15 = arith.addi %mul3A_4, %add3A_14 : i32
    %multiple_of3A_16 = tpu.assume_multiple %add3A_15, 8 : i32
    %dma_start3A_17 = tpu.memref_slice %arg4[%multiple_of3A_16] : memref<322560xi32, #tpu.memory_space<hbm>> -> memref<96xi32, #tpu.memory_space<hbm>>
    %dma_start3A_18 = tpu.memref_slice %arg4[%multiple_of3A_16] : memref<322560xi32, #tpu.memory_space<hbm>> -> memref<96xi32, #tpu.memory_space<hbm>>
    tpu.enqueue_dma source(%dma_start3A_18 : memref<96xi32, #tpu.memory_space<hbm>>) target(%arg12 : memref<96xi32, #tpu.memory_space<vmem>>) target_semaphore(%arg20 : memref<!tpu.dma_semaphore, #tpu.memory_space<semaphore_mem>>)
    %add3A_19 = arith.constant 96 : i32
    %add3A_20 = arith.addi %mul3A_4, %add3A_19 : i32
    %multiple_of3A_21 = tpu.assume_multiple %add3A_20, 8 : i32
    %dma_start3A_22 = tpu.memref_slice %arg3[%multiple_of3A_21] : memref<322560xi32, #tpu.memory_space<hbm>> -> memref<96xi32, #tpu.memory_space<hbm>>
    %dma_start3A_23 = tpu.memref_slice %arg3[%multiple_of3A_21] : memref<322560xi32, #tpu.memory_space<hbm>> -> memref<96xi32, #tpu.memory_space<hbm>>
    tpu.enqueue_dma source(%dma_start3A_23 : memref<96xi32, #tpu.memory_space<hbm>>) target(%arg8 : memref<96xi32, #tpu.memory_space<vmem>>) target_semaphore(%arg20 : memref<!tpu.dma_semaphore, #tpu.memory_space<semaphore_mem>>)
    %add3A_24 = arith.constant 192 : i32
    %add3A_25 = arith.addi %mul3A_4, %add3A_24 : i32
    %multiple_of3A_26 = tpu.assume_multiple %add3A_25, 8 : i32
    %dma_start3A_27 = tpu.memref_slice %arg4[%multiple_of3A_26] : memref<322560xi32, #tpu.memory_space<hbm>> -> memref<96xi32, #tpu.memory_space<hbm>>
    %dma_start3A_28 = tpu.memref_slice %arg4[%multiple_of3A_26] : memref<322560xi32, #tpu.memory_space<hbm>> -> memref<96xi32, #tpu.memory_space<hbm>>
    tpu.enqueue_dma source(%dma_start3A_28 : memref<96xi32, #tpu.memory_space<hbm>>) target(%arg13 : memref<96xi32, #tpu.memory_space<vmem>>) target_semaphore(%arg20 : memref<!tpu.dma_semaphore, #tpu.memory_space<semaphore_mem>>)
    %add3A_29 = arith.constant 192 : i32
    %add3A_30 = arith.addi %mul3A_4, %add3A_29 : i32
    %multiple_of3A_31 = tpu.assume_multiple %add3A_30, 8 : i32
    %dma_start3A_32 = tpu.memref_slice %arg3[%multiple_of3A_31] : memref<322560xi32, #tpu.memory_space<hbm>> -> memref<96xi32, #tpu.memory_space<hbm>>
    %dma_start3A_33 = tpu.memref_slice %arg3[%multiple_of3A_31] : memref<322560xi32, #tpu.memory_space<hbm>> -> memref<96xi32, #tpu.memory_space<hbm>>
    tpu.enqueue_dma source(%dma_start3A_33 : memref<96xi32, #tpu.memory_space<hbm>>) target(%arg9 : memref<96xi32, #tpu.memory_space<vmem>>) target_semaphore(%arg20 : memref<!tpu.dma_semaphore, #tpu.memory_space<semaphore_mem>>)
    %add3A_34 = arith.constant 0 : i32
    %add3A_35 = arith.addi %mul3A_4, %add3A_34 : i32
    %multiple_of3A_36 = tpu.assume_multiple %add3A_35, 8 : i32
    %dma_wait3A = tpu.memref_slice %arg4[%multiple_of3A_36] : memref<322560xi32, #tpu.memory_space<hbm>> -> memref<96xi32, #tpu.memory_space<hbm>>
    %dma_wait3A_37 = tpu.memref_slice %arg4[%multiple_of3A_36] : memref<322560xi32, #tpu.memory_space<hbm>> -> memref<96xi32, #tpu.memory_space<hbm>>
    tpu.wait_dma2 semaphore(%arg20 : memref<!tpu.dma_semaphore, #tpu.memory_space<semaphore_mem>>) src(%dma_wait3A_37 : memref<96xi32, #tpu.memory_space<hbm>>) dst(%arg11 : memref<96xi32, #tpu.memory_space<vmem>>)
    %add3A_38 = arith.constant 0 : i32
    %add3A_39 = arith.addi %mul3A_4, %add3A_38 : i32
    %multiple_of3A_40 = tpu.assume_multiple %add3A_39, 8 : i32
    %dma_wait3A_41 = tpu.memref_slice %arg3[%multiple_of3A_40] : memref<322560xi32, #tpu.memory_space<hbm>> -> memref<96xi32, #tpu.memory_space<hbm>>
    %dma_wait3A_42 = tpu.memref_slice %arg3[%multiple_of3A_40] : memref<322560xi32, #tpu.memory_space<hbm>> -> memref<96xi32, #tpu.memory_space<hbm>>
    tpu.wait_dma2 semaphore(%arg20 : memref<!tpu.dma_semaphore, #tpu.memory_space<semaphore_mem>>) src(%dma_wait3A_42 : memref<96xi32, #tpu.memory_space<hbm>>) dst(%arg7 : memref<96xi32, #tpu.memory_space<vmem>>)
    %dma_start3A_43 = arith.constant 0 : i32
    %dma_start3A_44 = arith.constant 0 : i32
    %dma_start3A_45 = tpu.memref_slice %arg2[%dma_start3A_43, %dma_start3A_44] : memref<10240x128xf32, #tpu.memory_space<hbm>> -> memref<10240x128xf32, #tpu.memory_space<hbm>>
    tpu.enqueue_indirect_dma source(%dma_start3A_45 : memref<10240x128xf32, #tpu.memory_space<hbm>>) target(%arg15 : memref<96x128xf32, #tpu.memory_space<vmem>>) offsets(%arg7 : memref<96xi32, #tpu.memory_space<vmem>>) semaphore(%arg21 : memref<!tpu.dma_semaphore, #tpu.memory_space<semaphore_mem>>)
    %add3A_46 = arith.constant 96 : i32
    %add3A_47 = arith.addi %mul3A_4, %add3A_46 : i32
    %multiple_of3A_48 = tpu.assume_multiple %add3A_47, 8 : i32
    %dma_wait3A_49 = tpu.memref_slice %arg4[%multiple_of3A_48] : memref<322560xi32, #tpu.memory_space<hbm>> -> memref<96xi32, #tpu.memory_space<hbm>>
    %dma_wait3A_50 = tpu.memref_slice %arg4[%multiple_of3A_48] : memref<322560xi32, #tpu.memory_space<hbm>> -> memref<96xi32, #tpu.memory_space<hbm>>
    tpu.wait_dma2 semaphore(%arg20 : memref<!tpu.dma_semaphore, #tpu.memory_space<semaphore_mem>>) src(%dma_wait3A_50 : memref<96xi32, #tpu.memory_space<hbm>>) dst(%arg12 : memref<96xi32, #tpu.memory_space<vmem>>)
    %add3A_51 = arith.constant 96 : i32
    %add3A_52 = arith.addi %mul3A_4, %add3A_51 : i32
    %multiple_of3A_53 = tpu.assume_multiple %add3A_52, 8 : i32
    %dma_wait3A_54 = tpu.memref_slice %arg3[%multiple_of3A_53] : memref<322560xi32, #tpu.memory_space<hbm>> -> memref<96xi32, #tpu.memory_space<hbm>>
    %dma_wait3A_55 = tpu.memref_slice %arg3[%multiple_of3A_53] : memref<322560xi32, #tpu.memory_space<hbm>> -> memref<96xi32, #tpu.memory_space<hbm>>
    tpu.wait_dma2 semaphore(%arg20 : memref<!tpu.dma_semaphore, #tpu.memory_space<semaphore_mem>>) src(%dma_wait3A_55 : memref<96xi32, #tpu.memory_space<hbm>>) dst(%arg8 : memref<96xi32, #tpu.memory_space<vmem>>)
    %dma_start3A_56 = arith.constant 0 : i32
    %dma_start3A_57 = arith.constant 0 : i32
    %dma_start3A_58 = tpu.memref_slice %arg2[%dma_start3A_56, %dma_start3A_57] : memref<10240x128xf32, #tpu.memory_space<hbm>> -> memref<10240x128xf32, #tpu.memory_space<hbm>>
    tpu.enqueue_indirect_dma source(%dma_start3A_58 : memref<10240x128xf32, #tpu.memory_space<hbm>>) target(%arg16 : memref<96x128xf32, #tpu.memory_space<vmem>>) offsets(%arg8 : memref<96xi32, #tpu.memory_space<vmem>>) semaphore(%arg21 : memref<!tpu.dma_semaphore, #tpu.memory_space<semaphore_mem>>)
    %add3A_59 = arith.constant 192 : i32
    %add3A_60 = arith.addi %mul3A_4, %add3A_59 : i32
    %multiple_of3A_61 = tpu.assume_multiple %add3A_60, 8 : i32
    %dma_wait3A_62 = tpu.memref_slice %arg4[%multiple_of3A_61] : memref<322560xi32, #tpu.memory_space<hbm>> -> memref<96xi32, #tpu.memory_space<hbm>>
    %dma_wait3A_63 = tpu.memref_slice %arg4[%multiple_of3A_61] : memref<322560xi32, #tpu.memory_space<hbm>> -> memref<96xi32, #tpu.memory_space<hbm>>
    tpu.wait_dma2 semaphore(%arg20 : memref<!tpu.dma_semaphore, #tpu.memory_space<semaphore_mem>>) src(%dma_wait3A_63 : memref<96xi32, #tpu.memory_space<hbm>>) dst(%arg13 : memref<96xi32, #tpu.memory_space<vmem>>)
    %add3A_64 = arith.constant 192 : i32
    %add3A_65 = arith.addi %mul3A_4, %add3A_64 : i32
    %multiple_of3A_66 = tpu.assume_multiple %add3A_65, 8 : i32
    %dma_wait3A_67 = tpu.memref_slice %arg3[%multiple_of3A_66] : memref<322560xi32, #tpu.memory_space<hbm>> -> memref<96xi32, #tpu.memory_space<hbm>>
    %dma_wait3A_68 = tpu.memref_slice %arg3[%multiple_of3A_66] : memref<322560xi32, #tpu.memory_space<hbm>> -> memref<96xi32, #tpu.memory_space<hbm>>
    tpu.wait_dma2 semaphore(%arg20 : memref<!tpu.dma_semaphore, #tpu.memory_space<semaphore_mem>>) src(%dma_wait3A_68 : memref<96xi32, #tpu.memory_space<hbm>>) dst(%arg9 : memref<96xi32, #tpu.memory_space<vmem>>)
    %dma_start3A_69 = arith.constant 0 : i32
    %dma_start3A_70 = arith.constant 0 : i32
    %dma_start3A_71 = tpu.memref_slice %arg2[%dma_start3A_69, %dma_start3A_70] : memref<10240x128xf32, #tpu.memory_space<hbm>> -> memref<10240x128xf32, #tpu.memory_space<hbm>>
    tpu.enqueue_indirect_dma source(%dma_start3A_71 : memref<10240x128xf32, #tpu.memory_space<hbm>>) target(%arg17 : memref<96x128xf32, #tpu.memory_space<vmem>>) offsets(%arg9 : memref<96xi32, #tpu.memory_space<vmem>>) semaphore(%arg21 : memref<!tpu.dma_semaphore, #tpu.memory_space<semaphore_mem>>)
    %add3A_72 = arith.constant 288 : i32
    %add3A_73 = arith.addi %mul3A_4, %add3A_72 : i32
    %multiple_of3A_74 = tpu.assume_multiple %add3A_73, 8 : i32
    %dma_start3A_75 = tpu.memref_slice %arg4[%multiple_of3A_74] : memref<322560xi32, #tpu.memory_space<hbm>> -> memref<96xi32, #tpu.memory_space<hbm>>
    %dma_start3A_76 = tpu.memref_slice %arg4[%multiple_of3A_74] : memref<322560xi32, #tpu.memory_space<hbm>> -> memref<96xi32, #tpu.memory_space<hbm>>
    tpu.enqueue_dma source(%dma_start3A_76 : memref<96xi32, #tpu.memory_space<hbm>>) target(%arg14 : memref<96xi32, #tpu.memory_space<vmem>>) target_semaphore(%arg20 : memref<!tpu.dma_semaphore, #tpu.memory_space<semaphore_mem>>)
    %add3A_77 = arith.constant 288 : i32
    %add3A_78 = arith.addi %mul3A_4, %add3A_77 : i32
    %multiple_of3A_79 = tpu.assume_multiple %add3A_78, 8 : i32
    %dma_start3A_80 = tpu.memref_slice %arg3[%multiple_of3A_79] : memref<322560xi32, #tpu.memory_space<hbm>> -> memref<96xi32, #tpu.memory_space<hbm>>
    %dma_start3A_81 = tpu.memref_slice %arg3[%multiple_of3A_79] : memref<322560xi32, #tpu.memory_space<hbm>> -> memref<96xi32, #tpu.memory_space<hbm>>
    tpu.enqueue_dma source(%dma_start3A_81 : memref<96xi32, #tpu.memory_space<hbm>>) target(%arg10 : memref<96xi32, #tpu.memory_space<vmem>>) target_semaphore(%arg20 : memref<!tpu.dma_semaphore, #tpu.memory_space<semaphore_mem>>)
    %dma_wait3A_82 = arith.constant 0 : i32
    %dma_wait3A_83 = arith.constant 0 : i32
    %dma_wait3A_84 = tpu.memref_slice %arg2[%dma_wait3A_82, %dma_wait3A_83] : memref<10240x128xf32, #tpu.memory_space<hbm>> -> memref<96x128xf32, #tpu.memory_space<hbm>>
    %dma_wait3A_85 = arith.constant 0 : i32
    %dma_wait3A_86 = arith.constant 0 : i32
    %dma_wait3A_87 = tpu.memref_slice %arg2[%dma_wait3A_85, %dma_wait3A_86] : memref<10240x128xf32, #tpu.memory_space<hbm>> -> memref<96x128xf32, #tpu.memory_space<hbm>>
    tpu.wait_dma2 semaphore(%arg21 : memref<!tpu.dma_semaphore, #tpu.memory_space<semaphore_mem>>) src(%dma_wait3A_87 : memref<96x128xf32, #tpu.memory_space<hbm>>) dst(%arg15 : memref<96x128xf32, #tpu.memory_space<vmem>>)
    "tpu.region"() ({
      %run_scoped3A = tpu.sem_alloc : memref<!tpu.dma_semaphore, #tpu.memory_space<semaphore_mem>>
      %dma_start3A_270 = arith.constant 0 : i32
      %dma_start3A_271 = arith.constant 0 : i32
      %dma_start3A_272 = tpu.memref_slice %arg19[%dma_start3A_270, %dma_start3A_271] : memref<10112x128xf32, #tpu.memory_space<vmem_shared>> -> memref<10112x128xf32, #tpu.memory_space<vmem_shared>>
      tpu.enqueue_indirect_dma source(%arg15 : memref<96x128xf32, #tpu.memory_space<vmem>>) target(%dma_start3A_272 : memref<10112x128xf32, #tpu.memory_space<vmem_shared>>) offsets(%arg11 : memref<96xi32, #tpu.memory_space<vmem>>) semaphore(%run_scoped3A : memref<!tpu.dma_semaphore, #tpu.memory_space<semaphore_mem>>) {add = true}
      %dma_wait3A_273 = arith.constant 0 : i32
      %dma_wait3A_274 = arith.constant 0 : i32
      %dma_wait3A_275 = tpu.memref_slice %arg19[%dma_wait3A_273, %dma_wait3A_274] : memref<10112x128xf32, #tpu.memory_space<vmem_shared>> -> memref<10112x128xf32, #tpu.memory_space<vmem_shared>>
      tpu.wait_indirect_dma semaphore(%run_scoped3A : memref<!tpu.dma_semaphore, #tpu.memory_space<semaphore_mem>>) src(%arg15 : memref<96x128xf32, #tpu.memory_space<vmem>>) dst(%dma_wait3A_275 : memref<10112x128xf32, #tpu.memory_space<vmem_shared>>)
      tpu.yield
    }) : () -> ()
    %add3A_88 = arith.constant 288 : i32
    %add3A_89 = arith.addi %mul3A_4, %add3A_88 : i32
    %multiple_of3A_90 = tpu.assume_multiple %add3A_89, 8 : i32
    %dma_wait3A_91 = tpu.memref_slice %arg4[%multiple_of3A_90] : memref<322560xi32, #tpu.memory_space<hbm>> -> memref<96xi32, #tpu.memory_space<hbm>>
    %dma_wait3A_92 = tpu.memref_slice %arg4[%multiple_of3A_90] : memref<322560xi32, #tpu.memory_space<hbm>> -> memref<96xi32, #tpu.memory_space<hbm>>
    tpu.wait_dma2 semaphore(%arg20 : memref<!tpu.dma_semaphore, #tpu.memory_space<semaphore_mem>>) src(%dma_wait3A_92 : memref<96xi32, #tpu.memory_space<hbm>>) dst(%arg14 : memref<96xi32, #tpu.memory_space<vmem>>)
    %add3A_93 = arith.constant 288 : i32
    %add3A_94 = arith.addi %mul3A_4, %add3A_93 : i32
    %multiple_of3A_95 = tpu.assume_multiple %add3A_94, 8 : i32
    %dma_wait3A_96 = tpu.memref_slice %arg3[%multiple_of3A_95] : memref<322560xi32, #tpu.memory_space<hbm>> -> memref<96xi32, #tpu.memory_space<hbm>>
    %dma_wait3A_97 = tpu.memref_slice %arg3[%multiple_of3A_95] : memref<322560xi32, #tpu.memory_space<hbm>> -> memref<96xi32, #tpu.memory_space<hbm>>
    tpu.wait_dma2 semaphore(%arg20 : memref<!tpu.dma_semaphore, #tpu.memory_space<semaphore_mem>>) src(%dma_wait3A_97 : memref<96xi32, #tpu.memory_space<hbm>>) dst(%arg10 : memref<96xi32, #tpu.memory_space<vmem>>)
    %dma_start3A_98 = arith.constant 0 : i32
    %dma_start3A_99 = arith.constant 0 : i32
    %dma_start3A_100 = tpu.memref_slice %arg2[%dma_start3A_98, %dma_start3A_99] : memref<10240x128xf32, #tpu.memory_space<hbm>> -> memref<10240x128xf32, #tpu.memory_space<hbm>>
    tpu.enqueue_indirect_dma source(%dma_start3A_100 : memref<10240x128xf32, #tpu.memory_space<hbm>>) target(%arg18 : memref<96x128xf32, #tpu.memory_space<vmem>>) offsets(%arg10 : memref<96xi32, #tpu.memory_space<vmem>>) semaphore(%arg21 : memref<!tpu.dma_semaphore, #tpu.memory_space<semaphore_mem>>)
    %add3A_101 = arith.constant 384 : i32
    %add3A_102 = arith.addi %mul3A_4, %add3A_101 : i32
    %multiple_of3A_103 = tpu.assume_multiple %add3A_102, 8 : i32
    %dma_start3A_104 = tpu.memref_slice %arg4[%multiple_of3A_103] : memref<322560xi32, #tpu.memory_space<hbm>> -> memref<96xi32, #tpu.memory_space<hbm>>
    %dma_start3A_105 = tpu.memref_slice %arg4[%multiple_of3A_103] : memref<322560xi32, #tpu.memory_space<hbm>> -> memref<96xi32, #tpu.memory_space<hbm>>
    tpu.enqueue_dma source(%dma_start3A_105 : memref<96xi32, #tpu.memory_space<hbm>>) target(%arg11 : memref<96xi32, #tpu.memory_space<vmem>>) target_semaphore(%arg20 : memref<!tpu.dma_semaphore, #tpu.memory_space<semaphore_mem>>)
    %add3A_106 = arith.constant 384 : i32
    %add3A_107 = arith.addi %mul3A_4, %add3A_106 : i32
    %multiple_of3A_108 = tpu.assume_multiple %add3A_107, 8 : i32
    %dma_start3A_109 = tpu.memref_slice %arg3[%multiple_of3A_108] : memref<322560xi32, #tpu.memory_space<hbm>> -> memref<96xi32, #tpu.memory_space<hbm>>
    %dma_start3A_110 = tpu.memref_slice %arg3[%multiple_of3A_108] : memref<322560xi32, #tpu.memory_space<hbm>> -> memref<96xi32, #tpu.memory_space<hbm>>
    tpu.enqueue_dma source(%dma_start3A_110 : memref<96xi32, #tpu.memory_space<hbm>>) target(%arg7 : memref<96xi32, #tpu.memory_space<vmem>>) target_semaphore(%arg20 : memref<!tpu.dma_semaphore, #tpu.memory_space<semaphore_mem>>)
    %dma_wait3A_111 = arith.constant 0 : i32
    %dma_wait3A_112 = arith.constant 0 : i32
    %dma_wait3A_113 = tpu.memref_slice %arg2[%dma_wait3A_111, %dma_wait3A_112] : memref<10240x128xf32, #tpu.memory_space<hbm>> -> memref<96x128xf32, #tpu.memory_space<hbm>>
    %dma_wait3A_114 = arith.constant 0 : i32
    %dma_wait3A_115 = arith.constant 0 : i32
    %dma_wait3A_116 = tpu.memref_slice %arg2[%dma_wait3A_114, %dma_wait3A_115] : memref<10240x128xf32, #tpu.memory_space<hbm>> -> memref<96x128xf32, #tpu.memory_space<hbm>>
    tpu.wait_dma2 semaphore(%arg21 : memref<!tpu.dma_semaphore, #tpu.memory_space<semaphore_mem>>) src(%dma_wait3A_116 : memref<96x128xf32, #tpu.memory_space<hbm>>) dst(%arg16 : memref<96x128xf32, #tpu.memory_space<vmem>>)
    "tpu.region"() ({
      %run_scoped3A = tpu.sem_alloc : memref<!tpu.dma_semaphore, #tpu.memory_space<semaphore_mem>>
      %dma_start3A_270 = arith.constant 0 : i32
      %dma_start3A_271 = arith.constant 0 : i32
      %dma_start3A_272 = tpu.memref_slice %arg19[%dma_start3A_270, %dma_start3A_271] : memref<10112x128xf32, #tpu.memory_space<vmem_shared>> -> memref<10112x128xf32, #tpu.memory_space<vmem_shared>>
      tpu.enqueue_indirect_dma source(%arg16 : memref<96x128xf32, #tpu.memory_space<vmem>>) target(%dma_start3A_272 : memref<10112x128xf32, #tpu.memory_space<vmem_shared>>) offsets(%arg12 : memref<96xi32, #tpu.memory_space<vmem>>) semaphore(%run_scoped3A : memref<!tpu.dma_semaphore, #tpu.memory_space<semaphore_mem>>) {add = true}
      %dma_wait3A_273 = arith.constant 0 : i32
      %dma_wait3A_274 = arith.constant 0 : i32
      %dma_wait3A_275 = tpu.memref_slice %arg19[%dma_wait3A_273, %dma_wait3A_274] : memref<10112x128xf32, #tpu.memory_space<vmem_shared>> -> memref<10112x128xf32, #tpu.memory_space<vmem_shared>>
      tpu.wait_indirect_dma semaphore(%run_scoped3A : memref<!tpu.dma_semaphore, #tpu.memory_space<semaphore_mem>>) src(%arg16 : memref<96x128xf32, #tpu.memory_space<vmem>>) dst(%dma_wait3A_275 : memref<10112x128xf32, #tpu.memory_space<vmem_shared>>)
      tpu.yield
    }) : () -> ()
    %scan3A = arith.constant 0 : i32
    %scan3A_117 = arith.constant 0 : i32
    %scan3A_118 = arith.constant 24 : i32
    %scan3A_119 = arith.addi %scan3A_117, %scan3A_118 : i32
    %scan3A_120 = arith.constant 1 : i32
    scf.for %scan3A_270 = %scan3A_117 to %scan3A_119 step %scan3A_120  : i32 {
      %mul3A_271 = arith.constant 4 : i32
      %mul3A_272 = arith.muli %mul3A_271, %scan3A_270 : i32
      %add3A_273 = arith.constant 2 : i32
      %add3A_274 = arith.addi %add3A_273, %mul3A_272 : i32
      %add3A_275 = arith.constant 0 : i32
      %add3A_276 = arith.addi %add3A_274, %add3A_275 : i32
      %add3A_277 = arith.constant 2 : i32
      %add3A_278 = arith.addi %add3A_276, %add3A_277 : i32
      %mul3A_279 = arith.constant 96 : i32
      %mul3A_280 = arith.muli %add3A_278, %mul3A_279 : i32
      %add3A_281 = arith.addi %mul3A_4, %mul3A_280 : i32
      %multiple_of3A_282 = tpu.assume_multiple %add3A_281, 8 : i32
      %dma_wait3A_283 = tpu.memref_slice %arg4[%multiple_of3A_282] : memref<322560xi32, #tpu.memory_space<hbm>> -> memref<96xi32, #tpu.memory_space<hbm>>
      %dma_wait3A_284 = tpu.memref_slice %arg4[%multiple_of3A_282] : memref<322560xi32, #tpu.memory_space<hbm>> -> memref<96xi32, #tpu.memory_space<hbm>>
      tpu.wait_dma2 semaphore(%arg20 : memref<!tpu.dma_semaphore, #tpu.memory_space<semaphore_mem>>) src(%dma_wait3A_284 : memref<96xi32, #tpu.memory_space<hbm>>) dst(%arg11 : memref<96xi32, #tpu.memory_space<vmem>>)
      %mul3A_285 = arith.constant 96 : i32
      %mul3A_286 = arith.muli %add3A_278, %mul3A_285 : i32
      %add3A_287 = arith.addi %mul3A_4, %mul3A_286 : i32
      %multiple_of3A_288 = tpu.assume_multiple %add3A_287, 8 : i32
      %dma_wait3A_289 = tpu.memref_slice %arg3[%multiple_of3A_288] : memref<322560xi32, #tpu.memory_space<hbm>> -> memref<96xi32, #tpu.memory_space<hbm>>
      %dma_wait3A_290 = tpu.memref_slice %arg3[%multiple_of3A_288] : memref<322560xi32, #tpu.memory_space<hbm>> -> memref<96xi32, #tpu.memory_space<hbm>>
      tpu.wait_dma2 semaphore(%arg20 : memref<!tpu.dma_semaphore, #tpu.memory_space<semaphore_mem>>) src(%dma_wait3A_290 : memref<96xi32, #tpu.memory_space<hbm>>) dst(%arg7 : memref<96xi32, #tpu.memory_space<vmem>>)
      %add3A_291 = arith.constant 2 : i32
      %add3A_292 = arith.addi %add3A_276, %add3A_291 : i32
      %dma_start3A_293 = arith.constant 0 : i32
      %dma_start3A_294 = arith.constant 0 : i32
      %dma_start3A_295 = tpu.memref_slice %arg2[%dma_start3A_293, %dma_start3A_294] : memref<10240x128xf32, #tpu.memory_space<hbm>> -> memref<10240x128xf32, #tpu.memory_space<hbm>>
      tpu.enqueue_indirect_dma source(%dma_start3A_295 : memref<10240x128xf32, #tpu.memory_space<hbm>>) target(%arg15 : memref<96x128xf32, #tpu.memory_space<vmem>>) offsets(%arg7 : memref<96xi32, #tpu.memory_space<vmem>>) semaphore(%arg21 : memref<!tpu.dma_semaphore, #tpu.memory_space<semaphore_mem>>)
      %add3A_296 = arith.constant 3 : i32
      %add3A_297 = arith.addi %add3A_276, %add3A_296 : i32
      %mul3A_298 = arith.constant 96 : i32
      %mul3A_299 = arith.muli %add3A_297, %mul3A_298 : i32
      %add3A_300 = arith.addi %mul3A_4, %mul3A_299 : i32
      %multiple_of3A_301 = tpu.assume_multiple %add3A_300, 8 : i32
      %dma_start3A_302 = tpu.memref_slice %arg4[%multiple_of3A_301] : memref<322560xi32, #tpu.memory_space<hbm>> -> memref<96xi32, #tpu.memory_space<hbm>>
      %dma_start3A_303 = tpu.memref_slice %arg4[%multiple_of3A_301] : memref<322560xi32, #tpu.memory_space<hbm>> -> memref<96xi32, #tpu.memory_space<hbm>>
      tpu.enqueue_dma source(%dma_start3A_303 : memref<96xi32, #tpu.memory_space<hbm>>) target(%arg12 : memref<96xi32, #tpu.memory_space<vmem>>) target_semaphore(%arg20 : memref<!tpu.dma_semaphore, #tpu.memory_space<semaphore_mem>>)
      %mul3A_304 = arith.constant 96 : i32
      %mul3A_305 = arith.muli %add3A_297, %mul3A_304 : i32
      %add3A_306 = arith.addi %mul3A_4, %mul3A_305 : i32
      %multiple_of3A_307 = tpu.assume_multiple %add3A_306, 8 : i32
      %dma_start3A_308 = tpu.memref_slice %arg3[%multiple_of3A_307] : memref<322560xi32, #tpu.memory_space<hbm>> -> memref<96xi32, #tpu.memory_space<hbm>>
      %dma_start3A_309 = tpu.memref_slice %arg3[%multiple_of3A_307] : memref<322560xi32, #tpu.memory_space<hbm>> -> memref<96xi32, #tpu.memory_space<hbm>>
      tpu.enqueue_dma source(%dma_start3A_309 : memref<96xi32, #tpu.memory_space<hbm>>) target(%arg8 : memref<96xi32, #tpu.memory_space<vmem>>) target_semaphore(%arg20 : memref<!tpu.dma_semaphore, #tpu.memory_space<semaphore_mem>>)
      %dma_wait3A_310 = arith.constant 0 : i32
      %dma_wait3A_311 = arith.constant 0 : i32
      %dma_wait3A_312 = tpu.memref_slice %arg2[%dma_wait3A_310, %dma_wait3A_311] : memref<10240x128xf32, #tpu.memory_space<hbm>> -> memref<96x128xf32, #tpu.memory_space<hbm>>
      %dma_wait3A_313 = arith.constant 0 : i32
      %dma_wait3A_314 = arith.constant 0 : i32
      %dma_wait3A_315 = tpu.memref_slice %arg2[%dma_wait3A_313, %dma_wait3A_314] : memref<10240x128xf32, #tpu.memory_space<hbm>> -> memref<96x128xf32, #tpu.memory_space<hbm>>
      tpu.wait_dma2 semaphore(%arg21 : memref<!tpu.dma_semaphore, #tpu.memory_space<semaphore_mem>>) src(%dma_wait3A_315 : memref<96x128xf32, #tpu.memory_space<hbm>>) dst(%arg17 : memref<96x128xf32, #tpu.memory_space<vmem>>)
      "tpu.region"() ({
        %run_scoped3A = tpu.sem_alloc : memref<!tpu.dma_semaphore, #tpu.memory_space<semaphore_mem>>
        %dma_start3A_451 = arith.constant 0 : i32
        %dma_start3A_452 = arith.constant 0 : i32
        %dma_start3A_453 = tpu.memref_slice %arg19[%dma_start3A_451, %dma_start3A_452] : memref<10112x128xf32, #tpu.memory_space<vmem_shared>> -> memref<10112x128xf32, #tpu.memory_space<vmem_shared>>
        tpu.enqueue_indirect_dma source(%arg17 : memref<96x128xf32, #tpu.memory_space<vmem>>) target(%dma_start3A_453 : memref<10112x128xf32, #tpu.memory_space<vmem_shared>>) offsets(%arg13 : memref<96xi32, #tpu.memory_space<vmem>>) semaphore(%run_scoped3A : memref<!tpu.dma_semaphore, #tpu.memory_space<semaphore_mem>>) {add = true}
        %dma_wait3A_454 = arith.constant 0 : i32
        %dma_wait3A_455 = arith.constant 0 : i32
        %dma_wait3A_456 = tpu.memref_slice %arg19[%dma_wait3A_454, %dma_wait3A_455] : memref<10112x128xf32, #tpu.memory_space<vmem_shared>> -> memref<10112x128xf32, #tpu.memory_space<vmem_shared>>
        tpu.wait_indirect_dma semaphore(%run_scoped3A : memref<!tpu.dma_semaphore, #tpu.memory_space<semaphore_mem>>) src(%arg17 : memref<96x128xf32, #tpu.memory_space<vmem>>) dst(%dma_wait3A_456 : memref<10112x128xf32, #tpu.memory_space<vmem_shared>>)
        tpu.yield
      }) : () -> ()
      %mul3A_316 = arith.constant 4 : i32
      %mul3A_317 = arith.muli %mul3A_316, %scan3A_270 : i32
      %add3A_318 = arith.constant 2 : i32
      %add3A_319 = arith.addi %add3A_318, %mul3A_317 : i32
      %add3A_320 = arith.constant 1 : i32
      %add3A_321 = arith.addi %add3A_319, %add3A_320 : i32
      %add3A_322 = arith.constant 2 : i32
      %add3A_323 = arith.addi %add3A_321, %add3A_322 : i32
      %mul3A_324 = arith.constant 96 : i32
      %mul3A_325 = arith.muli %add3A_323, %mul3A_324 : i32
      %add3A_326 = arith.addi %mul3A_4, %mul3A_325 : i32
      %multiple_of3A_327 = tpu.assume_multiple %add3A_326, 8 : i32
      %dma_wait3A_328 = tpu.memref_slice %arg4[%multiple_of3A_327] : memref<322560xi32, #tpu.memory_space<hbm>> -> memref<96xi32, #tpu.memory_space<hbm>>
      %dma_wait3A_329 = tpu.memref_slice %arg4[%multiple_of3A_327] : memref<322560xi32, #tpu.memory_space<hbm>> -> memref<96xi32, #tpu.memory_space<hbm>>
      tpu.wait_dma2 semaphore(%arg20 : memref<!tpu.dma_semaphore, #tpu.memory_space<semaphore_mem>>) src(%dma_wait3A_329 : memref<96xi32, #tpu.memory_space<hbm>>) dst(%arg12 : memref<96xi32, #tpu.memory_space<vmem>>)
      %mul3A_330 = arith.constant 96 : i32
      %mul3A_331 = arith.muli %add3A_323, %mul3A_330 : i32
      %add3A_332 = arith.addi %mul3A_4, %mul3A_331 : i32
      %multiple_of3A_333 = tpu.assume_multiple %add3A_332, 8 : i32
      %dma_wait3A_334 = tpu.memref_slice %arg3[%multiple_of3A_333] : memref<322560xi32, #tpu.memory_space<hbm>> -> memref<96xi32, #tpu.memory_space<hbm>>
      %dma_wait3A_335 = tpu.memref_slice %arg3[%multiple_of3A_333] : memref<322560xi32, #tpu.memory_space<hbm>> -> memref<96xi32, #tpu.memory_space<hbm>>
      tpu.wait_dma2 semaphore(%arg20 : memref<!tpu.dma_semaphore, #tpu.memory_space<semaphore_mem>>) src(%dma_wait3A_335 : memref<96xi32, #tpu.memory_space<hbm>>) dst(%arg8 : memref<96xi32, #tpu.memory_space<vmem>>)
      %add3A_336 = arith.constant 2 : i32
      %add3A_337 = arith.addi %add3A_321, %add3A_336 : i32
      %dma_start3A_338 = arith.constant 0 : i32
      %dma_start3A_339 = arith.constant 0 : i32
      %dma_start3A_340 = tpu.memref_slice %arg2[%dma_start3A_338, %dma_start3A_339] : memref<10240x128xf32, #tpu.memory_space<hbm>> -> memref<10240x128xf32, #tpu.memory_space<hbm>>
      tpu.enqueue_indirect_dma source(%dma_start3A_340 : memref<10240x128xf32, #tpu.memory_space<hbm>>) target(%arg16 : memref<96x128xf32, #tpu.memory_space<vmem>>) offsets(%arg8 : memref<96xi32, #tpu.memory_space<vmem>>) semaphore(%arg21 : memref<!tpu.dma_semaphore, #tpu.memory_space<semaphore_mem>>)
      %add3A_341 = arith.constant 3 : i32
      %add3A_342 = arith.addi %add3A_321, %add3A_341 : i32
      %mul3A_343 = arith.constant 96 : i32
      %mul3A_344 = arith.muli %add3A_342, %mul3A_343 : i32
      %add3A_345 = arith.addi %mul3A_4, %mul3A_344 : i32
      %multiple_of3A_346 = tpu.assume_multiple %add3A_345, 8 : i32
      %dma_start3A_347 = tpu.memref_slice %arg4[%multiple_of3A_346] : memref<322560xi32, #tpu.memory_space<hbm>> -> memref<96xi32, #tpu.memory_space<hbm>>
      %dma_start3A_348 = tpu.memref_slice %arg4[%multiple_of3A_346] : memref<322560xi32, #tpu.memory_space<hbm>> -> memref<96xi32, #tpu.memory_space<hbm>>
      tpu.enqueue_dma source(%dma_start3A_348 : memref<96xi32, #tpu.memory_space<hbm>>) target(%arg13 : memref<96xi32, #tpu.memory_space<vmem>>) target_semaphore(%arg20 : memref<!tpu.dma_semaphore, #tpu.memory_space<semaphore_mem>>)
      %mul3A_349 = arith.constant 96 : i32
      %mul3A_350 = arith.muli %add3A_342, %mul3A_349 : i32
      %add3A_351 = arith.addi %mul3A_4, %mul3A_350 : i32
      %multiple_of3A_352 = tpu.assume_multiple %add3A_351, 8 : i32
      %dma_start3A_353 = tpu.memref_slice %arg3[%multiple_of3A_352] : memref<322560xi32, #tpu.memory_space<hbm>> -> memref<96xi32, #tpu.memory_space<hbm>>
      %dma_start3A_354 = tpu.memref_slice %arg3[%multiple_of3A_352] : memref<322560xi32, #tpu.memory_space<hbm>> -> memref<96xi32, #tpu.memory_space<hbm>>
      tpu.enqueue_dma source(%dma_start3A_354 : memref<96xi32, #tpu.memory_space<hbm>>) target(%arg9 : memref<96xi32, #tpu.memory_space<vmem>>) target_semaphore(%arg20 : memref<!tpu.dma_semaphore, #tpu.memory_space<semaphore_mem>>)
      %dma_wait3A_355 = arith.constant 0 : i32
      %dma_wait3A_356 = arith.constant 0 : i32
      %dma_wait3A_357 = tpu.memref_slice %arg2[%dma_wait3A_355, %dma_wait3A_356] : memref<10240x128xf32, #tpu.memory_space<hbm>> -> memref<96x128xf32, #tpu.memory_space<hbm>>
      %dma_wait3A_358 = arith.constant 0 : i32
      %dma_wait3A_359 = arith.constant 0 : i32
      %dma_wait3A_360 = tpu.memref_slice %arg2[%dma_wait3A_358, %dma_wait3A_359] : memref<10240x128xf32, #tpu.memory_space<hbm>> -> memref<96x128xf32, #tpu.memory_space<hbm>>
      tpu.wait_dma2 semaphore(%arg21 : memref<!tpu.dma_semaphore, #tpu.memory_space<semaphore_mem>>) src(%dma_wait3A_360 : memref<96x128xf32, #tpu.memory_space<hbm>>) dst(%arg18 : memref<96x128xf32, #tpu.memory_space<vmem>>)
      "tpu.region"() ({
        %run_scoped3A = tpu.sem_alloc : memref<!tpu.dma_semaphore, #tpu.memory_space<semaphore_mem>>
        %dma_start3A_451 = arith.constant 0 : i32
        %dma_start3A_452 = arith.constant 0 : i32
        %dma_start3A_453 = tpu.memref_slice %arg19[%dma_start3A_451, %dma_start3A_452] : memref<10112x128xf32, #tpu.memory_space<vmem_shared>> -> memref<10112x128xf32, #tpu.memory_space<vmem_shared>>
        tpu.enqueue_indirect_dma source(%arg18 : memref<96x128xf32, #tpu.memory_space<vmem>>) target(%dma_start3A_453 : memref<10112x128xf32, #tpu.memory_space<vmem_shared>>) offsets(%arg14 : memref<96xi32, #tpu.memory_space<vmem>>) semaphore(%run_scoped3A : memref<!tpu.dma_semaphore, #tpu.memory_space<semaphore_mem>>) {add = true}
        %dma_wait3A_454 = arith.constant 0 : i32
        %dma_wait3A_455 = arith.constant 0 : i32
        %dma_wait3A_456 = tpu.memref_slice %arg19[%dma_wait3A_454, %dma_wait3A_455] : memref<10112x128xf32, #tpu.memory_space<vmem_shared>> -> memref<10112x128xf32, #tpu.memory_space<vmem_shared>>
        tpu.wait_indirect_dma semaphore(%run_scoped3A : memref<!tpu.dma_semaphore, #tpu.memory_space<semaphore_mem>>) src(%arg18 : memref<96x128xf32, #tpu.memory_space<vmem>>) dst(%dma_wait3A_456 : memref<10112x128xf32, #tpu.memory_space<vmem_shared>>)
        tpu.yield
      }) : () -> ()
      %mul3A_361 = arith.constant 4 : i32
      %mul3A_362 = arith.muli %mul3A_361, %scan3A_270 : i32
      %add3A_363 = arith.constant 2 : i32
      %add3A_364 = arith.addi %add3A_363, %mul3A_362 : i32
      %add3A_365 = arith.constant 2 : i32
      %add3A_366 = arith.addi %add3A_364, %add3A_365 : i32
      %add3A_367 = arith.constant 2 : i32
      %add3A_368 = arith.addi %add3A_366, %add3A_367 : i32
      %mul3A_369 = arith.constant 96 : i32
      %mul3A_370 = arith.muli %add3A_368, %mul3A_369 : i32
      %add3A_371 = arith.addi %mul3A_4, %mul3A_370 : i32
      %multiple_of3A_372 = tpu.assume_multiple %add3A_371, 8 : i32
      %dma_wait3A_373 = tpu.memref_slice %arg4[%multiple_of3A_372] : memref<322560xi32, #tpu.memory_space<hbm>> -> memref<96xi32, #tpu.memory_space<hbm>>
      %dma_wait3A_374 = tpu.memref_slice %arg4[%multiple_of3A_372] : memref<322560xi32, #tpu.memory_space<hbm>> -> memref<96xi32, #tpu.memory_space<hbm>>
      tpu.wait_dma2 semaphore(%arg20 : memref<!tpu.dma_semaphore, #tpu.memory_space<semaphore_mem>>) src(%dma_wait3A_374 : memref<96xi32, #tpu.memory_space<hbm>>) dst(%arg13 : memref<96xi32, #tpu.memory_space<vmem>>)
      %mul3A_375 = arith.constant 96 : i32
      %mul3A_376 = arith.muli %add3A_368, %mul3A_375 : i32
      %add3A_377 = arith.addi %mul3A_4, %mul3A_376 : i32
      %multiple_of3A_378 = tpu.assume_multiple %add3A_377, 8 : i32
      %dma_wait3A_379 = tpu.memref_slice %arg3[%multiple_of3A_378] : memref<322560xi32, #tpu.memory_space<hbm>> -> memref<96xi32, #tpu.memory_space<hbm>>
      %dma_wait3A_380 = tpu.memref_slice %arg3[%multiple_of3A_378] : memref<322560xi32, #tpu.memory_space<hbm>> -> memref<96xi32, #tpu.memory_space<hbm>>
      tpu.wait_dma2 semaphore(%arg20 : memref<!tpu.dma_semaphore, #tpu.memory_space<semaphore_mem>>) src(%dma_wait3A_380 : memref<96xi32, #tpu.memory_space<hbm>>) dst(%arg9 : memref<96xi32, #tpu.memory_space<vmem>>)
      %add3A_381 = arith.constant 2 : i32
      %add3A_382 = arith.addi %add3A_366, %add3A_381 : i32
      %dma_start3A_383 = arith.constant 0 : i32
      %dma_start3A_384 = arith.constant 0 : i32
      %dma_start3A_385 = tpu.memref_slice %arg2[%dma_start3A_383, %dma_start3A_384] : memref<10240x128xf32, #tpu.memory_space<hbm>> -> memref<10240x128xf32, #tpu.memory_space<hbm>>
      tpu.enqueue_indirect_dma source(%dma_start3A_385 : memref<10240x128xf32, #tpu.memory_space<hbm>>) target(%arg17 : memref<96x128xf32, #tpu.memory_space<vmem>>) offsets(%arg9 : memref<96xi32, #tpu.memory_space<vmem>>) semaphore(%arg21 : memref<!tpu.dma_semaphore, #tpu.memory_space<semaphore_mem>>)
      %add3A_386 = arith.constant 3 : i32
      %add3A_387 = arith.addi %add3A_366, %add3A_386 : i32
      %mul3A_388 = arith.constant 96 : i32
      %mul3A_389 = arith.muli %add3A_387, %mul3A_388 : i32
      %add3A_390 = arith.addi %mul3A_4, %mul3A_389 : i32
      %multiple_of3A_391 = tpu.assume_multiple %add3A_390, 8 : i32
      %dma_start3A_392 = tpu.memref_slice %arg4[%multiple_of3A_391] : memref<322560xi32, #tpu.memory_space<hbm>> -> memref<96xi32, #tpu.memory_space<hbm>>
      %dma_start3A_393 = tpu.memref_slice %arg4[%multiple_of3A_391] : memref<322560xi32, #tpu.memory_space<hbm>> -> memref<96xi32, #tpu.memory_space<hbm>>
      tpu.enqueue_dma source(%dma_start3A_393 : memref<96xi32, #tpu.memory_space<hbm>>) target(%arg14 : memref<96xi32, #tpu.memory_space<vmem>>) target_semaphore(%arg20 : memref<!tpu.dma_semaphore, #tpu.memory_space<semaphore_mem>>)
      %mul3A_394 = arith.constant 96 : i32
      %mul3A_395 = arith.muli %add3A_387, %mul3A_394 : i32
      %add3A_396 = arith.addi %mul3A_4, %mul3A_395 : i32
      %multiple_of3A_397 = tpu.assume_multiple %add3A_396, 8 : i32
      %dma_start3A_398 = tpu.memref_slice %arg3[%multiple_of3A_397] : memref<322560xi32, #tpu.memory_space<hbm>> -> memref<96xi32, #tpu.memory_space<hbm>>
      %dma_start3A_399 = tpu.memref_slice %arg3[%multiple_of3A_397] : memref<322560xi32, #tpu.memory_space<hbm>> -> memref<96xi32, #tpu.memory_space<hbm>>
      tpu.enqueue_dma source(%dma_start3A_399 : memref<96xi32, #tpu.memory_space<hbm>>) target(%arg10 : memref<96xi32, #tpu.memory_space<vmem>>) target_semaphore(%arg20 : memref<!tpu.dma_semaphore, #tpu.memory_space<semaphore_mem>>)
      %dma_wait3A_400 = arith.constant 0 : i32
      %dma_wait3A_401 = arith.constant 0 : i32
      %dma_wait3A_402 = tpu.memref_slice %arg2[%dma_wait3A_400, %dma_wait3A_401] : memref<10240x128xf32, #tpu.memory_space<hbm>> -> memref<96x128xf32, #tpu.memory_space<hbm>>
      %dma_wait3A_403 = arith.constant 0 : i32
      %dma_wait3A_404 = arith.constant 0 : i32
      %dma_wait3A_405 = tpu.memref_slice %arg2[%dma_wait3A_403, %dma_wait3A_404] : memref<10240x128xf32, #tpu.memory_space<hbm>> -> memref<96x128xf32, #tpu.memory_space<hbm>>
      tpu.wait_dma2 semaphore(%arg21 : memref<!tpu.dma_semaphore, #tpu.memory_space<semaphore_mem>>) src(%dma_wait3A_405 : memref<96x128xf32, #tpu.memory_space<hbm>>) dst(%arg15 : memref<96x128xf32, #tpu.memory_space<vmem>>)
      "tpu.region"() ({
        %run_scoped3A = tpu.sem_alloc : memref<!tpu.dma_semaphore, #tpu.memory_space<semaphore_mem>>
        %dma_start3A_451 = arith.constant 0 : i32
        %dma_start3A_452 = arith.constant 0 : i32
        %dma_start3A_453 = tpu.memref_slice %arg19[%dma_start3A_451, %dma_start3A_452] : memref<10112x128xf32, #tpu.memory_space<vmem_shared>> -> memref<10112x128xf32, #tpu.memory_space<vmem_shared>>
        tpu.enqueue_indirect_dma source(%arg15 : memref<96x128xf32, #tpu.memory_space<vmem>>) target(%dma_start3A_453 : memref<10112x128xf32, #tpu.memory_space<vmem_shared>>) offsets(%arg11 : memref<96xi32, #tpu.memory_space<vmem>>) semaphore(%run_scoped3A : memref<!tpu.dma_semaphore, #tpu.memory_space<semaphore_mem>>) {add = true}
        %dma_wait3A_454 = arith.constant 0 : i32
        %dma_wait3A_455 = arith.constant 0 : i32
        %dma_wait3A_456 = tpu.memref_slice %arg19[%dma_wait3A_454, %dma_wait3A_455] : memref<10112x128xf32, #tpu.memory_space<vmem_shared>> -> memref<10112x128xf32, #tpu.memory_space<vmem_shared>>
        tpu.wait_indirect_dma semaphore(%run_scoped3A : memref<!tpu.dma_semaphore, #tpu.memory_space<semaphore_mem>>) src(%arg15 : memref<96x128xf32, #tpu.memory_space<vmem>>) dst(%dma_wait3A_456 : memref<10112x128xf32, #tpu.memory_space<vmem_shared>>)
        tpu.yield
      }) : () -> ()
      %mul3A_406 = arith.constant 4 : i32
      %mul3A_407 = arith.muli %mul3A_406, %scan3A_270 : i32
      %add3A_408 = arith.constant 2 : i32
      %add3A_409 = arith.addi %add3A_408, %mul3A_407 : i32
      %add3A_410 = arith.constant 3 : i32
      %add3A_411 = arith.addi %add3A_409, %add3A_410 : i32
      %add3A_412 = arith.constant 2 : i32
      %add3A_413 = arith.addi %add3A_411, %add3A_412 : i32
      %mul3A_414 = arith.constant 96 : i32
      %mul3A_415 = arith.muli %add3A_413, %mul3A_414 : i32
      %add3A_416 = arith.addi %mul3A_4, %mul3A_415 : i32
      %multiple_of3A_417 = tpu.assume_multiple %add3A_416, 8 : i32
      %dma_wait3A_418 = tpu.memref_slice %arg4[%multiple_of3A_417] : memref<322560xi32, #tpu.memory_space<hbm>> -> memref<96xi32, #tpu.memory_space<hbm>>
      %dma_wait3A_419 = tpu.memref_slice %arg4[%multiple_of3A_417] : memref<322560xi32, #tpu.memory_space<hbm>> -> memref<96xi32, #tpu.memory_space<hbm>>
      tpu.wait_dma2 semaphore(%arg20 : memref<!tpu.dma_semaphore, #tpu.memory_space<semaphore_mem>>) src(%dma_wait3A_419 : memref<96xi32, #tpu.memory_space<hbm>>) dst(%arg14 : memref<96xi32, #tpu.memory_space<vmem>>)
      %mul3A_420 = arith.constant 96 : i32
      %mul3A_421 = arith.muli %add3A_413, %mul3A_420 : i32
      %add3A_422 = arith.addi %mul3A_4, %mul3A_421 : i32
      %multiple_of3A_423 = tpu.assume_multiple %add3A_422, 8 : i32
      %dma_wait3A_424 = tpu.memref_slice %arg3[%multiple_of3A_423] : memref<322560xi32, #tpu.memory_space<hbm>> -> memref<96xi32, #tpu.memory_space<hbm>>
      %dma_wait3A_425 = tpu.memref_slice %arg3[%multiple_of3A_423] : memref<322560xi32, #tpu.memory_space<hbm>> -> memref<96xi32, #tpu.memory_space<hbm>>
      tpu.wait_dma2 semaphore(%arg20 : memref<!tpu.dma_semaphore, #tpu.memory_space<semaphore_mem>>) src(%dma_wait3A_425 : memref<96xi32, #tpu.memory_space<hbm>>) dst(%arg10 : memref<96xi32, #tpu.memory_space<vmem>>)
      %add3A_426 = arith.constant 2 : i32
      %add3A_427 = arith.addi %add3A_411, %add3A_426 : i32
      %dma_start3A_428 = arith.constant 0 : i32
      %dma_start3A_429 = arith.constant 0 : i32
      %dma_start3A_430 = tpu.memref_slice %arg2[%dma_start3A_428, %dma_start3A_429] : memref<10240x128xf32, #tpu.memory_space<hbm>> -> memref<10240x128xf32, #tpu.memory_space<hbm>>
      tpu.enqueue_indirect_dma source(%dma_start3A_430 : memref<10240x128xf32, #tpu.memory_space<hbm>>) target(%arg18 : memref<96x128xf32, #tpu.memory_space<vmem>>) offsets(%arg10 : memref<96xi32, #tpu.memory_space<vmem>>) semaphore(%arg21 : memref<!tpu.dma_semaphore, #tpu.memory_space<semaphore_mem>>)
      %add3A_431 = arith.constant 3 : i32
      %add3A_432 = arith.addi %add3A_411, %add3A_431 : i32
      %mul3A_433 = arith.constant 96 : i32
      %mul3A_434 = arith.muli %add3A_432, %mul3A_433 : i32
      %add3A_435 = arith.addi %mul3A_4, %mul3A_434 : i32
      %multiple_of3A_436 = tpu.assume_multiple %add3A_435, 8 : i32
      %dma_start3A_437 = tpu.memref_slice %arg4[%multiple_of3A_436] : memref<322560xi32, #tpu.memory_space<hbm>> -> memref<96xi32, #tpu.memory_space<hbm>>
      %dma_start3A_438 = tpu.memref_slice %arg4[%multiple_of3A_436] : memref<322560xi32, #tpu.memory_space<hbm>> -> memref<96xi32, #tpu.memory_space<hbm>>
      tpu.enqueue_dma source(%dma_start3A_438 : memref<96xi32, #tpu.memory_space<hbm>>) target(%arg11 : memref<96xi32, #tpu.memory_space<vmem>>) target_semaphore(%arg20 : memref<!tpu.dma_semaphore, #tpu.memory_space<semaphore_mem>>)
      %mul3A_439 = arith.constant 96 : i32
      %mul3A_440 = arith.muli %add3A_432, %mul3A_439 : i32
      %add3A_441 = arith.addi %mul3A_4, %mul3A_440 : i32
      %multiple_of3A_442 = tpu.assume_multiple %add3A_441, 8 : i32
      %dma_start3A_443 = tpu.memref_slice %arg3[%multiple_of3A_442] : memref<322560xi32, #tpu.memory_space<hbm>> -> memref<96xi32, #tpu.memory_space<hbm>>
      %dma_start3A_444 = tpu.memref_slice %arg3[%multiple_of3A_442] : memref<322560xi32, #tpu.memory_space<hbm>> -> memref<96xi32, #tpu.memory_space<hbm>>
      tpu.enqueue_dma source(%dma_start3A_444 : memref<96xi32, #tpu.memory_space<hbm>>) target(%arg7 : memref<96xi32, #tpu.memory_space<vmem>>) target_semaphore(%arg20 : memref<!tpu.dma_semaphore, #tpu.memory_space<semaphore_mem>>)
      %dma_wait3A_445 = arith.constant 0 : i32
      %dma_wait3A_446 = arith.constant 0 : i32
      %dma_wait3A_447 = tpu.memref_slice %arg2[%dma_wait3A_445, %dma_wait3A_446] : memref<10240x128xf32, #tpu.memory_space<hbm>> -> memref<96x128xf32, #tpu.memory_space<hbm>>
      %dma_wait3A_448 = arith.constant 0 : i32
      %dma_wait3A_449 = arith.constant 0 : i32
      %dma_wait3A_450 = tpu.memref_slice %arg2[%dma_wait3A_448, %dma_wait3A_449] : memref<10240x128xf32, #tpu.memory_space<hbm>> -> memref<96x128xf32, #tpu.memory_space<hbm>>
      tpu.wait_dma2 semaphore(%arg21 : memref<!tpu.dma_semaphore, #tpu.memory_space<semaphore_mem>>) src(%dma_wait3A_450 : memref<96x128xf32, #tpu.memory_space<hbm>>) dst(%arg16 : memref<96x128xf32, #tpu.memory_space<vmem>>)
      "tpu.region"() ({
        %run_scoped3A = tpu.sem_alloc : memref<!tpu.dma_semaphore, #tpu.memory_space<semaphore_mem>>
        %dma_start3A_451 = arith.constant 0 : i32
        %dma_start3A_452 = arith.constant 0 : i32
        %dma_start3A_453 = tpu.memref_slice %arg19[%dma_start3A_451, %dma_start3A_452] : memref<10112x128xf32, #tpu.memory_space<vmem_shared>> -> memref<10112x128xf32, #tpu.memory_space<vmem_shared>>
        tpu.enqueue_indirect_dma source(%arg16 : memref<96x128xf32, #tpu.memory_space<vmem>>) target(%dma_start3A_453 : memref<10112x128xf32, #tpu.memory_space<vmem_shared>>) offsets(%arg12 : memref<96xi32, #tpu.memory_space<vmem>>) semaphore(%run_scoped3A : memref<!tpu.dma_semaphore, #tpu.memory_space<semaphore_mem>>) {add = true}
        %dma_wait3A_454 = arith.constant 0 : i32
        %dma_wait3A_455 = arith.constant 0 : i32
        %dma_wait3A_456 = tpu.memref_slice %arg19[%dma_wait3A_454, %dma_wait3A_455] : memref<10112x128xf32, #tpu.memory_space<vmem_shared>> -> memref<10112x128xf32, #tpu.memory_space<vmem_shared>>
        tpu.wait_indirect_dma semaphore(%run_scoped3A : memref<!tpu.dma_semaphore, #tpu.memory_space<semaphore_mem>>) src(%arg16 : memref<96x128xf32, #tpu.memory_space<vmem>>) dst(%dma_wait3A_456 : memref<10112x128xf32, #tpu.memory_space<vmem_shared>>)
        tpu.yield
      }) : () -> ()
    }
    %scan3A_121 = arith.constant 24 : i32
    %add3A_122 = arith.constant 9600 : i32
    %add3A_123 = arith.addi %mul3A_4, %add3A_122 : i32
    %multiple_of3A_124 = tpu.assume_multiple %add3A_123, 8 : i32
    %dma_wait3A_125 = tpu.memref_slice %arg4[%multiple_of3A_124] : memref<322560xi32, #tpu.memory_space<hbm>> -> memref<96xi32, #tpu.memory_space<hbm>>
    %dma_wait3A_126 = tpu.memref_slice %arg4[%multiple_of3A_124] : memref<322560xi32, #tpu.memory_space<hbm>> -> memref<96xi32, #tpu.memory_space<hbm>>
    tpu.wait_dma2 semaphore(%arg20 : memref<!tpu.dma_semaphore, #tpu.memory_space<semaphore_mem>>) src(%dma_wait3A_126 : memref<96xi32, #tpu.memory_space<hbm>>) dst(%arg11 : memref<96xi32, #tpu.memory_space<vmem>>)
    %add3A_127 = arith.constant 9600 : i32
    %add3A_128 = arith.addi %mul3A_4, %add3A_127 : i32
    %multiple_of3A_129 = tpu.assume_multiple %add3A_128, 8 : i32
    %dma_wait3A_130 = tpu.memref_slice %arg3[%multiple_of3A_129] : memref<322560xi32, #tpu.memory_space<hbm>> -> memref<96xi32, #tpu.memory_space<hbm>>
    %dma_wait3A_131 = tpu.memref_slice %arg3[%multiple_of3A_129] : memref<322560xi32, #tpu.memory_space<hbm>> -> memref<96xi32, #tpu.memory_space<hbm>>
    tpu.wait_dma2 semaphore(%arg20 : memref<!tpu.dma_semaphore, #tpu.memory_space<semaphore_mem>>) src(%dma_wait3A_131 : memref<96xi32, #tpu.memory_space<hbm>>) dst(%arg7 : memref<96xi32, #tpu.memory_space<vmem>>)
    %dma_start3A_132 = arith.constant 0 : i32
    %dma_start3A_133 = arith.constant 0 : i32
    %dma_start3A_134 = tpu.memref_slice %arg2[%dma_start3A_132, %dma_start3A_133] : memref<10240x128xf32, #tpu.memory_space<hbm>> -> memref<10240x128xf32, #tpu.memory_space<hbm>>
    tpu.enqueue_indirect_dma source(%dma_start3A_134 : memref<10240x128xf32, #tpu.memory_space<hbm>>) target(%arg15 : memref<96x128xf32, #tpu.memory_space<vmem>>) offsets(%arg7 : memref<96xi32, #tpu.memory_space<vmem>>) semaphore(%arg21 : memref<!tpu.dma_semaphore, #tpu.memory_space<semaphore_mem>>)
    %add3A_135 = arith.constant 9696 : i32
    %add3A_136 = arith.addi %mul3A_4, %add3A_135 : i32
    %multiple_of3A_137 = tpu.assume_multiple %add3A_136, 8 : i32
    %dma_start3A_138 = tpu.memref_slice %arg4[%multiple_of3A_137] : memref<322560xi32, #tpu.memory_space<hbm>> -> memref<96xi32, #tpu.memory_space<hbm>>
    %dma_start3A_139 = tpu.memref_slice %arg4[%multiple_of3A_137] : memref<322560xi32, #tpu.memory_space<hbm>> -> memref<96xi32, #tpu.memory_space<hbm>>
    tpu.enqueue_dma source(%dma_start3A_139 : memref<96xi32, #tpu.memory_space<hbm>>) target(%arg12 : memref<96xi32, #tpu.memory_space<vmem>>) target_semaphore(%arg20 : memref<!tpu.dma_semaphore, #tpu.memory_space<semaphore_mem>>)
    %add3A_140 = arith.constant 9696 : i32
    %add3A_141 = arith.addi %mul3A_4, %add3A_140 : i32
    %multiple_of3A_142 = tpu.assume_multiple %add3A_141, 8 : i32
    %dma_start3A_143 = tpu.memref_slice %arg3[%multiple_of3A_142] : memref<322560xi32, #tpu.memory_space<hbm>> -> memref<96xi32, #tpu.memory_space<hbm>>
    %dma_start3A_144 = tpu.memref_slice %arg3[%multiple_of3A_142] : memref<322560xi32, #tpu.memory_space<hbm>> -> memref<96xi32, #tpu.memory_space<hbm>>
    tpu.enqueue_dma source(%dma_start3A_144 : memref<96xi32, #tpu.memory_space<hbm>>) target(%arg8 : memref<96xi32, #tpu.memory_space<vmem>>) target_semaphore(%arg20 : memref<!tpu.dma_semaphore, #tpu.memory_space<semaphore_mem>>)
    %dma_wait3A_145 = arith.constant 0 : i32
    %dma_wait3A_146 = arith.constant 0 : i32
    %dma_wait3A_147 = tpu.memref_slice %arg2[%dma_wait3A_145, %dma_wait3A_146] : memref<10240x128xf32, #tpu.memory_space<hbm>> -> memref<96x128xf32, #tpu.memory_space<hbm>>
    %dma_wait3A_148 = arith.constant 0 : i32
    %dma_wait3A_149 = arith.constant 0 : i32
    %dma_wait3A_150 = tpu.memref_slice %arg2[%dma_wait3A_148, %dma_wait3A_149] : memref<10240x128xf32, #tpu.memory_space<hbm>> -> memref<96x128xf32, #tpu.memory_space<hbm>>
    tpu.wait_dma2 semaphore(%arg21 : memref<!tpu.dma_semaphore, #tpu.memory_space<semaphore_mem>>) src(%dma_wait3A_150 : memref<96x128xf32, #tpu.memory_space<hbm>>) dst(%arg17 : memref<96x128xf32, #tpu.memory_space<vmem>>)
    "tpu.region"() ({
      %run_scoped3A = tpu.sem_alloc : memref<!tpu.dma_semaphore, #tpu.memory_space<semaphore_mem>>
      %dma_start3A_270 = arith.constant 0 : i32
      %dma_start3A_271 = arith.constant 0 : i32
      %dma_start3A_272 = tpu.memref_slice %arg19[%dma_start3A_270, %dma_start3A_271] : memref<10112x128xf32, #tpu.memory_space<vmem_shared>> -> memref<10112x128xf32, #tpu.memory_space<vmem_shared>>
      tpu.enqueue_indirect_dma source(%arg17 : memref<96x128xf32, #tpu.memory_space<vmem>>) target(%dma_start3A_272 : memref<10112x128xf32, #tpu.memory_space<vmem_shared>>) offsets(%arg13 : memref<96xi32, #tpu.memory_space<vmem>>) semaphore(%run_scoped3A : memref<!tpu.dma_semaphore, #tpu.memory_space<semaphore_mem>>) {add = true}
      %dma_wait3A_273 = arith.constant 0 : i32
      %dma_wait3A_274 = arith.constant 0 : i32
      %dma_wait3A_275 = tpu.memref_slice %arg19[%dma_wait3A_273, %dma_wait3A_274] : memref<10112x128xf32, #tpu.memory_space<vmem_shared>> -> memref<10112x128xf32, #tpu.memory_space<vmem_shared>>
      tpu.wait_indirect_dma semaphore(%run_scoped3A : memref<!tpu.dma_semaphore, #tpu.memory_space<semaphore_mem>>) src(%arg17 : memref<96x128xf32, #tpu.memory_space<vmem>>) dst(%dma_wait3A_275 : memref<10112x128xf32, #tpu.memory_space<vmem_shared>>)
      tpu.yield
    }) : () -> ()
    %add3A_151 = arith.constant 9696 : i32
    %add3A_152 = arith.addi %mul3A_4, %add3A_151 : i32
    %multiple_of3A_153 = tpu.assume_multiple %add3A_152, 8 : i32
    %dma_wait3A_154 = tpu.memref_slice %arg4[%multiple_of3A_153] : memref<322560xi32, #tpu.memory_space<hbm>> -> memref<96xi32, #tpu.memory_space<hbm>>
    %dma_wait3A_155 = tpu.memref_slice %arg4[%multiple_of3A_153] : memref<322560xi32, #tpu.memory_space<hbm>> -> memref<96xi32, #tpu.memory_space<hbm>>
    tpu.wait_dma2 semaphore(%arg20 : memref<!tpu.dma_semaphore, #tpu.memory_space<semaphore_mem>>) src(%dma_wait3A_155 : memref<96xi32, #tpu.memory_space<hbm>>) dst(%arg12 : memref<96xi32, #tpu.memory_space<vmem>>)
    %add3A_156 = arith.constant 9696 : i32
    %add3A_157 = arith.addi %mul3A_4, %add3A_156 : i32
    %multiple_of3A_158 = tpu.assume_multiple %add3A_157, 8 : i32
    %dma_wait3A_159 = tpu.memref_slice %arg3[%multiple_of3A_158] : memref<322560xi32, #tpu.memory_space<hbm>> -> memref<96xi32, #tpu.memory_space<hbm>>
    %dma_wait3A_160 = tpu.memref_slice %arg3[%multiple_of3A_158] : memref<322560xi32, #tpu.memory_space<hbm>> -> memref<96xi32, #tpu.memory_space<hbm>>
    tpu.wait_dma2 semaphore(%arg20 : memref<!tpu.dma_semaphore, #tpu.memory_space<semaphore_mem>>) src(%dma_wait3A_160 : memref<96xi32, #tpu.memory_space<hbm>>) dst(%arg8 : memref<96xi32, #tpu.memory_space<vmem>>)
    %dma_start3A_161 = arith.constant 0 : i32
    %dma_start3A_162 = arith.constant 0 : i32
    %dma_start3A_163 = tpu.memref_slice %arg2[%dma_start3A_161, %dma_start3A_162] : memref<10240x128xf32, #tpu.memory_space<hbm>> -> memref<10240x128xf32, #tpu.memory_space<hbm>>
    tpu.enqueue_indirect_dma source(%dma_start3A_163 : memref<10240x128xf32, #tpu.memory_space<hbm>>) target(%arg16 : memref<96x128xf32, #tpu.memory_space<vmem>>) offsets(%arg8 : memref<96xi32, #tpu.memory_space<vmem>>) semaphore(%arg21 : memref<!tpu.dma_semaphore, #tpu.memory_space<semaphore_mem>>)
    %add3A_164 = arith.constant 9792 : i32
    %add3A_165 = arith.addi %mul3A_4, %add3A_164 : i32
    %multiple_of3A_166 = tpu.assume_multiple %add3A_165, 8 : i32
    %dma_start3A_167 = tpu.memref_slice %arg4[%multiple_of3A_166] : memref<322560xi32, #tpu.memory_space<hbm>> -> memref<96xi32, #tpu.memory_space<hbm>>
    %dma_start3A_168 = tpu.memref_slice %arg4[%multiple_of3A_166] : memref<322560xi32, #tpu.memory_space<hbm>> -> memref<96xi32, #tpu.memory_space<hbm>>
    tpu.enqueue_dma source(%dma_start3A_168 : memref<96xi32, #tpu.memory_space<hbm>>) target(%arg13 : memref<96xi32, #tpu.memory_space<vmem>>) target_semaphore(%arg20 : memref<!tpu.dma_semaphore, #tpu.memory_space<semaphore_mem>>)
    %add3A_169 = arith.constant 9792 : i32
    %add3A_170 = arith.addi %mul3A_4, %add3A_169 : i32
    %multiple_of3A_171 = tpu.assume_multiple %add3A_170, 8 : i32
    %dma_start3A_172 = tpu.memref_slice %arg3[%multiple_of3A_171] : memref<322560xi32, #tpu.memory_space<hbm>> -> memref<96xi32, #tpu.memory_space<hbm>>
    %dma_start3A_173 = tpu.memref_slice %arg3[%multiple_of3A_171] : memref<322560xi32, #tpu.memory_space<hbm>> -> memref<96xi32, #tpu.memory_space<hbm>>
    tpu.enqueue_dma source(%dma_start3A_173 : memref<96xi32, #tpu.memory_space<hbm>>) target(%arg9 : memref<96xi32, #tpu.memory_space<vmem>>) target_semaphore(%arg20 : memref<!tpu.dma_semaphore, #tpu.memory_space<semaphore_mem>>)
    %dma_wait3A_174 = arith.constant 0 : i32
    %dma_wait3A_175 = arith.constant 0 : i32
    %dma_wait3A_176 = tpu.memref_slice %arg2[%dma_wait3A_174, %dma_wait3A_175] : memref<10240x128xf32, #tpu.memory_space<hbm>> -> memref<96x128xf32, #tpu.memory_space<hbm>>
    %dma_wait3A_177 = arith.constant 0 : i32
    %dma_wait3A_178 = arith.constant 0 : i32
    %dma_wait3A_179 = tpu.memref_slice %arg2[%dma_wait3A_177, %dma_wait3A_178] : memref<10240x128xf32, #tpu.memory_space<hbm>> -> memref<96x128xf32, #tpu.memory_space<hbm>>
    tpu.wait_dma2 semaphore(%arg21 : memref<!tpu.dma_semaphore, #tpu.memory_space<semaphore_mem>>) src(%dma_wait3A_179 : memref<96x128xf32, #tpu.memory_space<hbm>>) dst(%arg18 : memref<96x128xf32, #tpu.memory_space<vmem>>)
    "tpu.region"() ({
      %run_scoped3A = tpu.sem_alloc : memref<!tpu.dma_semaphore, #tpu.memory_space<semaphore_mem>>
      %dma_start3A_270 = arith.constant 0 : i32
      %dma_start3A_271 = arith.constant 0 : i32
      %dma_start3A_272 = tpu.memref_slice %arg19[%dma_start3A_270, %dma_start3A_271] : memref<10112x128xf32, #tpu.memory_space<vmem_shared>> -> memref<10112x128xf32, #tpu.memory_space<vmem_shared>>
      tpu.enqueue_indirect_dma source(%arg18 : memref<96x128xf32, #tpu.memory_space<vmem>>) target(%dma_start3A_272 : memref<10112x128xf32, #tpu.memory_space<vmem_shared>>) offsets(%arg14 : memref<96xi32, #tpu.memory_space<vmem>>) semaphore(%run_scoped3A : memref<!tpu.dma_semaphore, #tpu.memory_space<semaphore_mem>>) {add = true}
      %dma_wait3A_273 = arith.constant 0 : i32
      %dma_wait3A_274 = arith.constant 0 : i32
      %dma_wait3A_275 = tpu.memref_slice %arg19[%dma_wait3A_273, %dma_wait3A_274] : memref<10112x128xf32, #tpu.memory_space<vmem_shared>> -> memref<10112x128xf32, #tpu.memory_space<vmem_shared>>
      tpu.wait_indirect_dma semaphore(%run_scoped3A : memref<!tpu.dma_semaphore, #tpu.memory_space<semaphore_mem>>) src(%arg18 : memref<96x128xf32, #tpu.memory_space<vmem>>) dst(%dma_wait3A_275 : memref<10112x128xf32, #tpu.memory_space<vmem_shared>>)
      tpu.yield
    }) : () -> ()
    %add3A_180 = arith.constant 9792 : i32
    %add3A_181 = arith.addi %mul3A_4, %add3A_180 : i32
    %multiple_of3A_182 = tpu.assume_multiple %add3A_181, 8 : i32
    %dma_wait3A_183 = tpu.memref_slice %arg4[%multiple_of3A_182] : memref<322560xi32, #tpu.memory_space<hbm>> -> memref<96xi32, #tpu.memory_space<hbm>>
    %dma_wait3A_184 = tpu.memref_slice %arg4[%multiple_of3A_182] : memref<322560xi32, #tpu.memory_space<hbm>> -> memref<96xi32, #tpu.memory_space<hbm>>
    tpu.wait_dma2 semaphore(%arg20 : memref<!tpu.dma_semaphore, #tpu.memory_space<semaphore_mem>>) src(%dma_wait3A_184 : memref<96xi32, #tpu.memory_space<hbm>>) dst(%arg13 : memref<96xi32, #tpu.memory_space<vmem>>)
    %add3A_185 = arith.constant 9792 : i32
    %add3A_186 = arith.addi %mul3A_4, %add3A_185 : i32
    %multiple_of3A_187 = tpu.assume_multiple %add3A_186, 8 : i32
    %dma_wait3A_188 = tpu.memref_slice %arg3[%multiple_of3A_187] : memref<322560xi32, #tpu.memory_space<hbm>> -> memref<96xi32, #tpu.memory_space<hbm>>
    %dma_wait3A_189 = tpu.memref_slice %arg3[%multiple_of3A_187] : memref<322560xi32, #tpu.memory_space<hbm>> -> memref<96xi32, #tpu.memory_space<hbm>>
    tpu.wait_dma2 semaphore(%arg20 : memref<!tpu.dma_semaphore, #tpu.memory_space<semaphore_mem>>) src(%dma_wait3A_189 : memref<96xi32, #tpu.memory_space<hbm>>) dst(%arg9 : memref<96xi32, #tpu.memory_space<vmem>>)
    %dma_start3A_190 = arith.constant 0 : i32
    %dma_start3A_191 = arith.constant 0 : i32
    %dma_start3A_192 = tpu.memref_slice %arg2[%dma_start3A_190, %dma_start3A_191] : memref<10240x128xf32, #tpu.memory_space<hbm>> -> memref<10240x128xf32, #tpu.memory_space<hbm>>
    tpu.enqueue_indirect_dma source(%dma_start3A_192 : memref<10240x128xf32, #tpu.memory_space<hbm>>) target(%arg17 : memref<96x128xf32, #tpu.memory_space<vmem>>) offsets(%arg9 : memref<96xi32, #tpu.memory_space<vmem>>) semaphore(%arg21 : memref<!tpu.dma_semaphore, #tpu.memory_space<semaphore_mem>>)
    %add3A_193 = arith.constant 9888 : i32
    %add3A_194 = arith.addi %mul3A_4, %add3A_193 : i32
    %multiple_of3A_195 = tpu.assume_multiple %add3A_194, 8 : i32
    %dma_start3A_196 = tpu.memref_slice %arg4[%multiple_of3A_195] : memref<322560xi32, #tpu.memory_space<hbm>> -> memref<96xi32, #tpu.memory_space<hbm>>
    %dma_start3A_197 = tpu.memref_slice %arg4[%multiple_of3A_195] : memref<322560xi32, #tpu.memory_space<hbm>> -> memref<96xi32, #tpu.memory_space<hbm>>
    tpu.enqueue_dma source(%dma_start3A_197 : memref<96xi32, #tpu.memory_space<hbm>>) target(%arg14 : memref<96xi32, #tpu.memory_space<vmem>>) target_semaphore(%arg20 : memref<!tpu.dma_semaphore, #tpu.memory_space<semaphore_mem>>)
    %add3A_198 = arith.constant 9888 : i32
    %add3A_199 = arith.addi %mul3A_4, %add3A_198 : i32
    %multiple_of3A_200 = tpu.assume_multiple %add3A_199, 8 : i32
    %dma_start3A_201 = tpu.memref_slice %arg3[%multiple_of3A_200] : memref<322560xi32, #tpu.memory_space<hbm>> -> memref<96xi32, #tpu.memory_space<hbm>>
    %dma_start3A_202 = tpu.memref_slice %arg3[%multiple_of3A_200] : memref<322560xi32, #tpu.memory_space<hbm>> -> memref<96xi32, #tpu.memory_space<hbm>>
    tpu.enqueue_dma source(%dma_start3A_202 : memref<96xi32, #tpu.memory_space<hbm>>) target(%arg10 : memref<96xi32, #tpu.memory_space<vmem>>) target_semaphore(%arg20 : memref<!tpu.dma_semaphore, #tpu.memory_space<semaphore_mem>>)
    %dma_wait3A_203 = arith.constant 0 : i32
    %dma_wait3A_204 = arith.constant 0 : i32
    %dma_wait3A_205 = tpu.memref_slice %arg2[%dma_wait3A_203, %dma_wait3A_204] : memref<10240x128xf32, #tpu.memory_space<hbm>> -> memref<96x128xf32, #tpu.memory_space<hbm>>
    %dma_wait3A_206 = arith.constant 0 : i32
    %dma_wait3A_207 = arith.constant 0 : i32
    %dma_wait3A_208 = tpu.memref_slice %arg2[%dma_wait3A_206, %dma_wait3A_207] : memref<10240x128xf32, #tpu.memory_space<hbm>> -> memref<96x128xf32, #tpu.memory_space<hbm>>
    tpu.wait_dma2 semaphore(%arg21 : memref<!tpu.dma_semaphore, #tpu.memory_space<semaphore_mem>>) src(%dma_wait3A_208 : memref<96x128xf32, #tpu.memory_space<hbm>>) dst(%arg15 : memref<96x128xf32, #tpu.memory_space<vmem>>)
    "tpu.region"() ({
      %run_scoped3A = tpu.sem_alloc : memref<!tpu.dma_semaphore, #tpu.memory_space<semaphore_mem>>
      %dma_start3A_270 = arith.constant 0 : i32
      %dma_start3A_271 = arith.constant 0 : i32
      %dma_start3A_272 = tpu.memref_slice %arg19[%dma_start3A_270, %dma_start3A_271] : memref<10112x128xf32, #tpu.memory_space<vmem_shared>> -> memref<10112x128xf32, #tpu.memory_space<vmem_shared>>
      tpu.enqueue_indirect_dma source(%arg15 : memref<96x128xf32, #tpu.memory_space<vmem>>) target(%dma_start3A_272 : memref<10112x128xf32, #tpu.memory_space<vmem_shared>>) offsets(%arg11 : memref<96xi32, #tpu.memory_space<vmem>>) semaphore(%run_scoped3A : memref<!tpu.dma_semaphore, #tpu.memory_space<semaphore_mem>>) {add = true}
      %dma_wait3A_273 = arith.constant 0 : i32
      %dma_wait3A_274 = arith.constant 0 : i32
      %dma_wait3A_275 = tpu.memref_slice %arg19[%dma_wait3A_273, %dma_wait3A_274] : memref<10112x128xf32, #tpu.memory_space<vmem_shared>> -> memref<10112x128xf32, #tpu.memory_space<vmem_shared>>
      tpu.wait_indirect_dma semaphore(%run_scoped3A : memref<!tpu.dma_semaphore, #tpu.memory_space<semaphore_mem>>) src(%arg15 : memref<96x128xf32, #tpu.memory_space<vmem>>) dst(%dma_wait3A_275 : memref<10112x128xf32, #tpu.memory_space<vmem_shared>>)
      tpu.yield
    }) : () -> ()
    %add3A_209 = arith.constant 9888 : i32
    %add3A_210 = arith.addi %mul3A_4, %add3A_209 : i32
    %multiple_of3A_211 = tpu.assume_multiple %add3A_210, 8 : i32
    %dma_wait3A_212 = tpu.memref_slice %arg4[%multiple_of3A_211] : memref<322560xi32, #tpu.memory_space<hbm>> -> memref<96xi32, #tpu.memory_space<hbm>>
    %dma_wait3A_213 = tpu.memref_slice %arg4[%multiple_of3A_211] : memref<322560xi32, #tpu.memory_space<hbm>> -> memref<96xi32, #tpu.memory_space<hbm>>
    tpu.wait_dma2 semaphore(%arg20 : memref<!tpu.dma_semaphore, #tpu.memory_space<semaphore_mem>>) src(%dma_wait3A_213 : memref<96xi32, #tpu.memory_space<hbm>>) dst(%arg14 : memref<96xi32, #tpu.memory_space<vmem>>)
    %add3A_214 = arith.constant 9888 : i32
    %add3A_215 = arith.addi %mul3A_4, %add3A_214 : i32
    %multiple_of3A_216 = tpu.assume_multiple %add3A_215, 8 : i32
    %dma_wait3A_217 = tpu.memref_slice %arg3[%multiple_of3A_216] : memref<322560xi32, #tpu.memory_space<hbm>> -> memref<96xi32, #tpu.memory_space<hbm>>
    %dma_wait3A_218 = tpu.memref_slice %arg3[%multiple_of3A_216] : memref<322560xi32, #tpu.memory_space<hbm>> -> memref<96xi32, #tpu.memory_space<hbm>>
    tpu.wait_dma2 semaphore(%arg20 : memref<!tpu.dma_semaphore, #tpu.memory_space<semaphore_mem>>) src(%dma_wait3A_218 : memref<96xi32, #tpu.memory_space<hbm>>) dst(%arg10 : memref<96xi32, #tpu.memory_space<vmem>>)
    %dma_start3A_219 = arith.constant 0 : i32
    %dma_start3A_220 = arith.constant 0 : i32
    %dma_start3A_221 = tpu.memref_slice %arg2[%dma_start3A_219, %dma_start3A_220] : memref<10240x128xf32, #tpu.memory_space<hbm>> -> memref<10240x128xf32, #tpu.memory_space<hbm>>
    tpu.enqueue_indirect_dma source(%dma_start3A_221 : memref<10240x128xf32, #tpu.memory_space<hbm>>) target(%arg18 : memref<96x128xf32, #tpu.memory_space<vmem>>) offsets(%arg10 : memref<96xi32, #tpu.memory_space<vmem>>) semaphore(%arg21 : memref<!tpu.dma_semaphore, #tpu.memory_space<semaphore_mem>>)
    %add3A_222 = arith.constant 9984 : i32
    %add3A_223 = arith.addi %mul3A_4, %add3A_222 : i32
    %multiple_of3A_224 = tpu.assume_multiple %add3A_223, 8 : i32
    %dma_start3A_225 = tpu.memref_slice %arg4[%multiple_of3A_224] : memref<322560xi32, #tpu.memory_space<hbm>> -> memref<96xi32, #tpu.memory_space<hbm>>
    %dma_start3A_226 = tpu.memref_slice %arg4[%multiple_of3A_224] : memref<322560xi32, #tpu.memory_space<hbm>> -> memref<96xi32, #tpu.memory_space<hbm>>
    tpu.enqueue_dma source(%dma_start3A_226 : memref<96xi32, #tpu.memory_space<hbm>>) target(%arg11 : memref<96xi32, #tpu.memory_space<vmem>>) target_semaphore(%arg20 : memref<!tpu.dma_semaphore, #tpu.memory_space<semaphore_mem>>)
    %add3A_227 = arith.constant 9984 : i32
    %add3A_228 = arith.addi %mul3A_4, %add3A_227 : i32
    %multiple_of3A_229 = tpu.assume_multiple %add3A_228, 8 : i32
    %dma_start3A_230 = tpu.memref_slice %arg3[%multiple_of3A_229] : memref<322560xi32, #tpu.memory_space<hbm>> -> memref<96xi32, #tpu.memory_space<hbm>>
    %dma_start3A_231 = tpu.memref_slice %arg3[%multiple_of3A_229] : memref<322560xi32, #tpu.memory_space<hbm>> -> memref<96xi32, #tpu.memory_space<hbm>>
    tpu.enqueue_dma source(%dma_start3A_231 : memref<96xi32, #tpu.memory_space<hbm>>) target(%arg7 : memref<96xi32, #tpu.memory_space<vmem>>) target_semaphore(%arg20 : memref<!tpu.dma_semaphore, #tpu.memory_space<semaphore_mem>>)
    %dma_wait3A_232 = arith.constant 0 : i32
    %dma_wait3A_233 = arith.constant 0 : i32
    %dma_wait3A_234 = tpu.memref_slice %arg2[%dma_wait3A_232, %dma_wait3A_233] : memref<10240x128xf32, #tpu.memory_space<hbm>> -> memref<96x128xf32, #tpu.memory_space<hbm>>
    %dma_wait3A_235 = arith.constant 0 : i32
    %dma_wait3A_236 = arith.constant 0 : i32
    %dma_wait3A_237 = tpu.memref_slice %arg2[%dma_wait3A_235, %dma_wait3A_236] : memref<10240x128xf32, #tpu.memory_space<hbm>> -> memref<96x128xf32, #tpu.memory_space<hbm>>
    tpu.wait_dma2 semaphore(%arg21 : memref<!tpu.dma_semaphore, #tpu.memory_space<semaphore_mem>>) src(%dma_wait3A_237 : memref<96x128xf32, #tpu.memory_space<hbm>>) dst(%arg16 : memref<96x128xf32, #tpu.memory_space<vmem>>)
    "tpu.region"() ({
      %run_scoped3A = tpu.sem_alloc : memref<!tpu.dma_semaphore, #tpu.memory_space<semaphore_mem>>
      %dma_start3A_270 = arith.constant 0 : i32
      %dma_start3A_271 = arith.constant 0 : i32
      %dma_start3A_272 = tpu.memref_slice %arg19[%dma_start3A_270, %dma_start3A_271] : memref<10112x128xf32, #tpu.memory_space<vmem_shared>> -> memref<10112x128xf32, #tpu.memory_space<vmem_shared>>
      tpu.enqueue_indirect_dma source(%arg16 : memref<96x128xf32, #tpu.memory_space<vmem>>) target(%dma_start3A_272 : memref<10112x128xf32, #tpu.memory_space<vmem_shared>>) offsets(%arg12 : memref<96xi32, #tpu.memory_space<vmem>>) semaphore(%run_scoped3A : memref<!tpu.dma_semaphore, #tpu.memory_space<semaphore_mem>>) {add = true}
      %dma_wait3A_273 = arith.constant 0 : i32
      %dma_wait3A_274 = arith.constant 0 : i32
      %dma_wait3A_275 = tpu.memref_slice %arg19[%dma_wait3A_273, %dma_wait3A_274] : memref<10112x128xf32, #tpu.memory_space<vmem_shared>> -> memref<10112x128xf32, #tpu.memory_space<vmem_shared>>
      tpu.wait_indirect_dma semaphore(%run_scoped3A : memref<!tpu.dma_semaphore, #tpu.memory_space<semaphore_mem>>) src(%arg16 : memref<96x128xf32, #tpu.memory_space<vmem>>) dst(%dma_wait3A_275 : memref<10112x128xf32, #tpu.memory_space<vmem_shared>>)
      tpu.yield
    }) : () -> ()
    %add3A_238 = arith.constant 9984 : i32
    %add3A_239 = arith.addi %mul3A_4, %add3A_238 : i32
    %multiple_of3A_240 = tpu.assume_multiple %add3A_239, 8 : i32
    %dma_wait3A_241 = tpu.memref_slice %arg4[%multiple_of3A_240] : memref<322560xi32, #tpu.memory_space<hbm>> -> memref<96xi32, #tpu.memory_space<hbm>>
    %dma_wait3A_242 = tpu.memref_slice %arg4[%multiple_of3A_240] : memref<322560xi32, #tpu.memory_space<hbm>> -> memref<96xi32, #tpu.memory_space<hbm>>
    tpu.wait_dma2 semaphore(%arg20 : memref<!tpu.dma_semaphore, #tpu.memory_space<semaphore_mem>>) src(%dma_wait3A_242 : memref<96xi32, #tpu.memory_space<hbm>>) dst(%arg11 : memref<96xi32, #tpu.memory_space<vmem>>)
    %add3A_243 = arith.constant 9984 : i32
    %add3A_244 = arith.addi %mul3A_4, %add3A_243 : i32
    %multiple_of3A_245 = tpu.assume_multiple %add3A_244, 8 : i32
    %dma_wait3A_246 = tpu.memref_slice %arg3[%multiple_of3A_245] : memref<322560xi32, #tpu.memory_space<hbm>> -> memref<96xi32, #tpu.memory_space<hbm>>
    %dma_wait3A_247 = tpu.memref_slice %arg3[%multiple_of3A_245] : memref<322560xi32, #tpu.memory_space<hbm>> -> memref<96xi32, #tpu.memory_space<hbm>>
    tpu.wait_dma2 semaphore(%arg20 : memref<!tpu.dma_semaphore, #tpu.memory_space<semaphore_mem>>) src(%dma_wait3A_247 : memref<96xi32, #tpu.memory_space<hbm>>) dst(%arg7 : memref<96xi32, #tpu.memory_space<vmem>>)
    %dma_start3A_248 = arith.constant 0 : i32
    %dma_start3A_249 = arith.constant 0 : i32
    %dma_start3A_250 = tpu.memref_slice %arg2[%dma_start3A_248, %dma_start3A_249] : memref<10240x128xf32, #tpu.memory_space<hbm>> -> memref<10240x128xf32, #tpu.memory_space<hbm>>
    tpu.enqueue_indirect_dma source(%dma_start3A_250 : memref<10240x128xf32, #tpu.memory_space<hbm>>) target(%arg15 : memref<96x128xf32, #tpu.memory_space<vmem>>) offsets(%arg7 : memref<96xi32, #tpu.memory_space<vmem>>) semaphore(%arg21 : memref<!tpu.dma_semaphore, #tpu.memory_space<semaphore_mem>>)
    %dma_wait3A_251 = arith.constant 0 : i32
    %dma_wait3A_252 = arith.constant 0 : i32
    %dma_wait3A_253 = tpu.memref_slice %arg2[%dma_wait3A_251, %dma_wait3A_252] : memref<10240x128xf32, #tpu.memory_space<hbm>> -> memref<96x128xf32, #tpu.memory_space<hbm>>
    %dma_wait3A_254 = arith.constant 0 : i32
    %dma_wait3A_255 = arith.constant 0 : i32
    %dma_wait3A_256 = tpu.memref_slice %arg2[%dma_wait3A_254, %dma_wait3A_255] : memref<10240x128xf32, #tpu.memory_space<hbm>> -> memref<96x128xf32, #tpu.memory_space<hbm>>
    tpu.wait_dma2 semaphore(%arg21 : memref<!tpu.dma_semaphore, #tpu.memory_space<semaphore_mem>>) src(%dma_wait3A_256 : memref<96x128xf32, #tpu.memory_space<hbm>>) dst(%arg17 : memref<96x128xf32, #tpu.memory_space<vmem>>)
    "tpu.region"() ({
      %run_scoped3A = tpu.sem_alloc : memref<!tpu.dma_semaphore, #tpu.memory_space<semaphore_mem>>
      %dma_start3A_270 = arith.constant 0 : i32
      %dma_start3A_271 = arith.constant 0 : i32
      %dma_start3A_272 = tpu.memref_slice %arg19[%dma_start3A_270, %dma_start3A_271] : memref<10112x128xf32, #tpu.memory_space<vmem_shared>> -> memref<10112x128xf32, #tpu.memory_space<vmem_shared>>
      tpu.enqueue_indirect_dma source(%arg17 : memref<96x128xf32, #tpu.memory_space<vmem>>) target(%dma_start3A_272 : memref<10112x128xf32, #tpu.memory_space<vmem_shared>>) offsets(%arg13 : memref<96xi32, #tpu.memory_space<vmem>>) semaphore(%run_scoped3A : memref<!tpu.dma_semaphore, #tpu.memory_space<semaphore_mem>>) {add = true}
      %dma_wait3A_273 = arith.constant 0 : i32
      %dma_wait3A_274 = arith.constant 0 : i32
      %dma_wait3A_275 = tpu.memref_slice %arg19[%dma_wait3A_273, %dma_wait3A_274] : memref<10112x128xf32, #tpu.memory_space<vmem_shared>> -> memref<10112x128xf32, #tpu.memory_space<vmem_shared>>
      tpu.wait_indirect_dma semaphore(%run_scoped3A : memref<!tpu.dma_semaphore, #tpu.memory_space<semaphore_mem>>) src(%arg17 : memref<96x128xf32, #tpu.memory_space<vmem>>) dst(%dma_wait3A_275 : memref<10112x128xf32, #tpu.memory_space<vmem_shared>>)
      tpu.yield
    }) : () -> ()
    %dma_wait3A_257 = arith.constant 0 : i32
    %dma_wait3A_258 = arith.constant 0 : i32
    %dma_wait3A_259 = tpu.memref_slice %arg2[%dma_wait3A_257, %dma_wait3A_258] : memref<10240x128xf32, #tpu.memory_space<hbm>> -> memref<96x128xf32, #tpu.memory_space<hbm>>
    %dma_wait3A_260 = arith.constant 0 : i32
    %dma_wait3A_261 = arith.constant 0 : i32
    %dma_wait3A_262 = tpu.memref_slice %arg2[%dma_wait3A_260, %dma_wait3A_261] : memref<10240x128xf32, #tpu.memory_space<hbm>> -> memref<96x128xf32, #tpu.memory_space<hbm>>
    tpu.wait_dma2 semaphore(%arg21 : memref<!tpu.dma_semaphore, #tpu.memory_space<semaphore_mem>>) src(%dma_wait3A_262 : memref<96x128xf32, #tpu.memory_space<hbm>>) dst(%arg18 : memref<96x128xf32, #tpu.memory_space<vmem>>)
    "tpu.region"() ({
      %run_scoped3A = tpu.sem_alloc : memref<!tpu.dma_semaphore, #tpu.memory_space<semaphore_mem>>
      %dma_start3A_270 = arith.constant 0 : i32
      %dma_start3A_271 = arith.constant 0 : i32
      %dma_start3A_272 = tpu.memref_slice %arg19[%dma_start3A_270, %dma_start3A_271] : memref<10112x128xf32, #tpu.memory_space<vmem_shared>> -> memref<10112x128xf32, #tpu.memory_space<vmem_shared>>
      tpu.enqueue_indirect_dma source(%arg18 : memref<96x128xf32, #tpu.memory_space<vmem>>) target(%dma_start3A_272 : memref<10112x128xf32, #tpu.memory_space<vmem_shared>>) offsets(%arg14 : memref<96xi32, #tpu.memory_space<vmem>>) semaphore(%run_scoped3A : memref<!tpu.dma_semaphore, #tpu.memory_space<semaphore_mem>>) {add = true}
      %dma_wait3A_273 = arith.constant 0 : i32
      %dma_wait3A_274 = arith.constant 0 : i32
      %dma_wait3A_275 = tpu.memref_slice %arg19[%dma_wait3A_273, %dma_wait3A_274] : memref<10112x128xf32, #tpu.memory_space<vmem_shared>> -> memref<10112x128xf32, #tpu.memory_space<vmem_shared>>
      tpu.wait_indirect_dma semaphore(%run_scoped3A : memref<!tpu.dma_semaphore, #tpu.memory_space<semaphore_mem>>) src(%arg18 : memref<96x128xf32, #tpu.memory_space<vmem>>) dst(%dma_wait3A_275 : memref<10112x128xf32, #tpu.memory_space<vmem_shared>>)
      tpu.yield
    }) : () -> ()
    %dma_wait3A_263 = arith.constant 0 : i32
    %dma_wait3A_264 = arith.constant 0 : i32
    %dma_wait3A_265 = tpu.memref_slice %arg2[%dma_wait3A_263, %dma_wait3A_264] : memref<10240x128xf32, #tpu.memory_space<hbm>> -> memref<96x128xf32, #tpu.memory_space<hbm>>
    %dma_wait3A_266 = arith.constant 0 : i32
    %dma_wait3A_267 = arith.constant 0 : i32
    %dma_wait3A_268 = tpu.memref_slice %arg2[%dma_wait3A_266, %dma_wait3A_267] : memref<10240x128xf32, #tpu.memory_space<hbm>> -> memref<96x128xf32, #tpu.memory_space<hbm>>
    tpu.wait_dma2 semaphore(%arg21 : memref<!tpu.dma_semaphore, #tpu.memory_space<semaphore_mem>>) src(%dma_wait3A_268 : memref<96x128xf32, #tpu.memory_space<hbm>>) dst(%arg15 : memref<96x128xf32, #tpu.memory_space<vmem>>)
    "tpu.region"() ({
      %run_scoped3A = tpu.sem_alloc : memref<!tpu.dma_semaphore, #tpu.memory_space<semaphore_mem>>
      %dma_start3A_270 = arith.constant 0 : i32
      %dma_start3A_271 = arith.constant 0 : i32
      %dma_start3A_272 = tpu.memref_slice %arg19[%dma_start3A_270, %dma_start3A_271] : memref<10112x128xf32, #tpu.memory_space<vmem_shared>> -> memref<10112x128xf32, #tpu.memory_space<vmem_shared>>
      tpu.enqueue_indirect_dma source(%arg15 : memref<96x128xf32, #tpu.memory_space<vmem>>) target(%dma_start3A_272 : memref<10112x128xf32, #tpu.memory_space<vmem_shared>>) offsets(%arg11 : memref<96xi32, #tpu.memory_space<vmem>>) semaphore(%run_scoped3A : memref<!tpu.dma_semaphore, #tpu.memory_space<semaphore_mem>>) {add = true}
      %dma_wait3A_273 = arith.constant 0 : i32
      %dma_wait3A_274 = arith.constant 0 : i32
      %dma_wait3A_275 = tpu.memref_slice %arg19[%dma_wait3A_273, %dma_wait3A_274] : memref<10112x128xf32, #tpu.memory_space<vmem_shared>> -> memref<10112x128xf32, #tpu.memory_space<vmem_shared>>
      tpu.wait_indirect_dma semaphore(%run_scoped3A : memref<!tpu.dma_semaphore, #tpu.memory_space<semaphore_mem>>) src(%arg15 : memref<96x128xf32, #tpu.memory_space<vmem>>) dst(%dma_wait3A_275 : memref<10112x128xf32, #tpu.memory_space<vmem_shared>>)
      tpu.yield
    }) : () -> ()
    %barrier3A_269 = arith.constant 0 : index
    tpu.barrier barrier_id(%barrier3A_269)
    "tpu.region"() ({
      %run_scoped3A = tpu.sem_alloc : memref<!tpu.dma_semaphore, #tpu.memory_space<semaphore_mem>>
      %dma_start3A_270 = arith.constant 0 : i32
      %dma_start3A_271 = tpu.memref_slice %arg6[%arg0, %multiple_of3A, %dma_start3A_270] : memref<2x10240x128xf32, #tpu.memory_space<hbm>> -> memref<1x632x128xf32, #tpu.memory_space<hbm>>
      %dma_start3A_272 = tpu.memref_squeeze %dma_start3A_271 : memref<1x632x128xf32, #tpu.memory_space<hbm>> -> memref<632x128xf32, #tpu.memory_space<hbm>>
      %dma_start3A_273 = arith.constant 0 : i32
      %dma_start3A_274 = tpu.memref_slice %arg19[%multiple_of3A, %dma_start3A_273] : memref<10112x128xf32, #tpu.memory_space<vmem_shared>> -> memref<632x128xf32, #tpu.memory_space<vmem_shared>>
      tpu.enqueue_dma source(%dma_start3A_274 : memref<632x128xf32, #tpu.memory_space<vmem_shared>>) target(%dma_start3A_272 : memref<632x128xf32, #tpu.memory_space<hbm>>) target_semaphore(%run_scoped3A : memref<!tpu.dma_semaphore, #tpu.memory_space<semaphore_mem>>)
      %dma_wait3A_275 = arith.constant 0 : i32
      %dma_wait3A_276 = tpu.memref_slice %arg6[%arg0, %multiple_of3A, %dma_wait3A_275] : memref<2x10240x128xf32, #tpu.memory_space<hbm>> -> memref<1x632x128xf32, #tpu.memory_space<hbm>>
      %dma_wait3A_277 = tpu.memref_squeeze %dma_wait3A_276 : memref<1x632x128xf32, #tpu.memory_space<hbm>> -> memref<632x128xf32, #tpu.memory_space<hbm>>
      %dma_wait3A_278 = arith.constant 0 : i32
      %dma_wait3A_279 = tpu.memref_slice %arg19[%multiple_of3A, %dma_wait3A_278] : memref<10112x128xf32, #tpu.memory_space<vmem_shared>> -> memref<632x128xf32, #tpu.memory_space<vmem_shared>>
      tpu.wait_dma2 semaphore(%run_scoped3A : memref<!tpu.dma_semaphore, #tpu.memory_space<semaphore_mem>>) src(%dma_wait3A_279 : memref<632x128xf32, #tpu.memory_space<vmem_shared>>) dst(%dma_wait3A_277 : memref<632x128xf32, #tpu.memory_space<hbm>>)
      tpu.yield
    }) : () -> ()
    return
  }
}

#map = affine_map<(d0, d1) -> (0, 0)>
#map1 = affine_map<(d0, d1) -> (0)>
#map2 = affine_map<(d0, d1) -> (0, 0, 0)>
module attributes {stable_mosaic.version = 14 : i64} {
  func.func @body(%arg0: i32, %arg1: i32, %arg2: memref<322560x128xf32, #tpu.memory_space<hbm>>, %arg3: memref<322560xi32, #tpu.memory_space<hbm>>, %arg4: memref<632x128xf32, #tpu.memory_space<hbm>>, %arg5: memref<2x10240x128xf32, #tpu.memory_space<hbm>>, %arg6: memref<96xi32, #tpu.memory_space<vmem>>, %arg7: memref<96xi32, #tpu.memory_space<vmem>>, %arg8: memref<96xi32, #tpu.memory_space<vmem>>, %arg9: memref<96xi32, #tpu.memory_space<vmem>>, %arg10: memref<96x128xf32, #tpu.memory_space<vmem>>, %arg11: memref<96x128xf32, #tpu.memory_space<vmem>>, %arg12: memref<96x128xf32, #tpu.memory_space<vmem>>, %arg13: memref<96x128xf32, #tpu.memory_space<vmem>>, %arg14: memref<10112x128xf32, #tpu.memory_space<vmem_shared>>, %arg15: memref<!tpu.dma_semaphore, #tpu.memory_space<semaphore_mem>>, %arg16: memref<!tpu.dma_semaphore, #tpu.memory_space<semaphore_mem>>) attributes {dimension_semantics = [#tpu.dimension_semantics<core_parallel>, #tpu.dimension_semantics<subcore_parallel>], iteration_bounds = array<i64: 2, 16>, scalar_prefetch = 0 : i64, scratch_operands = 11 : i64, tpu.core_type = #tpu.core_type<sc_vector_subcore>, window_params = [{transform_indices = #map}, {transform_indices = #map1}, {transform_indices = #map}, {transform_indices = #map2}]} {
    %mul3A = arith.constant 2 : i32
    %mul3A_0 = arith.muli %arg1, %mul3A : i32
    %add3A = arith.addi %mul3A_0, %arg0 : i32
    %mul3A_1 = arith.constant 632 : i32
    %mul3A_2 = arith.muli %arg1, %mul3A_1 : i32
    %multiple_of3A = tpu.assume_multiple %mul3A_2, 8 : i32
    %mul3A_3 = arith.constant 10080 : i32
    %mul3A_4 = arith.muli %add3A, %mul3A_3 : i32
    "tpu.region"() ({
      %run_scoped3A = tpu.sem_alloc : memref<!tpu.dma_semaphore, #tpu.memory_space<semaphore_mem>>
      %dma_start3A_216 = arith.constant 0 : i32
      %dma_start3A_217 = tpu.memref_slice %arg14[%multiple_of3A, %dma_start3A_216] : memref<10112x128xf32, #tpu.memory_space<vmem_shared>> -> memref<632x128xf32, #tpu.memory_space<vmem_shared>>
      tpu.enqueue_dma source(%arg4 : memref<632x128xf32, #tpu.memory_space<hbm>>) target(%dma_start3A_217 : memref<632x128xf32, #tpu.memory_space<vmem_shared>>) target_semaphore(%run_scoped3A : memref<!tpu.dma_semaphore, #tpu.memory_space<semaphore_mem>>)
      %dma_wait3A_218 = arith.constant 0 : i32
      %dma_wait3A_219 = tpu.memref_slice %arg14[%multiple_of3A, %dma_wait3A_218] : memref<10112x128xf32, #tpu.memory_space<vmem_shared>> -> memref<632x128xf32, #tpu.memory_space<vmem_shared>>
      tpu.wait_dma2 semaphore(%run_scoped3A : memref<!tpu.dma_semaphore, #tpu.memory_space<semaphore_mem>>) src(%arg4 : memref<632x128xf32, #tpu.memory_space<hbm>>) dst(%dma_wait3A_219 : memref<632x128xf32, #tpu.memory_space<vmem_shared>>)
      tpu.yield
    }) : () -> ()
    %barrier3A = arith.constant 0 : index
    tpu.barrier barrier_id(%barrier3A)
    %add3A_5 = arith.constant 0 : i32
    %add3A_6 = arith.addi %mul3A_4, %add3A_5 : i32
    %multiple_of3A_7 = tpu.assume_multiple %add3A_6, 8 : i32
    %dma_start3A = tpu.memref_slice %arg3[%multiple_of3A_7] : memref<322560xi32, #tpu.memory_space<hbm>> -> memref<96xi32, #tpu.memory_space<hbm>>
    %dma_start3A_8 = tpu.memref_slice %arg3[%multiple_of3A_7] : memref<322560xi32, #tpu.memory_space<hbm>> -> memref<96xi32, #tpu.memory_space<hbm>>
    tpu.enqueue_dma source(%dma_start3A_8 : memref<96xi32, #tpu.memory_space<hbm>>) target(%arg6 : memref<96xi32, #tpu.memory_space<vmem>>) target_semaphore(%arg15 : memref<!tpu.dma_semaphore, #tpu.memory_space<semaphore_mem>>)
    %add3A_9 = arith.constant 96 : i32
    %add3A_10 = arith.addi %mul3A_4, %add3A_9 : i32
    %multiple_of3A_11 = tpu.assume_multiple %add3A_10, 8 : i32
    %dma_start3A_12 = tpu.memref_slice %arg3[%multiple_of3A_11] : memref<322560xi32, #tpu.memory_space<hbm>> -> memref<96xi32, #tpu.memory_space<hbm>>
    %dma_start3A_13 = tpu.memref_slice %arg3[%multiple_of3A_11] : memref<322560xi32, #tpu.memory_space<hbm>> -> memref<96xi32, #tpu.memory_space<hbm>>
    tpu.enqueue_dma source(%dma_start3A_13 : memref<96xi32, #tpu.memory_space<hbm>>) target(%arg7 : memref<96xi32, #tpu.memory_space<vmem>>) target_semaphore(%arg15 : memref<!tpu.dma_semaphore, #tpu.memory_space<semaphore_mem>>)
    %add3A_14 = arith.constant 192 : i32
    %add3A_15 = arith.addi %mul3A_4, %add3A_14 : i32
    %multiple_of3A_16 = tpu.assume_multiple %add3A_15, 8 : i32
    %dma_start3A_17 = tpu.memref_slice %arg3[%multiple_of3A_16] : memref<322560xi32, #tpu.memory_space<hbm>> -> memref<96xi32, #tpu.memory_space<hbm>>
    %dma_start3A_18 = tpu.memref_slice %arg3[%multiple_of3A_16] : memref<322560xi32, #tpu.memory_space<hbm>> -> memref<96xi32, #tpu.memory_space<hbm>>
    tpu.enqueue_dma source(%dma_start3A_18 : memref<96xi32, #tpu.memory_space<hbm>>) target(%arg8 : memref<96xi32, #tpu.memory_space<vmem>>) target_semaphore(%arg15 : memref<!tpu.dma_semaphore, #tpu.memory_space<semaphore_mem>>)
    %add3A_19 = arith.constant 0 : i32
    %add3A_20 = arith.addi %mul3A_4, %add3A_19 : i32
    %multiple_of3A_21 = tpu.assume_multiple %add3A_20, 8 : i32
    %dma_wait3A = tpu.memref_slice %arg3[%multiple_of3A_21] : memref<322560xi32, #tpu.memory_space<hbm>> -> memref<96xi32, #tpu.memory_space<hbm>>
    %dma_wait3A_22 = tpu.memref_slice %arg3[%multiple_of3A_21] : memref<322560xi32, #tpu.memory_space<hbm>> -> memref<96xi32, #tpu.memory_space<hbm>>
    tpu.wait_dma2 semaphore(%arg15 : memref<!tpu.dma_semaphore, #tpu.memory_space<semaphore_mem>>) src(%dma_wait3A_22 : memref<96xi32, #tpu.memory_space<hbm>>) dst(%arg6 : memref<96xi32, #tpu.memory_space<vmem>>)
    %add3A_23 = arith.constant 0 : i32
    %add3A_24 = arith.addi %mul3A_4, %add3A_23 : i32
    %multiple_of3A_25 = tpu.assume_multiple %add3A_24, 8 : i32
    %dma_start3A_26 = arith.constant 0 : i32
    %dma_start3A_27 = tpu.memref_slice %arg2[%multiple_of3A_25, %dma_start3A_26] : memref<322560x128xf32, #tpu.memory_space<hbm>> -> memref<96x128xf32, #tpu.memory_space<hbm>>
    %dma_start3A_28 = arith.constant 0 : i32
    %dma_start3A_29 = tpu.memref_slice %arg2[%multiple_of3A_25, %dma_start3A_28] : memref<322560x128xf32, #tpu.memory_space<hbm>> -> memref<96x128xf32, #tpu.memory_space<hbm>>
    tpu.enqueue_dma source(%dma_start3A_29 : memref<96x128xf32, #tpu.memory_space<hbm>>) target(%arg10 : memref<96x128xf32, #tpu.memory_space<vmem>>) target_semaphore(%arg16 : memref<!tpu.dma_semaphore, #tpu.memory_space<semaphore_mem>>)
    %add3A_30 = arith.constant 96 : i32
    %add3A_31 = arith.addi %mul3A_4, %add3A_30 : i32
    %multiple_of3A_32 = tpu.assume_multiple %add3A_31, 8 : i32
    %dma_wait3A_33 = tpu.memref_slice %arg3[%multiple_of3A_32] : memref<322560xi32, #tpu.memory_space<hbm>> -> memref<96xi32, #tpu.memory_space<hbm>>
    %dma_wait3A_34 = tpu.memref_slice %arg3[%multiple_of3A_32] : memref<322560xi32, #tpu.memory_space<hbm>> -> memref<96xi32, #tpu.memory_space<hbm>>
    tpu.wait_dma2 semaphore(%arg15 : memref<!tpu.dma_semaphore, #tpu.memory_space<semaphore_mem>>) src(%dma_wait3A_34 : memref<96xi32, #tpu.memory_space<hbm>>) dst(%arg7 : memref<96xi32, #tpu.memory_space<vmem>>)
    %add3A_35 = arith.constant 96 : i32
    %add3A_36 = arith.addi %mul3A_4, %add3A_35 : i32
    %multiple_of3A_37 = tpu.assume_multiple %add3A_36, 8 : i32
    %dma_start3A_38 = arith.constant 0 : i32
    %dma_start3A_39 = tpu.memref_slice %arg2[%multiple_of3A_37, %dma_start3A_38] : memref<322560x128xf32, #tpu.memory_space<hbm>> -> memref<96x128xf32, #tpu.memory_space<hbm>>
    %dma_start3A_40 = arith.constant 0 : i32
    %dma_start3A_41 = tpu.memref_slice %arg2[%multiple_of3A_37, %dma_start3A_40] : memref<322560x128xf32, #tpu.memory_space<hbm>> -> memref<96x128xf32, #tpu.memory_space<hbm>>
    tpu.enqueue_dma source(%dma_start3A_41 : memref<96x128xf32, #tpu.memory_space<hbm>>) target(%arg11 : memref<96x128xf32, #tpu.memory_space<vmem>>) target_semaphore(%arg16 : memref<!tpu.dma_semaphore, #tpu.memory_space<semaphore_mem>>)
    %add3A_42 = arith.constant 192 : i32
    %add3A_43 = arith.addi %mul3A_4, %add3A_42 : i32
    %multiple_of3A_44 = tpu.assume_multiple %add3A_43, 8 : i32
    %dma_wait3A_45 = tpu.memref_slice %arg3[%multiple_of3A_44] : memref<322560xi32, #tpu.memory_space<hbm>> -> memref<96xi32, #tpu.memory_space<hbm>>
    %dma_wait3A_46 = tpu.memref_slice %arg3[%multiple_of3A_44] : memref<322560xi32, #tpu.memory_space<hbm>> -> memref<96xi32, #tpu.memory_space<hbm>>
    tpu.wait_dma2 semaphore(%arg15 : memref<!tpu.dma_semaphore, #tpu.memory_space<semaphore_mem>>) src(%dma_wait3A_46 : memref<96xi32, #tpu.memory_space<hbm>>) dst(%arg8 : memref<96xi32, #tpu.memory_space<vmem>>)
    %add3A_47 = arith.constant 192 : i32
    %add3A_48 = arith.addi %mul3A_4, %add3A_47 : i32
    %multiple_of3A_49 = tpu.assume_multiple %add3A_48, 8 : i32
    %dma_start3A_50 = arith.constant 0 : i32
    %dma_start3A_51 = tpu.memref_slice %arg2[%multiple_of3A_49, %dma_start3A_50] : memref<322560x128xf32, #tpu.memory_space<hbm>> -> memref<96x128xf32, #tpu.memory_space<hbm>>
    %dma_start3A_52 = arith.constant 0 : i32
    %dma_start3A_53 = tpu.memref_slice %arg2[%multiple_of3A_49, %dma_start3A_52] : memref<322560x128xf32, #tpu.memory_space<hbm>> -> memref<96x128xf32, #tpu.memory_space<hbm>>
    tpu.enqueue_dma source(%dma_start3A_53 : memref<96x128xf32, #tpu.memory_space<hbm>>) target(%arg12 : memref<96x128xf32, #tpu.memory_space<vmem>>) target_semaphore(%arg16 : memref<!tpu.dma_semaphore, #tpu.memory_space<semaphore_mem>>)
    %add3A_54 = arith.constant 288 : i32
    %add3A_55 = arith.addi %mul3A_4, %add3A_54 : i32
    %multiple_of3A_56 = tpu.assume_multiple %add3A_55, 8 : i32
    %dma_start3A_57 = tpu.memref_slice %arg3[%multiple_of3A_56] : memref<322560xi32, #tpu.memory_space<hbm>> -> memref<96xi32, #tpu.memory_space<hbm>>
    %dma_start3A_58 = tpu.memref_slice %arg3[%multiple_of3A_56] : memref<322560xi32, #tpu.memory_space<hbm>> -> memref<96xi32, #tpu.memory_space<hbm>>
    tpu.enqueue_dma source(%dma_start3A_58 : memref<96xi32, #tpu.memory_space<hbm>>) target(%arg9 : memref<96xi32, #tpu.memory_space<vmem>>) target_semaphore(%arg15 : memref<!tpu.dma_semaphore, #tpu.memory_space<semaphore_mem>>)
    %dma_wait3A_59 = arith.constant 0 : i32
    %dma_wait3A_60 = arith.constant 0 : i32
    %dma_wait3A_61 = tpu.memref_slice %arg2[%dma_wait3A_59, %dma_wait3A_60] : memref<322560x128xf32, #tpu.memory_space<hbm>> -> memref<96x128xf32, #tpu.memory_space<hbm>>
    %dma_wait3A_62 = arith.constant 0 : i32
    %dma_wait3A_63 = arith.constant 0 : i32
    %dma_wait3A_64 = tpu.memref_slice %arg2[%dma_wait3A_62, %dma_wait3A_63] : memref<322560x128xf32, #tpu.memory_space<hbm>> -> memref<96x128xf32, #tpu.memory_space<hbm>>
    tpu.wait_dma2 semaphore(%arg16 : memref<!tpu.dma_semaphore, #tpu.memory_space<semaphore_mem>>) src(%dma_wait3A_64 : memref<96x128xf32, #tpu.memory_space<hbm>>) dst(%arg10 : memref<96x128xf32, #tpu.memory_space<vmem>>)
    "tpu.region"() ({
      %run_scoped3A = tpu.sem_alloc : memref<!tpu.dma_semaphore, #tpu.memory_space<semaphore_mem>>
      %dma_start3A_216 = arith.constant 0 : i32
      %dma_start3A_217 = arith.constant 0 : i32
      %dma_start3A_218 = tpu.memref_slice %arg14[%dma_start3A_216, %dma_start3A_217] : memref<10112x128xf32, #tpu.memory_space<vmem_shared>> -> memref<10112x128xf32, #tpu.memory_space<vmem_shared>>
      tpu.enqueue_indirect_dma source(%arg10 : memref<96x128xf32, #tpu.memory_space<vmem>>) target(%dma_start3A_218 : memref<10112x128xf32, #tpu.memory_space<vmem_shared>>) offsets(%arg6 : memref<96xi32, #tpu.memory_space<vmem>>) semaphore(%run_scoped3A : memref<!tpu.dma_semaphore, #tpu.memory_space<semaphore_mem>>) {add = true}
      %dma_wait3A_219 = arith.constant 0 : i32
      %dma_wait3A_220 = arith.constant 0 : i32
      %dma_wait3A_221 = tpu.memref_slice %arg14[%dma_wait3A_219, %dma_wait3A_220] : memref<10112x128xf32, #tpu.memory_space<vmem_shared>> -> memref<10112x128xf32, #tpu.memory_space<vmem_shared>>
      tpu.wait_indirect_dma semaphore(%run_scoped3A : memref<!tpu.dma_semaphore, #tpu.memory_space<semaphore_mem>>) src(%arg10 : memref<96x128xf32, #tpu.memory_space<vmem>>) dst(%dma_wait3A_221 : memref<10112x128xf32, #tpu.memory_space<vmem_shared>>)
      tpu.yield
    }) : () -> ()
    %add3A_65 = arith.constant 288 : i32
    %add3A_66 = arith.addi %mul3A_4, %add3A_65 : i32
    %multiple_of3A_67 = tpu.assume_multiple %add3A_66, 8 : i32
    %dma_wait3A_68 = tpu.memref_slice %arg3[%multiple_of3A_67] : memref<322560xi32, #tpu.memory_space<hbm>> -> memref<96xi32, #tpu.memory_space<hbm>>
    %dma_wait3A_69 = tpu.memref_slice %arg3[%multiple_of3A_67] : memref<322560xi32, #tpu.memory_space<hbm>> -> memref<96xi32, #tpu.memory_space<hbm>>
    tpu.wait_dma2 semaphore(%arg15 : memref<!tpu.dma_semaphore, #tpu.memory_space<semaphore_mem>>) src(%dma_wait3A_69 : memref<96xi32, #tpu.memory_space<hbm>>) dst(%arg9 : memref<96xi32, #tpu.memory_space<vmem>>)
    %add3A_70 = arith.constant 288 : i32
    %add3A_71 = arith.addi %mul3A_4, %add3A_70 : i32
    %multiple_of3A_72 = tpu.assume_multiple %add3A_71, 8 : i32
    %dma_start3A_73 = arith.constant 0 : i32
    %dma_start3A_74 = tpu.memref_slice %arg2[%multiple_of3A_72, %dma_start3A_73] : memref<322560x128xf32, #tpu.memory_space<hbm>> -> memref<96x128xf32, #tpu.memory_space<hbm>>
    %dma_start3A_75 = arith.constant 0 : i32
    %dma_start3A_76 = tpu.memref_slice %arg2[%multiple_of3A_72, %dma_start3A_75] : memref<322560x128xf32, #tpu.memory_space<hbm>> -> memref<96x128xf32, #tpu.memory_space<hbm>>
    tpu.enqueue_dma source(%dma_start3A_76 : memref<96x128xf32, #tpu.memory_space<hbm>>) target(%arg13 : memref<96x128xf32, #tpu.memory_space<vmem>>) target_semaphore(%arg16 : memref<!tpu.dma_semaphore, #tpu.memory_space<semaphore_mem>>)
    %add3A_77 = arith.constant 384 : i32
    %add3A_78 = arith.addi %mul3A_4, %add3A_77 : i32
    %multiple_of3A_79 = tpu.assume_multiple %add3A_78, 8 : i32
    %dma_start3A_80 = tpu.memref_slice %arg3[%multiple_of3A_79] : memref<322560xi32, #tpu.memory_space<hbm>> -> memref<96xi32, #tpu.memory_space<hbm>>
    %dma_start3A_81 = tpu.memref_slice %arg3[%multiple_of3A_79] : memref<322560xi32, #tpu.memory_space<hbm>> -> memref<96xi32, #tpu.memory_space<hbm>>
    tpu.enqueue_dma source(%dma_start3A_81 : memref<96xi32, #tpu.memory_space<hbm>>) target(%arg6 : memref<96xi32, #tpu.memory_space<vmem>>) target_semaphore(%arg15 : memref<!tpu.dma_semaphore, #tpu.memory_space<semaphore_mem>>)
    %dma_wait3A_82 = arith.constant 0 : i32
    %dma_wait3A_83 = arith.constant 0 : i32
    %dma_wait3A_84 = tpu.memref_slice %arg2[%dma_wait3A_82, %dma_wait3A_83] : memref<322560x128xf32, #tpu.memory_space<hbm>> -> memref<96x128xf32, #tpu.memory_space<hbm>>
    %dma_wait3A_85 = arith.constant 0 : i32
    %dma_wait3A_86 = arith.constant 0 : i32
    %dma_wait3A_87 = tpu.memref_slice %arg2[%dma_wait3A_85, %dma_wait3A_86] : memref<322560x128xf32, #tpu.memory_space<hbm>> -> memref<96x128xf32, #tpu.memory_space<hbm>>
    tpu.wait_dma2 semaphore(%arg16 : memref<!tpu.dma_semaphore, #tpu.memory_space<semaphore_mem>>) src(%dma_wait3A_87 : memref<96x128xf32, #tpu.memory_space<hbm>>) dst(%arg11 : memref<96x128xf32, #tpu.memory_space<vmem>>)
    "tpu.region"() ({
      %run_scoped3A = tpu.sem_alloc : memref<!tpu.dma_semaphore, #tpu.memory_space<semaphore_mem>>
      %dma_start3A_216 = arith.constant 0 : i32
      %dma_start3A_217 = arith.constant 0 : i32
      %dma_start3A_218 = tpu.memref_slice %arg14[%dma_start3A_216, %dma_start3A_217] : memref<10112x128xf32, #tpu.memory_space<vmem_shared>> -> memref<10112x128xf32, #tpu.memory_space<vmem_shared>>
      tpu.enqueue_indirect_dma source(%arg11 : memref<96x128xf32, #tpu.memory_space<vmem>>) target(%dma_start3A_218 : memref<10112x128xf32, #tpu.memory_space<vmem_shared>>) offsets(%arg7 : memref<96xi32, #tpu.memory_space<vmem>>) semaphore(%run_scoped3A : memref<!tpu.dma_semaphore, #tpu.memory_space<semaphore_mem>>) {add = true}
      %dma_wait3A_219 = arith.constant 0 : i32
      %dma_wait3A_220 = arith.constant 0 : i32
      %dma_wait3A_221 = tpu.memref_slice %arg14[%dma_wait3A_219, %dma_wait3A_220] : memref<10112x128xf32, #tpu.memory_space<vmem_shared>> -> memref<10112x128xf32, #tpu.memory_space<vmem_shared>>
      tpu.wait_indirect_dma semaphore(%run_scoped3A : memref<!tpu.dma_semaphore, #tpu.memory_space<semaphore_mem>>) src(%arg11 : memref<96x128xf32, #tpu.memory_space<vmem>>) dst(%dma_wait3A_221 : memref<10112x128xf32, #tpu.memory_space<vmem_shared>>)
      tpu.yield
    }) : () -> ()
    %scan3A = arith.constant 0 : i32
    %scan3A_88 = arith.constant 0 : i32
    %scan3A_89 = arith.constant 24 : i32
    %scan3A_90 = arith.addi %scan3A_88, %scan3A_89 : i32
    %scan3A_91 = arith.constant 1 : i32
    scf.for %scan3A_216 = %scan3A_88 to %scan3A_90 step %scan3A_91  : i32 {
      %mul3A_217 = arith.constant 4 : i32
      %mul3A_218 = arith.muli %mul3A_217, %scan3A_216 : i32
      %add3A_219 = arith.constant 2 : i32
      %add3A_220 = arith.addi %add3A_219, %mul3A_218 : i32
      %add3A_221 = arith.constant 0 : i32
      %add3A_222 = arith.addi %add3A_220, %add3A_221 : i32
      %add3A_223 = arith.constant 2 : i32
      %add3A_224 = arith.addi %add3A_222, %add3A_223 : i32
      %mul3A_225 = arith.constant 96 : i32
      %mul3A_226 = arith.muli %add3A_224, %mul3A_225 : i32
      %add3A_227 = arith.addi %mul3A_4, %mul3A_226 : i32
      %multiple_of3A_228 = tpu.assume_multiple %add3A_227, 8 : i32
      %dma_wait3A_229 = tpu.memref_slice %arg3[%multiple_of3A_228] : memref<322560xi32, #tpu.memory_space<hbm>> -> memref<96xi32, #tpu.memory_space<hbm>>
      %dma_wait3A_230 = tpu.memref_slice %arg3[%multiple_of3A_228] : memref<322560xi32, #tpu.memory_space<hbm>> -> memref<96xi32, #tpu.memory_space<hbm>>
      tpu.wait_dma2 semaphore(%arg15 : memref<!tpu.dma_semaphore, #tpu.memory_space<semaphore_mem>>) src(%dma_wait3A_230 : memref<96xi32, #tpu.memory_space<hbm>>) dst(%arg6 : memref<96xi32, #tpu.memory_space<vmem>>)
      %add3A_231 = arith.constant 2 : i32
      %add3A_232 = arith.addi %add3A_222, %add3A_231 : i32
      %mul3A_233 = arith.constant 96 : i32
      %mul3A_234 = arith.muli %add3A_232, %mul3A_233 : i32
      %add3A_235 = arith.addi %mul3A_4, %mul3A_234 : i32
      %multiple_of3A_236 = tpu.assume_multiple %add3A_235, 8 : i32
      %dma_start3A_237 = arith.constant 0 : i32
      %dma_start3A_238 = tpu.memref_slice %arg2[%multiple_of3A_236, %dma_start3A_237] : memref<322560x128xf32, #tpu.memory_space<hbm>> -> memref<96x128xf32, #tpu.memory_space<hbm>>
      %dma_start3A_239 = arith.constant 0 : i32
      %dma_start3A_240 = tpu.memref_slice %arg2[%multiple_of3A_236, %dma_start3A_239] : memref<322560x128xf32, #tpu.memory_space<hbm>> -> memref<96x128xf32, #tpu.memory_space<hbm>>
      tpu.enqueue_dma source(%dma_start3A_240 : memref<96x128xf32, #tpu.memory_space<hbm>>) target(%arg10 : memref<96x128xf32, #tpu.memory_space<vmem>>) target_semaphore(%arg16 : memref<!tpu.dma_semaphore, #tpu.memory_space<semaphore_mem>>)
      %add3A_241 = arith.constant 3 : i32
      %add3A_242 = arith.addi %add3A_222, %add3A_241 : i32
      %mul3A_243 = arith.constant 96 : i32
      %mul3A_244 = arith.muli %add3A_242, %mul3A_243 : i32
      %add3A_245 = arith.addi %mul3A_4, %mul3A_244 : i32
      %multiple_of3A_246 = tpu.assume_multiple %add3A_245, 8 : i32
      %dma_start3A_247 = tpu.memref_slice %arg3[%multiple_of3A_246] : memref<322560xi32, #tpu.memory_space<hbm>> -> memref<96xi32, #tpu.memory_space<hbm>>
      %dma_start3A_248 = tpu.memref_slice %arg3[%multiple_of3A_246] : memref<322560xi32, #tpu.memory_space<hbm>> -> memref<96xi32, #tpu.memory_space<hbm>>
      tpu.enqueue_dma source(%dma_start3A_248 : memref<96xi32, #tpu.memory_space<hbm>>) target(%arg7 : memref<96xi32, #tpu.memory_space<vmem>>) target_semaphore(%arg15 : memref<!tpu.dma_semaphore, #tpu.memory_space<semaphore_mem>>)
      %dma_wait3A_249 = arith.constant 0 : i32
      %dma_wait3A_250 = arith.constant 0 : i32
      %dma_wait3A_251 = tpu.memref_slice %arg2[%dma_wait3A_249, %dma_wait3A_250] : memref<322560x128xf32, #tpu.memory_space<hbm>> -> memref<96x128xf32, #tpu.memory_space<hbm>>
      %dma_wait3A_252 = arith.constant 0 : i32
      %dma_wait3A_253 = arith.constant 0 : i32
      %dma_wait3A_254 = tpu.memref_slice %arg2[%dma_wait3A_252, %dma_wait3A_253] : memref<322560x128xf32, #tpu.memory_space<hbm>> -> memref<96x128xf32, #tpu.memory_space<hbm>>
      tpu.wait_dma2 semaphore(%arg16 : memref<!tpu.dma_semaphore, #tpu.memory_space<semaphore_mem>>) src(%dma_wait3A_254 : memref<96x128xf32, #tpu.memory_space<hbm>>) dst(%arg12 : memref<96x128xf32, #tpu.memory_space<vmem>>)
      "tpu.region"() ({
        %run_scoped3A = tpu.sem_alloc : memref<!tpu.dma_semaphore, #tpu.memory_space<semaphore_mem>>
        %dma_start3A_369 = arith.constant 0 : i32
        %dma_start3A_370 = arith.constant 0 : i32
        %dma_start3A_371 = tpu.memref_slice %arg14[%dma_start3A_369, %dma_start3A_370] : memref<10112x128xf32, #tpu.memory_space<vmem_shared>> -> memref<10112x128xf32, #tpu.memory_space<vmem_shared>>
        tpu.enqueue_indirect_dma source(%arg12 : memref<96x128xf32, #tpu.memory_space<vmem>>) target(%dma_start3A_371 : memref<10112x128xf32, #tpu.memory_space<vmem_shared>>) offsets(%arg8 : memref<96xi32, #tpu.memory_space<vmem>>) semaphore(%run_scoped3A : memref<!tpu.dma_semaphore, #tpu.memory_space<semaphore_mem>>) {add = true}
        %dma_wait3A_372 = arith.constant 0 : i32
        %dma_wait3A_373 = arith.constant 0 : i32
        %dma_wait3A_374 = tpu.memref_slice %arg14[%dma_wait3A_372, %dma_wait3A_373] : memref<10112x128xf32, #tpu.memory_space<vmem_shared>> -> memref<10112x128xf32, #tpu.memory_space<vmem_shared>>
        tpu.wait_indirect_dma semaphore(%run_scoped3A : memref<!tpu.dma_semaphore, #tpu.memory_space<semaphore_mem>>) src(%arg12 : memref<96x128xf32, #tpu.memory_space<vmem>>) dst(%dma_wait3A_374 : memref<10112x128xf32, #tpu.memory_space<vmem_shared>>)
        tpu.yield
      }) : () -> ()
      %mul3A_255 = arith.constant 4 : i32
      %mul3A_256 = arith.muli %mul3A_255, %scan3A_216 : i32
      %add3A_257 = arith.constant 2 : i32
      %add3A_258 = arith.addi %add3A_257, %mul3A_256 : i32
      %add3A_259 = arith.constant 1 : i32
      %add3A_260 = arith.addi %add3A_258, %add3A_259 : i32
      %add3A_261 = arith.constant 2 : i32
      %add3A_262 = arith.addi %add3A_260, %add3A_261 : i32
      %mul3A_263 = arith.constant 96 : i32
      %mul3A_264 = arith.muli %add3A_262, %mul3A_263 : i32
      %add3A_265 = arith.addi %mul3A_4, %mul3A_264 : i32
      %multiple_of3A_266 = tpu.assume_multiple %add3A_265, 8 : i32
      %dma_wait3A_267 = tpu.memref_slice %arg3[%multiple_of3A_266] : memref<322560xi32, #tpu.memory_space<hbm>> -> memref<96xi32, #tpu.memory_space<hbm>>
      %dma_wait3A_268 = tpu.memref_slice %arg3[%multiple_of3A_266] : memref<322560xi32, #tpu.memory_space<hbm>> -> memref<96xi32, #tpu.memory_space<hbm>>
      tpu.wait_dma2 semaphore(%arg15 : memref<!tpu.dma_semaphore, #tpu.memory_space<semaphore_mem>>) src(%dma_wait3A_268 : memref<96xi32, #tpu.memory_space<hbm>>) dst(%arg7 : memref<96xi32, #tpu.memory_space<vmem>>)
      %add3A_269 = arith.constant 2 : i32
      %add3A_270 = arith.addi %add3A_260, %add3A_269 : i32
      %mul3A_271 = arith.constant 96 : i32
      %mul3A_272 = arith.muli %add3A_270, %mul3A_271 : i32
      %add3A_273 = arith.addi %mul3A_4, %mul3A_272 : i32
      %multiple_of3A_274 = tpu.assume_multiple %add3A_273, 8 : i32
      %dma_start3A_275 = arith.constant 0 : i32
      %dma_start3A_276 = tpu.memref_slice %arg2[%multiple_of3A_274, %dma_start3A_275] : memref<322560x128xf32, #tpu.memory_space<hbm>> -> memref<96x128xf32, #tpu.memory_space<hbm>>
      %dma_start3A_277 = arith.constant 0 : i32
      %dma_start3A_278 = tpu.memref_slice %arg2[%multiple_of3A_274, %dma_start3A_277] : memref<322560x128xf32, #tpu.memory_space<hbm>> -> memref<96x128xf32, #tpu.memory_space<hbm>>
      tpu.enqueue_dma source(%dma_start3A_278 : memref<96x128xf32, #tpu.memory_space<hbm>>) target(%arg11 : memref<96x128xf32, #tpu.memory_space<vmem>>) target_semaphore(%arg16 : memref<!tpu.dma_semaphore, #tpu.memory_space<semaphore_mem>>)
      %add3A_279 = arith.constant 3 : i32
      %add3A_280 = arith.addi %add3A_260, %add3A_279 : i32
      %mul3A_281 = arith.constant 96 : i32
      %mul3A_282 = arith.muli %add3A_280, %mul3A_281 : i32
      %add3A_283 = arith.addi %mul3A_4, %mul3A_282 : i32
      %multiple_of3A_284 = tpu.assume_multiple %add3A_283, 8 : i32
      %dma_start3A_285 = tpu.memref_slice %arg3[%multiple_of3A_284] : memref<322560xi32, #tpu.memory_space<hbm>> -> memref<96xi32, #tpu.memory_space<hbm>>
      %dma_start3A_286 = tpu.memref_slice %arg3[%multiple_of3A_284] : memref<322560xi32, #tpu.memory_space<hbm>> -> memref<96xi32, #tpu.memory_space<hbm>>
      tpu.enqueue_dma source(%dma_start3A_286 : memref<96xi32, #tpu.memory_space<hbm>>) target(%arg8 : memref<96xi32, #tpu.memory_space<vmem>>) target_semaphore(%arg15 : memref<!tpu.dma_semaphore, #tpu.memory_space<semaphore_mem>>)
      %dma_wait3A_287 = arith.constant 0 : i32
      %dma_wait3A_288 = arith.constant 0 : i32
      %dma_wait3A_289 = tpu.memref_slice %arg2[%dma_wait3A_287, %dma_wait3A_288] : memref<322560x128xf32, #tpu.memory_space<hbm>> -> memref<96x128xf32, #tpu.memory_space<hbm>>
      %dma_wait3A_290 = arith.constant 0 : i32
      %dma_wait3A_291 = arith.constant 0 : i32
      %dma_wait3A_292 = tpu.memref_slice %arg2[%dma_wait3A_290, %dma_wait3A_291] : memref<322560x128xf32, #tpu.memory_space<hbm>> -> memref<96x128xf32, #tpu.memory_space<hbm>>
      tpu.wait_dma2 semaphore(%arg16 : memref<!tpu.dma_semaphore, #tpu.memory_space<semaphore_mem>>) src(%dma_wait3A_292 : memref<96x128xf32, #tpu.memory_space<hbm>>) dst(%arg13 : memref<96x128xf32, #tpu.memory_space<vmem>>)
      "tpu.region"() ({
        %run_scoped3A = tpu.sem_alloc : memref<!tpu.dma_semaphore, #tpu.memory_space<semaphore_mem>>
        %dma_start3A_369 = arith.constant 0 : i32
        %dma_start3A_370 = arith.constant 0 : i32
        %dma_start3A_371 = tpu.memref_slice %arg14[%dma_start3A_369, %dma_start3A_370] : memref<10112x128xf32, #tpu.memory_space<vmem_shared>> -> memref<10112x128xf32, #tpu.memory_space<vmem_shared>>
        tpu.enqueue_indirect_dma source(%arg13 : memref<96x128xf32, #tpu.memory_space<vmem>>) target(%dma_start3A_371 : memref<10112x128xf32, #tpu.memory_space<vmem_shared>>) offsets(%arg9 : memref<96xi32, #tpu.memory_space<vmem>>) semaphore(%run_scoped3A : memref<!tpu.dma_semaphore, #tpu.memory_space<semaphore_mem>>) {add = true}
        %dma_wait3A_372 = arith.constant 0 : i32
        %dma_wait3A_373 = arith.constant 0 : i32
        %dma_wait3A_374 = tpu.memref_slice %arg14[%dma_wait3A_372, %dma_wait3A_373] : memref<10112x128xf32, #tpu.memory_space<vmem_shared>> -> memref<10112x128xf32, #tpu.memory_space<vmem_shared>>
        tpu.wait_indirect_dma semaphore(%run_scoped3A : memref<!tpu.dma_semaphore, #tpu.memory_space<semaphore_mem>>) src(%arg13 : memref<96x128xf32, #tpu.memory_space<vmem>>) dst(%dma_wait3A_374 : memref<10112x128xf32, #tpu.memory_space<vmem_shared>>)
        tpu.yield
      }) : () -> ()
      %mul3A_293 = arith.constant 4 : i32
      %mul3A_294 = arith.muli %mul3A_293, %scan3A_216 : i32
      %add3A_295 = arith.constant 2 : i32
      %add3A_296 = arith.addi %add3A_295, %mul3A_294 : i32
      %add3A_297 = arith.constant 2 : i32
      %add3A_298 = arith.addi %add3A_296, %add3A_297 : i32
      %add3A_299 = arith.constant 2 : i32
      %add3A_300 = arith.addi %add3A_298, %add3A_299 : i32
      %mul3A_301 = arith.constant 96 : i32
      %mul3A_302 = arith.muli %add3A_300, %mul3A_301 : i32
      %add3A_303 = arith.addi %mul3A_4, %mul3A_302 : i32
      %multiple_of3A_304 = tpu.assume_multiple %add3A_303, 8 : i32
      %dma_wait3A_305 = tpu.memref_slice %arg3[%multiple_of3A_304] : memref<322560xi32, #tpu.memory_space<hbm>> -> memref<96xi32, #tpu.memory_space<hbm>>
      %dma_wait3A_306 = tpu.memref_slice %arg3[%multiple_of3A_304] : memref<322560xi32, #tpu.memory_space<hbm>> -> memref<96xi32, #tpu.memory_space<hbm>>
      tpu.wait_dma2 semaphore(%arg15 : memref<!tpu.dma_semaphore, #tpu.memory_space<semaphore_mem>>) src(%dma_wait3A_306 : memref<96xi32, #tpu.memory_space<hbm>>) dst(%arg8 : memref<96xi32, #tpu.memory_space<vmem>>)
      %add3A_307 = arith.constant 2 : i32
      %add3A_308 = arith.addi %add3A_298, %add3A_307 : i32
      %mul3A_309 = arith.constant 96 : i32
      %mul3A_310 = arith.muli %add3A_308, %mul3A_309 : i32
      %add3A_311 = arith.addi %mul3A_4, %mul3A_310 : i32
      %multiple_of3A_312 = tpu.assume_multiple %add3A_311, 8 : i32
      %dma_start3A_313 = arith.constant 0 : i32
      %dma_start3A_314 = tpu.memref_slice %arg2[%multiple_of3A_312, %dma_start3A_313] : memref<322560x128xf32, #tpu.memory_space<hbm>> -> memref<96x128xf32, #tpu.memory_space<hbm>>
      %dma_start3A_315 = arith.constant 0 : i32
      %dma_start3A_316 = tpu.memref_slice %arg2[%multiple_of3A_312, %dma_start3A_315] : memref<322560x128xf32, #tpu.memory_space<hbm>> -> memref<96x128xf32, #tpu.memory_space<hbm>>
      tpu.enqueue_dma source(%dma_start3A_316 : memref<96x128xf32, #tpu.memory_space<hbm>>) target(%arg12 : memref<96x128xf32, #tpu.memory_space<vmem>>) target_semaphore(%arg16 : memref<!tpu.dma_semaphore, #tpu.memory_space<semaphore_mem>>)
      %add3A_317 = arith.constant 3 : i32
      %add3A_318 = arith.addi %add3A_298, %add3A_317 : i32
      %mul3A_319 = arith.constant 96 : i32
      %mul3A_320 = arith.muli %add3A_318, %mul3A_319 : i32
      %add3A_321 = arith.addi %mul3A_4, %mul3A_320 : i32
      %multiple_of3A_322 = tpu.assume_multiple %add3A_321, 8 : i32
      %dma_start3A_323 = tpu.memref_slice %arg3[%multiple_of3A_322] : memref<322560xi32, #tpu.memory_space<hbm>> -> memref<96xi32, #tpu.memory_space<hbm>>
      %dma_start3A_324 = tpu.memref_slice %arg3[%multiple_of3A_322] : memref<322560xi32, #tpu.memory_space<hbm>> -> memref<96xi32, #tpu.memory_space<hbm>>
      tpu.enqueue_dma source(%dma_start3A_324 : memref<96xi32, #tpu.memory_space<hbm>>) target(%arg9 : memref<96xi32, #tpu.memory_space<vmem>>) target_semaphore(%arg15 : memref<!tpu.dma_semaphore, #tpu.memory_space<semaphore_mem>>)
      %dma_wait3A_325 = arith.constant 0 : i32
      %dma_wait3A_326 = arith.constant 0 : i32
      %dma_wait3A_327 = tpu.memref_slice %arg2[%dma_wait3A_325, %dma_wait3A_326] : memref<322560x128xf32, #tpu.memory_space<hbm>> -> memref<96x128xf32, #tpu.memory_space<hbm>>
      %dma_wait3A_328 = arith.constant 0 : i32
      %dma_wait3A_329 = arith.constant 0 : i32
      %dma_wait3A_330 = tpu.memref_slice %arg2[%dma_wait3A_328, %dma_wait3A_329] : memref<322560x128xf32, #tpu.memory_space<hbm>> -> memref<96x128xf32, #tpu.memory_space<hbm>>
      tpu.wait_dma2 semaphore(%arg16 : memref<!tpu.dma_semaphore, #tpu.memory_space<semaphore_mem>>) src(%dma_wait3A_330 : memref<96x128xf32, #tpu.memory_space<hbm>>) dst(%arg10 : memref<96x128xf32, #tpu.memory_space<vmem>>)
      "tpu.region"() ({
        %run_scoped3A = tpu.sem_alloc : memref<!tpu.dma_semaphore, #tpu.memory_space<semaphore_mem>>
        %dma_start3A_369 = arith.constant 0 : i32
        %dma_start3A_370 = arith.constant 0 : i32
        %dma_start3A_371 = tpu.memref_slice %arg14[%dma_start3A_369, %dma_start3A_370] : memref<10112x128xf32, #tpu.memory_space<vmem_shared>> -> memref<10112x128xf32, #tpu.memory_space<vmem_shared>>
        tpu.enqueue_indirect_dma source(%arg10 : memref<96x128xf32, #tpu.memory_space<vmem>>) target(%dma_start3A_371 : memref<10112x128xf32, #tpu.memory_space<vmem_shared>>) offsets(%arg6 : memref<96xi32, #tpu.memory_space<vmem>>) semaphore(%run_scoped3A : memref<!tpu.dma_semaphore, #tpu.memory_space<semaphore_mem>>) {add = true}
        %dma_wait3A_372 = arith.constant 0 : i32
        %dma_wait3A_373 = arith.constant 0 : i32
        %dma_wait3A_374 = tpu.memref_slice %arg14[%dma_wait3A_372, %dma_wait3A_373] : memref<10112x128xf32, #tpu.memory_space<vmem_shared>> -> memref<10112x128xf32, #tpu.memory_space<vmem_shared>>
        tpu.wait_indirect_dma semaphore(%run_scoped3A : memref<!tpu.dma_semaphore, #tpu.memory_space<semaphore_mem>>) src(%arg10 : memref<96x128xf32, #tpu.memory_space<vmem>>) dst(%dma_wait3A_374 : memref<10112x128xf32, #tpu.memory_space<vmem_shared>>)
        tpu.yield
      }) : () -> ()
      %mul3A_331 = arith.constant 4 : i32
      %mul3A_332 = arith.muli %mul3A_331, %scan3A_216 : i32
      %add3A_333 = arith.constant 2 : i32
      %add3A_334 = arith.addi %add3A_333, %mul3A_332 : i32
      %add3A_335 = arith.constant 3 : i32
      %add3A_336 = arith.addi %add3A_334, %add3A_335 : i32
      %add3A_337 = arith.constant 2 : i32
      %add3A_338 = arith.addi %add3A_336, %add3A_337 : i32
      %mul3A_339 = arith.constant 96 : i32
      %mul3A_340 = arith.muli %add3A_338, %mul3A_339 : i32
      %add3A_341 = arith.addi %mul3A_4, %mul3A_340 : i32
      %multiple_of3A_342 = tpu.assume_multiple %add3A_341, 8 : i32
      %dma_wait3A_343 = tpu.memref_slice %arg3[%multiple_of3A_342] : memref<322560xi32, #tpu.memory_space<hbm>> -> memref<96xi32, #tpu.memory_space<hbm>>
      %dma_wait3A_344 = tpu.memref_slice %arg3[%multiple_of3A_342] : memref<322560xi32, #tpu.memory_space<hbm>> -> memref<96xi32, #tpu.memory_space<hbm>>
      tpu.wait_dma2 semaphore(%arg15 : memref<!tpu.dma_semaphore, #tpu.memory_space<semaphore_mem>>) src(%dma_wait3A_344 : memref<96xi32, #tpu.memory_space<hbm>>) dst(%arg9 : memref<96xi32, #tpu.memory_space<vmem>>)
      %add3A_345 = arith.constant 2 : i32
      %add3A_346 = arith.addi %add3A_336, %add3A_345 : i32
      %mul3A_347 = arith.constant 96 : i32
      %mul3A_348 = arith.muli %add3A_346, %mul3A_347 : i32
      %add3A_349 = arith.addi %mul3A_4, %mul3A_348 : i32
      %multiple_of3A_350 = tpu.assume_multiple %add3A_349, 8 : i32
      %dma_start3A_351 = arith.constant 0 : i32
      %dma_start3A_352 = tpu.memref_slice %arg2[%multiple_of3A_350, %dma_start3A_351] : memref<322560x128xf32, #tpu.memory_space<hbm>> -> memref<96x128xf32, #tpu.memory_space<hbm>>
      %dma_start3A_353 = arith.constant 0 : i32
      %dma_start3A_354 = tpu.memref_slice %arg2[%multiple_of3A_350, %dma_start3A_353] : memref<322560x128xf32, #tpu.memory_space<hbm>> -> memref<96x128xf32, #tpu.memory_space<hbm>>
      tpu.enqueue_dma source(%dma_start3A_354 : memref<96x128xf32, #tpu.memory_space<hbm>>) target(%arg13 : memref<96x128xf32, #tpu.memory_space<vmem>>) target_semaphore(%arg16 : memref<!tpu.dma_semaphore, #tpu.memory_space<semaphore_mem>>)
      %add3A_355 = arith.constant 3 : i32
      %add3A_356 = arith.addi %add3A_336, %add3A_355 : i32
      %mul3A_357 = arith.constant 96 : i32
      %mul3A_358 = arith.muli %add3A_356, %mul3A_357 : i32
      %add3A_359 = arith.addi %mul3A_4, %mul3A_358 : i32
      %multiple_of3A_360 = tpu.assume_multiple %add3A_359, 8 : i32
      %dma_start3A_361 = tpu.memref_slice %arg3[%multiple_of3A_360] : memref<322560xi32, #tpu.memory_space<hbm>> -> memref<96xi32, #tpu.memory_space<hbm>>
      %dma_start3A_362 = tpu.memref_slice %arg3[%multiple_of3A_360] : memref<322560xi32, #tpu.memory_space<hbm>> -> memref<96xi32, #tpu.memory_space<hbm>>
      tpu.enqueue_dma source(%dma_start3A_362 : memref<96xi32, #tpu.memory_space<hbm>>) target(%arg6 : memref<96xi32, #tpu.memory_space<vmem>>) target_semaphore(%arg15 : memref<!tpu.dma_semaphore, #tpu.memory_space<semaphore_mem>>)
      %dma_wait3A_363 = arith.constant 0 : i32
      %dma_wait3A_364 = arith.constant 0 : i32
      %dma_wait3A_365 = tpu.memref_slice %arg2[%dma_wait3A_363, %dma_wait3A_364] : memref<322560x128xf32, #tpu.memory_space<hbm>> -> memref<96x128xf32, #tpu.memory_space<hbm>>
      %dma_wait3A_366 = arith.constant 0 : i32
      %dma_wait3A_367 = arith.constant 0 : i32
      %dma_wait3A_368 = tpu.memref_slice %arg2[%dma_wait3A_366, %dma_wait3A_367] : memref<322560x128xf32, #tpu.memory_space<hbm>> -> memref<96x128xf32, #tpu.memory_space<hbm>>
      tpu.wait_dma2 semaphore(%arg16 : memref<!tpu.dma_semaphore, #tpu.memory_space<semaphore_mem>>) src(%dma_wait3A_368 : memref<96x128xf32, #tpu.memory_space<hbm>>) dst(%arg11 : memref<96x128xf32, #tpu.memory_space<vmem>>)
      "tpu.region"() ({
        %run_scoped3A = tpu.sem_alloc : memref<!tpu.dma_semaphore, #tpu.memory_space<semaphore_mem>>
        %dma_start3A_369 = arith.constant 0 : i32
        %dma_start3A_370 = arith.constant 0 : i32
        %dma_start3A_371 = tpu.memref_slice %arg14[%dma_start3A_369, %dma_start3A_370] : memref<10112x128xf32, #tpu.memory_space<vmem_shared>> -> memref<10112x128xf32, #tpu.memory_space<vmem_shared>>
        tpu.enqueue_indirect_dma source(%arg11 : memref<96x128xf32, #tpu.memory_space<vmem>>) target(%dma_start3A_371 : memref<10112x128xf32, #tpu.memory_space<vmem_shared>>) offsets(%arg7 : memref<96xi32, #tpu.memory_space<vmem>>) semaphore(%run_scoped3A : memref<!tpu.dma_semaphore, #tpu.memory_space<semaphore_mem>>) {add = true}
        %dma_wait3A_372 = arith.constant 0 : i32
        %dma_wait3A_373 = arith.constant 0 : i32
        %dma_wait3A_374 = tpu.memref_slice %arg14[%dma_wait3A_372, %dma_wait3A_373] : memref<10112x128xf32, #tpu.memory_space<vmem_shared>> -> memref<10112x128xf32, #tpu.memory_space<vmem_shared>>
        tpu.wait_indirect_dma semaphore(%run_scoped3A : memref<!tpu.dma_semaphore, #tpu.memory_space<semaphore_mem>>) src(%arg11 : memref<96x128xf32, #tpu.memory_space<vmem>>) dst(%dma_wait3A_374 : memref<10112x128xf32, #tpu.memory_space<vmem_shared>>)
        tpu.yield
      }) : () -> ()
    }
    %scan3A_92 = arith.constant 24 : i32
    %add3A_93 = arith.constant 9600 : i32
    %add3A_94 = arith.addi %mul3A_4, %add3A_93 : i32
    %multiple_of3A_95 = tpu.assume_multiple %add3A_94, 8 : i32
    %dma_wait3A_96 = tpu.memref_slice %arg3[%multiple_of3A_95] : memref<322560xi32, #tpu.memory_space<hbm>> -> memref<96xi32, #tpu.memory_space<hbm>>
    %dma_wait3A_97 = tpu.memref_slice %arg3[%multiple_of3A_95] : memref<322560xi32, #tpu.memory_space<hbm>> -> memref<96xi32, #tpu.memory_space<hbm>>
    tpu.wait_dma2 semaphore(%arg15 : memref<!tpu.dma_semaphore, #tpu.memory_space<semaphore_mem>>) src(%dma_wait3A_97 : memref<96xi32, #tpu.memory_space<hbm>>) dst(%arg6 : memref<96xi32, #tpu.memory_space<vmem>>)
    %add3A_98 = arith.constant 9600 : i32
    %add3A_99 = arith.addi %mul3A_4, %add3A_98 : i32
    %multiple_of3A_100 = tpu.assume_multiple %add3A_99, 8 : i32
    %dma_start3A_101 = arith.constant 0 : i32
    %dma_start3A_102 = tpu.memref_slice %arg2[%multiple_of3A_100, %dma_start3A_101] : memref<322560x128xf32, #tpu.memory_space<hbm>> -> memref<96x128xf32, #tpu.memory_space<hbm>>
    %dma_start3A_103 = arith.constant 0 : i32
    %dma_start3A_104 = tpu.memref_slice %arg2[%multiple_of3A_100, %dma_start3A_103] : memref<322560x128xf32, #tpu.memory_space<hbm>> -> memref<96x128xf32, #tpu.memory_space<hbm>>
    tpu.enqueue_dma source(%dma_start3A_104 : memref<96x128xf32, #tpu.memory_space<hbm>>) target(%arg10 : memref<96x128xf32, #tpu.memory_space<vmem>>) target_semaphore(%arg16 : memref<!tpu.dma_semaphore, #tpu.memory_space<semaphore_mem>>)
    %add3A_105 = arith.constant 9696 : i32
    %add3A_106 = arith.addi %mul3A_4, %add3A_105 : i32
    %multiple_of3A_107 = tpu.assume_multiple %add3A_106, 8 : i32
    %dma_start3A_108 = tpu.memref_slice %arg3[%multiple_of3A_107] : memref<322560xi32, #tpu.memory_space<hbm>> -> memref<96xi32, #tpu.memory_space<hbm>>
    %dma_start3A_109 = tpu.memref_slice %arg3[%multiple_of3A_107] : memref<322560xi32, #tpu.memory_space<hbm>> -> memref<96xi32, #tpu.memory_space<hbm>>
    tpu.enqueue_dma source(%dma_start3A_109 : memref<96xi32, #tpu.memory_space<hbm>>) target(%arg7 : memref<96xi32, #tpu.memory_space<vmem>>) target_semaphore(%arg15 : memref<!tpu.dma_semaphore, #tpu.memory_space<semaphore_mem>>)
    %dma_wait3A_110 = arith.constant 0 : i32
    %dma_wait3A_111 = arith.constant 0 : i32
    %dma_wait3A_112 = tpu.memref_slice %arg2[%dma_wait3A_110, %dma_wait3A_111] : memref<322560x128xf32, #tpu.memory_space<hbm>> -> memref<96x128xf32, #tpu.memory_space<hbm>>
    %dma_wait3A_113 = arith.constant 0 : i32
    %dma_wait3A_114 = arith.constant 0 : i32
    %dma_wait3A_115 = tpu.memref_slice %arg2[%dma_wait3A_113, %dma_wait3A_114] : memref<322560x128xf32, #tpu.memory_space<hbm>> -> memref<96x128xf32, #tpu.memory_space<hbm>>
    tpu.wait_dma2 semaphore(%arg16 : memref<!tpu.dma_semaphore, #tpu.memory_space<semaphore_mem>>) src(%dma_wait3A_115 : memref<96x128xf32, #tpu.memory_space<hbm>>) dst(%arg12 : memref<96x128xf32, #tpu.memory_space<vmem>>)
    "tpu.region"() ({
      %run_scoped3A = tpu.sem_alloc : memref<!tpu.dma_semaphore, #tpu.memory_space<semaphore_mem>>
      %dma_start3A_216 = arith.constant 0 : i32
      %dma_start3A_217 = arith.constant 0 : i32
      %dma_start3A_218 = tpu.memref_slice %arg14[%dma_start3A_216, %dma_start3A_217] : memref<10112x128xf32, #tpu.memory_space<vmem_shared>> -> memref<10112x128xf32, #tpu.memory_space<vmem_shared>>
      tpu.enqueue_indirect_dma source(%arg12 : memref<96x128xf32, #tpu.memory_space<vmem>>) target(%dma_start3A_218 : memref<10112x128xf32, #tpu.memory_space<vmem_shared>>) offsets(%arg8 : memref<96xi32, #tpu.memory_space<vmem>>) semaphore(%run_scoped3A : memref<!tpu.dma_semaphore, #tpu.memory_space<semaphore_mem>>) {add = true}
      %dma_wait3A_219 = arith.constant 0 : i32
      %dma_wait3A_220 = arith.constant 0 : i32
      %dma_wait3A_221 = tpu.memref_slice %arg14[%dma_wait3A_219, %dma_wait3A_220] : memref<10112x128xf32, #tpu.memory_space<vmem_shared>> -> memref<10112x128xf32, #tpu.memory_space<vmem_shared>>
      tpu.wait_indirect_dma semaphore(%run_scoped3A : memref<!tpu.dma_semaphore, #tpu.memory_space<semaphore_mem>>) src(%arg12 : memref<96x128xf32, #tpu.memory_space<vmem>>) dst(%dma_wait3A_221 : memref<10112x128xf32, #tpu.memory_space<vmem_shared>>)
      tpu.yield
    }) : () -> ()
    %add3A_116 = arith.constant 9696 : i32
    %add3A_117 = arith.addi %mul3A_4, %add3A_116 : i32
    %multiple_of3A_118 = tpu.assume_multiple %add3A_117, 8 : i32
    %dma_wait3A_119 = tpu.memref_slice %arg3[%multiple_of3A_118] : memref<322560xi32, #tpu.memory_space<hbm>> -> memref<96xi32, #tpu.memory_space<hbm>>
    %dma_wait3A_120 = tpu.memref_slice %arg3[%multiple_of3A_118] : memref<322560xi32, #tpu.memory_space<hbm>> -> memref<96xi32, #tpu.memory_space<hbm>>
    tpu.wait_dma2 semaphore(%arg15 : memref<!tpu.dma_semaphore, #tpu.memory_space<semaphore_mem>>) src(%dma_wait3A_120 : memref<96xi32, #tpu.memory_space<hbm>>) dst(%arg7 : memref<96xi32, #tpu.memory_space<vmem>>)
    %add3A_121 = arith.constant 9696 : i32
    %add3A_122 = arith.addi %mul3A_4, %add3A_121 : i32
    %multiple_of3A_123 = tpu.assume_multiple %add3A_122, 8 : i32
    %dma_start3A_124 = arith.constant 0 : i32
    %dma_start3A_125 = tpu.memref_slice %arg2[%multiple_of3A_123, %dma_start3A_124] : memref<322560x128xf32, #tpu.memory_space<hbm>> -> memref<96x128xf32, #tpu.memory_space<hbm>>
    %dma_start3A_126 = arith.constant 0 : i32
    %dma_start3A_127 = tpu.memref_slice %arg2[%multiple_of3A_123, %dma_start3A_126] : memref<322560x128xf32, #tpu.memory_space<hbm>> -> memref<96x128xf32, #tpu.memory_space<hbm>>
    tpu.enqueue_dma source(%dma_start3A_127 : memref<96x128xf32, #tpu.memory_space<hbm>>) target(%arg11 : memref<96x128xf32, #tpu.memory_space<vmem>>) target_semaphore(%arg16 : memref<!tpu.dma_semaphore, #tpu.memory_space<semaphore_mem>>)
    %add3A_128 = arith.constant 9792 : i32
    %add3A_129 = arith.addi %mul3A_4, %add3A_128 : i32
    %multiple_of3A_130 = tpu.assume_multiple %add3A_129, 8 : i32
    %dma_start3A_131 = tpu.memref_slice %arg3[%multiple_of3A_130] : memref<322560xi32, #tpu.memory_space<hbm>> -> memref<96xi32, #tpu.memory_space<hbm>>
    %dma_start3A_132 = tpu.memref_slice %arg3[%multiple_of3A_130] : memref<322560xi32, #tpu.memory_space<hbm>> -> memref<96xi32, #tpu.memory_space<hbm>>
    tpu.enqueue_dma source(%dma_start3A_132 : memref<96xi32, #tpu.memory_space<hbm>>) target(%arg8 : memref<96xi32, #tpu.memory_space<vmem>>) target_semaphore(%arg15 : memref<!tpu.dma_semaphore, #tpu.memory_space<semaphore_mem>>)
    %dma_wait3A_133 = arith.constant 0 : i32
    %dma_wait3A_134 = arith.constant 0 : i32
    %dma_wait3A_135 = tpu.memref_slice %arg2[%dma_wait3A_133, %dma_wait3A_134] : memref<322560x128xf32, #tpu.memory_space<hbm>> -> memref<96x128xf32, #tpu.memory_space<hbm>>
    %dma_wait3A_136 = arith.constant 0 : i32
    %dma_wait3A_137 = arith.constant 0 : i32
    %dma_wait3A_138 = tpu.memref_slice %arg2[%dma_wait3A_136, %dma_wait3A_137] : memref<322560x128xf32, #tpu.memory_space<hbm>> -> memref<96x128xf32, #tpu.memory_space<hbm>>
    tpu.wait_dma2 semaphore(%arg16 : memref<!tpu.dma_semaphore, #tpu.memory_space<semaphore_mem>>) src(%dma_wait3A_138 : memref<96x128xf32, #tpu.memory_space<hbm>>) dst(%arg13 : memref<96x128xf32, #tpu.memory_space<vmem>>)
    "tpu.region"() ({
      %run_scoped3A = tpu.sem_alloc : memref<!tpu.dma_semaphore, #tpu.memory_space<semaphore_mem>>
      %dma_start3A_216 = arith.constant 0 : i32
      %dma_start3A_217 = arith.constant 0 : i32
      %dma_start3A_218 = tpu.memref_slice %arg14[%dma_start3A_216, %dma_start3A_217] : memref<10112x128xf32, #tpu.memory_space<vmem_shared>> -> memref<10112x128xf32, #tpu.memory_space<vmem_shared>>
      tpu.enqueue_indirect_dma source(%arg13 : memref<96x128xf32, #tpu.memory_space<vmem>>) target(%dma_start3A_218 : memref<10112x128xf32, #tpu.memory_space<vmem_shared>>) offsets(%arg9 : memref<96xi32, #tpu.memory_space<vmem>>) semaphore(%run_scoped3A : memref<!tpu.dma_semaphore, #tpu.memory_space<semaphore_mem>>) {add = true}
      %dma_wait3A_219 = arith.constant 0 : i32
      %dma_wait3A_220 = arith.constant 0 : i32
      %dma_wait3A_221 = tpu.memref_slice %arg14[%dma_wait3A_219, %dma_wait3A_220] : memref<10112x128xf32, #tpu.memory_space<vmem_shared>> -> memref<10112x128xf32, #tpu.memory_space<vmem_shared>>
      tpu.wait_indirect_dma semaphore(%run_scoped3A : memref<!tpu.dma_semaphore, #tpu.memory_space<semaphore_mem>>) src(%arg13 : memref<96x128xf32, #tpu.memory_space<vmem>>) dst(%dma_wait3A_221 : memref<10112x128xf32, #tpu.memory_space<vmem_shared>>)
      tpu.yield
    }) : () -> ()
    %add3A_139 = arith.constant 9792 : i32
    %add3A_140 = arith.addi %mul3A_4, %add3A_139 : i32
    %multiple_of3A_141 = tpu.assume_multiple %add3A_140, 8 : i32
    %dma_wait3A_142 = tpu.memref_slice %arg3[%multiple_of3A_141] : memref<322560xi32, #tpu.memory_space<hbm>> -> memref<96xi32, #tpu.memory_space<hbm>>
    %dma_wait3A_143 = tpu.memref_slice %arg3[%multiple_of3A_141] : memref<322560xi32, #tpu.memory_space<hbm>> -> memref<96xi32, #tpu.memory_space<hbm>>
    tpu.wait_dma2 semaphore(%arg15 : memref<!tpu.dma_semaphore, #tpu.memory_space<semaphore_mem>>) src(%dma_wait3A_143 : memref<96xi32, #tpu.memory_space<hbm>>) dst(%arg8 : memref<96xi32, #tpu.memory_space<vmem>>)
    %add3A_144 = arith.constant 9792 : i32
    %add3A_145 = arith.addi %mul3A_4, %add3A_144 : i32
    %multiple_of3A_146 = tpu.assume_multiple %add3A_145, 8 : i32
    %dma_start3A_147 = arith.constant 0 : i32
    %dma_start3A_148 = tpu.memref_slice %arg2[%multiple_of3A_146, %dma_start3A_147] : memref<322560x128xf32, #tpu.memory_space<hbm>> -> memref<96x128xf32, #tpu.memory_space<hbm>>
    %dma_start3A_149 = arith.constant 0 : i32
    %dma_start3A_150 = tpu.memref_slice %arg2[%multiple_of3A_146, %dma_start3A_149] : memref<322560x128xf32, #tpu.memory_space<hbm>> -> memref<96x128xf32, #tpu.memory_space<hbm>>
    tpu.enqueue_dma source(%dma_start3A_150 : memref<96x128xf32, #tpu.memory_space<hbm>>) target(%arg12 : memref<96x128xf32, #tpu.memory_space<vmem>>) target_semaphore(%arg16 : memref<!tpu.dma_semaphore, #tpu.memory_space<semaphore_mem>>)
    %add3A_151 = arith.constant 9888 : i32
    %add3A_152 = arith.addi %mul3A_4, %add3A_151 : i32
    %multiple_of3A_153 = tpu.assume_multiple %add3A_152, 8 : i32
    %dma_start3A_154 = tpu.memref_slice %arg3[%multiple_of3A_153] : memref<322560xi32, #tpu.memory_space<hbm>> -> memref<96xi32, #tpu.memory_space<hbm>>
    %dma_start3A_155 = tpu.memref_slice %arg3[%multiple_of3A_153] : memref<322560xi32, #tpu.memory_space<hbm>> -> memref<96xi32, #tpu.memory_space<hbm>>
    tpu.enqueue_dma source(%dma_start3A_155 : memref<96xi32, #tpu.memory_space<hbm>>) target(%arg9 : memref<96xi32, #tpu.memory_space<vmem>>) target_semaphore(%arg15 : memref<!tpu.dma_semaphore, #tpu.memory_space<semaphore_mem>>)
    %dma_wait3A_156 = arith.constant 0 : i32
    %dma_wait3A_157 = arith.constant 0 : i32
    %dma_wait3A_158 = tpu.memref_slice %arg2[%dma_wait3A_156, %dma_wait3A_157] : memref<322560x128xf32, #tpu.memory_space<hbm>> -> memref<96x128xf32, #tpu.memory_space<hbm>>
    %dma_wait3A_159 = arith.constant 0 : i32
    %dma_wait3A_160 = arith.constant 0 : i32
    %dma_wait3A_161 = tpu.memref_slice %arg2[%dma_wait3A_159, %dma_wait3A_160] : memref<322560x128xf32, #tpu.memory_space<hbm>> -> memref<96x128xf32, #tpu.memory_space<hbm>>
    tpu.wait_dma2 semaphore(%arg16 : memref<!tpu.dma_semaphore, #tpu.memory_space<semaphore_mem>>) src(%dma_wait3A_161 : memref<96x128xf32, #tpu.memory_space<hbm>>) dst(%arg10 : memref<96x128xf32, #tpu.memory_space<vmem>>)
    "tpu.region"() ({
      %run_scoped3A = tpu.sem_alloc : memref<!tpu.dma_semaphore, #tpu.memory_space<semaphore_mem>>
      %dma_start3A_216 = arith.constant 0 : i32
      %dma_start3A_217 = arith.constant 0 : i32
      %dma_start3A_218 = tpu.memref_slice %arg14[%dma_start3A_216, %dma_start3A_217] : memref<10112x128xf32, #tpu.memory_space<vmem_shared>> -> memref<10112x128xf32, #tpu.memory_space<vmem_shared>>
      tpu.enqueue_indirect_dma source(%arg10 : memref<96x128xf32, #tpu.memory_space<vmem>>) target(%dma_start3A_218 : memref<10112x128xf32, #tpu.memory_space<vmem_shared>>) offsets(%arg6 : memref<96xi32, #tpu.memory_space<vmem>>) semaphore(%run_scoped3A : memref<!tpu.dma_semaphore, #tpu.memory_space<semaphore_mem>>) {add = true}
      %dma_wait3A_219 = arith.constant 0 : i32
      %dma_wait3A_220 = arith.constant 0 : i32
      %dma_wait3A_221 = tpu.memref_slice %arg14[%dma_wait3A_219, %dma_wait3A_220] : memref<10112x128xf32, #tpu.memory_space<vmem_shared>> -> memref<10112x128xf32, #tpu.memory_space<vmem_shared>>
      tpu.wait_indirect_dma semaphore(%run_scoped3A : memref<!tpu.dma_semaphore, #tpu.memory_space<semaphore_mem>>) src(%arg10 : memref<96x128xf32, #tpu.memory_space<vmem>>) dst(%dma_wait3A_221 : memref<10112x128xf32, #tpu.memory_space<vmem_shared>>)
      tpu.yield
    }) : () -> ()
    %add3A_162 = arith.constant 9888 : i32
    %add3A_163 = arith.addi %mul3A_4, %add3A_162 : i32
    %multiple_of3A_164 = tpu.assume_multiple %add3A_163, 8 : i32
    %dma_wait3A_165 = tpu.memref_slice %arg3[%multiple_of3A_164] : memref<322560xi32, #tpu.memory_space<hbm>> -> memref<96xi32, #tpu.memory_space<hbm>>
    %dma_wait3A_166 = tpu.memref_slice %arg3[%multiple_of3A_164] : memref<322560xi32, #tpu.memory_space<hbm>> -> memref<96xi32, #tpu.memory_space<hbm>>
    tpu.wait_dma2 semaphore(%arg15 : memref<!tpu.dma_semaphore, #tpu.memory_space<semaphore_mem>>) src(%dma_wait3A_166 : memref<96xi32, #tpu.memory_space<hbm>>) dst(%arg9 : memref<96xi32, #tpu.memory_space<vmem>>)
    %add3A_167 = arith.constant 9888 : i32
    %add3A_168 = arith.addi %mul3A_4, %add3A_167 : i32
    %multiple_of3A_169 = tpu.assume_multiple %add3A_168, 8 : i32
    %dma_start3A_170 = arith.constant 0 : i32
    %dma_start3A_171 = tpu.memref_slice %arg2[%multiple_of3A_169, %dma_start3A_170] : memref<322560x128xf32, #tpu.memory_space<hbm>> -> memref<96x128xf32, #tpu.memory_space<hbm>>
    %dma_start3A_172 = arith.constant 0 : i32
    %dma_start3A_173 = tpu.memref_slice %arg2[%multiple_of3A_169, %dma_start3A_172] : memref<322560x128xf32, #tpu.memory_space<hbm>> -> memref<96x128xf32, #tpu.memory_space<hbm>>
    tpu.enqueue_dma source(%dma_start3A_173 : memref<96x128xf32, #tpu.memory_space<hbm>>) target(%arg13 : memref<96x128xf32, #tpu.memory_space<vmem>>) target_semaphore(%arg16 : memref<!tpu.dma_semaphore, #tpu.memory_space<semaphore_mem>>)
    %add3A_174 = arith.constant 9984 : i32
    %add3A_175 = arith.addi %mul3A_4, %add3A_174 : i32
    %multiple_of3A_176 = tpu.assume_multiple %add3A_175, 8 : i32
    %dma_start3A_177 = tpu.memref_slice %arg3[%multiple_of3A_176] : memref<322560xi32, #tpu.memory_space<hbm>> -> memref<96xi32, #tpu.memory_space<hbm>>
    %dma_start3A_178 = tpu.memref_slice %arg3[%multiple_of3A_176] : memref<322560xi32, #tpu.memory_space<hbm>> -> memref<96xi32, #tpu.memory_space<hbm>>
    tpu.enqueue_dma source(%dma_start3A_178 : memref<96xi32, #tpu.memory_space<hbm>>) target(%arg6 : memref<96xi32, #tpu.memory_space<vmem>>) target_semaphore(%arg15 : memref<!tpu.dma_semaphore, #tpu.memory_space<semaphore_mem>>)
    %dma_wait3A_179 = arith.constant 0 : i32
    %dma_wait3A_180 = arith.constant 0 : i32
    %dma_wait3A_181 = tpu.memref_slice %arg2[%dma_wait3A_179, %dma_wait3A_180] : memref<322560x128xf32, #tpu.memory_space<hbm>> -> memref<96x128xf32, #tpu.memory_space<hbm>>
    %dma_wait3A_182 = arith.constant 0 : i32
    %dma_wait3A_183 = arith.constant 0 : i32
    %dma_wait3A_184 = tpu.memref_slice %arg2[%dma_wait3A_182, %dma_wait3A_183] : memref<322560x128xf32, #tpu.memory_space<hbm>> -> memref<96x128xf32, #tpu.memory_space<hbm>>
    tpu.wait_dma2 semaphore(%arg16 : memref<!tpu.dma_semaphore, #tpu.memory_space<semaphore_mem>>) src(%dma_wait3A_184 : memref<96x128xf32, #tpu.memory_space<hbm>>) dst(%arg11 : memref<96x128xf32, #tpu.memory_space<vmem>>)
    "tpu.region"() ({
      %run_scoped3A = tpu.sem_alloc : memref<!tpu.dma_semaphore, #tpu.memory_space<semaphore_mem>>
      %dma_start3A_216 = arith.constant 0 : i32
      %dma_start3A_217 = arith.constant 0 : i32
      %dma_start3A_218 = tpu.memref_slice %arg14[%dma_start3A_216, %dma_start3A_217] : memref<10112x128xf32, #tpu.memory_space<vmem_shared>> -> memref<10112x128xf32, #tpu.memory_space<vmem_shared>>
      tpu.enqueue_indirect_dma source(%arg11 : memref<96x128xf32, #tpu.memory_space<vmem>>) target(%dma_start3A_218 : memref<10112x128xf32, #tpu.memory_space<vmem_shared>>) offsets(%arg7 : memref<96xi32, #tpu.memory_space<vmem>>) semaphore(%run_scoped3A : memref<!tpu.dma_semaphore, #tpu.memory_space<semaphore_mem>>) {add = true}
      %dma_wait3A_219 = arith.constant 0 : i32
      %dma_wait3A_220 = arith.constant 0 : i32
      %dma_wait3A_221 = tpu.memref_slice %arg14[%dma_wait3A_219, %dma_wait3A_220] : memref<10112x128xf32, #tpu.memory_space<vmem_shared>> -> memref<10112x128xf32, #tpu.memory_space<vmem_shared>>
      tpu.wait_indirect_dma semaphore(%run_scoped3A : memref<!tpu.dma_semaphore, #tpu.memory_space<semaphore_mem>>) src(%arg11 : memref<96x128xf32, #tpu.memory_space<vmem>>) dst(%dma_wait3A_221 : memref<10112x128xf32, #tpu.memory_space<vmem_shared>>)
      tpu.yield
    }) : () -> ()
    %add3A_185 = arith.constant 9984 : i32
    %add3A_186 = arith.addi %mul3A_4, %add3A_185 : i32
    %multiple_of3A_187 = tpu.assume_multiple %add3A_186, 8 : i32
    %dma_wait3A_188 = tpu.memref_slice %arg3[%multiple_of3A_187] : memref<322560xi32, #tpu.memory_space<hbm>> -> memref<96xi32, #tpu.memory_space<hbm>>
    %dma_wait3A_189 = tpu.memref_slice %arg3[%multiple_of3A_187] : memref<322560xi32, #tpu.memory_space<hbm>> -> memref<96xi32, #tpu.memory_space<hbm>>
    tpu.wait_dma2 semaphore(%arg15 : memref<!tpu.dma_semaphore, #tpu.memory_space<semaphore_mem>>) src(%dma_wait3A_189 : memref<96xi32, #tpu.memory_space<hbm>>) dst(%arg6 : memref<96xi32, #tpu.memory_space<vmem>>)
    %add3A_190 = arith.constant 9984 : i32
    %add3A_191 = arith.addi %mul3A_4, %add3A_190 : i32
    %multiple_of3A_192 = tpu.assume_multiple %add3A_191, 8 : i32
    %dma_start3A_193 = arith.constant 0 : i32
    %dma_start3A_194 = tpu.memref_slice %arg2[%multiple_of3A_192, %dma_start3A_193] : memref<322560x128xf32, #tpu.memory_space<hbm>> -> memref<96x128xf32, #tpu.memory_space<hbm>>
    %dma_start3A_195 = arith.constant 0 : i32
    %dma_start3A_196 = tpu.memref_slice %arg2[%multiple_of3A_192, %dma_start3A_195] : memref<322560x128xf32, #tpu.memory_space<hbm>> -> memref<96x128xf32, #tpu.memory_space<hbm>>
    tpu.enqueue_dma source(%dma_start3A_196 : memref<96x128xf32, #tpu.memory_space<hbm>>) target(%arg10 : memref<96x128xf32, #tpu.memory_space<vmem>>) target_semaphore(%arg16 : memref<!tpu.dma_semaphore, #tpu.memory_space<semaphore_mem>>)
    %dma_wait3A_197 = arith.constant 0 : i32
    %dma_wait3A_198 = arith.constant 0 : i32
    %dma_wait3A_199 = tpu.memref_slice %arg2[%dma_wait3A_197, %dma_wait3A_198] : memref<322560x128xf32, #tpu.memory_space<hbm>> -> memref<96x128xf32, #tpu.memory_space<hbm>>
    %dma_wait3A_200 = arith.constant 0 : i32
    %dma_wait3A_201 = arith.constant 0 : i32
    %dma_wait3A_202 = tpu.memref_slice %arg2[%dma_wait3A_200, %dma_wait3A_201] : memref<322560x128xf32, #tpu.memory_space<hbm>> -> memref<96x128xf32, #tpu.memory_space<hbm>>
    tpu.wait_dma2 semaphore(%arg16 : memref<!tpu.dma_semaphore, #tpu.memory_space<semaphore_mem>>) src(%dma_wait3A_202 : memref<96x128xf32, #tpu.memory_space<hbm>>) dst(%arg12 : memref<96x128xf32, #tpu.memory_space<vmem>>)
    "tpu.region"() ({
      %run_scoped3A = tpu.sem_alloc : memref<!tpu.dma_semaphore, #tpu.memory_space<semaphore_mem>>
      %dma_start3A_216 = arith.constant 0 : i32
      %dma_start3A_217 = arith.constant 0 : i32
      %dma_start3A_218 = tpu.memref_slice %arg14[%dma_start3A_216, %dma_start3A_217] : memref<10112x128xf32, #tpu.memory_space<vmem_shared>> -> memref<10112x128xf32, #tpu.memory_space<vmem_shared>>
      tpu.enqueue_indirect_dma source(%arg12 : memref<96x128xf32, #tpu.memory_space<vmem>>) target(%dma_start3A_218 : memref<10112x128xf32, #tpu.memory_space<vmem_shared>>) offsets(%arg8 : memref<96xi32, #tpu.memory_space<vmem>>) semaphore(%run_scoped3A : memref<!tpu.dma_semaphore, #tpu.memory_space<semaphore_mem>>) {add = true}
      %dma_wait3A_219 = arith.constant 0 : i32
      %dma_wait3A_220 = arith.constant 0 : i32
      %dma_wait3A_221 = tpu.memref_slice %arg14[%dma_wait3A_219, %dma_wait3A_220] : memref<10112x128xf32, #tpu.memory_space<vmem_shared>> -> memref<10112x128xf32, #tpu.memory_space<vmem_shared>>
      tpu.wait_indirect_dma semaphore(%run_scoped3A : memref<!tpu.dma_semaphore, #tpu.memory_space<semaphore_mem>>) src(%arg12 : memref<96x128xf32, #tpu.memory_space<vmem>>) dst(%dma_wait3A_221 : memref<10112x128xf32, #tpu.memory_space<vmem_shared>>)
      tpu.yield
    }) : () -> ()
    %dma_wait3A_203 = arith.constant 0 : i32
    %dma_wait3A_204 = arith.constant 0 : i32
    %dma_wait3A_205 = tpu.memref_slice %arg2[%dma_wait3A_203, %dma_wait3A_204] : memref<322560x128xf32, #tpu.memory_space<hbm>> -> memref<96x128xf32, #tpu.memory_space<hbm>>
    %dma_wait3A_206 = arith.constant 0 : i32
    %dma_wait3A_207 = arith.constant 0 : i32
    %dma_wait3A_208 = tpu.memref_slice %arg2[%dma_wait3A_206, %dma_wait3A_207] : memref<322560x128xf32, #tpu.memory_space<hbm>> -> memref<96x128xf32, #tpu.memory_space<hbm>>
    tpu.wait_dma2 semaphore(%arg16 : memref<!tpu.dma_semaphore, #tpu.memory_space<semaphore_mem>>) src(%dma_wait3A_208 : memref<96x128xf32, #tpu.memory_space<hbm>>) dst(%arg13 : memref<96x128xf32, #tpu.memory_space<vmem>>)
    "tpu.region"() ({
      %run_scoped3A = tpu.sem_alloc : memref<!tpu.dma_semaphore, #tpu.memory_space<semaphore_mem>>
      %dma_start3A_216 = arith.constant 0 : i32
      %dma_start3A_217 = arith.constant 0 : i32
      %dma_start3A_218 = tpu.memref_slice %arg14[%dma_start3A_216, %dma_start3A_217] : memref<10112x128xf32, #tpu.memory_space<vmem_shared>> -> memref<10112x128xf32, #tpu.memory_space<vmem_shared>>
      tpu.enqueue_indirect_dma source(%arg13 : memref<96x128xf32, #tpu.memory_space<vmem>>) target(%dma_start3A_218 : memref<10112x128xf32, #tpu.memory_space<vmem_shared>>) offsets(%arg9 : memref<96xi32, #tpu.memory_space<vmem>>) semaphore(%run_scoped3A : memref<!tpu.dma_semaphore, #tpu.memory_space<semaphore_mem>>) {add = true}
      %dma_wait3A_219 = arith.constant 0 : i32
      %dma_wait3A_220 = arith.constant 0 : i32
      %dma_wait3A_221 = tpu.memref_slice %arg14[%dma_wait3A_219, %dma_wait3A_220] : memref<10112x128xf32, #tpu.memory_space<vmem_shared>> -> memref<10112x128xf32, #tpu.memory_space<vmem_shared>>
      tpu.wait_indirect_dma semaphore(%run_scoped3A : memref<!tpu.dma_semaphore, #tpu.memory_space<semaphore_mem>>) src(%arg13 : memref<96x128xf32, #tpu.memory_space<vmem>>) dst(%dma_wait3A_221 : memref<10112x128xf32, #tpu.memory_space<vmem_shared>>)
      tpu.yield
    }) : () -> ()
    %dma_wait3A_209 = arith.constant 0 : i32
    %dma_wait3A_210 = arith.constant 0 : i32
    %dma_wait3A_211 = tpu.memref_slice %arg2[%dma_wait3A_209, %dma_wait3A_210] : memref<322560x128xf32, #tpu.memory_space<hbm>> -> memref<96x128xf32, #tpu.memory_space<hbm>>
    %dma_wait3A_212 = arith.constant 0 : i32
    %dma_wait3A_213 = arith.constant 0 : i32
    %dma_wait3A_214 = tpu.memref_slice %arg2[%dma_wait3A_212, %dma_wait3A_213] : memref<322560x128xf32, #tpu.memory_space<hbm>> -> memref<96x128xf32, #tpu.memory_space<hbm>>
    tpu.wait_dma2 semaphore(%arg16 : memref<!tpu.dma_semaphore, #tpu.memory_space<semaphore_mem>>) src(%dma_wait3A_214 : memref<96x128xf32, #tpu.memory_space<hbm>>) dst(%arg10 : memref<96x128xf32, #tpu.memory_space<vmem>>)
    "tpu.region"() ({
      %run_scoped3A = tpu.sem_alloc : memref<!tpu.dma_semaphore, #tpu.memory_space<semaphore_mem>>
      %dma_start3A_216 = arith.constant 0 : i32
      %dma_start3A_217 = arith.constant 0 : i32
      %dma_start3A_218 = tpu.memref_slice %arg14[%dma_start3A_216, %dma_start3A_217] : memref<10112x128xf32, #tpu.memory_space<vmem_shared>> -> memref<10112x128xf32, #tpu.memory_space<vmem_shared>>
      tpu.enqueue_indirect_dma source(%arg10 : memref<96x128xf32, #tpu.memory_space<vmem>>) target(%dma_start3A_218 : memref<10112x128xf32, #tpu.memory_space<vmem_shared>>) offsets(%arg6 : memref<96xi32, #tpu.memory_space<vmem>>) semaphore(%run_scoped3A : memref<!tpu.dma_semaphore, #tpu.memory_space<semaphore_mem>>) {add = true}
      %dma_wait3A_219 = arith.constant 0 : i32
      %dma_wait3A_220 = arith.constant 0 : i32
      %dma_wait3A_221 = tpu.memref_slice %arg14[%dma_wait3A_219, %dma_wait3A_220] : memref<10112x128xf32, #tpu.memory_space<vmem_shared>> -> memref<10112x128xf32, #tpu.memory_space<vmem_shared>>
      tpu.wait_indirect_dma semaphore(%run_scoped3A : memref<!tpu.dma_semaphore, #tpu.memory_space<semaphore_mem>>) src(%arg10 : memref<96x128xf32, #tpu.memory_space<vmem>>) dst(%dma_wait3A_221 : memref<10112x128xf32, #tpu.memory_space<vmem_shared>>)
      tpu.yield
    }) : () -> ()
    %barrier3A_215 = arith.constant 0 : index
    tpu.barrier barrier_id(%barrier3A_215)
    "tpu.region"() ({
      %run_scoped3A = tpu.sem_alloc : memref<!tpu.dma_semaphore, #tpu.memory_space<semaphore_mem>>
      %dma_start3A_216 = arith.constant 0 : i32
      %dma_start3A_217 = tpu.memref_slice %arg5[%arg0, %multiple_of3A, %dma_start3A_216] : memref<2x10240x128xf32, #tpu.memory_space<hbm>> -> memref<1x632x128xf32, #tpu.memory_space<hbm>>
      %dma_start3A_218 = tpu.memref_squeeze %dma_start3A_217 : memref<1x632x128xf32, #tpu.memory_space<hbm>> -> memref<632x128xf32, #tpu.memory_space<hbm>>
      %dma_start3A_219 = arith.constant 0 : i32
      %dma_start3A_220 = tpu.memref_slice %arg14[%multiple_of3A, %dma_start3A_219] : memref<10112x128xf32, #tpu.memory_space<vmem_shared>> -> memref<632x128xf32, #tpu.memory_space<vmem_shared>>
      tpu.enqueue_dma source(%dma_start3A_220 : memref<632x128xf32, #tpu.memory_space<vmem_shared>>) target(%dma_start3A_218 : memref<632x128xf32, #tpu.memory_space<hbm>>) target_semaphore(%run_scoped3A : memref<!tpu.dma_semaphore, #tpu.memory_space<semaphore_mem>>)
      %dma_wait3A_221 = arith.constant 0 : i32
      %dma_wait3A_222 = tpu.memref_slice %arg5[%arg0, %multiple_of3A, %dma_wait3A_221] : memref<2x10240x128xf32, #tpu.memory_space<hbm>> -> memref<1x632x128xf32, #tpu.memory_space<hbm>>
      %dma_wait3A_223 = tpu.memref_squeeze %dma_wait3A_222 : memref<1x632x128xf32, #tpu.memory_space<hbm>> -> memref<632x128xf32, #tpu.memory_space<hbm>>
      %dma_wait3A_224 = arith.constant 0 : i32
      %dma_wait3A_225 = tpu.memref_slice %arg14[%multiple_of3A, %dma_wait3A_224] : memref<10112x128xf32, #tpu.memory_space<vmem_shared>> -> memref<632x128xf32, #tpu.memory_space<vmem_shared>>
      tpu.wait_dma2 semaphore(%run_scoped3A : memref<!tpu.dma_semaphore, #tpu.memory_space<semaphore_mem>>) src(%dma_wait3A_225 : memref<632x128xf32, #tpu.memory_space<vmem_shared>>) dst(%dma_wait3A_223 : memref<632x128xf32, #tpu.memory_space<hbm>>)
      tpu.yield
    }) : () -> ()
    return
  }
}

#map = affine_map<(d0, d1) -> (0, 0)>
#map1 = affine_map<(d0, d1) -> (0)>
#map2 = affine_map<(d0, d1) -> (0, 0, 0)>
module attributes {stable_mosaic.version = 14 : i64} {
  func.func @body(%arg0: i32, %arg1: i32, %arg2: memref<10240x128xf32, #tpu.memory_space<hbm>>, %arg3: memref<322560xi32, #tpu.memory_space<hbm>>, %arg4: memref<322560xi32, #tpu.memory_space<hbm>>, %arg5: memref<632x128xf32, #tpu.memory_space<hbm>>, %arg6: memref<2x10240x128xf32, #tpu.memory_space<hbm>>, %arg7: memref<96xi32, #tpu.memory_space<vmem>>, %arg8: memref<96xi32, #tpu.memory_space<vmem>>, %arg9: memref<96xi32, #tpu.memory_space<vmem>>, %arg10: memref<96xi32, #tpu.memory_space<vmem>>, %arg11: memref<96xi32, #tpu.memory_space<vmem>>, %arg12: memref<96xi32, #tpu.memory_space<vmem>>, %arg13: memref<96xi32, #tpu.memory_space<vmem>>, %arg14: memref<96xi32, #tpu.memory_space<vmem>>, %arg15: memref<96x128xf32, #tpu.memory_space<vmem>>, %arg16: memref<96x128xf32, #tpu.memory_space<vmem>>, %arg17: memref<96x128xf32, #tpu.memory_space<vmem>>, %arg18: memref<96x128xf32, #tpu.memory_space<vmem>>, %arg19: memref<10112x128xf32, #tpu.memory_space<vmem_shared>>, %arg20: memref<!tpu.dma_semaphore, #tpu.memory_space<semaphore_mem>>, %arg21: memref<!tpu.dma_semaphore, #tpu.memory_space<semaphore_mem>>) attributes {dimension_semantics = [#tpu.dimension_semantics<core_parallel>, #tpu.dimension_semantics<subcore_parallel>], iteration_bounds = array<i64: 2, 16>, scalar_prefetch = 0 : i64, scratch_operands = 15 : i64, tpu.core_type = #tpu.core_type<sc_vector_subcore>, window_params = [{transform_indices = #map}, {transform_indices = #map1}, {transform_indices = #map1}, {transform_indices = #map}, {transform_indices = #map2}]} {
    %mul3A = arith.constant 2 : i32
    %mul3A_0 = arith.muli %arg1, %mul3A : i32
    %add3A = arith.addi %mul3A_0, %arg0 : i32
    %mul3A_1 = arith.constant 632 : i32
    %mul3A_2 = arith.muli %arg1, %mul3A_1 : i32
    %multiple_of3A = tpu.assume_multiple %mul3A_2, 8 : i32
    %mul3A_3 = arith.constant 10080 : i32
    %mul3A_4 = arith.muli %add3A, %mul3A_3 : i32
    "tpu.region"() ({
      %run_scoped3A = tpu.sem_alloc : memref<!tpu.dma_semaphore, #tpu.memory_space<semaphore_mem>>
      %dma_start3A_270 = arith.constant 0 : i32
      %dma_start3A_271 = tpu.memref_slice %arg19[%multiple_of3A, %dma_start3A_270] : memref<10112x128xf32, #tpu.memory_space<vmem_shared>> -> memref<632x128xf32, #tpu.memory_space<vmem_shared>>
      tpu.enqueue_dma source(%arg5 : memref<632x128xf32, #tpu.memory_space<hbm>>) target(%dma_start3A_271 : memref<632x128xf32, #tpu.memory_space<vmem_shared>>) target_semaphore(%run_scoped3A : memref<!tpu.dma_semaphore, #tpu.memory_space<semaphore_mem>>)
      %dma_wait3A_272 = arith.constant 0 : i32
      %dma_wait3A_273 = tpu.memref_slice %arg19[%multiple_of3A, %dma_wait3A_272] : memref<10112x128xf32, #tpu.memory_space<vmem_shared>> -> memref<632x128xf32, #tpu.memory_space<vmem_shared>>
      tpu.wait_dma2 semaphore(%run_scoped3A : memref<!tpu.dma_semaphore, #tpu.memory_space<semaphore_mem>>) src(%arg5 : memref<632x128xf32, #tpu.memory_space<hbm>>) dst(%dma_wait3A_273 : memref<632x128xf32, #tpu.memory_space<vmem_shared>>)
      tpu.yield
    }) : () -> ()
    %barrier3A = arith.constant 0 : index
    tpu.barrier barrier_id(%barrier3A)
    %add3A_5 = arith.constant 0 : i32
    %add3A_6 = arith.addi %mul3A_4, %add3A_5 : i32
    %multiple_of3A_7 = tpu.assume_multiple %add3A_6, 8 : i32
    %dma_start3A = tpu.memref_slice %arg4[%multiple_of3A_7] : memref<322560xi32, #tpu.memory_space<hbm>> -> memref<96xi32, #tpu.memory_space<hbm>>
    %dma_start3A_8 = tpu.memref_slice %arg4[%multiple_of3A_7] : memref<322560xi32, #tpu.memory_space<hbm>> -> memref<96xi32, #tpu.memory_space<hbm>>
    tpu.enqueue_dma source(%dma_start3A_8 : memref<96xi32, #tpu.memory_space<hbm>>) target(%arg11 : memref<96xi32, #tpu.memory_space<vmem>>) target_semaphore(%arg20 : memref<!tpu.dma_semaphore, #tpu.memory_space<semaphore_mem>>)
    %add3A_9 = arith.constant 0 : i32
    %add3A_10 = arith.addi %mul3A_4, %add3A_9 : i32
    %multiple_of3A_11 = tpu.assume_multiple %add3A_10, 8 : i32
    %dma_start3A_12 = tpu.memref_slice %arg3[%multiple_of3A_11] : memref<322560xi32, #tpu.memory_space<hbm>> -> memref<96xi32, #tpu.memory_space<hbm>>
    %dma_start3A_13 = tpu.memref_slice %arg3[%multiple_of3A_11] : memref<322560xi32, #tpu.memory_space<hbm>> -> memref<96xi32, #tpu.memory_space<hbm>>
    tpu.enqueue_dma source(%dma_start3A_13 : memref<96xi32, #tpu.memory_space<hbm>>) target(%arg7 : memref<96xi32, #tpu.memory_space<vmem>>) target_semaphore(%arg20 : memref<!tpu.dma_semaphore, #tpu.memory_space<semaphore_mem>>)
    %add3A_14 = arith.constant 96 : i32
    %add3A_15 = arith.addi %mul3A_4, %add3A_14 : i32
    %multiple_of3A_16 = tpu.assume_multiple %add3A_15, 8 : i32
    %dma_start3A_17 = tpu.memref_slice %arg4[%multiple_of3A_16] : memref<322560xi32, #tpu.memory_space<hbm>> -> memref<96xi32, #tpu.memory_space<hbm>>
    %dma_start3A_18 = tpu.memref_slice %arg4[%multiple_of3A_16] : memref<322560xi32, #tpu.memory_space<hbm>> -> memref<96xi32, #tpu.memory_space<hbm>>
    tpu.enqueue_dma source(%dma_start3A_18 : memref<96xi32, #tpu.memory_space<hbm>>) target(%arg12 : memref<96xi32, #tpu.memory_space<vmem>>) target_semaphore(%arg20 : memref<!tpu.dma_semaphore, #tpu.memory_space<semaphore_mem>>)
    %add3A_19 = arith.constant 96 : i32
    %add3A_20 = arith.addi %mul3A_4, %add3A_19 : i32
    %multiple_of3A_21 = tpu.assume_multiple %add3A_20, 8 : i32
    %dma_start3A_22 = tpu.memref_slice %arg3[%multiple_of3A_21] : memref<322560xi32, #tpu.memory_space<hbm>> -> memref<96xi32, #tpu.memory_space<hbm>>
    %dma_start3A_23 = tpu.memref_slice %arg3[%multiple_of3A_21] : memref<322560xi32, #tpu.memory_space<hbm>> -> memref<96xi32, #tpu.memory_space<hbm>>
    tpu.enqueue_dma source(%dma_start3A_23 : memref<96xi32, #tpu.memory_space<hbm>>) target(%arg8 : memref<96xi32, #tpu.memory_space<vmem>>) target_semaphore(%arg20 : memref<!tpu.dma_semaphore, #tpu.memory_space<semaphore_mem>>)
    %add3A_24 = arith.constant 192 : i32
    %add3A_25 = arith.addi %mul3A_4, %add3A_24 : i32
    %multiple_of3A_26 = tpu.assume_multiple %add3A_25, 8 : i32
    %dma_start3A_27 = tpu.memref_slice %arg4[%multiple_of3A_26] : memref<322560xi32, #tpu.memory_space<hbm>> -> memref<96xi32, #tpu.memory_space<hbm>>
    %dma_start3A_28 = tpu.memref_slice %arg4[%multiple_of3A_26] : memref<322560xi32, #tpu.memory_space<hbm>> -> memref<96xi32, #tpu.memory_space<hbm>>
    tpu.enqueue_dma source(%dma_start3A_28 : memref<96xi32, #tpu.memory_space<hbm>>) target(%arg13 : memref<96xi32, #tpu.memory_space<vmem>>) target_semaphore(%arg20 : memref<!tpu.dma_semaphore, #tpu.memory_space<semaphore_mem>>)
    %add3A_29 = arith.constant 192 : i32
    %add3A_30 = arith.addi %mul3A_4, %add3A_29 : i32
    %multiple_of3A_31 = tpu.assume_multiple %add3A_30, 8 : i32
    %dma_start3A_32 = tpu.memref_slice %arg3[%multiple_of3A_31] : memref<322560xi32, #tpu.memory_space<hbm>> -> memref<96xi32, #tpu.memory_space<hbm>>
    %dma_start3A_33 = tpu.memref_slice %arg3[%multiple_of3A_31] : memref<322560xi32, #tpu.memory_space<hbm>> -> memref<96xi32, #tpu.memory_space<hbm>>
    tpu.enqueue_dma source(%dma_start3A_33 : memref<96xi32, #tpu.memory_space<hbm>>) target(%arg9 : memref<96xi32, #tpu.memory_space<vmem>>) target_semaphore(%arg20 : memref<!tpu.dma_semaphore, #tpu.memory_space<semaphore_mem>>)
    %add3A_34 = arith.constant 0 : i32
    %add3A_35 = arith.addi %mul3A_4, %add3A_34 : i32
    %multiple_of3A_36 = tpu.assume_multiple %add3A_35, 8 : i32
    %dma_wait3A = tpu.memref_slice %arg4[%multiple_of3A_36] : memref<322560xi32, #tpu.memory_space<hbm>> -> memref<96xi32, #tpu.memory_space<hbm>>
    %dma_wait3A_37 = tpu.memref_slice %arg4[%multiple_of3A_36] : memref<322560xi32, #tpu.memory_space<hbm>> -> memref<96xi32, #tpu.memory_space<hbm>>
    tpu.wait_dma2 semaphore(%arg20 : memref<!tpu.dma_semaphore, #tpu.memory_space<semaphore_mem>>) src(%dma_wait3A_37 : memref<96xi32, #tpu.memory_space<hbm>>) dst(%arg11 : memref<96xi32, #tpu.memory_space<vmem>>)
    %add3A_38 = arith.constant 0 : i32
    %add3A_39 = arith.addi %mul3A_4, %add3A_38 : i32
    %multiple_of3A_40 = tpu.assume_multiple %add3A_39, 8 : i32
    %dma_wait3A_41 = tpu.memref_slice %arg3[%multiple_of3A_40] : memref<322560xi32, #tpu.memory_space<hbm>> -> memref<96xi32, #tpu.memory_space<hbm>>
    %dma_wait3A_42 = tpu.memref_slice %arg3[%multiple_of3A_40] : memref<322560xi32, #tpu.memory_space<hbm>> -> memref<96xi32, #tpu.memory_space<hbm>>
    tpu.wait_dma2 semaphore(%arg20 : memref<!tpu.dma_semaphore, #tpu.memory_space<semaphore_mem>>) src(%dma_wait3A_42 : memref<96xi32, #tpu.memory_space<hbm>>) dst(%arg7 : memref<96xi32, #tpu.memory_space<vmem>>)
    %dma_start3A_43 = arith.constant 0 : i32
    %dma_start3A_44 = arith.constant 0 : i32
    %dma_start3A_45 = tpu.memref_slice %arg2[%dma_start3A_43, %dma_start3A_44] : memref<10240x128xf32, #tpu.memory_space<hbm>> -> memref<10240x128xf32, #tpu.memory_space<hbm>>
    tpu.enqueue_indirect_dma source(%dma_start3A_45 : memref<10240x128xf32, #tpu.memory_space<hbm>>) target(%arg15 : memref<96x128xf32, #tpu.memory_space<vmem>>) offsets(%arg7 : memref<96xi32, #tpu.memory_space<vmem>>) semaphore(%arg21 : memref<!tpu.dma_semaphore, #tpu.memory_space<semaphore_mem>>)
    %add3A_46 = arith.constant 96 : i32
    %add3A_47 = arith.addi %mul3A_4, %add3A_46 : i32
    %multiple_of3A_48 = tpu.assume_multiple %add3A_47, 8 : i32
    %dma_wait3A_49 = tpu.memref_slice %arg4[%multiple_of3A_48] : memref<322560xi32, #tpu.memory_space<hbm>> -> memref<96xi32, #tpu.memory_space<hbm>>
    %dma_wait3A_50 = tpu.memref_slice %arg4[%multiple_of3A_48] : memref<322560xi32, #tpu.memory_space<hbm>> -> memref<96xi32, #tpu.memory_space<hbm>>
    tpu.wait_dma2 semaphore(%arg20 : memref<!tpu.dma_semaphore, #tpu.memory_space<semaphore_mem>>) src(%dma_wait3A_50 : memref<96xi32, #tpu.memory_space<hbm>>) dst(%arg12 : memref<96xi32, #tpu.memory_space<vmem>>)
    %add3A_51 = arith.constant 96 : i32
    %add3A_52 = arith.addi %mul3A_4, %add3A_51 : i32
    %multiple_of3A_53 = tpu.assume_multiple %add3A_52, 8 : i32
    %dma_wait3A_54 = tpu.memref_slice %arg3[%multiple_of3A_53] : memref<322560xi32, #tpu.memory_space<hbm>> -> memref<96xi32, #tpu.memory_space<hbm>>
    %dma_wait3A_55 = tpu.memref_slice %arg3[%multiple_of3A_53] : memref<322560xi32, #tpu.memory_space<hbm>> -> memref<96xi32, #tpu.memory_space<hbm>>
    tpu.wait_dma2 semaphore(%arg20 : memref<!tpu.dma_semaphore, #tpu.memory_space<semaphore_mem>>) src(%dma_wait3A_55 : memref<96xi32, #tpu.memory_space<hbm>>) dst(%arg8 : memref<96xi32, #tpu.memory_space<vmem>>)
    %dma_start3A_56 = arith.constant 0 : i32
    %dma_start3A_57 = arith.constant 0 : i32
    %dma_start3A_58 = tpu.memref_slice %arg2[%dma_start3A_56, %dma_start3A_57] : memref<10240x128xf32, #tpu.memory_space<hbm>> -> memref<10240x128xf32, #tpu.memory_space<hbm>>
    tpu.enqueue_indirect_dma source(%dma_start3A_58 : memref<10240x128xf32, #tpu.memory_space<hbm>>) target(%arg16 : memref<96x128xf32, #tpu.memory_space<vmem>>) offsets(%arg8 : memref<96xi32, #tpu.memory_space<vmem>>) semaphore(%arg21 : memref<!tpu.dma_semaphore, #tpu.memory_space<semaphore_mem>>)
    %add3A_59 = arith.constant 192 : i32
    %add3A_60 = arith.addi %mul3A_4, %add3A_59 : i32
    %multiple_of3A_61 = tpu.assume_multiple %add3A_60, 8 : i32
    %dma_wait3A_62 = tpu.memref_slice %arg4[%multiple_of3A_61] : memref<322560xi32, #tpu.memory_space<hbm>> -> memref<96xi32, #tpu.memory_space<hbm>>
    %dma_wait3A_63 = tpu.memref_slice %arg4[%multiple_of3A_61] : memref<322560xi32, #tpu.memory_space<hbm>> -> memref<96xi32, #tpu.memory_space<hbm>>
    tpu.wait_dma2 semaphore(%arg20 : memref<!tpu.dma_semaphore, #tpu.memory_space<semaphore_mem>>) src(%dma_wait3A_63 : memref<96xi32, #tpu.memory_space<hbm>>) dst(%arg13 : memref<96xi32, #tpu.memory_space<vmem>>)
    %add3A_64 = arith.constant 192 : i32
    %add3A_65 = arith.addi %mul3A_4, %add3A_64 : i32
    %multiple_of3A_66 = tpu.assume_multiple %add3A_65, 8 : i32
    %dma_wait3A_67 = tpu.memref_slice %arg3[%multiple_of3A_66] : memref<322560xi32, #tpu.memory_space<hbm>> -> memref<96xi32, #tpu.memory_space<hbm>>
    %dma_wait3A_68 = tpu.memref_slice %arg3[%multiple_of3A_66] : memref<322560xi32, #tpu.memory_space<hbm>> -> memref<96xi32, #tpu.memory_space<hbm>>
    tpu.wait_dma2 semaphore(%arg20 : memref<!tpu.dma_semaphore, #tpu.memory_space<semaphore_mem>>) src(%dma_wait3A_68 : memref<96xi32, #tpu.memory_space<hbm>>) dst(%arg9 : memref<96xi32, #tpu.memory_space<vmem>>)
    %dma_start3A_69 = arith.constant 0 : i32
    %dma_start3A_70 = arith.constant 0 : i32
    %dma_start3A_71 = tpu.memref_slice %arg2[%dma_start3A_69, %dma_start3A_70] : memref<10240x128xf32, #tpu.memory_space<hbm>> -> memref<10240x128xf32, #tpu.memory_space<hbm>>
    tpu.enqueue_indirect_dma source(%dma_start3A_71 : memref<10240x128xf32, #tpu.memory_space<hbm>>) target(%arg17 : memref<96x128xf32, #tpu.memory_space<vmem>>) offsets(%arg9 : memref<96xi32, #tpu.memory_space<vmem>>) semaphore(%arg21 : memref<!tpu.dma_semaphore, #tpu.memory_space<semaphore_mem>>)
    %add3A_72 = arith.constant 288 : i32
    %add3A_73 = arith.addi %mul3A_4, %add3A_72 : i32
    %multiple_of3A_74 = tpu.assume_multiple %add3A_73, 8 : i32
    %dma_start3A_75 = tpu.memref_slice %arg4[%multiple_of3A_74] : memref<322560xi32, #tpu.memory_space<hbm>> -> memref<96xi32, #tpu.memory_space<hbm>>
    %dma_start3A_76 = tpu.memref_slice %arg4[%multiple_of3A_74] : memref<322560xi32, #tpu.memory_space<hbm>> -> memref<96xi32, #tpu.memory_space<hbm>>
    tpu.enqueue_dma source(%dma_start3A_76 : memref<96xi32, #tpu.memory_space<hbm>>) target(%arg14 : memref<96xi32, #tpu.memory_space<vmem>>) target_semaphore(%arg20 : memref<!tpu.dma_semaphore, #tpu.memory_space<semaphore_mem>>)
    %add3A_77 = arith.constant 288 : i32
    %add3A_78 = arith.addi %mul3A_4, %add3A_77 : i32
    %multiple_of3A_79 = tpu.assume_multiple %add3A_78, 8 : i32
    %dma_start3A_80 = tpu.memref_slice %arg3[%multiple_of3A_79] : memref<322560xi32, #tpu.memory_space<hbm>> -> memref<96xi32, #tpu.memory_space<hbm>>
    %dma_start3A_81 = tpu.memref_slice %arg3[%multiple_of3A_79] : memref<322560xi32, #tpu.memory_space<hbm>> -> memref<96xi32, #tpu.memory_space<hbm>>
    tpu.enqueue_dma source(%dma_start3A_81 : memref<96xi32, #tpu.memory_space<hbm>>) target(%arg10 : memref<96xi32, #tpu.memory_space<vmem>>) target_semaphore(%arg20 : memref<!tpu.dma_semaphore, #tpu.memory_space<semaphore_mem>>)
    %dma_wait3A_82 = arith.constant 0 : i32
    %dma_wait3A_83 = arith.constant 0 : i32
    %dma_wait3A_84 = tpu.memref_slice %arg2[%dma_wait3A_82, %dma_wait3A_83] : memref<10240x128xf32, #tpu.memory_space<hbm>> -> memref<96x128xf32, #tpu.memory_space<hbm>>
    %dma_wait3A_85 = arith.constant 0 : i32
    %dma_wait3A_86 = arith.constant 0 : i32
    %dma_wait3A_87 = tpu.memref_slice %arg2[%dma_wait3A_85, %dma_wait3A_86] : memref<10240x128xf32, #tpu.memory_space<hbm>> -> memref<96x128xf32, #tpu.memory_space<hbm>>
    tpu.wait_dma2 semaphore(%arg21 : memref<!tpu.dma_semaphore, #tpu.memory_space<semaphore_mem>>) src(%dma_wait3A_87 : memref<96x128xf32, #tpu.memory_space<hbm>>) dst(%arg15 : memref<96x128xf32, #tpu.memory_space<vmem>>)
    "tpu.region"() ({
      %run_scoped3A = tpu.sem_alloc : memref<!tpu.dma_semaphore, #tpu.memory_space<semaphore_mem>>
      %dma_start3A_270 = arith.constant 0 : i32
      %dma_start3A_271 = arith.constant 0 : i32
      %dma_start3A_272 = tpu.memref_slice %arg19[%dma_start3A_270, %dma_start3A_271] : memref<10112x128xf32, #tpu.memory_space<vmem_shared>> -> memref<10112x128xf32, #tpu.memory_space<vmem_shared>>
      tpu.enqueue_indirect_dma source(%arg15 : memref<96x128xf32, #tpu.memory_space<vmem>>) target(%dma_start3A_272 : memref<10112x128xf32, #tpu.memory_space<vmem_shared>>) offsets(%arg11 : memref<96xi32, #tpu.memory_space<vmem>>) semaphore(%run_scoped3A : memref<!tpu.dma_semaphore, #tpu.memory_space<semaphore_mem>>) {add = true}
      %dma_wait3A_273 = arith.constant 0 : i32
      %dma_wait3A_274 = arith.constant 0 : i32
      %dma_wait3A_275 = tpu.memref_slice %arg19[%dma_wait3A_273, %dma_wait3A_274] : memref<10112x128xf32, #tpu.memory_space<vmem_shared>> -> memref<10112x128xf32, #tpu.memory_space<vmem_shared>>
      tpu.wait_indirect_dma semaphore(%run_scoped3A : memref<!tpu.dma_semaphore, #tpu.memory_space<semaphore_mem>>) src(%arg15 : memref<96x128xf32, #tpu.memory_space<vmem>>) dst(%dma_wait3A_275 : memref<10112x128xf32, #tpu.memory_space<vmem_shared>>)
      tpu.yield
    }) : () -> ()
    %add3A_88 = arith.constant 288 : i32
    %add3A_89 = arith.addi %mul3A_4, %add3A_88 : i32
    %multiple_of3A_90 = tpu.assume_multiple %add3A_89, 8 : i32
    %dma_wait3A_91 = tpu.memref_slice %arg4[%multiple_of3A_90] : memref<322560xi32, #tpu.memory_space<hbm>> -> memref<96xi32, #tpu.memory_space<hbm>>
    %dma_wait3A_92 = tpu.memref_slice %arg4[%multiple_of3A_90] : memref<322560xi32, #tpu.memory_space<hbm>> -> memref<96xi32, #tpu.memory_space<hbm>>
    tpu.wait_dma2 semaphore(%arg20 : memref<!tpu.dma_semaphore, #tpu.memory_space<semaphore_mem>>) src(%dma_wait3A_92 : memref<96xi32, #tpu.memory_space<hbm>>) dst(%arg14 : memref<96xi32, #tpu.memory_space<vmem>>)
    %add3A_93 = arith.constant 288 : i32
    %add3A_94 = arith.addi %mul3A_4, %add3A_93 : i32
    %multiple_of3A_95 = tpu.assume_multiple %add3A_94, 8 : i32
    %dma_wait3A_96 = tpu.memref_slice %arg3[%multiple_of3A_95] : memref<322560xi32, #tpu.memory_space<hbm>> -> memref<96xi32, #tpu.memory_space<hbm>>
    %dma_wait3A_97 = tpu.memref_slice %arg3[%multiple_of3A_95] : memref<322560xi32, #tpu.memory_space<hbm>> -> memref<96xi32, #tpu.memory_space<hbm>>
    tpu.wait_dma2 semaphore(%arg20 : memref<!tpu.dma_semaphore, #tpu.memory_space<semaphore_mem>>) src(%dma_wait3A_97 : memref<96xi32, #tpu.memory_space<hbm>>) dst(%arg10 : memref<96xi32, #tpu.memory_space<vmem>>)
    %dma_start3A_98 = arith.constant 0 : i32
    %dma_start3A_99 = arith.constant 0 : i32
    %dma_start3A_100 = tpu.memref_slice %arg2[%dma_start3A_98, %dma_start3A_99] : memref<10240x128xf32, #tpu.memory_space<hbm>> -> memref<10240x128xf32, #tpu.memory_space<hbm>>
    tpu.enqueue_indirect_dma source(%dma_start3A_100 : memref<10240x128xf32, #tpu.memory_space<hbm>>) target(%arg18 : memref<96x128xf32, #tpu.memory_space<vmem>>) offsets(%arg10 : memref<96xi32, #tpu.memory_space<vmem>>) semaphore(%arg21 : memref<!tpu.dma_semaphore, #tpu.memory_space<semaphore_mem>>)
    %add3A_101 = arith.constant 384 : i32
    %add3A_102 = arith.addi %mul3A_4, %add3A_101 : i32
    %multiple_of3A_103 = tpu.assume_multiple %add3A_102, 8 : i32
    %dma_start3A_104 = tpu.memref_slice %arg4[%multiple_of3A_103] : memref<322560xi32, #tpu.memory_space<hbm>> -> memref<96xi32, #tpu.memory_space<hbm>>
    %dma_start3A_105 = tpu.memref_slice %arg4[%multiple_of3A_103] : memref<322560xi32, #tpu.memory_space<hbm>> -> memref<96xi32, #tpu.memory_space<hbm>>
    tpu.enqueue_dma source(%dma_start3A_105 : memref<96xi32, #tpu.memory_space<hbm>>) target(%arg11 : memref<96xi32, #tpu.memory_space<vmem>>) target_semaphore(%arg20 : memref<!tpu.dma_semaphore, #tpu.memory_space<semaphore_mem>>)
    %add3A_106 = arith.constant 384 : i32
    %add3A_107 = arith.addi %mul3A_4, %add3A_106 : i32
    %multiple_of3A_108 = tpu.assume_multiple %add3A_107, 8 : i32
    %dma_start3A_109 = tpu.memref_slice %arg3[%multiple_of3A_108] : memref<322560xi32, #tpu.memory_space<hbm>> -> memref<96xi32, #tpu.memory_space<hbm>>
    %dma_start3A_110 = tpu.memref_slice %arg3[%multiple_of3A_108] : memref<322560xi32, #tpu.memory_space<hbm>> -> memref<96xi32, #tpu.memory_space<hbm>>
    tpu.enqueue_dma source(%dma_start3A_110 : memref<96xi32, #tpu.memory_space<hbm>>) target(%arg7 : memref<96xi32, #tpu.memory_space<vmem>>) target_semaphore(%arg20 : memref<!tpu.dma_semaphore, #tpu.memory_space<semaphore_mem>>)
    %dma_wait3A_111 = arith.constant 0 : i32
    %dma_wait3A_112 = arith.constant 0 : i32
    %dma_wait3A_113 = tpu.memref_slice %arg2[%dma_wait3A_111, %dma_wait3A_112] : memref<10240x128xf32, #tpu.memory_space<hbm>> -> memref<96x128xf32, #tpu.memory_space<hbm>>
    %dma_wait3A_114 = arith.constant 0 : i32
    %dma_wait3A_115 = arith.constant 0 : i32
    %dma_wait3A_116 = tpu.memref_slice %arg2[%dma_wait3A_114, %dma_wait3A_115] : memref<10240x128xf32, #tpu.memory_space<hbm>> -> memref<96x128xf32, #tpu.memory_space<hbm>>
    tpu.wait_dma2 semaphore(%arg21 : memref<!tpu.dma_semaphore, #tpu.memory_space<semaphore_mem>>) src(%dma_wait3A_116 : memref<96x128xf32, #tpu.memory_space<hbm>>) dst(%arg16 : memref<96x128xf32, #tpu.memory_space<vmem>>)
    "tpu.region"() ({
      %run_scoped3A = tpu.sem_alloc : memref<!tpu.dma_semaphore, #tpu.memory_space<semaphore_mem>>
      %dma_start3A_270 = arith.constant 0 : i32
      %dma_start3A_271 = arith.constant 0 : i32
      %dma_start3A_272 = tpu.memref_slice %arg19[%dma_start3A_270, %dma_start3A_271] : memref<10112x128xf32, #tpu.memory_space<vmem_shared>> -> memref<10112x128xf32, #tpu.memory_space<vmem_shared>>
      tpu.enqueue_indirect_dma source(%arg16 : memref<96x128xf32, #tpu.memory_space<vmem>>) target(%dma_start3A_272 : memref<10112x128xf32, #tpu.memory_space<vmem_shared>>) offsets(%arg12 : memref<96xi32, #tpu.memory_space<vmem>>) semaphore(%run_scoped3A : memref<!tpu.dma_semaphore, #tpu.memory_space<semaphore_mem>>) {add = true}
      %dma_wait3A_273 = arith.constant 0 : i32
      %dma_wait3A_274 = arith.constant 0 : i32
      %dma_wait3A_275 = tpu.memref_slice %arg19[%dma_wait3A_273, %dma_wait3A_274] : memref<10112x128xf32, #tpu.memory_space<vmem_shared>> -> memref<10112x128xf32, #tpu.memory_space<vmem_shared>>
      tpu.wait_indirect_dma semaphore(%run_scoped3A : memref<!tpu.dma_semaphore, #tpu.memory_space<semaphore_mem>>) src(%arg16 : memref<96x128xf32, #tpu.memory_space<vmem>>) dst(%dma_wait3A_275 : memref<10112x128xf32, #tpu.memory_space<vmem_shared>>)
      tpu.yield
    }) : () -> ()
    %scan3A = arith.constant 0 : i32
    %scan3A_117 = arith.constant 0 : i32
    %scan3A_118 = arith.constant 24 : i32
    %scan3A_119 = arith.addi %scan3A_117, %scan3A_118 : i32
    %scan3A_120 = arith.constant 1 : i32
    scf.for %scan3A_270 = %scan3A_117 to %scan3A_119 step %scan3A_120  : i32 {
      %mul3A_271 = arith.constant 4 : i32
      %mul3A_272 = arith.muli %mul3A_271, %scan3A_270 : i32
      %add3A_273 = arith.constant 2 : i32
      %add3A_274 = arith.addi %add3A_273, %mul3A_272 : i32
      %add3A_275 = arith.constant 0 : i32
      %add3A_276 = arith.addi %add3A_274, %add3A_275 : i32
      %add3A_277 = arith.constant 2 : i32
      %add3A_278 = arith.addi %add3A_276, %add3A_277 : i32
      %mul3A_279 = arith.constant 96 : i32
      %mul3A_280 = arith.muli %add3A_278, %mul3A_279 : i32
      %add3A_281 = arith.addi %mul3A_4, %mul3A_280 : i32
      %multiple_of3A_282 = tpu.assume_multiple %add3A_281, 8 : i32
      %dma_wait3A_283 = tpu.memref_slice %arg4[%multiple_of3A_282] : memref<322560xi32, #tpu.memory_space<hbm>> -> memref<96xi32, #tpu.memory_space<hbm>>
      %dma_wait3A_284 = tpu.memref_slice %arg4[%multiple_of3A_282] : memref<322560xi32, #tpu.memory_space<hbm>> -> memref<96xi32, #tpu.memory_space<hbm>>
      tpu.wait_dma2 semaphore(%arg20 : memref<!tpu.dma_semaphore, #tpu.memory_space<semaphore_mem>>) src(%dma_wait3A_284 : memref<96xi32, #tpu.memory_space<hbm>>) dst(%arg11 : memref<96xi32, #tpu.memory_space<vmem>>)
      %mul3A_285 = arith.constant 96 : i32
      %mul3A_286 = arith.muli %add3A_278, %mul3A_285 : i32
      %add3A_287 = arith.addi %mul3A_4, %mul3A_286 : i32
      %multiple_of3A_288 = tpu.assume_multiple %add3A_287, 8 : i32
      %dma_wait3A_289 = tpu.memref_slice %arg3[%multiple_of3A_288] : memref<322560xi32, #tpu.memory_space<hbm>> -> memref<96xi32, #tpu.memory_space<hbm>>
      %dma_wait3A_290 = tpu.memref_slice %arg3[%multiple_of3A_288] : memref<322560xi32, #tpu.memory_space<hbm>> -> memref<96xi32, #tpu.memory_space<hbm>>
      tpu.wait_dma2 semaphore(%arg20 : memref<!tpu.dma_semaphore, #tpu.memory_space<semaphore_mem>>) src(%dma_wait3A_290 : memref<96xi32, #tpu.memory_space<hbm>>) dst(%arg7 : memref<96xi32, #tpu.memory_space<vmem>>)
      %add3A_291 = arith.constant 2 : i32
      %add3A_292 = arith.addi %add3A_276, %add3A_291 : i32
      %dma_start3A_293 = arith.constant 0 : i32
      %dma_start3A_294 = arith.constant 0 : i32
      %dma_start3A_295 = tpu.memref_slice %arg2[%dma_start3A_293, %dma_start3A_294] : memref<10240x128xf32, #tpu.memory_space<hbm>> -> memref<10240x128xf32, #tpu.memory_space<hbm>>
      tpu.enqueue_indirect_dma source(%dma_start3A_295 : memref<10240x128xf32, #tpu.memory_space<hbm>>) target(%arg15 : memref<96x128xf32, #tpu.memory_space<vmem>>) offsets(%arg7 : memref<96xi32, #tpu.memory_space<vmem>>) semaphore(%arg21 : memref<!tpu.dma_semaphore, #tpu.memory_space<semaphore_mem>>)
      %add3A_296 = arith.constant 3 : i32
      %add3A_297 = arith.addi %add3A_276, %add3A_296 : i32
      %mul3A_298 = arith.constant 96 : i32
      %mul3A_299 = arith.muli %add3A_297, %mul3A_298 : i32
      %add3A_300 = arith.addi %mul3A_4, %mul3A_299 : i32
      %multiple_of3A_301 = tpu.assume_multiple %add3A_300, 8 : i32
      %dma_start3A_302 = tpu.memref_slice %arg4[%multiple_of3A_301] : memref<322560xi32, #tpu.memory_space<hbm>> -> memref<96xi32, #tpu.memory_space<hbm>>
      %dma_start3A_303 = tpu.memref_slice %arg4[%multiple_of3A_301] : memref<322560xi32, #tpu.memory_space<hbm>> -> memref<96xi32, #tpu.memory_space<hbm>>
      tpu.enqueue_dma source(%dma_start3A_303 : memref<96xi32, #tpu.memory_space<hbm>>) target(%arg12 : memref<96xi32, #tpu.memory_space<vmem>>) target_semaphore(%arg20 : memref<!tpu.dma_semaphore, #tpu.memory_space<semaphore_mem>>)
      %mul3A_304 = arith.constant 96 : i32
      %mul3A_305 = arith.muli %add3A_297, %mul3A_304 : i32
      %add3A_306 = arith.addi %mul3A_4, %mul3A_305 : i32
      %multiple_of3A_307 = tpu.assume_multiple %add3A_306, 8 : i32
      %dma_start3A_308 = tpu.memref_slice %arg3[%multiple_of3A_307] : memref<322560xi32, #tpu.memory_space<hbm>> -> memref<96xi32, #tpu.memory_space<hbm>>
      %dma_start3A_309 = tpu.memref_slice %arg3[%multiple_of3A_307] : memref<322560xi32, #tpu.memory_space<hbm>> -> memref<96xi32, #tpu.memory_space<hbm>>
      tpu.enqueue_dma source(%dma_start3A_309 : memref<96xi32, #tpu.memory_space<hbm>>) target(%arg8 : memref<96xi32, #tpu.memory_space<vmem>>) target_semaphore(%arg20 : memref<!tpu.dma_semaphore, #tpu.memory_space<semaphore_mem>>)
      %dma_wait3A_310 = arith.constant 0 : i32
      %dma_wait3A_311 = arith.constant 0 : i32
      %dma_wait3A_312 = tpu.memref_slice %arg2[%dma_wait3A_310, %dma_wait3A_311] : memref<10240x128xf32, #tpu.memory_space<hbm>> -> memref<96x128xf32, #tpu.memory_space<hbm>>
      %dma_wait3A_313 = arith.constant 0 : i32
      %dma_wait3A_314 = arith.constant 0 : i32
      %dma_wait3A_315 = tpu.memref_slice %arg2[%dma_wait3A_313, %dma_wait3A_314] : memref<10240x128xf32, #tpu.memory_space<hbm>> -> memref<96x128xf32, #tpu.memory_space<hbm>>
      tpu.wait_dma2 semaphore(%arg21 : memref<!tpu.dma_semaphore, #tpu.memory_space<semaphore_mem>>) src(%dma_wait3A_315 : memref<96x128xf32, #tpu.memory_space<hbm>>) dst(%arg17 : memref<96x128xf32, #tpu.memory_space<vmem>>)
      "tpu.region"() ({
        %run_scoped3A = tpu.sem_alloc : memref<!tpu.dma_semaphore, #tpu.memory_space<semaphore_mem>>
        %dma_start3A_451 = arith.constant 0 : i32
        %dma_start3A_452 = arith.constant 0 : i32
        %dma_start3A_453 = tpu.memref_slice %arg19[%dma_start3A_451, %dma_start3A_452] : memref<10112x128xf32, #tpu.memory_space<vmem_shared>> -> memref<10112x128xf32, #tpu.memory_space<vmem_shared>>
        tpu.enqueue_indirect_dma source(%arg17 : memref<96x128xf32, #tpu.memory_space<vmem>>) target(%dma_start3A_453 : memref<10112x128xf32, #tpu.memory_space<vmem_shared>>) offsets(%arg13 : memref<96xi32, #tpu.memory_space<vmem>>) semaphore(%run_scoped3A : memref<!tpu.dma_semaphore, #tpu.memory_space<semaphore_mem>>) {add = true}
        %dma_wait3A_454 = arith.constant 0 : i32
        %dma_wait3A_455 = arith.constant 0 : i32
        %dma_wait3A_456 = tpu.memref_slice %arg19[%dma_wait3A_454, %dma_wait3A_455] : memref<10112x128xf32, #tpu.memory_space<vmem_shared>> -> memref<10112x128xf32, #tpu.memory_space<vmem_shared>>
        tpu.wait_indirect_dma semaphore(%run_scoped3A : memref<!tpu.dma_semaphore, #tpu.memory_space<semaphore_mem>>) src(%arg17 : memref<96x128xf32, #tpu.memory_space<vmem>>) dst(%dma_wait3A_456 : memref<10112x128xf32, #tpu.memory_space<vmem_shared>>)
        tpu.yield
      }) : () -> ()
      %mul3A_316 = arith.constant 4 : i32
      %mul3A_317 = arith.muli %mul3A_316, %scan3A_270 : i32
      %add3A_318 = arith.constant 2 : i32
      %add3A_319 = arith.addi %add3A_318, %mul3A_317 : i32
      %add3A_320 = arith.constant 1 : i32
      %add3A_321 = arith.addi %add3A_319, %add3A_320 : i32
      %add3A_322 = arith.constant 2 : i32
      %add3A_323 = arith.addi %add3A_321, %add3A_322 : i32
      %mul3A_324 = arith.constant 96 : i32
      %mul3A_325 = arith.muli %add3A_323, %mul3A_324 : i32
      %add3A_326 = arith.addi %mul3A_4, %mul3A_325 : i32
      %multiple_of3A_327 = tpu.assume_multiple %add3A_326, 8 : i32
      %dma_wait3A_328 = tpu.memref_slice %arg4[%multiple_of3A_327] : memref<322560xi32, #tpu.memory_space<hbm>> -> memref<96xi32, #tpu.memory_space<hbm>>
      %dma_wait3A_329 = tpu.memref_slice %arg4[%multiple_of3A_327] : memref<322560xi32, #tpu.memory_space<hbm>> -> memref<96xi32, #tpu.memory_space<hbm>>
      tpu.wait_dma2 semaphore(%arg20 : memref<!tpu.dma_semaphore, #tpu.memory_space<semaphore_mem>>) src(%dma_wait3A_329 : memref<96xi32, #tpu.memory_space<hbm>>) dst(%arg12 : memref<96xi32, #tpu.memory_space<vmem>>)
      %mul3A_330 = arith.constant 96 : i32
      %mul3A_331 = arith.muli %add3A_323, %mul3A_330 : i32
      %add3A_332 = arith.addi %mul3A_4, %mul3A_331 : i32
      %multiple_of3A_333 = tpu.assume_multiple %add3A_332, 8 : i32
      %dma_wait3A_334 = tpu.memref_slice %arg3[%multiple_of3A_333] : memref<322560xi32, #tpu.memory_space<hbm>> -> memref<96xi32, #tpu.memory_space<hbm>>
      %dma_wait3A_335 = tpu.memref_slice %arg3[%multiple_of3A_333] : memref<322560xi32, #tpu.memory_space<hbm>> -> memref<96xi32, #tpu.memory_space<hbm>>
      tpu.wait_dma2 semaphore(%arg20 : memref<!tpu.dma_semaphore, #tpu.memory_space<semaphore_mem>>) src(%dma_wait3A_335 : memref<96xi32, #tpu.memory_space<hbm>>) dst(%arg8 : memref<96xi32, #tpu.memory_space<vmem>>)
      %add3A_336 = arith.constant 2 : i32
      %add3A_337 = arith.addi %add3A_321, %add3A_336 : i32
      %dma_start3A_338 = arith.constant 0 : i32
      %dma_start3A_339 = arith.constant 0 : i32
      %dma_start3A_340 = tpu.memref_slice %arg2[%dma_start3A_338, %dma_start3A_339] : memref<10240x128xf32, #tpu.memory_space<hbm>> -> memref<10240x128xf32, #tpu.memory_space<hbm>>
      tpu.enqueue_indirect_dma source(%dma_start3A_340 : memref<10240x128xf32, #tpu.memory_space<hbm>>) target(%arg16 : memref<96x128xf32, #tpu.memory_space<vmem>>) offsets(%arg8 : memref<96xi32, #tpu.memory_space<vmem>>) semaphore(%arg21 : memref<!tpu.dma_semaphore, #tpu.memory_space<semaphore_mem>>)
      %add3A_341 = arith.constant 3 : i32
      %add3A_342 = arith.addi %add3A_321, %add3A_341 : i32
      %mul3A_343 = arith.constant 96 : i32
      %mul3A_344 = arith.muli %add3A_342, %mul3A_343 : i32
      %add3A_345 = arith.addi %mul3A_4, %mul3A_344 : i32
      %multiple_of3A_346 = tpu.assume_multiple %add3A_345, 8 : i32
      %dma_start3A_347 = tpu.memref_slice %arg4[%multiple_of3A_346] : memref<322560xi32, #tpu.memory_space<hbm>> -> memref<96xi32, #tpu.memory_space<hbm>>
      %dma_start3A_348 = tpu.memref_slice %arg4[%multiple_of3A_346] : memref<322560xi32, #tpu.memory_space<hbm>> -> memref<96xi32, #tpu.memory_space<hbm>>
      tpu.enqueue_dma source(%dma_start3A_348 : memref<96xi32, #tpu.memory_space<hbm>>) target(%arg13 : memref<96xi32, #tpu.memory_space<vmem>>) target_semaphore(%arg20 : memref<!tpu.dma_semaphore, #tpu.memory_space<semaphore_mem>>)
      %mul3A_349 = arith.constant 96 : i32
      %mul3A_350 = arith.muli %add3A_342, %mul3A_349 : i32
      %add3A_351 = arith.addi %mul3A_4, %mul3A_350 : i32
      %multiple_of3A_352 = tpu.assume_multiple %add3A_351, 8 : i32
      %dma_start3A_353 = tpu.memref_slice %arg3[%multiple_of3A_352] : memref<322560xi32, #tpu.memory_space<hbm>> -> memref<96xi32, #tpu.memory_space<hbm>>
      %dma_start3A_354 = tpu.memref_slice %arg3[%multiple_of3A_352] : memref<322560xi32, #tpu.memory_space<hbm>> -> memref<96xi32, #tpu.memory_space<hbm>>
      tpu.enqueue_dma source(%dma_start3A_354 : memref<96xi32, #tpu.memory_space<hbm>>) target(%arg9 : memref<96xi32, #tpu.memory_space<vmem>>) target_semaphore(%arg20 : memref<!tpu.dma_semaphore, #tpu.memory_space<semaphore_mem>>)
      %dma_wait3A_355 = arith.constant 0 : i32
      %dma_wait3A_356 = arith.constant 0 : i32
      %dma_wait3A_357 = tpu.memref_slice %arg2[%dma_wait3A_355, %dma_wait3A_356] : memref<10240x128xf32, #tpu.memory_space<hbm>> -> memref<96x128xf32, #tpu.memory_space<hbm>>
      %dma_wait3A_358 = arith.constant 0 : i32
      %dma_wait3A_359 = arith.constant 0 : i32
      %dma_wait3A_360 = tpu.memref_slice %arg2[%dma_wait3A_358, %dma_wait3A_359] : memref<10240x128xf32, #tpu.memory_space<hbm>> -> memref<96x128xf32, #tpu.memory_space<hbm>>
      tpu.wait_dma2 semaphore(%arg21 : memref<!tpu.dma_semaphore, #tpu.memory_space<semaphore_mem>>) src(%dma_wait3A_360 : memref<96x128xf32, #tpu.memory_space<hbm>>) dst(%arg18 : memref<96x128xf32, #tpu.memory_space<vmem>>)
      "tpu.region"() ({
        %run_scoped3A = tpu.sem_alloc : memref<!tpu.dma_semaphore, #tpu.memory_space<semaphore_mem>>
        %dma_start3A_451 = arith.constant 0 : i32
        %dma_start3A_452 = arith.constant 0 : i32
        %dma_start3A_453 = tpu.memref_slice %arg19[%dma_start3A_451, %dma_start3A_452] : memref<10112x128xf32, #tpu.memory_space<vmem_shared>> -> memref<10112x128xf32, #tpu.memory_space<vmem_shared>>
        tpu.enqueue_indirect_dma source(%arg18 : memref<96x128xf32, #tpu.memory_space<vmem>>) target(%dma_start3A_453 : memref<10112x128xf32, #tpu.memory_space<vmem_shared>>) offsets(%arg14 : memref<96xi32, #tpu.memory_space<vmem>>) semaphore(%run_scoped3A : memref<!tpu.dma_semaphore, #tpu.memory_space<semaphore_mem>>) {add = true}
        %dma_wait3A_454 = arith.constant 0 : i32
        %dma_wait3A_455 = arith.constant 0 : i32
        %dma_wait3A_456 = tpu.memref_slice %arg19[%dma_wait3A_454, %dma_wait3A_455] : memref<10112x128xf32, #tpu.memory_space<vmem_shared>> -> memref<10112x128xf32, #tpu.memory_space<vmem_shared>>
        tpu.wait_indirect_dma semaphore(%run_scoped3A : memref<!tpu.dma_semaphore, #tpu.memory_space<semaphore_mem>>) src(%arg18 : memref<96x128xf32, #tpu.memory_space<vmem>>) dst(%dma_wait3A_456 : memref<10112x128xf32, #tpu.memory_space<vmem_shared>>)
        tpu.yield
      }) : () -> ()
      %mul3A_361 = arith.constant 4 : i32
      %mul3A_362 = arith.muli %mul3A_361, %scan3A_270 : i32
      %add3A_363 = arith.constant 2 : i32
      %add3A_364 = arith.addi %add3A_363, %mul3A_362 : i32
      %add3A_365 = arith.constant 2 : i32
      %add3A_366 = arith.addi %add3A_364, %add3A_365 : i32
      %add3A_367 = arith.constant 2 : i32
      %add3A_368 = arith.addi %add3A_366, %add3A_367 : i32
      %mul3A_369 = arith.constant 96 : i32
      %mul3A_370 = arith.muli %add3A_368, %mul3A_369 : i32
      %add3A_371 = arith.addi %mul3A_4, %mul3A_370 : i32
      %multiple_of3A_372 = tpu.assume_multiple %add3A_371, 8 : i32
      %dma_wait3A_373 = tpu.memref_slice %arg4[%multiple_of3A_372] : memref<322560xi32, #tpu.memory_space<hbm>> -> memref<96xi32, #tpu.memory_space<hbm>>
      %dma_wait3A_374 = tpu.memref_slice %arg4[%multiple_of3A_372] : memref<322560xi32, #tpu.memory_space<hbm>> -> memref<96xi32, #tpu.memory_space<hbm>>
      tpu.wait_dma2 semaphore(%arg20 : memref<!tpu.dma_semaphore, #tpu.memory_space<semaphore_mem>>) src(%dma_wait3A_374 : memref<96xi32, #tpu.memory_space<hbm>>) dst(%arg13 : memref<96xi32, #tpu.memory_space<vmem>>)
      %mul3A_375 = arith.constant 96 : i32
      %mul3A_376 = arith.muli %add3A_368, %mul3A_375 : i32
      %add3A_377 = arith.addi %mul3A_4, %mul3A_376 : i32
      %multiple_of3A_378 = tpu.assume_multiple %add3A_377, 8 : i32
      %dma_wait3A_379 = tpu.memref_slice %arg3[%multiple_of3A_378] : memref<322560xi32, #tpu.memory_space<hbm>> -> memref<96xi32, #tpu.memory_space<hbm>>
      %dma_wait3A_380 = tpu.memref_slice %arg3[%multiple_of3A_378] : memref<322560xi32, #tpu.memory_space<hbm>> -> memref<96xi32, #tpu.memory_space<hbm>>
      tpu.wait_dma2 semaphore(%arg20 : memref<!tpu.dma_semaphore, #tpu.memory_space<semaphore_mem>>) src(%dma_wait3A_380 : memref<96xi32, #tpu.memory_space<hbm>>) dst(%arg9 : memref<96xi32, #tpu.memory_space<vmem>>)
      %add3A_381 = arith.constant 2 : i32
      %add3A_382 = arith.addi %add3A_366, %add3A_381 : i32
      %dma_start3A_383 = arith.constant 0 : i32
      %dma_start3A_384 = arith.constant 0 : i32
      %dma_start3A_385 = tpu.memref_slice %arg2[%dma_start3A_383, %dma_start3A_384] : memref<10240x128xf32, #tpu.memory_space<hbm>> -> memref<10240x128xf32, #tpu.memory_space<hbm>>
      tpu.enqueue_indirect_dma source(%dma_start3A_385 : memref<10240x128xf32, #tpu.memory_space<hbm>>) target(%arg17 : memref<96x128xf32, #tpu.memory_space<vmem>>) offsets(%arg9 : memref<96xi32, #tpu.memory_space<vmem>>) semaphore(%arg21 : memref<!tpu.dma_semaphore, #tpu.memory_space<semaphore_mem>>)
      %add3A_386 = arith.constant 3 : i32
      %add3A_387 = arith.addi %add3A_366, %add3A_386 : i32
      %mul3A_388 = arith.constant 96 : i32
      %mul3A_389 = arith.muli %add3A_387, %mul3A_388 : i32
      %add3A_390 = arith.addi %mul3A_4, %mul3A_389 : i32
      %multiple_of3A_391 = tpu.assume_multiple %add3A_390, 8 : i32
      %dma_start3A_392 = tpu.memref_slice %arg4[%multiple_of3A_391] : memref<322560xi32, #tpu.memory_space<hbm>> -> memref<96xi32, #tpu.memory_space<hbm>>
      %dma_start3A_393 = tpu.memref_slice %arg4[%multiple_of3A_391] : memref<322560xi32, #tpu.memory_space<hbm>> -> memref<96xi32, #tpu.memory_space<hbm>>
      tpu.enqueue_dma source(%dma_start3A_393 : memref<96xi32, #tpu.memory_space<hbm>>) target(%arg14 : memref<96xi32, #tpu.memory_space<vmem>>) target_semaphore(%arg20 : memref<!tpu.dma_semaphore, #tpu.memory_space<semaphore_mem>>)
      %mul3A_394 = arith.constant 96 : i32
      %mul3A_395 = arith.muli %add3A_387, %mul3A_394 : i32
      %add3A_396 = arith.addi %mul3A_4, %mul3A_395 : i32
      %multiple_of3A_397 = tpu.assume_multiple %add3A_396, 8 : i32
      %dma_start3A_398 = tpu.memref_slice %arg3[%multiple_of3A_397] : memref<322560xi32, #tpu.memory_space<hbm>> -> memref<96xi32, #tpu.memory_space<hbm>>
      %dma_start3A_399 = tpu.memref_slice %arg3[%multiple_of3A_397] : memref<322560xi32, #tpu.memory_space<hbm>> -> memref<96xi32, #tpu.memory_space<hbm>>
      tpu.enqueue_dma source(%dma_start3A_399 : memref<96xi32, #tpu.memory_space<hbm>>) target(%arg10 : memref<96xi32, #tpu.memory_space<vmem>>) target_semaphore(%arg20 : memref<!tpu.dma_semaphore, #tpu.memory_space<semaphore_mem>>)
      %dma_wait3A_400 = arith.constant 0 : i32
      %dma_wait3A_401 = arith.constant 0 : i32
      %dma_wait3A_402 = tpu.memref_slice %arg2[%dma_wait3A_400, %dma_wait3A_401] : memref<10240x128xf32, #tpu.memory_space<hbm>> -> memref<96x128xf32, #tpu.memory_space<hbm>>
      %dma_wait3A_403 = arith.constant 0 : i32
      %dma_wait3A_404 = arith.constant 0 : i32
      %dma_wait3A_405 = tpu.memref_slice %arg2[%dma_wait3A_403, %dma_wait3A_404] : memref<10240x128xf32, #tpu.memory_space<hbm>> -> memref<96x128xf32, #tpu.memory_space<hbm>>
      tpu.wait_dma2 semaphore(%arg21 : memref<!tpu.dma_semaphore, #tpu.memory_space<semaphore_mem>>) src(%dma_wait3A_405 : memref<96x128xf32, #tpu.memory_space<hbm>>) dst(%arg15 : memref<96x128xf32, #tpu.memory_space<vmem>>)
      "tpu.region"() ({
        %run_scoped3A = tpu.sem_alloc : memref<!tpu.dma_semaphore, #tpu.memory_space<semaphore_mem>>
        %dma_start3A_451 = arith.constant 0 : i32
        %dma_start3A_452 = arith.constant 0 : i32
        %dma_start3A_453 = tpu.memref_slice %arg19[%dma_start3A_451, %dma_start3A_452] : memref<10112x128xf32, #tpu.memory_space<vmem_shared>> -> memref<10112x128xf32, #tpu.memory_space<vmem_shared>>
        tpu.enqueue_indirect_dma source(%arg15 : memref<96x128xf32, #tpu.memory_space<vmem>>) target(%dma_start3A_453 : memref<10112x128xf32, #tpu.memory_space<vmem_shared>>) offsets(%arg11 : memref<96xi32, #tpu.memory_space<vmem>>) semaphore(%run_scoped3A : memref<!tpu.dma_semaphore, #tpu.memory_space<semaphore_mem>>) {add = true}
        %dma_wait3A_454 = arith.constant 0 : i32
        %dma_wait3A_455 = arith.constant 0 : i32
        %dma_wait3A_456 = tpu.memref_slice %arg19[%dma_wait3A_454, %dma_wait3A_455] : memref<10112x128xf32, #tpu.memory_space<vmem_shared>> -> memref<10112x128xf32, #tpu.memory_space<vmem_shared>>
        tpu.wait_indirect_dma semaphore(%run_scoped3A : memref<!tpu.dma_semaphore, #tpu.memory_space<semaphore_mem>>) src(%arg15 : memref<96x128xf32, #tpu.memory_space<vmem>>) dst(%dma_wait3A_456 : memref<10112x128xf32, #tpu.memory_space<vmem_shared>>)
        tpu.yield
      }) : () -> ()
      %mul3A_406 = arith.constant 4 : i32
      %mul3A_407 = arith.muli %mul3A_406, %scan3A_270 : i32
      %add3A_408 = arith.constant 2 : i32
      %add3A_409 = arith.addi %add3A_408, %mul3A_407 : i32
      %add3A_410 = arith.constant 3 : i32
      %add3A_411 = arith.addi %add3A_409, %add3A_410 : i32
      %add3A_412 = arith.constant 2 : i32
      %add3A_413 = arith.addi %add3A_411, %add3A_412 : i32
      %mul3A_414 = arith.constant 96 : i32
      %mul3A_415 = arith.muli %add3A_413, %mul3A_414 : i32
      %add3A_416 = arith.addi %mul3A_4, %mul3A_415 : i32
      %multiple_of3A_417 = tpu.assume_multiple %add3A_416, 8 : i32
      %dma_wait3A_418 = tpu.memref_slice %arg4[%multiple_of3A_417] : memref<322560xi32, #tpu.memory_space<hbm>> -> memref<96xi32, #tpu.memory_space<hbm>>
      %dma_wait3A_419 = tpu.memref_slice %arg4[%multiple_of3A_417] : memref<322560xi32, #tpu.memory_space<hbm>> -> memref<96xi32, #tpu.memory_space<hbm>>
      tpu.wait_dma2 semaphore(%arg20 : memref<!tpu.dma_semaphore, #tpu.memory_space<semaphore_mem>>) src(%dma_wait3A_419 : memref<96xi32, #tpu.memory_space<hbm>>) dst(%arg14 : memref<96xi32, #tpu.memory_space<vmem>>)
      %mul3A_420 = arith.constant 96 : i32
      %mul3A_421 = arith.muli %add3A_413, %mul3A_420 : i32
      %add3A_422 = arith.addi %mul3A_4, %mul3A_421 : i32
      %multiple_of3A_423 = tpu.assume_multiple %add3A_422, 8 : i32
      %dma_wait3A_424 = tpu.memref_slice %arg3[%multiple_of3A_423] : memref<322560xi32, #tpu.memory_space<hbm>> -> memref<96xi32, #tpu.memory_space<hbm>>
      %dma_wait3A_425 = tpu.memref_slice %arg3[%multiple_of3A_423] : memref<322560xi32, #tpu.memory_space<hbm>> -> memref<96xi32, #tpu.memory_space<hbm>>
      tpu.wait_dma2 semaphore(%arg20 : memref<!tpu.dma_semaphore, #tpu.memory_space<semaphore_mem>>) src(%dma_wait3A_425 : memref<96xi32, #tpu.memory_space<hbm>>) dst(%arg10 : memref<96xi32, #tpu.memory_space<vmem>>)
      %add3A_426 = arith.constant 2 : i32
      %add3A_427 = arith.addi %add3A_411, %add3A_426 : i32
      %dma_start3A_428 = arith.constant 0 : i32
      %dma_start3A_429 = arith.constant 0 : i32
      %dma_start3A_430 = tpu.memref_slice %arg2[%dma_start3A_428, %dma_start3A_429] : memref<10240x128xf32, #tpu.memory_space<hbm>> -> memref<10240x128xf32, #tpu.memory_space<hbm>>
      tpu.enqueue_indirect_dma source(%dma_start3A_430 : memref<10240x128xf32, #tpu.memory_space<hbm>>) target(%arg18 : memref<96x128xf32, #tpu.memory_space<vmem>>) offsets(%arg10 : memref<96xi32, #tpu.memory_space<vmem>>) semaphore(%arg21 : memref<!tpu.dma_semaphore, #tpu.memory_space<semaphore_mem>>)
      %add3A_431 = arith.constant 3 : i32
      %add3A_432 = arith.addi %add3A_411, %add3A_431 : i32
      %mul3A_433 = arith.constant 96 : i32
      %mul3A_434 = arith.muli %add3A_432, %mul3A_433 : i32
      %add3A_435 = arith.addi %mul3A_4, %mul3A_434 : i32
      %multiple_of3A_436 = tpu.assume_multiple %add3A_435, 8 : i32
      %dma_start3A_437 = tpu.memref_slice %arg4[%multiple_of3A_436] : memref<322560xi32, #tpu.memory_space<hbm>> -> memref<96xi32, #tpu.memory_space<hbm>>
      %dma_start3A_438 = tpu.memref_slice %arg4[%multiple_of3A_436] : memref<322560xi32, #tpu.memory_space<hbm>> -> memref<96xi32, #tpu.memory_space<hbm>>
      tpu.enqueue_dma source(%dma_start3A_438 : memref<96xi32, #tpu.memory_space<hbm>>) target(%arg11 : memref<96xi32, #tpu.memory_space<vmem>>) target_semaphore(%arg20 : memref<!tpu.dma_semaphore, #tpu.memory_space<semaphore_mem>>)
      %mul3A_439 = arith.constant 96 : i32
      %mul3A_440 = arith.muli %add3A_432, %mul3A_439 : i32
      %add3A_441 = arith.addi %mul3A_4, %mul3A_440 : i32
      %multiple_of3A_442 = tpu.assume_multiple %add3A_441, 8 : i32
      %dma_start3A_443 = tpu.memref_slice %arg3[%multiple_of3A_442] : memref<322560xi32, #tpu.memory_space<hbm>> -> memref<96xi32, #tpu.memory_space<hbm>>
      %dma_start3A_444 = tpu.memref_slice %arg3[%multiple_of3A_442] : memref<322560xi32, #tpu.memory_space<hbm>> -> memref<96xi32, #tpu.memory_space<hbm>>
      tpu.enqueue_dma source(%dma_start3A_444 : memref<96xi32, #tpu.memory_space<hbm>>) target(%arg7 : memref<96xi32, #tpu.memory_space<vmem>>) target_semaphore(%arg20 : memref<!tpu.dma_semaphore, #tpu.memory_space<semaphore_mem>>)
      %dma_wait3A_445 = arith.constant 0 : i32
      %dma_wait3A_446 = arith.constant 0 : i32
      %dma_wait3A_447 = tpu.memref_slice %arg2[%dma_wait3A_445, %dma_wait3A_446] : memref<10240x128xf32, #tpu.memory_space<hbm>> -> memref<96x128xf32, #tpu.memory_space<hbm>>
      %dma_wait3A_448 = arith.constant 0 : i32
      %dma_wait3A_449 = arith.constant 0 : i32
      %dma_wait3A_450 = tpu.memref_slice %arg2[%dma_wait3A_448, %dma_wait3A_449] : memref<10240x128xf32, #tpu.memory_space<hbm>> -> memref<96x128xf32, #tpu.memory_space<hbm>>
      tpu.wait_dma2 semaphore(%arg21 : memref<!tpu.dma_semaphore, #tpu.memory_space<semaphore_mem>>) src(%dma_wait3A_450 : memref<96x128xf32, #tpu.memory_space<hbm>>) dst(%arg16 : memref<96x128xf32, #tpu.memory_space<vmem>>)
      "tpu.region"() ({
        %run_scoped3A = tpu.sem_alloc : memref<!tpu.dma_semaphore, #tpu.memory_space<semaphore_mem>>
        %dma_start3A_451 = arith.constant 0 : i32
        %dma_start3A_452 = arith.constant 0 : i32
        %dma_start3A_453 = tpu.memref_slice %arg19[%dma_start3A_451, %dma_start3A_452] : memref<10112x128xf32, #tpu.memory_space<vmem_shared>> -> memref<10112x128xf32, #tpu.memory_space<vmem_shared>>
        tpu.enqueue_indirect_dma source(%arg16 : memref<96x128xf32, #tpu.memory_space<vmem>>) target(%dma_start3A_453 : memref<10112x128xf32, #tpu.memory_space<vmem_shared>>) offsets(%arg12 : memref<96xi32, #tpu.memory_space<vmem>>) semaphore(%run_scoped3A : memref<!tpu.dma_semaphore, #tpu.memory_space<semaphore_mem>>) {add = true}
        %dma_wait3A_454 = arith.constant 0 : i32
        %dma_wait3A_455 = arith.constant 0 : i32
        %dma_wait3A_456 = tpu.memref_slice %arg19[%dma_wait3A_454, %dma_wait3A_455] : memref<10112x128xf32, #tpu.memory_space<vmem_shared>> -> memref<10112x128xf32, #tpu.memory_space<vmem_shared>>
        tpu.wait_indirect_dma semaphore(%run_scoped3A : memref<!tpu.dma_semaphore, #tpu.memory_space<semaphore_mem>>) src(%arg16 : memref<96x128xf32, #tpu.memory_space<vmem>>) dst(%dma_wait3A_456 : memref<10112x128xf32, #tpu.memory_space<vmem_shared>>)
        tpu.yield
      }) : () -> ()
    }
    %scan3A_121 = arith.constant 24 : i32
    %add3A_122 = arith.constant 9600 : i32
    %add3A_123 = arith.addi %mul3A_4, %add3A_122 : i32
    %multiple_of3A_124 = tpu.assume_multiple %add3A_123, 8 : i32
    %dma_wait3A_125 = tpu.memref_slice %arg4[%multiple_of3A_124] : memref<322560xi32, #tpu.memory_space<hbm>> -> memref<96xi32, #tpu.memory_space<hbm>>
    %dma_wait3A_126 = tpu.memref_slice %arg4[%multiple_of3A_124] : memref<322560xi32, #tpu.memory_space<hbm>> -> memref<96xi32, #tpu.memory_space<hbm>>
    tpu.wait_dma2 semaphore(%arg20 : memref<!tpu.dma_semaphore, #tpu.memory_space<semaphore_mem>>) src(%dma_wait3A_126 : memref<96xi32, #tpu.memory_space<hbm>>) dst(%arg11 : memref<96xi32, #tpu.memory_space<vmem>>)
    %add3A_127 = arith.constant 9600 : i32
    %add3A_128 = arith.addi %mul3A_4, %add3A_127 : i32
    %multiple_of3A_129 = tpu.assume_multiple %add3A_128, 8 : i32
    %dma_wait3A_130 = tpu.memref_slice %arg3[%multiple_of3A_129] : memref<322560xi32, #tpu.memory_space<hbm>> -> memref<96xi32, #tpu.memory_space<hbm>>
    %dma_wait3A_131 = tpu.memref_slice %arg3[%multiple_of3A_129] : memref<322560xi32, #tpu.memory_space<hbm>> -> memref<96xi32, #tpu.memory_space<hbm>>
    tpu.wait_dma2 semaphore(%arg20 : memref<!tpu.dma_semaphore, #tpu.memory_space<semaphore_mem>>) src(%dma_wait3A_131 : memref<96xi32, #tpu.memory_space<hbm>>) dst(%arg7 : memref<96xi32, #tpu.memory_space<vmem>>)
    %dma_start3A_132 = arith.constant 0 : i32
    %dma_start3A_133 = arith.constant 0 : i32
    %dma_start3A_134 = tpu.memref_slice %arg2[%dma_start3A_132, %dma_start3A_133] : memref<10240x128xf32, #tpu.memory_space<hbm>> -> memref<10240x128xf32, #tpu.memory_space<hbm>>
    tpu.enqueue_indirect_dma source(%dma_start3A_134 : memref<10240x128xf32, #tpu.memory_space<hbm>>) target(%arg15 : memref<96x128xf32, #tpu.memory_space<vmem>>) offsets(%arg7 : memref<96xi32, #tpu.memory_space<vmem>>) semaphore(%arg21 : memref<!tpu.dma_semaphore, #tpu.memory_space<semaphore_mem>>)
    %add3A_135 = arith.constant 9696 : i32
    %add3A_136 = arith.addi %mul3A_4, %add3A_135 : i32
    %multiple_of3A_137 = tpu.assume_multiple %add3A_136, 8 : i32
    %dma_start3A_138 = tpu.memref_slice %arg4[%multiple_of3A_137] : memref<322560xi32, #tpu.memory_space<hbm>> -> memref<96xi32, #tpu.memory_space<hbm>>
    %dma_start3A_139 = tpu.memref_slice %arg4[%multiple_of3A_137] : memref<322560xi32, #tpu.memory_space<hbm>> -> memref<96xi32, #tpu.memory_space<hbm>>
    tpu.enqueue_dma source(%dma_start3A_139 : memref<96xi32, #tpu.memory_space<hbm>>) target(%arg12 : memref<96xi32, #tpu.memory_space<vmem>>) target_semaphore(%arg20 : memref<!tpu.dma_semaphore, #tpu.memory_space<semaphore_mem>>)
    %add3A_140 = arith.constant 9696 : i32
    %add3A_141 = arith.addi %mul3A_4, %add3A_140 : i32
    %multiple_of3A_142 = tpu.assume_multiple %add3A_141, 8 : i32
    %dma_start3A_143 = tpu.memref_slice %arg3[%multiple_of3A_142] : memref<322560xi32, #tpu.memory_space<hbm>> -> memref<96xi32, #tpu.memory_space<hbm>>
    %dma_start3A_144 = tpu.memref_slice %arg3[%multiple_of3A_142] : memref<322560xi32, #tpu.memory_space<hbm>> -> memref<96xi32, #tpu.memory_space<hbm>>
    tpu.enqueue_dma source(%dma_start3A_144 : memref<96xi32, #tpu.memory_space<hbm>>) target(%arg8 : memref<96xi32, #tpu.memory_space<vmem>>) target_semaphore(%arg20 : memref<!tpu.dma_semaphore, #tpu.memory_space<semaphore_mem>>)
    %dma_wait3A_145 = arith.constant 0 : i32
    %dma_wait3A_146 = arith.constant 0 : i32
    %dma_wait3A_147 = tpu.memref_slice %arg2[%dma_wait3A_145, %dma_wait3A_146] : memref<10240x128xf32, #tpu.memory_space<hbm>> -> memref<96x128xf32, #tpu.memory_space<hbm>>
    %dma_wait3A_148 = arith.constant 0 : i32
    %dma_wait3A_149 = arith.constant 0 : i32
    %dma_wait3A_150 = tpu.memref_slice %arg2[%dma_wait3A_148, %dma_wait3A_149] : memref<10240x128xf32, #tpu.memory_space<hbm>> -> memref<96x128xf32, #tpu.memory_space<hbm>>
    tpu.wait_dma2 semaphore(%arg21 : memref<!tpu.dma_semaphore, #tpu.memory_space<semaphore_mem>>) src(%dma_wait3A_150 : memref<96x128xf32, #tpu.memory_space<hbm>>) dst(%arg17 : memref<96x128xf32, #tpu.memory_space<vmem>>)
    "tpu.region"() ({
      %run_scoped3A = tpu.sem_alloc : memref<!tpu.dma_semaphore, #tpu.memory_space<semaphore_mem>>
      %dma_start3A_270 = arith.constant 0 : i32
      %dma_start3A_271 = arith.constant 0 : i32
      %dma_start3A_272 = tpu.memref_slice %arg19[%dma_start3A_270, %dma_start3A_271] : memref<10112x128xf32, #tpu.memory_space<vmem_shared>> -> memref<10112x128xf32, #tpu.memory_space<vmem_shared>>
      tpu.enqueue_indirect_dma source(%arg17 : memref<96x128xf32, #tpu.memory_space<vmem>>) target(%dma_start3A_272 : memref<10112x128xf32, #tpu.memory_space<vmem_shared>>) offsets(%arg13 : memref<96xi32, #tpu.memory_space<vmem>>) semaphore(%run_scoped3A : memref<!tpu.dma_semaphore, #tpu.memory_space<semaphore_mem>>) {add = true}
      %dma_wait3A_273 = arith.constant 0 : i32
      %dma_wait3A_274 = arith.constant 0 : i32
      %dma_wait3A_275 = tpu.memref_slice %arg19[%dma_wait3A_273, %dma_wait3A_274] : memref<10112x128xf32, #tpu.memory_space<vmem_shared>> -> memref<10112x128xf32, #tpu.memory_space<vmem_shared>>
      tpu.wait_indirect_dma semaphore(%run_scoped3A : memref<!tpu.dma_semaphore, #tpu.memory_space<semaphore_mem>>) src(%arg17 : memref<96x128xf32, #tpu.memory_space<vmem>>) dst(%dma_wait3A_275 : memref<10112x128xf32, #tpu.memory_space<vmem_shared>>)
      tpu.yield
    }) : () -> ()
    %add3A_151 = arith.constant 9696 : i32
    %add3A_152 = arith.addi %mul3A_4, %add3A_151 : i32
    %multiple_of3A_153 = tpu.assume_multiple %add3A_152, 8 : i32
    %dma_wait3A_154 = tpu.memref_slice %arg4[%multiple_of3A_153] : memref<322560xi32, #tpu.memory_space<hbm>> -> memref<96xi32, #tpu.memory_space<hbm>>
    %dma_wait3A_155 = tpu.memref_slice %arg4[%multiple_of3A_153] : memref<322560xi32, #tpu.memory_space<hbm>> -> memref<96xi32, #tpu.memory_space<hbm>>
    tpu.wait_dma2 semaphore(%arg20 : memref<!tpu.dma_semaphore, #tpu.memory_space<semaphore_mem>>) src(%dma_wait3A_155 : memref<96xi32, #tpu.memory_space<hbm>>) dst(%arg12 : memref<96xi32, #tpu.memory_space<vmem>>)
    %add3A_156 = arith.constant 9696 : i32
    %add3A_157 = arith.addi %mul3A_4, %add3A_156 : i32
    %multiple_of3A_158 = tpu.assume_multiple %add3A_157, 8 : i32
    %dma_wait3A_159 = tpu.memref_slice %arg3[%multiple_of3A_158] : memref<322560xi32, #tpu.memory_space<hbm>> -> memref<96xi32, #tpu.memory_space<hbm>>
    %dma_wait3A_160 = tpu.memref_slice %arg3[%multiple_of3A_158] : memref<322560xi32, #tpu.memory_space<hbm>> -> memref<96xi32, #tpu.memory_space<hbm>>
    tpu.wait_dma2 semaphore(%arg20 : memref<!tpu.dma_semaphore, #tpu.memory_space<semaphore_mem>>) src(%dma_wait3A_160 : memref<96xi32, #tpu.memory_space<hbm>>) dst(%arg8 : memref<96xi32, #tpu.memory_space<vmem>>)
    %dma_start3A_161 = arith.constant 0 : i32
    %dma_start3A_162 = arith.constant 0 : i32
    %dma_start3A_163 = tpu.memref_slice %arg2[%dma_start3A_161, %dma_start3A_162] : memref<10240x128xf32, #tpu.memory_space<hbm>> -> memref<10240x128xf32, #tpu.memory_space<hbm>>
    tpu.enqueue_indirect_dma source(%dma_start3A_163 : memref<10240x128xf32, #tpu.memory_space<hbm>>) target(%arg16 : memref<96x128xf32, #tpu.memory_space<vmem>>) offsets(%arg8 : memref<96xi32, #tpu.memory_space<vmem>>) semaphore(%arg21 : memref<!tpu.dma_semaphore, #tpu.memory_space<semaphore_mem>>)
    %add3A_164 = arith.constant 9792 : i32
    %add3A_165 = arith.addi %mul3A_4, %add3A_164 : i32
    %multiple_of3A_166 = tpu.assume_multiple %add3A_165, 8 : i32
    %dma_start3A_167 = tpu.memref_slice %arg4[%multiple_of3A_166] : memref<322560xi32, #tpu.memory_space<hbm>> -> memref<96xi32, #tpu.memory_space<hbm>>
    %dma_start3A_168 = tpu.memref_slice %arg4[%multiple_of3A_166] : memref<322560xi32, #tpu.memory_space<hbm>> -> memref<96xi32, #tpu.memory_space<hbm>>
    tpu.enqueue_dma source(%dma_start3A_168 : memref<96xi32, #tpu.memory_space<hbm>>) target(%arg13 : memref<96xi32, #tpu.memory_space<vmem>>) target_semaphore(%arg20 : memref<!tpu.dma_semaphore, #tpu.memory_space<semaphore_mem>>)
    %add3A_169 = arith.constant 9792 : i32
    %add3A_170 = arith.addi %mul3A_4, %add3A_169 : i32
    %multiple_of3A_171 = tpu.assume_multiple %add3A_170, 8 : i32
    %dma_start3A_172 = tpu.memref_slice %arg3[%multiple_of3A_171] : memref<322560xi32, #tpu.memory_space<hbm>> -> memref<96xi32, #tpu.memory_space<hbm>>
    %dma_start3A_173 = tpu.memref_slice %arg3[%multiple_of3A_171] : memref<322560xi32, #tpu.memory_space<hbm>> -> memref<96xi32, #tpu.memory_space<hbm>>
    tpu.enqueue_dma source(%dma_start3A_173 : memref<96xi32, #tpu.memory_space<hbm>>) target(%arg9 : memref<96xi32, #tpu.memory_space<vmem>>) target_semaphore(%arg20 : memref<!tpu.dma_semaphore, #tpu.memory_space<semaphore_mem>>)
    %dma_wait3A_174 = arith.constant 0 : i32
    %dma_wait3A_175 = arith.constant 0 : i32
    %dma_wait3A_176 = tpu.memref_slice %arg2[%dma_wait3A_174, %dma_wait3A_175] : memref<10240x128xf32, #tpu.memory_space<hbm>> -> memref<96x128xf32, #tpu.memory_space<hbm>>
    %dma_wait3A_177 = arith.constant 0 : i32
    %dma_wait3A_178 = arith.constant 0 : i32
    %dma_wait3A_179 = tpu.memref_slice %arg2[%dma_wait3A_177, %dma_wait3A_178] : memref<10240x128xf32, #tpu.memory_space<hbm>> -> memref<96x128xf32, #tpu.memory_space<hbm>>
    tpu.wait_dma2 semaphore(%arg21 : memref<!tpu.dma_semaphore, #tpu.memory_space<semaphore_mem>>) src(%dma_wait3A_179 : memref<96x128xf32, #tpu.memory_space<hbm>>) dst(%arg18 : memref<96x128xf32, #tpu.memory_space<vmem>>)
    "tpu.region"() ({
      %run_scoped3A = tpu.sem_alloc : memref<!tpu.dma_semaphore, #tpu.memory_space<semaphore_mem>>
      %dma_start3A_270 = arith.constant 0 : i32
      %dma_start3A_271 = arith.constant 0 : i32
      %dma_start3A_272 = tpu.memref_slice %arg19[%dma_start3A_270, %dma_start3A_271] : memref<10112x128xf32, #tpu.memory_space<vmem_shared>> -> memref<10112x128xf32, #tpu.memory_space<vmem_shared>>
      tpu.enqueue_indirect_dma source(%arg18 : memref<96x128xf32, #tpu.memory_space<vmem>>) target(%dma_start3A_272 : memref<10112x128xf32, #tpu.memory_space<vmem_shared>>) offsets(%arg14 : memref<96xi32, #tpu.memory_space<vmem>>) semaphore(%run_scoped3A : memref<!tpu.dma_semaphore, #tpu.memory_space<semaphore_mem>>) {add = true}
      %dma_wait3A_273 = arith.constant 0 : i32
      %dma_wait3A_274 = arith.constant 0 : i32
      %dma_wait3A_275 = tpu.memref_slice %arg19[%dma_wait3A_273, %dma_wait3A_274] : memref<10112x128xf32, #tpu.memory_space<vmem_shared>> -> memref<10112x128xf32, #tpu.memory_space<vmem_shared>>
      tpu.wait_indirect_dma semaphore(%run_scoped3A : memref<!tpu.dma_semaphore, #tpu.memory_space<semaphore_mem>>) src(%arg18 : memref<96x128xf32, #tpu.memory_space<vmem>>) dst(%dma_wait3A_275 : memref<10112x128xf32, #tpu.memory_space<vmem_shared>>)
      tpu.yield
    }) : () -> ()
    %add3A_180 = arith.constant 9792 : i32
    %add3A_181 = arith.addi %mul3A_4, %add3A_180 : i32
    %multiple_of3A_182 = tpu.assume_multiple %add3A_181, 8 : i32
    %dma_wait3A_183 = tpu.memref_slice %arg4[%multiple_of3A_182] : memref<322560xi32, #tpu.memory_space<hbm>> -> memref<96xi32, #tpu.memory_space<hbm>>
    %dma_wait3A_184 = tpu.memref_slice %arg4[%multiple_of3A_182] : memref<322560xi32, #tpu.memory_space<hbm>> -> memref<96xi32, #tpu.memory_space<hbm>>
    tpu.wait_dma2 semaphore(%arg20 : memref<!tpu.dma_semaphore, #tpu.memory_space<semaphore_mem>>) src(%dma_wait3A_184 : memref<96xi32, #tpu.memory_space<hbm>>) dst(%arg13 : memref<96xi32, #tpu.memory_space<vmem>>)
    %add3A_185 = arith.constant 9792 : i32
    %add3A_186 = arith.addi %mul3A_4, %add3A_185 : i32
    %multiple_of3A_187 = tpu.assume_multiple %add3A_186, 8 : i32
    %dma_wait3A_188 = tpu.memref_slice %arg3[%multiple_of3A_187] : memref<322560xi32, #tpu.memory_space<hbm>> -> memref<96xi32, #tpu.memory_space<hbm>>
    %dma_wait3A_189 = tpu.memref_slice %arg3[%multiple_of3A_187] : memref<322560xi32, #tpu.memory_space<hbm>> -> memref<96xi32, #tpu.memory_space<hbm>>
    tpu.wait_dma2 semaphore(%arg20 : memref<!tpu.dma_semaphore, #tpu.memory_space<semaphore_mem>>) src(%dma_wait3A_189 : memref<96xi32, #tpu.memory_space<hbm>>) dst(%arg9 : memref<96xi32, #tpu.memory_space<vmem>>)
    %dma_start3A_190 = arith.constant 0 : i32
    %dma_start3A_191 = arith.constant 0 : i32
    %dma_start3A_192 = tpu.memref_slice %arg2[%dma_start3A_190, %dma_start3A_191] : memref<10240x128xf32, #tpu.memory_space<hbm>> -> memref<10240x128xf32, #tpu.memory_space<hbm>>
    tpu.enqueue_indirect_dma source(%dma_start3A_192 : memref<10240x128xf32, #tpu.memory_space<hbm>>) target(%arg17 : memref<96x128xf32, #tpu.memory_space<vmem>>) offsets(%arg9 : memref<96xi32, #tpu.memory_space<vmem>>) semaphore(%arg21 : memref<!tpu.dma_semaphore, #tpu.memory_space<semaphore_mem>>)
    %add3A_193 = arith.constant 9888 : i32
    %add3A_194 = arith.addi %mul3A_4, %add3A_193 : i32
    %multiple_of3A_195 = tpu.assume_multiple %add3A_194, 8 : i32
    %dma_start3A_196 = tpu.memref_slice %arg4[%multiple_of3A_195] : memref<322560xi32, #tpu.memory_space<hbm>> -> memref<96xi32, #tpu.memory_space<hbm>>
    %dma_start3A_197 = tpu.memref_slice %arg4[%multiple_of3A_195] : memref<322560xi32, #tpu.memory_space<hbm>> -> memref<96xi32, #tpu.memory_space<hbm>>
    tpu.enqueue_dma source(%dma_start3A_197 : memref<96xi32, #tpu.memory_space<hbm>>) target(%arg14 : memref<96xi32, #tpu.memory_space<vmem>>) target_semaphore(%arg20 : memref<!tpu.dma_semaphore, #tpu.memory_space<semaphore_mem>>)
    %add3A_198 = arith.constant 9888 : i32
    %add3A_199 = arith.addi %mul3A_4, %add3A_198 : i32
    %multiple_of3A_200 = tpu.assume_multiple %add3A_199, 8 : i32
    %dma_start3A_201 = tpu.memref_slice %arg3[%multiple_of3A_200] : memref<322560xi32, #tpu.memory_space<hbm>> -> memref<96xi32, #tpu.memory_space<hbm>>
    %dma_start3A_202 = tpu.memref_slice %arg3[%multiple_of3A_200] : memref<322560xi32, #tpu.memory_space<hbm>> -> memref<96xi32, #tpu.memory_space<hbm>>
    tpu.enqueue_dma source(%dma_start3A_202 : memref<96xi32, #tpu.memory_space<hbm>>) target(%arg10 : memref<96xi32, #tpu.memory_space<vmem>>) target_semaphore(%arg20 : memref<!tpu.dma_semaphore, #tpu.memory_space<semaphore_mem>>)
    %dma_wait3A_203 = arith.constant 0 : i32
    %dma_wait3A_204 = arith.constant 0 : i32
    %dma_wait3A_205 = tpu.memref_slice %arg2[%dma_wait3A_203, %dma_wait3A_204] : memref<10240x128xf32, #tpu.memory_space<hbm>> -> memref<96x128xf32, #tpu.memory_space<hbm>>
    %dma_wait3A_206 = arith.constant 0 : i32
    %dma_wait3A_207 = arith.constant 0 : i32
    %dma_wait3A_208 = tpu.memref_slice %arg2[%dma_wait3A_206, %dma_wait3A_207] : memref<10240x128xf32, #tpu.memory_space<hbm>> -> memref<96x128xf32, #tpu.memory_space<hbm>>
    tpu.wait_dma2 semaphore(%arg21 : memref<!tpu.dma_semaphore, #tpu.memory_space<semaphore_mem>>) src(%dma_wait3A_208 : memref<96x128xf32, #tpu.memory_space<hbm>>) dst(%arg15 : memref<96x128xf32, #tpu.memory_space<vmem>>)
    "tpu.region"() ({
      %run_scoped3A = tpu.sem_alloc : memref<!tpu.dma_semaphore, #tpu.memory_space<semaphore_mem>>
      %dma_start3A_270 = arith.constant 0 : i32
      %dma_start3A_271 = arith.constant 0 : i32
      %dma_start3A_272 = tpu.memref_slice %arg19[%dma_start3A_270, %dma_start3A_271] : memref<10112x128xf32, #tpu.memory_space<vmem_shared>> -> memref<10112x128xf32, #tpu.memory_space<vmem_shared>>
      tpu.enqueue_indirect_dma source(%arg15 : memref<96x128xf32, #tpu.memory_space<vmem>>) target(%dma_start3A_272 : memref<10112x128xf32, #tpu.memory_space<vmem_shared>>) offsets(%arg11 : memref<96xi32, #tpu.memory_space<vmem>>) semaphore(%run_scoped3A : memref<!tpu.dma_semaphore, #tpu.memory_space<semaphore_mem>>) {add = true}
      %dma_wait3A_273 = arith.constant 0 : i32
      %dma_wait3A_274 = arith.constant 0 : i32
      %dma_wait3A_275 = tpu.memref_slice %arg19[%dma_wait3A_273, %dma_wait3A_274] : memref<10112x128xf32, #tpu.memory_space<vmem_shared>> -> memref<10112x128xf32, #tpu.memory_space<vmem_shared>>
      tpu.wait_indirect_dma semaphore(%run_scoped3A : memref<!tpu.dma_semaphore, #tpu.memory_space<semaphore_mem>>) src(%arg15 : memref<96x128xf32, #tpu.memory_space<vmem>>) dst(%dma_wait3A_275 : memref<10112x128xf32, #tpu.memory_space<vmem_shared>>)
      tpu.yield
    }) : () -> ()
    %add3A_209 = arith.constant 9888 : i32
    %add3A_210 = arith.addi %mul3A_4, %add3A_209 : i32
    %multiple_of3A_211 = tpu.assume_multiple %add3A_210, 8 : i32
    %dma_wait3A_212 = tpu.memref_slice %arg4[%multiple_of3A_211] : memref<322560xi32, #tpu.memory_space<hbm>> -> memref<96xi32, #tpu.memory_space<hbm>>
    %dma_wait3A_213 = tpu.memref_slice %arg4[%multiple_of3A_211] : memref<322560xi32, #tpu.memory_space<hbm>> -> memref<96xi32, #tpu.memory_space<hbm>>
    tpu.wait_dma2 semaphore(%arg20 : memref<!tpu.dma_semaphore, #tpu.memory_space<semaphore_mem>>) src(%dma_wait3A_213 : memref<96xi32, #tpu.memory_space<hbm>>) dst(%arg14 : memref<96xi32, #tpu.memory_space<vmem>>)
    %add3A_214 = arith.constant 9888 : i32
    %add3A_215 = arith.addi %mul3A_4, %add3A_214 : i32
    %multiple_of3A_216 = tpu.assume_multiple %add3A_215, 8 : i32
    %dma_wait3A_217 = tpu.memref_slice %arg3[%multiple_of3A_216] : memref<322560xi32, #tpu.memory_space<hbm>> -> memref<96xi32, #tpu.memory_space<hbm>>
    %dma_wait3A_218 = tpu.memref_slice %arg3[%multiple_of3A_216] : memref<322560xi32, #tpu.memory_space<hbm>> -> memref<96xi32, #tpu.memory_space<hbm>>
    tpu.wait_dma2 semaphore(%arg20 : memref<!tpu.dma_semaphore, #tpu.memory_space<semaphore_mem>>) src(%dma_wait3A_218 : memref<96xi32, #tpu.memory_space<hbm>>) dst(%arg10 : memref<96xi32, #tpu.memory_space<vmem>>)
    %dma_start3A_219 = arith.constant 0 : i32
    %dma_start3A_220 = arith.constant 0 : i32
    %dma_start3A_221 = tpu.memref_slice %arg2[%dma_start3A_219, %dma_start3A_220] : memref<10240x128xf32, #tpu.memory_space<hbm>> -> memref<10240x128xf32, #tpu.memory_space<hbm>>
    tpu.enqueue_indirect_dma source(%dma_start3A_221 : memref<10240x128xf32, #tpu.memory_space<hbm>>) target(%arg18 : memref<96x128xf32, #tpu.memory_space<vmem>>) offsets(%arg10 : memref<96xi32, #tpu.memory_space<vmem>>) semaphore(%arg21 : memref<!tpu.dma_semaphore, #tpu.memory_space<semaphore_mem>>)
    %add3A_222 = arith.constant 9984 : i32
    %add3A_223 = arith.addi %mul3A_4, %add3A_222 : i32
    %multiple_of3A_224 = tpu.assume_multiple %add3A_223, 8 : i32
    %dma_start3A_225 = tpu.memref_slice %arg4[%multiple_of3A_224] : memref<322560xi32, #tpu.memory_space<hbm>> -> memref<96xi32, #tpu.memory_space<hbm>>
    %dma_start3A_226 = tpu.memref_slice %arg4[%multiple_of3A_224] : memref<322560xi32, #tpu.memory_space<hbm>> -> memref<96xi32, #tpu.memory_space<hbm>>
    tpu.enqueue_dma source(%dma_start3A_226 : memref<96xi32, #tpu.memory_space<hbm>>) target(%arg11 : memref<96xi32, #tpu.memory_space<vmem>>) target_semaphore(%arg20 : memref<!tpu.dma_semaphore, #tpu.memory_space<semaphore_mem>>)
    %add3A_227 = arith.constant 9984 : i32
    %add3A_228 = arith.addi %mul3A_4, %add3A_227 : i32
    %multiple_of3A_229 = tpu.assume_multiple %add3A_228, 8 : i32
    %dma_start3A_230 = tpu.memref_slice %arg3[%multiple_of3A_229] : memref<322560xi32, #tpu.memory_space<hbm>> -> memref<96xi32, #tpu.memory_space<hbm>>
    %dma_start3A_231 = tpu.memref_slice %arg3[%multiple_of3A_229] : memref<322560xi32, #tpu.memory_space<hbm>> -> memref<96xi32, #tpu.memory_space<hbm>>
    tpu.enqueue_dma source(%dma_start3A_231 : memref<96xi32, #tpu.memory_space<hbm>>) target(%arg7 : memref<96xi32, #tpu.memory_space<vmem>>) target_semaphore(%arg20 : memref<!tpu.dma_semaphore, #tpu.memory_space<semaphore_mem>>)
    %dma_wait3A_232 = arith.constant 0 : i32
    %dma_wait3A_233 = arith.constant 0 : i32
    %dma_wait3A_234 = tpu.memref_slice %arg2[%dma_wait3A_232, %dma_wait3A_233] : memref<10240x128xf32, #tpu.memory_space<hbm>> -> memref<96x128xf32, #tpu.memory_space<hbm>>
    %dma_wait3A_235 = arith.constant 0 : i32
    %dma_wait3A_236 = arith.constant 0 : i32
    %dma_wait3A_237 = tpu.memref_slice %arg2[%dma_wait3A_235, %dma_wait3A_236] : memref<10240x128xf32, #tpu.memory_space<hbm>> -> memref<96x128xf32, #tpu.memory_space<hbm>>
    tpu.wait_dma2 semaphore(%arg21 : memref<!tpu.dma_semaphore, #tpu.memory_space<semaphore_mem>>) src(%dma_wait3A_237 : memref<96x128xf32, #tpu.memory_space<hbm>>) dst(%arg16 : memref<96x128xf32, #tpu.memory_space<vmem>>)
    "tpu.region"() ({
      %run_scoped3A = tpu.sem_alloc : memref<!tpu.dma_semaphore, #tpu.memory_space<semaphore_mem>>
      %dma_start3A_270 = arith.constant 0 : i32
      %dma_start3A_271 = arith.constant 0 : i32
      %dma_start3A_272 = tpu.memref_slice %arg19[%dma_start3A_270, %dma_start3A_271] : memref<10112x128xf32, #tpu.memory_space<vmem_shared>> -> memref<10112x128xf32, #tpu.memory_space<vmem_shared>>
      tpu.enqueue_indirect_dma source(%arg16 : memref<96x128xf32, #tpu.memory_space<vmem>>) target(%dma_start3A_272 : memref<10112x128xf32, #tpu.memory_space<vmem_shared>>) offsets(%arg12 : memref<96xi32, #tpu.memory_space<vmem>>) semaphore(%run_scoped3A : memref<!tpu.dma_semaphore, #tpu.memory_space<semaphore_mem>>) {add = true}
      %dma_wait3A_273 = arith.constant 0 : i32
      %dma_wait3A_274 = arith.constant 0 : i32
      %dma_wait3A_275 = tpu.memref_slice %arg19[%dma_wait3A_273, %dma_wait3A_274] : memref<10112x128xf32, #tpu.memory_space<vmem_shared>> -> memref<10112x128xf32, #tpu.memory_space<vmem_shared>>
      tpu.wait_indirect_dma semaphore(%run_scoped3A : memref<!tpu.dma_semaphore, #tpu.memory_space<semaphore_mem>>) src(%arg16 : memref<96x128xf32, #tpu.memory_space<vmem>>) dst(%dma_wait3A_275 : memref<10112x128xf32, #tpu.memory_space<vmem_shared>>)
      tpu.yield
    }) : () -> ()
    %add3A_238 = arith.constant 9984 : i32
    %add3A_239 = arith.addi %mul3A_4, %add3A_238 : i32
    %multiple_of3A_240 = tpu.assume_multiple %add3A_239, 8 : i32
    %dma_wait3A_241 = tpu.memref_slice %arg4[%multiple_of3A_240] : memref<322560xi32, #tpu.memory_space<hbm>> -> memref<96xi32, #tpu.memory_space<hbm>>
    %dma_wait3A_242 = tpu.memref_slice %arg4[%multiple_of3A_240] : memref<322560xi32, #tpu.memory_space<hbm>> -> memref<96xi32, #tpu.memory_space<hbm>>
    tpu.wait_dma2 semaphore(%arg20 : memref<!tpu.dma_semaphore, #tpu.memory_space<semaphore_mem>>) src(%dma_wait3A_242 : memref<96xi32, #tpu.memory_space<hbm>>) dst(%arg11 : memref<96xi32, #tpu.memory_space<vmem>>)
    %add3A_243 = arith.constant 9984 : i32
    %add3A_244 = arith.addi %mul3A_4, %add3A_243 : i32
    %multiple_of3A_245 = tpu.assume_multiple %add3A_244, 8 : i32
    %dma_wait3A_246 = tpu.memref_slice %arg3[%multiple_of3A_245] : memref<322560xi32, #tpu.memory_space<hbm>> -> memref<96xi32, #tpu.memory_space<hbm>>
    %dma_wait3A_247 = tpu.memref_slice %arg3[%multiple_of3A_245] : memref<322560xi32, #tpu.memory_space<hbm>> -> memref<96xi32, #tpu.memory_space<hbm>>
    tpu.wait_dma2 semaphore(%arg20 : memref<!tpu.dma_semaphore, #tpu.memory_space<semaphore_mem>>) src(%dma_wait3A_247 : memref<96xi32, #tpu.memory_space<hbm>>) dst(%arg7 : memref<96xi32, #tpu.memory_space<vmem>>)
    %dma_start3A_248 = arith.constant 0 : i32
    %dma_start3A_249 = arith.constant 0 : i32
    %dma_start3A_250 = tpu.memref_slice %arg2[%dma_start3A_248, %dma_start3A_249] : memref<10240x128xf32, #tpu.memory_space<hbm>> -> memref<10240x128xf32, #tpu.memory_space<hbm>>
    tpu.enqueue_indirect_dma source(%dma_start3A_250 : memref<10240x128xf32, #tpu.memory_space<hbm>>) target(%arg15 : memref<96x128xf32, #tpu.memory_space<vmem>>) offsets(%arg7 : memref<96xi32, #tpu.memory_space<vmem>>) semaphore(%arg21 : memref<!tpu.dma_semaphore, #tpu.memory_space<semaphore_mem>>)
    %dma_wait3A_251 = arith.constant 0 : i32
    %dma_wait3A_252 = arith.constant 0 : i32
    %dma_wait3A_253 = tpu.memref_slice %arg2[%dma_wait3A_251, %dma_wait3A_252] : memref<10240x128xf32, #tpu.memory_space<hbm>> -> memref<96x128xf32, #tpu.memory_space<hbm>>
    %dma_wait3A_254 = arith.constant 0 : i32
    %dma_wait3A_255 = arith.constant 0 : i32
    %dma_wait3A_256 = tpu.memref_slice %arg2[%dma_wait3A_254, %dma_wait3A_255] : memref<10240x128xf32, #tpu.memory_space<hbm>> -> memref<96x128xf32, #tpu.memory_space<hbm>>
    tpu.wait_dma2 semaphore(%arg21 : memref<!tpu.dma_semaphore, #tpu.memory_space<semaphore_mem>>) src(%dma_wait3A_256 : memref<96x128xf32, #tpu.memory_space<hbm>>) dst(%arg17 : memref<96x128xf32, #tpu.memory_space<vmem>>)
    "tpu.region"() ({
      %run_scoped3A = tpu.sem_alloc : memref<!tpu.dma_semaphore, #tpu.memory_space<semaphore_mem>>
      %dma_start3A_270 = arith.constant 0 : i32
      %dma_start3A_271 = arith.constant 0 : i32
      %dma_start3A_272 = tpu.memref_slice %arg19[%dma_start3A_270, %dma_start3A_271] : memref<10112x128xf32, #tpu.memory_space<vmem_shared>> -> memref<10112x128xf32, #tpu.memory_space<vmem_shared>>
      tpu.enqueue_indirect_dma source(%arg17 : memref<96x128xf32, #tpu.memory_space<vmem>>) target(%dma_start3A_272 : memref<10112x128xf32, #tpu.memory_space<vmem_shared>>) offsets(%arg13 : memref<96xi32, #tpu.memory_space<vmem>>) semaphore(%run_scoped3A : memref<!tpu.dma_semaphore, #tpu.memory_space<semaphore_mem>>) {add = true}
      %dma_wait3A_273 = arith.constant 0 : i32
      %dma_wait3A_274 = arith.constant 0 : i32
      %dma_wait3A_275 = tpu.memref_slice %arg19[%dma_wait3A_273, %dma_wait3A_274] : memref<10112x128xf32, #tpu.memory_space<vmem_shared>> -> memref<10112x128xf32, #tpu.memory_space<vmem_shared>>
      tpu.wait_indirect_dma semaphore(%run_scoped3A : memref<!tpu.dma_semaphore, #tpu.memory_space<semaphore_mem>>) src(%arg17 : memref<96x128xf32, #tpu.memory_space<vmem>>) dst(%dma_wait3A_275 : memref<10112x128xf32, #tpu.memory_space<vmem_shared>>)
      tpu.yield
    }) : () -> ()
    %dma_wait3A_257 = arith.constant 0 : i32
    %dma_wait3A_258 = arith.constant 0 : i32
    %dma_wait3A_259 = tpu.memref_slice %arg2[%dma_wait3A_257, %dma_wait3A_258] : memref<10240x128xf32, #tpu.memory_space<hbm>> -> memref<96x128xf32, #tpu.memory_space<hbm>>
    %dma_wait3A_260 = arith.constant 0 : i32
    %dma_wait3A_261 = arith.constant 0 : i32
    %dma_wait3A_262 = tpu.memref_slice %arg2[%dma_wait3A_260, %dma_wait3A_261] : memref<10240x128xf32, #tpu.memory_space<hbm>> -> memref<96x128xf32, #tpu.memory_space<hbm>>
    tpu.wait_dma2 semaphore(%arg21 : memref<!tpu.dma_semaphore, #tpu.memory_space<semaphore_mem>>) src(%dma_wait3A_262 : memref<96x128xf32, #tpu.memory_space<hbm>>) dst(%arg18 : memref<96x128xf32, #tpu.memory_space<vmem>>)
    "tpu.region"() ({
      %run_scoped3A = tpu.sem_alloc : memref<!tpu.dma_semaphore, #tpu.memory_space<semaphore_mem>>
      %dma_start3A_270 = arith.constant 0 : i32
      %dma_start3A_271 = arith.constant 0 : i32
      %dma_start3A_272 = tpu.memref_slice %arg19[%dma_start3A_270, %dma_start3A_271] : memref<10112x128xf32, #tpu.memory_space<vmem_shared>> -> memref<10112x128xf32, #tpu.memory_space<vmem_shared>>
      tpu.enqueue_indirect_dma source(%arg18 : memref<96x128xf32, #tpu.memory_space<vmem>>) target(%dma_start3A_272 : memref<10112x128xf32, #tpu.memory_space<vmem_shared>>) offsets(%arg14 : memref<96xi32, #tpu.memory_space<vmem>>) semaphore(%run_scoped3A : memref<!tpu.dma_semaphore, #tpu.memory_space<semaphore_mem>>) {add = true}
      %dma_wait3A_273 = arith.constant 0 : i32
      %dma_wait3A_274 = arith.constant 0 : i32
      %dma_wait3A_275 = tpu.memref_slice %arg19[%dma_wait3A_273, %dma_wait3A_274] : memref<10112x128xf32, #tpu.memory_space<vmem_shared>> -> memref<10112x128xf32, #tpu.memory_space<vmem_shared>>
      tpu.wait_indirect_dma semaphore(%run_scoped3A : memref<!tpu.dma_semaphore, #tpu.memory_space<semaphore_mem>>) src(%arg18 : memref<96x128xf32, #tpu.memory_space<vmem>>) dst(%dma_wait3A_275 : memref<10112x128xf32, #tpu.memory_space<vmem_shared>>)
      tpu.yield
    }) : () -> ()
    %dma_wait3A_263 = arith.constant 0 : i32
    %dma_wait3A_264 = arith.constant 0 : i32
    %dma_wait3A_265 = tpu.memref_slice %arg2[%dma_wait3A_263, %dma_wait3A_264] : memref<10240x128xf32, #tpu.memory_space<hbm>> -> memref<96x128xf32, #tpu.memory_space<hbm>>
    %dma_wait3A_266 = arith.constant 0 : i32
    %dma_wait3A_267 = arith.constant 0 : i32
    %dma_wait3A_268 = tpu.memref_slice %arg2[%dma_wait3A_266, %dma_wait3A_267] : memref<10240x128xf32, #tpu.memory_space<hbm>> -> memref<96x128xf32, #tpu.memory_space<hbm>>
    tpu.wait_dma2 semaphore(%arg21 : memref<!tpu.dma_semaphore, #tpu.memory_space<semaphore_mem>>) src(%dma_wait3A_268 : memref<96x128xf32, #tpu.memory_space<hbm>>) dst(%arg15 : memref<96x128xf32, #tpu.memory_space<vmem>>)
    "tpu.region"() ({
      %run_scoped3A = tpu.sem_alloc : memref<!tpu.dma_semaphore, #tpu.memory_space<semaphore_mem>>
      %dma_start3A_270 = arith.constant 0 : i32
      %dma_start3A_271 = arith.constant 0 : i32
      %dma_start3A_272 = tpu.memref_slice %arg19[%dma_start3A_270, %dma_start3A_271] : memref<10112x128xf32, #tpu.memory_space<vmem_shared>> -> memref<10112x128xf32, #tpu.memory_space<vmem_shared>>
      tpu.enqueue_indirect_dma source(%arg15 : memref<96x128xf32, #tpu.memory_space<vmem>>) target(%dma_start3A_272 : memref<10112x128xf32, #tpu.memory_space<vmem_shared>>) offsets(%arg11 : memref<96xi32, #tpu.memory_space<vmem>>) semaphore(%run_scoped3A : memref<!tpu.dma_semaphore, #tpu.memory_space<semaphore_mem>>) {add = true}
      %dma_wait3A_273 = arith.constant 0 : i32
      %dma_wait3A_274 = arith.constant 0 : i32
      %dma_wait3A_275 = tpu.memref_slice %arg19[%dma_wait3A_273, %dma_wait3A_274] : memref<10112x128xf32, #tpu.memory_space<vmem_shared>> -> memref<10112x128xf32, #tpu.memory_space<vmem_shared>>
      tpu.wait_indirect_dma semaphore(%run_scoped3A : memref<!tpu.dma_semaphore, #tpu.memory_space<semaphore_mem>>) src(%arg15 : memref<96x128xf32, #tpu.memory_space<vmem>>) dst(%dma_wait3A_275 : memref<10112x128xf32, #tpu.memory_space<vmem_shared>>)
      tpu.yield
    }) : () -> ()
    %barrier3A_269 = arith.constant 0 : index
    tpu.barrier barrier_id(%barrier3A_269)
    "tpu.region"() ({
      %run_scoped3A = tpu.sem_alloc : memref<!tpu.dma_semaphore, #tpu.memory_space<semaphore_mem>>
      %dma_start3A_270 = arith.constant 0 : i32
      %dma_start3A_271 = tpu.memref_slice %arg6[%arg0, %multiple_of3A, %dma_start3A_270] : memref<2x10240x128xf32, #tpu.memory_space<hbm>> -> memref<1x632x128xf32, #tpu.memory_space<hbm>>
      %dma_start3A_272 = tpu.memref_squeeze %dma_start3A_271 : memref<1x632x128xf32, #tpu.memory_space<hbm>> -> memref<632x128xf32, #tpu.memory_space<hbm>>
      %dma_start3A_273 = arith.constant 0 : i32
      %dma_start3A_274 = tpu.memref_slice %arg19[%multiple_of3A, %dma_start3A_273] : memref<10112x128xf32, #tpu.memory_space<vmem_shared>> -> memref<632x128xf32, #tpu.memory_space<vmem_shared>>
      tpu.enqueue_dma source(%dma_start3A_274 : memref<632x128xf32, #tpu.memory_space<vmem_shared>>) target(%dma_start3A_272 : memref<632x128xf32, #tpu.memory_space<hbm>>) target_semaphore(%run_scoped3A : memref<!tpu.dma_semaphore, #tpu.memory_space<semaphore_mem>>)
      %dma_wait3A_275 = arith.constant 0 : i32
      %dma_wait3A_276 = tpu.memref_slice %arg6[%arg0, %multiple_of3A, %dma_wait3A_275] : memref<2x10240x128xf32, #tpu.memory_space<hbm>> -> memref<1x632x128xf32, #tpu.memory_space<hbm>>
      %dma_wait3A_277 = tpu.memref_squeeze %dma_wait3A_276 : memref<1x632x128xf32, #tpu.memory_space<hbm>> -> memref<632x128xf32, #tpu.memory_space<hbm>>
      %dma_wait3A_278 = arith.constant 0 : i32
      %dma_wait3A_279 = tpu.memref_slice %arg19[%multiple_of3A, %dma_wait3A_278] : memref<10112x128xf32, #tpu.memory_space<vmem_shared>> -> memref<632x128xf32, #tpu.memory_space<vmem_shared>>
      tpu.wait_dma2 semaphore(%run_scoped3A : memref<!tpu.dma_semaphore, #tpu.memory_space<semaphore_mem>>) src(%dma_wait3A_279 : memref<632x128xf32, #tpu.memory_space<vmem_shared>>) dst(%dma_wait3A_277 : memref<632x128xf32, #tpu.memory_space<hbm>>)
      tpu.yield
    }) : () -> ()
    return
  }
}

module attributes {stable_mosaic.version = 14 : i64} {
  func.func @_tc_layer_body(%arg0: i32, %arg1: memref<1280x128xf32, #tpu.memory_space<vmem>>, %arg2: memref<2x1280x128xf32, #tpu.memory_space<vmem>>, %arg3: memref<2x1280x128xf32, #tpu.memory_space<vmem>>, %arg4: memref<128x128xf32, #tpu.memory_space<vmem>>, %arg5: memref<128x128xf32, #tpu.memory_space<vmem>>, %arg6: memref<128x128xf32, #tpu.memory_space<vmem>>, %arg7: memref<1x128xf32, #tpu.memory_space<vmem>>, %arg8: memref<1280x128xf32, #tpu.memory_space<vmem>>) attributes {dimension_semantics = [#tpu.dimension_semantics<arbitrary>], iteration_bounds = array<i64: 8>, scalar_prefetch = 0 : i64, scratch_operands = 0 : i64, tpu.core_type = #tpu.core_type<tc>, window_params = [{transform_indices = @transform_0, window_bounds = array<i64: 1280, 128>}, {transform_indices = @transform_1, window_bounds = array<i64: 2, 1280, 128>}, {transform_indices = @transform_2, window_bounds = array<i64: 2, 1280, 128>}, {pipeline_mode = #tpu.pipeline_mode<synchronous>, transform_indices = @transform_3, window_bounds = array<i64: 128, 128>}, {pipeline_mode = #tpu.pipeline_mode<synchronous>, transform_indices = @transform_4, window_bounds = array<i64: 128, 128>}, {pipeline_mode = #tpu.pipeline_mode<synchronous>, transform_indices = @transform_5, window_bounds = array<i64: 128, 128>}, {pipeline_mode = #tpu.pipeline_mode<synchronous>, transform_indices = @transform_6, window_bounds = array<i64: 1, 128>}, {transform_indices = @transform_7, window_bounds = array<i64: 1280, 128>}]} {
    %get3A = arith.constant 0 : index
    %get3A_0 = arith.constant 0 : index
    %get3A_1 = arith.constant 0 : index
    %get3A_2 = vector.load %arg3[%get3A, %get3A_0, %get3A_1] : memref<2x1280x128xf32, #tpu.memory_space<vmem>>, vector<1x1280x128xf32>
    %get3A_3 = vector.shape_cast %get3A_2 : vector<1x1280x128xf32> to vector<1280x128xf32>
    %get3A_4 = arith.constant 1 : index
    %get3A_5 = arith.constant 0 : index
    %get3A_6 = arith.constant 0 : index
    %get3A_7 = vector.load %arg3[%get3A_4, %get3A_5, %get3A_6] : memref<2x1280x128xf32, #tpu.memory_space<vmem>>, vector<1x1280x128xf32>
    %get3A_8 = vector.shape_cast %get3A_7 : vector<1x1280x128xf32> to vector<1280x128xf32>
    %add3A = arith.addf %get3A_3, %get3A_8 : vector<1280x128xf32>
    %slice3A = vector.extract_strided_slice %add3A {offsets = [0, 4], sizes = [1280, 1], strides = [1, 1]} : vector<1280x128xf32> to vector<1280x1xf32>
    %add3A_9 = arith.constant 1.000000e+00 : f32
    %add3A_10 = vector.broadcast %add3A_9 : f32 to vector<1280x1xf32>
    %add3A_11 = arith.addf %slice3A, %add3A_10 : vector<1280x1xf32>
    %get3A_12 = arith.constant 0 : index
    %get3A_13 = arith.constant 0 : index
    %get3A_14 = vector.load %arg1[%get3A_12, %get3A_13] : memref<1280x128xf32, #tpu.memory_space<vmem>>, vector<1280x128xf32>
    %get3A_15 = arith.constant 0 : index
    %get3A_16 = arith.constant 0 : index
    %get3A_17 = arith.constant 0 : index
    %get3A_18 = vector.load %arg2[%get3A_15, %get3A_16, %get3A_17] : memref<2x1280x128xf32, #tpu.memory_space<vmem>>, vector<1x1280x128xf32>
    %get3A_19 = vector.shape_cast %get3A_18 : vector<1x1280x128xf32> to vector<1280x128xf32>
    %add3A_20 = arith.addf %get3A_14, %get3A_19 : vector<1280x128xf32>
    %get3A_21 = arith.constant 1 : index
    %get3A_22 = arith.constant 0 : index
    %get3A_23 = arith.constant 0 : index
    %get3A_24 = vector.load %arg2[%get3A_21, %get3A_22, %get3A_23] : memref<2x1280x128xf32, #tpu.memory_space<vmem>>, vector<1x1280x128xf32>
    %get3A_25 = vector.shape_cast %get3A_24 : vector<1x1280x128xf32> to vector<1280x128xf32>
    %add3A_26 = arith.addf %add3A_20, %get3A_25 : vector<1280x128xf32>
    %get3A_27 = arith.constant 0 : index
    %get3A_28 = arith.constant 0 : index
    %get3A_29 = vector.load %arg5[%get3A_27, %get3A_28] : memref<128x128xf32, #tpu.memory_space<vmem>>, vector<128x128xf32>
    %dot_general3A = arith.constant dense<0.000000e+00> : vector<1280x128xf32>
    %dot_general3A_30 = tpu.matmul %add3A_26, %get3A_29, %dot_general3A {dimension_numbers = #tpu.dot_dimension_numbers<[1], [0], [0], [1], [0, 0, 1, 1], [], []>, transpose_lhs_hint = false} : vector<1280x128xf32>, vector<128x128xf32>, vector<1280x128xf32> -> vector<1280x128xf32>
    %get3A_31 = arith.constant 0 : index
    %get3A_32 = arith.constant 0 : index
    %get3A_33 = vector.load %arg1[%get3A_31, %get3A_32] : memref<1280x128xf32, #tpu.memory_space<vmem>>, vector<1280x128xf32>
    %get3A_34 = arith.constant 0 : index
    %get3A_35 = arith.constant 0 : index
    %get3A_36 = vector.load %arg4[%get3A_34, %get3A_35] : memref<128x128xf32, #tpu.memory_space<vmem>>, vector<128x128xf32>
    %dot_general3A_37 = arith.constant dense<0.000000e+00> : vector<1280x128xf32>
    %dot_general3A_38 = tpu.matmul %get3A_33, %get3A_36, %dot_general3A_37 {dimension_numbers = #tpu.dot_dimension_numbers<[1], [0], [0], [1], [0, 0, 1, 1], [], []>, transpose_lhs_hint = false} : vector<1280x128xf32>, vector<128x128xf32>, vector<1280x128xf32> -> vector<1280x128xf32>
    %mul3A = vector.broadcast %add3A_11 : vector<1280x1xf32> to vector<1280x128xf32>
    %mul3A_39 = arith.mulf %mul3A, %dot_general3A_38 : vector<1280x128xf32>
    %add3A_40 = arith.addf %dot_general3A_30, %mul3A_39 : vector<1280x128xf32>
    %get3A_41 = arith.constant 0 : index
    %get3A_42 = arith.constant 0 : index
    %get3A_43 = vector.load %arg6[%get3A_41, %get3A_42] : memref<128x128xf32, #tpu.memory_space<vmem>>, vector<128x128xf32>
    %dot_general3A_44 = arith.constant dense<0.000000e+00> : vector<1280x128xf32>
    %dot_general3A_45 = tpu.matmul %add3A, %get3A_43, %dot_general3A_44 {dimension_numbers = #tpu.dot_dimension_numbers<[1], [0], [0], [1], [0, 0, 1, 1], [], []>, transpose_lhs_hint = false} : vector<1280x128xf32>, vector<128x128xf32>, vector<1280x128xf32> -> vector<1280x128xf32>
    %add3A_46 = arith.addf %add3A_40, %dot_general3A_45 : vector<1280x128xf32>
    %get3A_47 = arith.constant 0 : index
    %get3A_48 = arith.constant 0 : index
    %get3A_49 = vector.load %arg7[%get3A_47, %get3A_48] : memref<1x128xf32, #tpu.memory_space<vmem>>, vector<1x128xf32>
    %add3A_50 = vector.broadcast %get3A_49 : vector<1x128xf32> to vector<1280x128xf32>
    %add3A_51 = arith.addf %add3A_46, %add3A_50 : vector<1280x128xf32>
    %max3A = arith.constant 0.000000e+00 : f32
    %max3A_52 = vector.broadcast %max3A : f32 to vector<1280x128xf32>
    %max3A_53 = arith.maximumf %add3A_51, %max3A_52 : vector<1280x128xf32>
    %swap3A = arith.constant 0 : index
    %swap3A_54 = arith.constant 0 : index
    %swap3A_55 = vector.load %arg8[%swap3A, %swap3A_54] : memref<1280x128xf32, #tpu.memory_space<vmem>>, vector<1280x128xf32>
    tpu.vector_store %arg8[%swap3A, %swap3A_54], %max3A_53 {strides = array<i32>} : memref<1280x128xf32, #tpu.memory_space<vmem>>, vector<1280x128xf32>,
    return
  }
  func.func @transform_0(%arg0: i32) -> (i32, i32) {
    %c0_i32 = arith.constant 0 : i32
    %c0_i32_0 = arith.constant 0 : i32
    return %arg0, %c0_i32 : i32, i32
  }
  func.func @transform_1(%arg0: i32) -> (i32, i32, i32) {
    %c0_i32 = arith.constant 0 : i32
    %c0_i32_0 = arith.constant 0 : i32
    %c0_i32_1 = arith.constant 0 : i32
    return %c0_i32, %arg0, %c0_i32_0 : i32, i32, i32
  }
  func.func @transform_2(%arg0: i32) -> (i32, i32, i32) {
    %c0_i32 = arith.constant 0 : i32
    %c0_i32_0 = arith.constant 0 : i32
    %c0_i32_1 = arith.constant 0 : i32
    return %c0_i32, %arg0, %c0_i32_0 : i32, i32, i32
  }
  func.func @transform_3(%arg0: i32) -> (i32, i32) {
    %c0_i32 = arith.constant 0 : i32
    %c0_i32_0 = arith.constant 0 : i32
    %c0_i32_1 = arith.constant 0 : i32
    return %c0_i32, %c0_i32_0 : i32, i32
  }
  func.func @transform_4(%arg0: i32) -> (i32, i32) {
    %c0_i32 = arith.constant 0 : i32
    %c0_i32_0 = arith.constant 0 : i32
    %c0_i32_1 = arith.constant 0 : i32
    return %c0_i32, %c0_i32_0 : i32, i32
  }
  func.func @transform_5(%arg0: i32) -> (i32, i32) {
    %c0_i32 = arith.constant 0 : i32
    %c0_i32_0 = arith.constant 0 : i32
    %c0_i32_1 = arith.constant 0 : i32
    return %c0_i32, %c0_i32_0 : i32, i32
  }
  func.func @transform_6(%arg0: i32) -> (i32, i32) {
    %c0_i32 = arith.constant 0 : i32
    %c0_i32_0 = arith.constant 0 : i32
    %c0_i32_1 = arith.constant 0 : i32
    return %c0_i32, %c0_i32_0 : i32, i32
  }
  func.func @transform_7(%arg0: i32) -> (i32, i32) {
    %c0_i32 = arith.constant 0 : i32
    %c0_i32_0 = arith.constant 0 : i32
    return %arg0, %c0_i32 : i32, i32
  }
}

module attributes {stable_mosaic.version = 14 : i64} {
  func.func @_tc_final_body(%arg0: i32, %arg1: memref<1280x128xf32, #tpu.memory_space<vmem>>, %arg2: memref<2x1280x128xf32, #tpu.memory_space<vmem>>, %arg3: memref<2x1280x128xf32, #tpu.memory_space<vmem>>, %arg4: memref<128x32xf32, #tpu.memory_space<vmem>>, %arg5: memref<128x32xf32, #tpu.memory_space<vmem>>, %arg6: memref<128x32xf32, #tpu.memory_space<vmem>>, %arg7: memref<1x32xf32, #tpu.memory_space<vmem>>, %arg8: memref<32x16xf32, #tpu.memory_space<vmem>>, %arg9: memref<1x16xf32, #tpu.memory_space<vmem>>, %arg10: memref<1280x16xf32, #tpu.memory_space<vmem>>) attributes {dimension_semantics = [#tpu.dimension_semantics<arbitrary>], iteration_bounds = array<i64: 8>, scalar_prefetch = 0 : i64, scratch_operands = 0 : i64, tpu.core_type = #tpu.core_type<tc>, window_params = [{transform_indices = @transform_0, window_bounds = array<i64: 1280, 128>}, {transform_indices = @transform_1, window_bounds = array<i64: 2, 1280, 128>}, {transform_indices = @transform_2, window_bounds = array<i64: 2, 1280, 128>}, {pipeline_mode = #tpu.pipeline_mode<synchronous>, transform_indices = @transform_3, window_bounds = array<i64: 128, 32>}, {pipeline_mode = #tpu.pipeline_mode<synchronous>, transform_indices = @transform_4, window_bounds = array<i64: 128, 32>}, {pipeline_mode = #tpu.pipeline_mode<synchronous>, transform_indices = @transform_5, window_bounds = array<i64: 128, 32>}, {pipeline_mode = #tpu.pipeline_mode<synchronous>, transform_indices = @transform_6, window_bounds = array<i64: 1, 32>}, {pipeline_mode = #tpu.pipeline_mode<synchronous>, transform_indices = @transform_7, window_bounds = array<i64: 32, 16>}, {pipeline_mode = #tpu.pipeline_mode<synchronous>, transform_indices = @transform_8, window_bounds = array<i64: 1, 16>}, {transform_indices = @transform_9, window_bounds = array<i64: 1280, 16>}]} {
    %get3A = arith.constant 0 : index
    %get3A_0 = arith.constant 0 : index
    %get3A_1 = arith.constant 0 : index
    %get3A_2 = vector.load %arg3[%get3A, %get3A_0, %get3A_1] : memref<2x1280x128xf32, #tpu.memory_space<vmem>>, vector<1x1280x128xf32>
    %get3A_3 = vector.shape_cast %get3A_2 : vector<1x1280x128xf32> to vector<1280x128xf32>
    %get3A_4 = arith.constant 1 : index
    %get3A_5 = arith.constant 0 : index
    %get3A_6 = arith.constant 0 : index
    %get3A_7 = vector.load %arg3[%get3A_4, %get3A_5, %get3A_6] : memref<2x1280x128xf32, #tpu.memory_space<vmem>>, vector<1x1280x128xf32>
    %get3A_8 = vector.shape_cast %get3A_7 : vector<1x1280x128xf32> to vector<1280x128xf32>
    %add3A = arith.addf %get3A_3, %get3A_8 : vector<1280x128xf32>
    %slice3A = vector.extract_strided_slice %add3A {offsets = [0, 4], sizes = [1280, 1], strides = [1, 1]} : vector<1280x128xf32> to vector<1280x1xf32>
    %add3A_9 = arith.constant 1.000000e+00 : f32
    %add3A_10 = vector.broadcast %add3A_9 : f32 to vector<1280x1xf32>
    %add3A_11 = arith.addf %slice3A, %add3A_10 : vector<1280x1xf32>
    %get3A_12 = arith.constant 0 : index
    %get3A_13 = arith.constant 0 : index
    %get3A_14 = vector.load %arg1[%get3A_12, %get3A_13] : memref<1280x128xf32, #tpu.memory_space<vmem>>, vector<1280x128xf32>
    %get3A_15 = arith.constant 0 : index
    %get3A_16 = arith.constant 0 : index
    %get3A_17 = arith.constant 0 : index
    %get3A_18 = vector.load %arg2[%get3A_15, %get3A_16, %get3A_17] : memref<2x1280x128xf32, #tpu.memory_space<vmem>>, vector<1x1280x128xf32>
    %get3A_19 = vector.shape_cast %get3A_18 : vector<1x1280x128xf32> to vector<1280x128xf32>
    %add3A_20 = arith.addf %get3A_14, %get3A_19 : vector<1280x128xf32>
    %get3A_21 = arith.constant 1 : index
    %get3A_22 = arith.constant 0 : index
    %get3A_23 = arith.constant 0 : index
    %get3A_24 = vector.load %arg2[%get3A_21, %get3A_22, %get3A_23] : memref<2x1280x128xf32, #tpu.memory_space<vmem>>, vector<1x1280x128xf32>
    %get3A_25 = vector.shape_cast %get3A_24 : vector<1x1280x128xf32> to vector<1280x128xf32>
    %add3A_26 = arith.addf %add3A_20, %get3A_25 : vector<1280x128xf32>
    %get3A_27 = arith.constant 0 : index
    %get3A_28 = arith.constant 0 : index
    %get3A_29 = vector.load %arg5[%get3A_27, %get3A_28] : memref<128x32xf32, #tpu.memory_space<vmem>>, vector<128x32xf32>
    %dot_general3A = arith.constant dense<0.000000e+00> : vector<1280x32xf32>
    %dot_general3A_30 = tpu.matmul %add3A_26, %get3A_29, %dot_general3A {dimension_numbers = #tpu.dot_dimension_numbers<[1], [0], [0], [1], [0, 0, 1, 1], [], []>, transpose_lhs_hint = false} : vector<1280x128xf32>, vector<128x32xf32>, vector<1280x32xf32> -> vector<1280x32xf32>
    %get3A_31 = arith.constant 0 : index
    %get3A_32 = arith.constant 0 : index
    %get3A_33 = vector.load %arg1[%get3A_31, %get3A_32] : memref<1280x128xf32, #tpu.memory_space<vmem>>, vector<1280x128xf32>
    %get3A_34 = arith.constant 0 : index
    %get3A_35 = arith.constant 0 : index
    %get3A_36 = vector.load %arg4[%get3A_34, %get3A_35] : memref<128x32xf32, #tpu.memory_space<vmem>>, vector<128x32xf32>
    %dot_general3A_37 = arith.constant dense<0.000000e+00> : vector<1280x32xf32>
    %dot_general3A_38 = tpu.matmul %get3A_33, %get3A_36, %dot_general3A_37 {dimension_numbers = #tpu.dot_dimension_numbers<[1], [0], [0], [1], [0, 0, 1, 1], [], []>, transpose_lhs_hint = false} : vector<1280x128xf32>, vector<128x32xf32>, vector<1280x32xf32> -> vector<1280x32xf32>
    %mul3A = vector.broadcast %add3A_11 : vector<1280x1xf32> to vector<1280x32xf32>
    %mul3A_39 = arith.mulf %mul3A, %dot_general3A_38 : vector<1280x32xf32>
    %add3A_40 = arith.addf %dot_general3A_30, %mul3A_39 : vector<1280x32xf32>
    %get3A_41 = arith.constant 0 : index
    %get3A_42 = arith.constant 0 : index
    %get3A_43 = vector.load %arg6[%get3A_41, %get3A_42] : memref<128x32xf32, #tpu.memory_space<vmem>>, vector<128x32xf32>
    %dot_general3A_44 = arith.constant dense<0.000000e+00> : vector<1280x32xf32>
    %dot_general3A_45 = tpu.matmul %add3A, %get3A_43, %dot_general3A_44 {dimension_numbers = #tpu.dot_dimension_numbers<[1], [0], [0], [1], [0, 0, 1, 1], [], []>, transpose_lhs_hint = false} : vector<1280x128xf32>, vector<128x32xf32>, vector<1280x32xf32> -> vector<1280x32xf32>
    %add3A_46 = arith.addf %add3A_40, %dot_general3A_45 : vector<1280x32xf32>
    %get3A_47 = arith.constant 0 : index
    %get3A_48 = arith.constant 0 : index
    %get3A_49 = vector.load %arg7[%get3A_47, %get3A_48] : memref<1x32xf32, #tpu.memory_space<vmem>>, vector<1x32xf32>
    %add3A_50 = vector.broadcast %get3A_49 : vector<1x32xf32> to vector<1280x32xf32>
    %add3A_51 = arith.addf %add3A_46, %add3A_50 : vector<1280x32xf32>
    %get3A_52 = arith.constant 0 : index
    %get3A_53 = arith.constant 0 : index
    %get3A_54 = vector.load %arg8[%get3A_52, %get3A_53] : memref<32x16xf32, #tpu.memory_space<vmem>>, vector<32x16xf32>
    %dot_general3A_55 = arith.constant dense<0.000000e+00> : vector<1280x16xf32>
    %dot_general3A_56 = tpu.matmul %add3A_51, %get3A_54, %dot_general3A_55 {dimension_numbers = #tpu.dot_dimension_numbers<[1], [0], [0], [1], [0, 0, 1, 1], [], []>, transpose_lhs_hint = false} : vector<1280x32xf32>, vector<32x16xf32>, vector<1280x16xf32> -> vector<1280x16xf32>
    %get3A_57 = arith.constant 0 : index
    %get3A_58 = arith.constant 0 : index
    %get3A_59 = vector.load %arg9[%get3A_57, %get3A_58] : memref<1x16xf32, #tpu.memory_space<vmem>>, vector<1x16xf32>
    %add3A_60 = vector.broadcast %get3A_59 : vector<1x16xf32> to vector<1280x16xf32>
    %add3A_61 = arith.addf %dot_general3A_56, %add3A_60 : vector<1280x16xf32>
    %reduce_max3A = arith.constant dense<0xFF800000> : vector<1280xf32>
    %reduce_max3A_62 = vector.multi_reduction <maximumf>, %add3A_61, %reduce_max3A [1] : vector<1280x16xf32> to vector<1280xf32>
    %broadcast_in_dim3A = vector.shape_cast %reduce_max3A_62 : vector<1280xf32> to vector<1280x1xf32>
    %sub3A = vector.broadcast %broadcast_in_dim3A : vector<1280x1xf32> to vector<1280x16xf32>
    %sub3A_63 = arith.subf %add3A_61, %sub3A : vector<1280x16xf32>
    %exp3A = math.exp %sub3A_63 : vector<1280x16xf32>
    %reduce_sum3A = arith.constant dense<0.000000e+00> : vector<1280xf32>
    %reduce_sum3A_64 = vector.multi_reduction <add>, %exp3A, %reduce_sum3A [1] : vector<1280x16xf32> to vector<1280xf32>
    %broadcast_in_dim3A_65 = vector.shape_cast %reduce_sum3A_64 : vector<1280xf32> to vector<1280x1xf32>
    %log3A = math.log %broadcast_in_dim3A_65 : vector<1280x1xf32>
    %add3A_66 = arith.addf %broadcast_in_dim3A, %log3A : vector<1280x1xf32>
    %sub3A_67 = vector.broadcast %add3A_66 : vector<1280x1xf32> to vector<1280x16xf32>
    %sub3A_68 = arith.subf %add3A_61, %sub3A_67 : vector<1280x16xf32>
    %swap3A = arith.constant 0 : index
    %swap3A_69 = arith.constant 0 : index
    %swap3A_70 = vector.load %arg10[%swap3A, %swap3A_69] : memref<1280x16xf32, #tpu.memory_space<vmem>>, vector<1280x16xf32>
    tpu.vector_store %arg10[%swap3A, %swap3A_69], %sub3A_68 {strides = array<i32>} : memref<1280x16xf32, #tpu.memory_space<vmem>>, vector<1280x16xf32>,
    return
  }
  func.func @transform_0(%arg0: i32) -> (i32, i32) {
    %c0_i32 = arith.constant 0 : i32
    %c0_i32_0 = arith.constant 0 : i32
    return %arg0, %c0_i32 : i32, i32
  }
  func.func @transform_1(%arg0: i32) -> (i32, i32, i32) {
    %c0_i32 = arith.constant 0 : i32
    %c0_i32_0 = arith.constant 0 : i32
    %c0_i32_1 = arith.constant 0 : i32
    return %c0_i32, %arg0, %c0_i32_0 : i32, i32, i32
  }
  func.func @transform_2(%arg0: i32) -> (i32, i32, i32) {
    %c0_i32 = arith.constant 0 : i32
    %c0_i32_0 = arith.constant 0 : i32
    %c0_i32_1 = arith.constant 0 : i32
    return %c0_i32, %arg0, %c0_i32_0 : i32, i32, i32
  }
  func.func @transform_3(%arg0: i32) -> (i32, i32) {
    %c0_i32 = arith.constant 0 : i32
    %c0_i32_0 = arith.constant 0 : i32
    %c0_i32_1 = arith.constant 0 : i32
    return %c0_i32, %c0_i32_0 : i32, i32
  }
  func.func @transform_4(%arg0: i32) -> (i32, i32) {
    %c0_i32 = arith.constant 0 : i32
    %c0_i32_0 = arith.constant 0 : i32
    %c0_i32_1 = arith.constant 0 : i32
    return %c0_i32, %c0_i32_0 : i32, i32
  }
  func.func @transform_5(%arg0: i32) -> (i32, i32) {
    %c0_i32 = arith.constant 0 : i32
    %c0_i32_0 = arith.constant 0 : i32
    %c0_i32_1 = arith.constant 0 : i32
    return %c0_i32, %c0_i32_0 : i32, i32
  }
  func.func @transform_6(%arg0: i32) -> (i32, i32) {
    %c0_i32 = arith.constant 0 : i32
    %c0_i32_0 = arith.constant 0 : i32
    %c0_i32_1 = arith.constant 0 : i32
    return %c0_i32, %c0_i32_0 : i32, i32
  }
  func.func @transform_7(%arg0: i32) -> (i32, i32) {
    %c0_i32 = arith.constant 0 : i32
    %c0_i32_0 = arith.constant 0 : i32
    %c0_i32_1 = arith.constant 0 : i32
    return %c0_i32, %c0_i32_0 : i32, i32
  }
  func.func @transform_8(%arg0: i32) -> (i32, i32) {
    %c0_i32 = arith.constant 0 : i32
    %c0_i32_0 = arith.constant 0 : i32
    %c0_i32_1 = arith.constant 0 : i32
    return %c0_i32, %c0_i32_0 : i32, i32
  }
  func.func @transform_9(%arg0: i32) -> (i32, i32) {
    %c0_i32 = arith.constant 0 : i32
    %c0_i32_0 = arith.constant 0 : i32
    return %arg0, %c0_i32 : i32, i32
  }
}

</mosaic_0001>

<sc_bundles>
// kernel: kernel.12.cloned.1.call-start
scs
__scs_entry_jumppad:
0x0: {  	(pc) =	sbr.rel $0x88, $3  }
0x1: {  	(tag) =	ssettag $0x0;
	lr =	simm.s32 $0x1  }
0x2: {  	[smem:$0x3F96] =	sst lr;
	_ =	strace $0xD0000000  }
0x3: {  	_ = 	snop  }
0x4: {  	_ = 	snop  }
0x5: {  	_ = 	snop  }
0x6: {  	_ = 	snop  }
0x7: {  	_ = 	snop  }
__scs_overlays_trampoline_lowered:
0x8: {  	[smem:$0x3FA5] =	sst s0  }
0x9: {  	[smem:$0x3FA6] =	sst s1  }
0xa: {  	[smem:$0x3FA7] =	sst s2  }
0xb: {  	[smem:$0x3FA8] =	sst s3  }
0xc: {  	[smem:$0x3FA9] =	sst s4  }
0xd: {  	[smem:$0x3FAA] =	sst s5  }
0xe: {  	[smem:$0x3FAB] =	sst s6  }
0xf: {  	[smem:$0x3FAC] =	sst s7  }
0x10: {  	[smem:$0x3FAD] =	sst s8  }
0x11: {  	[smem:$0x3FAE] =	sst s9;
	s0 =	simm.s32 @!p0 $0x0  }
0x12: {  	s1 =	sld [smem:$0x3F94];
	s0 =	simm.s32 @p0 $0x1  }
0x13: {  	[smem:$0x3FAF] =	sst s0;
	s0 =	simm.s32 @!p1 $0x0  }
0x14: {  	s2 =	sld [smem:$0x3F93];
	s0 =	simm.s32 @p1 $0x1  }
0x15: {  	[smem:$0x3FB0] =	sst s0;
	s0 =	simm.s32 @!p2 $0x0  }
0x16: {  	s3 =	sld [smem:$0x3FDB];
	s0 =	simm.s32 @p2 $0x1  }
0x17: {  	s4 =	simm.s32 $0x1BF5;
	[smem:$0x3FB2] =	sst s0  }
0x18: {  	s0 =	sld [smem:$0x3F95];
	_ =	swait.ge [sflag:s4], $0x0  }
0x19: {  	s7 =	sld [smem:$0x3F96]  }
0x1a: {  	s8 =	sadd.s32 $0xFFFFE003, lr  }
0x1b: {  	s9 =	sadd.s32 $0xFFFFFEF7, lr;
	s5 =	simm.s32 $0xFFFFFFFF;
	p2 =	slt.u32 s8, $0xFFFFF086  }
0x1c: {  	p1 =	slt.u32 s9, $0xF7A;
	s5 =	simm.s32 @!p2 $0x0  }
0x1d: {  	s5 =	simm.s32 @p1 $0x1;
	p0 =	seq.s32 s7, s2  }
0x1e: {  	s7 =	smul.u32 @!p0 $0xF7A, s2;
	p2 =	seq.s32 @!p0 s5, $0x0  }
0x1f: {  	s9 =	smul.u32 $0xF7A, s1;
	s8 =	simm.s32 @!p0 $0x1BF5;
	p2 =	por !p2, p0  }
0x20: {  	[sflag:s8] =	ssyncset.s32 @!p0 $0xFFFFF086;
	s6 =	sadd.s32 @!p0 s3, s7;
	s7 =	simm.s32 @!p0 $0x108  }
0x21: {  	s3 =	sadd.s32 s3, s9;
	s6 =	sadd.s32 @!p0 $0x88, s6;
	s7 =	simm.s32 @p2 $0x1082  }
0x22: {  	[simem:s7], [sflag:s8] =	dma.local @!p0 [hbm:s6], $0xF7A  }
0x23: {  	s9 =	sor.u32 $0xD0000000, s2;
	s6 =	simm.s32 $0x108;
	_ =	swait.ge @!p0 [sflag:s8], $0x0  }
0x24: {  	s3 =	sadd.s32 $0x88, s3;
	s6 =	simm.s32 @!p1 $0x1082;
	[sflag:s4] =	ssyncset.s32 $0xFFFFF086  }
0x25: {  	[simem:s6], [sflag:s4] =	dma.local [hbm:s3], $0xF7A  }
0x26: {  	[smem:$0x3F96] =	sst s1;
	(tag) =	ssettag s2;
	_ =	strace s9  }
0x27: {  	s1 =	sld [smem:$0x3FA6]  }
0x28: {  	s2 =	sld [smem:$0x3FA7]  }
0x29: {  	s4 =	sld [smem:$0x3FA9]  }
0x2a: {  	p0 =	seq.s32 s5, $0x0;
	s5 =	sld [smem:$0x3FAA]  }
0x2b: {  	s6 =	sld [smem:$0x3FAB]  }
0x2c: {  	s7 =	sld [smem:$0x3FAC]  }
0x2d: {  	s3 =	simm.s32 $0x108;
	s8 =	sld [smem:$0x3FAD]  }
0x2e: {  	s3 =	simm.s32 @!p0 $0x1082;
	s9 =	sld [smem:$0x3FAE]  }
0x2f: {  	lr =	sadd.s32 s0, s3;
	s0 =	sld [smem:$0x3FA5]  }
0x30: {  	s3 =	sld [smem:$0x3FA8]  }
0x31: {  	[smem:$0x3FB1] =	sst s10  }
0x32: {  	s10 =	sld [smem:$0x3FAF];
	_ =	sdelay $0x3  }
0x33: {  	p0 =	seq.s32 s10, $0x1;
	s10 =	sld [smem:$0x3FB1];
	_ =	sdelay $0x3  }
0x34: {  	[smem:$0x3FB1] =	sst s10  }
0x35: {  	s10 =	sld [smem:$0x3FB0];
	_ =	sdelay $0x3  }
0x36: {  	p1 =	seq.s32 s10, $0x1;
	s10 =	sld [smem:$0x3FB1];
	_ =	sdelay $0x3  }
0x37: {  	[smem:$0x3FB1] =	sst s10  }
0x38: {  	s10 =	sld [smem:$0x3FB2]  }
0x39: {  	_ = 	snop;
	(pc) =	sbr.ind lr, $3  }
0x3a: {  	_ = 	snop  }
0x3b: {  	_ = 	snop  }
0x3c: {  	p2 =	seq.s32 s10, $0x1;
	s10 =	sld [smem:$0x3FB1]  }
0x3d: {  	_ =	shalt  }
0x3e: {  	_ =	shalt  }
0x3f: {  	_ =	shalt  }
0x40: {  	_ =	shalt  }
0x41: {  	_ =	shalt  }
0x42: {  	_ =	shalt  }
0x43: {  	_ =	shalt  }
0x44: {  	_ =	shalt  }
0x45: {  	_ =	shalt  }
0x46: {  	_ =	shalt  }
0x47: {  	_ =	shalt  }
0x48: {  	_ =	shalt  }
0x49: {  	_ =	shalt  }
0x4a: {  	_ =	shalt  }
0x4b: {  	_ =	shalt  }
0x4c: {  	_ =	shalt  }
0x4d: {  	_ =	shalt  }
0x4e: {  	_ =	shalt  }
0x4f: {  	_ =	shalt  }
0x50: {  	_ =	shalt  }
0x51: {  	_ =	shalt  }
0x52: {  	_ =	shalt  }
0x53: {  	_ =	shalt  }
0x54: {  	_ =	shalt  }
0x55: {  	_ =	shalt  }
0x56: {  	_ =	shalt  }
0x57: {  	_ =	shalt  }
0x58: {  	_ =	shalt  }
0x59: {  	_ =	shalt  }
0x5a: {  	_ =	shalt  }
0x5b: {  	_ =	shalt  }
0x5c: {  	_ =	shalt  }
0x5d: {  	_ =	shalt  }
0x5e: {  	_ =	shalt  }
0x5f: {  	_ =	shalt  }
0x60: {  	_ =	shalt  }
0x61: {  	_ =	shalt  }
0x62: {  	_ =	shalt  }
0x63: {  	_ =	shalt  }
0x64: {  	_ =	shalt  }
0x65: {  	_ =	shalt  }
0x66: {  	_ =	shalt  }
0x67: {  	_ =	shalt  }
0x68: {  	_ =	shalt  }
0x69: {  	_ =	shalt  }
0x6a: {  	_ =	shalt  }
0x6b: {  	_ =	shalt  }
0x6c: {  	_ =	shalt  }
0x6d: {  	_ =	shalt  }
0x6e: {  	_ =	shalt  }
0x6f: {  	_ =	shalt  }
0x70: {  	_ =	shalt  }
0x71: {  	_ =	shalt  }
0x72: {  	_ =	shalt  }
0x73: {  	_ =	shalt  }
0x74: {  	_ =	shalt  }
0x75: {  	_ =	shalt  }
0x76: {  	_ =	shalt  }
0x77: {  	_ =	shalt  }
0x78: {  	_ =	shalt  }
0x79: {  	_ =	shalt  }
0x7a: {  	_ =	shalt  }
0x7b: {  	_ =	shalt  }
0x7c: {  	_ =	shalt  }
0x7d: {  	_ =	shalt  }
0x7e: {  	_ =	shalt  }
0x7f: {  	_ =	shalt  }
0x80: {  	_ =	shalt  }
0x81: {  	_ =	shalt  }
0x82: {  	_ =	shalt  }
0x83: {  	_ =	shalt  }
0x84: {  	_ =	shalt  }
0x85: {  	_ =	shalt  }
0x86: {  	_ =	shalt  }
0x87: {  	_ =	shalt  }
.Lfunc_end0:
.L_simem_size_0:
called_computation.1_lowered:
.L_overlay_start_0:
0x88: {  	s2 =	sld [smem:$0x3FD9]  }
0x89: {  	s3 =	sld [smem:$0x3FFE];
	_ =	sdelay $0x1  }
0x8a: {  	s1 =	srdreg.scid  }
0x8b: {  	s0 =	sand.u32 $0x1, s1  }
0x8c: {  	s17 =	sshll.u32 s0, $0xA;
	s2 =	sadd.s32 s3, s2  }
0x8d: {  	s2 =	sadd.s32 s2, s17  }
0x8e: {  	[smem:$0x3FBD] =	sst s2  }
0x8f: {  	_ = 	snop  }
0x90: {  	s18 =	sld [smem:$0x3FD0];
	(tm) =	ssettm $0x1  }
0x91: {  	s19 =	sld [smem:$0x3FFB];
	_ =	sdelay $0x3  }
0x92: {  	_ =	strace s19  }
0x93: {  	s2 =	sld [smem:$0x3FFC];
	_ =	sdelay $0x3  }
0x94: {  	_ =	strace s2  }
0x95: {  	s2 =	sld [smem:$0x3FFD];
	_ =	sdelay $0x3  }
0x96: {  	_ =	strace s2  }
0x97: {  	_ =	strace $0x8FFFFFFF  }
0x98: {  	s20 =	sld [smem:$0x3FDB];
	_ =	sdelay $0x1  }
0x99: {  	s4 =	simm.s32 $_scs_section_size  }
0x9a: {  	s5 =	simm.s32 $_size__tile_overlayer_lowered;
	s6 =	simm.s32 $_tile_overlayer_lowered  }
0x9b: {  	s7 =	simm.s32 $0x1BFF;
	s21 =	sshll.u32 s6, $0x1;
	s4 =	sadd.s32 s4, s20  }
0x9c: {  	s22 =	simm.s32 $0x0;
	s5 =	sshll.u32 s5, $0x1;
	s6 =	sadd.s32 s21, s4  }
0x9d: {  	[timem:s22], [sflag:s7] =	dma.local [hbm:s6], s5  }
0x9e: {  	_ =	swait.ge [sflag:s7], s5  }
0x9f: {  	s5 =	ssub.s32 $0x0, s5;
	[sflag:s7] =	ssyncset.done $0x0  }
0xa0: {  	[sflag:s7] =	ssyncadd.s32 s5;
	_ =	sdelay $0x1  }
0xa1: {  	s23 =	simm.s32 $0x1B8B  }
0xa2: {  	_ =	swait.ge [sflag:s23], $0x1  }
0xa3: {  	[sflag:s23] =	ssyncset.done $0x0  }
0xa4: {  	[sflag:s23] =	ssyncadd.s32 $0xFFFFFFFF  }
0xa5: {  	s5 =	sld [smem:$0x0]  }
0xa6: {  	s6 =	sand.u32 $0xFFFFFFFE, s1  }
0xa7: {  	p0 =	sne.s32 s1, s6  }
0xa8: {  	s6 =	sshll.u32 @p0 s6, $0xE  }
0xa9: {  	s6 =	sadd.s32 @p0 $0x11B8D, s6;
	s7 =	sshll.u32 @p0 s5, $0x11  }
0xaa: {  	s6 =	sor.u32 @p0 s7, s6  }
0xab: {  	[sflag:s6] =	ssyncadd.remote.s32 @p0 $0x1;
	_ =	sdelay $0x1  }
0xac: {  	s6 =	simm.s32 @p0 $0x1B8D  }
0xad: {  	_ =	swait.eq @p0 [sflag:s6], $0x1  }
0xae: {  	[sflag:s6] =	ssyncadd.s32 @p0 $0xFFFFFFFF  }
0xaf: {  	s7 =	sshll.u32 @!p0 s1, $0xE  }
0xb0: {  	s7 =	sor.u32 @!p0 $0x4000, s7;
	s6 =	simm.s32 @!p0 $0x1B8D  }
0xb1: {  	s5 =	sshll.u32 @!p0 s5, $0x11;
	s7 =	sadd.s32 @!p0 $0x11B8D, s7;
	_ =	swait.eq @!p0 [sflag:s6], $0x1  }
0xb2: {  	s5 =	sor.u32 @!p0 s5, s7;
	[sflag:s6] =	ssyncadd.s32 @!p0 $0xFFFFFFFF  }
0xb3: {  	s25 =	simm.s32 $0x1B8E;
	s24 =	sld [smem:$0x3FFE];
	[sflag:s5] =	ssyncadd.remote.s32 @!p0 $0x1  }
0xb4: {  	s26 =	simm.s32 $execute0_lowered;
	[smem:$0x3FD2] =	sst s25  }
0xb5: {  	s6 =	sshll.u32 s26, $0x1;
	_ =	strace $0x80000049;
	[dreg:$0x1] =	wrdreg $0xFFFFFFFF  }
0xb6: {  	s28 =	simm.s32 $_size_execute0_lowered;
	s4 =	sadd.s32 s4, s6;
	[dreg:$0x0] =	wrdreg $0x0  }
0xb7: {  	s6 =	sshll.u32 s28, $0x1;
	[dreg:$0x2] =	wrdreg s4  }
0xb8: {  	[dreg:$0x3] =	wrdreg s6  }
0xb9: {  	[dreg:$0x4] =	wrdreg $0xC0  }
0xba: {  	_ =	task [dreg:s22], $0x5FFFF  }
0xbb: {  	[dreg:$0x1] =	wrdreg $0xFFFFFFFF  }
0xbc: {  	[dreg:$0x0] =	wrdreg $0x60  }
0xbd: {  	[dreg:$0x2] =	wrdreg s24  }
0xbe: {  	[dreg:$0x3] =	wrdreg s18  }
0xbf: {  	[dreg:$0x4] =	wrdreg $0xC2000  }
0xc0: {  	[dreg:$0x5] =	wrdreg $0xA  }
0xc1: {  	_ =	task.clear_ibuf [dreg:s22], $0x6FFFF;
	_ =	strace $0x90000049  }
0xc2: {  	s29 =	simm.s32 $0xA;
	_ =	strace $0x8000004B  }
0xc3: {  	_ =	swait.ge [sflag:s29], $0x1  }
0xc4: {  	[sflag:s29] =	ssyncadd.s32 $0xFFFFFFFF  }
0xc5: {  	_ =	strace $0x9000004B  }
0xc6: {  	_ =	sfence  }
0xc7: {  	s30 =	sld [smem:$0x0];
	_ =	sdelay $0x2  }
0xc8: {  	s31 =	sshll.u32 s1, $0xD;
	s1 =	sshrl.u32 s1, $0x2  }
0xc9: {  	s4 =	sand.u32 $0x4000, s31;
	s1 =	sadd.s32 s1, s30  }
0xca: {  	s0 =	sor.u32 s4, s0;
	s1 =	sshll.u32 s1, $0x11  }
0xcb: {  	s0 =	sor.u32 s1, s0  }
0xcc: {  	s0 =	sadd.s32 $0x8F2B, s0  }
0xcd: {  	[sflag:s0] =	ssyncadd.remote.s32 $0x1  }
0xce: {  	_ =	sfence.sel $0xFFFF  }
0xcf: {  	[dreg:$0x0] =	wrdreg $0xFFFFFFFF;
	(pc) =	sbr.abs _section_cstart, $3  }
0xd0: {  	[dreg:$0x1] =	wrdreg $0xFFFFFFFF  }
0xd1: {  	_ =	task.clear_ibuf [dreg:s22], $0x2FFFF;
	_ =	strace $0x9FFFFFFF  }
0xd2: {  	(tm) =	ssettm $0x7FFFFFFF  }
0xd3: {  	_ =	shalt  }
tec
execute0_lowered:
.L_overlay_start_1:
0x0: {  	(tag) =	ssettag $0x1  }
0x1: {  	s0 =	srdreg.scid;
	s13 =	stileid.u32  }
0x2: {  	s2 =	rddreg [dreg:$0x0];
	s3 =	smul.u32 $0x13C00, s13  }
0x3: {  	s4 =	sand.u32 $0x1, s0;
	s5 =	sshll.u32 s13, $0x1;
	s22 =	smul.u32 $0x4EC0, s13  }
0x4: {  	s1 =	simm.s32 $0x0;
	s0 =	smul.u32 $0x140000, s4;
	s5 =	sor.u32 s4, s5  }
0x5: {  	[smem:$0x7FF] =	sst s1;
	s7 =	smul.u32 $0x2760, s5  }
0x6: {  	s6 =	sadd.s32 $0xA5E400, s2;
	s8 =	ssub.s32 $0x2, s4;
	s11 =	smul.u32 $0x27600, s5  }
0x7: {  	s23 =	sshrl.u32 s8, $0x1;
	s5 =	smul.u32 $0x13B000, s5;
	s0 =	sadd.s32 s3, s0  }
0x8: {  	s3 =	sadd.s32 $0x4800, s2;
	s0 =	sshrl.u32 s0, $0x3;
	s9 =	sshrl.u32 s7, $0x3  }
0x9: {  	s24 =	sadd.s32 $0x60, s7;
	s10 =	sadd.s32 $0xC0, s7;
	s31 =	sadd.s32 s6, s11  }
0xa: {  	s5 =	sshrl.u32 s5, $0x3;
	s14 =	sadd.s32 $0x25E0, s7;
	s16 =	sadd.s32 $0x2640, s7  }
0xb: {  	s21 =	sadd.s32 $0x26A0, s7;
	s0 =	sadd.s32 s0, s2;
	s2 =	ssub.s32 s8, s23  }
0xc: {  	s15 =	sadd.s32 s3, s9;
	s25 =	sshrl.u32 s24, $0x3;
	s26 =	sshrl.u32 s10, $0x3  }
0xd: {  	s8 =	sshll.u32 s24, $0x4;
	[dreg:$0x6] =	wrdreg s31;
	s5 =	sadd.s32 s6, s5  }
0xe: {  	s17 =	sshrl.u32 s14, $0x3;
	s18 =	sshrl.u32 s16, $0x3;
	s20 =	sshll.u32 s16, $0x4  }
0xf: {  	s23 =	sshrl.u32 s21, $0x3;
	s31 =	smul.u32 $0x4EC00, s13;
	s9 =	sadd.s32 s3, s25  }
0x10: {  	s8 =	sadd.s32 s6, s8;
	s24 =	sadd.s32 s3, s23;
	s23 =	rddreg [dreg:$0x2]  }
0x11: {  	s19 =	sadd.s32 s3, s18;
	s28 =	sadd.s32 $0x25800, s5;
	[dreg:$0x4] =	wrdreg s9  }
0x12: {  	s29 =	sadd.s32 $0x90400, s0;
	s30 =	smax.u32 s2, $0x1;
	[dreg:$0x7] =	wrdreg s8  }
0x13: {  	s0 =	simm.s32 $0x3;
	s5 =	simm.s32 $0x200;
	[dreg:$0xd] =	wrdreg s19  }
0x14: {  	s2 =	simm.s32 $0x6200;
	s9 =	sadd.s32 s3, s26;
	[dreg:$0xf] =	wrdreg s24  }
0x15: {  	[dreg:$0x5] =	wrdreg s9;
	s9 =	sshll.u32 s10, $0x4;
	s10 =	sadd.s32 $0x120, s7  }
0x16: {  	s7 =	sadd.s32 $0x2700, s7;
	s8 =	sadd.s32 s6, s9;
	s11 =	sshrl.u32 s10, $0x3  }
0x17: {  	s9 =	sshll.u32 s10, $0x4;
	s10 =	sadd.s32 s3, s17;
	[dreg:$0x8] =	wrdreg s8  }
0x18: {  	s8 =	sadd.s32 s3, s11;
	s12 =	sadd.s32 s6, s9;
	[dreg:$0xb] =	wrdreg s10  }
0x19: {  	s9 =	sshll.u32 s21, $0x4;
	s11 =	sshrl.u32 s7, $0x3;
	[dreg:$0x9] =	wrdreg s8  }
0x1a: {  	s7 =	sshll.u32 s7, $0x4;
	s21 =	smul.u32 $0x4F000, s13;
	[dreg:$0xa] =	wrdreg s12  }
0x1b: {  	s8 =	sshll.u32 s14, $0x4;
	s12 =	smul.u32 $0x2760, s4;
	s25 =	sadd.s32 s6, s9  }
0x1c: {  	s4 =	smul.u32 $0x27600, s4;
	s10 =	sadd.s32 s3, s11;
	[dreg:$0x10] =	wrdreg s25  }
0x1d: {  	s7 =	sadd.s32 s6, s7;
	s9 =	simm.s32 $0x60;
	[dreg:$0x11] =	wrdreg s10  }
0x1e: {  	s11 =	simm.s32 $0x0;
	s8 =	sadd.s32 s6, s8;
	[dreg:$0x12] =	wrdreg s7  }
0x1f: {  	s10 =	simm.s32 $0x9200;
	[dreg:$0xc] =	wrdreg s8;
	s8 =	sadd.s32 s6, s20  }
0x20: {  	s26 =	sadd.s32 s12, s22;
	s6 =	sadd.s32 s31, s6;
	s31 =	sshll.u32 s13, $0x6  }
0x21: {  	[dreg:$0xe] =	wrdreg s8;
	s12 =	sadd.s32 $0x300, s26;
	s4 =	sadd.s32 s4, s6  }
0x22: {  	s14 =	sadd.s32 $0x2A0, s26;
	s16 =	sadd.s32 $0x240, s26;
	s20 =	sadd.s32 $0x1E0, s26  }
0x23: {  	s26 =	sshrl.u32 s21, $0x2;
	s21 =	sadd.s32 $0x30, s15;
	s8 =	simm.s32 $0x2  }
0x24: {  	s7 =	sshrl.u32 s12, $0x3;
	s6 =	sshrl.u32 s14, $0x3;
	s17 =	sshrl.u32 s16, $0x3  }
0x25: {  	s25 =	sshrl.u32 s20, $0x3;
	_ =	strace $0x8000004A;
	s14 =	sadd.s32 $0x2A00, s4  }
0x26: {  	s20 =	simm.s32 $0x80;
	s4 =	simm.s32 $0x1;
	s18 =	sadd.s32 s7, s3  }
0x27: {  	s19 =	sadd.s32 s6, s3;
	s22 =	sadd.s32 s17, s3;
	s24 =	sadd.s32 s25, s3  }
0x28: {  	s25 =	sadd.s32 s26, s23;
	s26 =	sor.u32 $0x1C03, s31;
	s17 =	smov.u32 s15  }
0x29: {  	s3 =	simm.s32 $0x100;
	s6 =	simm.s32 $0x3200;
	s7 =	simm.s32 $0x180  }
.LBB2_1:
0x2a: {  	s12 =	sshrl.u32 s25, $0x3;
	s13 =	rddreg [dreg:$0x1]  }
0x2b: {  	[spmem:s12], [sflag:s26] =	dma.local [hbm:s13], $0x2780  }
0x2c: {  	_ =	swait.ge [sflag:s0], $0x2780  }
0x2d: {  	[sflag:s0] =	ssyncset.done $0x0  }
0x2e: {  	[sflag:s0] =	ssyncadd.s32 $0xFFFFD880  }
0x2f: {  	[bflag:$0x0] =	sbarrier.arrive $0xFFFF  }
0x30: {  	[tilespmem:s1], [sflag:$0x1] =	stream.linear.gather [hbm4b:s17+s1], $0x60, $0x38;
	[tilespmem:$0x1FE00] =	vst v63  }
0x31: {  	s15 =	rddreg [dreg:$0x4]  }
0x32: {  	[tilespmem:s20], [sflag:$0x1] =	stream.linear.gather [hbm4b:s15+s1], $0x60, $0x38;
	[tilespmem:$0x1FE00] =	vst v63  }
0x33: {  	s16 =	rddreg [dreg:$0x5]  }
0x34: {  	[tilespmem:s3], [sflag:$0x1] =	stream.linear.gather [hbm4b:s16+s1], $0x60, $0x38;
	[tilespmem:$0x1FE00] =	vst v63  }
0x35: {  	_ =	swait.ge [sflag:s4], $0x60  }
0x36: {  	[sflag:s4] =	ssyncset.done $0x0  }
0x37: {  	s15 =	rddreg [dreg:$0x6];
	[sflag:s4] =	ssyncadd.s32 $0xFFFFFFA0  }
0x38: {  	[tilespmem:s5], [sflag:$0x2] =	stream.linear.gather [hbm4b:s15+s1], $0x3000, $0x38;
	[tilespmem:$0x1FE00] =	vst v63  }
0x39: {  	_ =	swait.ge [sflag:s4], $0x60  }
0x3a: {  	[sflag:s4] =	ssyncset.done $0x0  }
0x3b: {  	s16 =	rddreg [dreg:$0x7];
	[sflag:s4] =	ssyncadd.s32 $0xFFFFFFA0  }
0x3c: {  	[tilespmem:s6], [sflag:$0x2] =	stream.linear.gather [hbm4b:s16+s1], $0x3000, $0x38;
	[tilespmem:$0x1FE00] =	vst v63  }
0x3d: {  	_ =	swait.ge [sflag:s4], $0x60  }
0x3e: {  	[sflag:s4] =	ssyncset.done $0x0  }
0x3f: {  	s15 =	rddreg [dreg:$0x8];
	[sflag:s4] =	ssyncadd.s32 $0xFFFFFFA0  }
0x40: {  	[tilespmem:s2], [sflag:$0x2] =	stream.linear.gather [hbm4b:s15+s1], $0x3000, $0x38;
	[tilespmem:$0x1FE00] =	vst v63  }
0x41: {  	s16 =	rddreg [dreg:$0x9]  }
0x42: {  	[tilespmem:s7], [sflag:$0x1] =	stream.linear.gather [hbm4b:s16+s1], $0x60, $0x38;
	[tilespmem:$0x1FE00] =	vst v63  }
0x43: {  	_ =	swait.ge [sflag:s8], $0x3000  }
0x44: {  	[sflag:s8] =	ssyncset.done $0x0  }
0x45: {  	[sflag:s8] =	ssyncadd.s32 $0xFFFFD000  }
0x46: {  	[spmem:s23] =	stream.indirect.scatter.add.f32 [tilespmem:s5], [sflag:$0x3], $0x80, s1, s9, $0xb8;
	[tilespmem:$0x1FE00] =	vst v63  }
0x47: {  	_ =	swait.ge [sflag:s0], $0x3000  }
0x48: {  	[sflag:s0] =	ssyncset.done $0x0  }
0x49: {  	[sflag:s0] =	ssyncadd.s32 $0xFFFFD000  }
0x4a: {  	_ =	swait.ge [sflag:s4], $0x60  }
0x4b: {  	[sflag:s4] =	ssyncset.done $0x0  }
0x4c: {  	s15 =	rddreg [dreg:$0xa];
	[sflag:s4] =	ssyncadd.s32 $0xFFFFFFA0  }
0x4d: {  	[tilespmem:s10], [sflag:$0x2] =	stream.linear.gather [hbm4b:s15+s1], $0x3000, $0x38;
	[tilespmem:$0x1FE00] =	vst v63  }
0x4e: {  	_ = 	snop  }
0x4f: {  	[tilespmem:s1], [sflag:$0x1] =	stream.linear.gather [hbm4b:s21+s1], $0x60, $0x38;
	[tilespmem:$0x1FE00] =	vst v63  }
0x50: {  	_ =	swait.ge [sflag:s8], $0x3000  }
0x51: {  	[sflag:s8] =	ssyncset.done $0x0  }
0x52: {  	[sflag:s8] =	ssyncadd.s32 $0xFFFFD000  }
0x53: {  	[spmem:s23] =	stream.indirect.scatter.add.f32 [tilespmem:s6], [sflag:$0x3], $0x80, s20, s9, $0xb8;
	[tilespmem:$0x1FE00] =	vst v63  }
0x54: {  	_ =	swait.ge [sflag:s0], $0x3000  }
0x55: {  	[sflag:s0] =	ssyncset.done $0x0  }
0x56: {  	[sflag:s0] =	ssyncadd.s32 $0xFFFFD000  }
0x57: {  	_ =	swait.ge [sflag:s4], $0x60  }
0x58: {  	[sflag:s4] =	ssyncset.done $0x0  }
0x59: {  	s16 =	sadd.s32 $0xFFFFEE00, s14;
	[sflag:s4] =	ssyncadd.s32 $0xFFFFFFA0  }
0x5a: {  	[tilespmem:s5], [sflag:$0x2] =	stream.linear.gather [hbm4b:s16+s1], $0x3000, $0x38;
	[tilespmem:$0x1FE00] =	vst v63  }
0x5b: {  	s15 =	sadd.s32 $0x0, s24  }
0x5c: {  	[tilespmem:s20], [sflag:$0x1] =	stream.linear.gather [hbm4b:s15+s1], $0x60, $0x38;
	[tilespmem:$0x1FE00] =	vst v63  }
0x5d: {  	_ =	swait.ge [sflag:s8], $0x3000  }
0x5e: {  	[sflag:s8] =	ssyncset.done $0x0  }
0x5f: {  	[sflag:s8] =	ssyncadd.s32 $0xFFFFD000  }
0x60: {  	[spmem:s23] =	stream.indirect.scatter.add.f32 [tilespmem:s2], [sflag:$0x3], $0x80, s3, s9, $0xb8;
	[tilespmem:$0x1FE00] =	vst v63  }
0x61: {  	_ =	swait.ge [sflag:s0], $0x3000  }
0x62: {  	[sflag:s0] =	ssyncset.done $0x0  }
0x63: {  	[sflag:s0] =	ssyncadd.s32 $0xFFFFD000  }
0x64: {  	_ =	swait.ge [sflag:s4], $0x60  }
0x65: {  	[sflag:s4] =	ssyncset.done $0x0  }
0x66: {  	s16 =	sadd.s32 $0xFFFFF400, s14;
	[sflag:s4] =	ssyncadd.s32 $0xFFFFFFA0  }
0x67: {  	[tilespmem:s6], [sflag:$0x2] =	stream.linear.gather [hbm4b:s16+s1], $0x3000, $0x38;
	[tilespmem:$0x1FE00] =	vst v63  }
0x68: {  	s15 =	sadd.s32 $0x0, s22  }
0x69: {  	[tilespmem:s3], [sflag:$0x1] =	stream.linear.gather [hbm4b:s15+s1], $0x60, $0x38;
	[tilespmem:$0x1FE00] =	vst v63  }
0x6a: {  	_ =	swait.ge [sflag:s8], $0x3000  }
0x6b: {  	[sflag:s8] =	ssyncset.done $0x0  }
0x6c: {  	[sflag:s8] =	ssyncadd.s32 $0xFFFFD000  }
0x6d: {  	[spmem:s23] =	stream.indirect.scatter.add.f32 [tilespmem:s10], [sflag:$0x3], $0x80, s7, s9, $0xb8;
	[tilespmem:$0x1FE00] =	vst v63  }
0x6e: {  	_ =	swait.ge [sflag:s0], $0x3000  }
0x6f: {  	[sflag:s0] =	ssyncset.done $0x0  }
0x70: {  	[sflag:s0] =	ssyncadd.s32 $0xFFFFD000  }
0x71: {  	_ =	swait.ge [sflag:s4], $0x60  }
0x72: {  	[sflag:s4] =	ssyncset.done $0x0  }
0x73: {  	s16 =	sadd.s32 $0xFFFFFA00, s14;
	[sflag:s4] =	ssyncadd.s32 $0xFFFFFFA0  }
0x74: {  	[tilespmem:s2], [sflag:$0x2] =	stream.linear.gather [hbm4b:s16+s1], $0x3000, $0x38;
	[tilespmem:$0x1FE00] =	vst v63  }
0x75: {  	s15 =	sadd.s32 $0x0, s19  }
0x76: {  	[tilespmem:s7], [sflag:$0x1] =	stream.linear.gather [hbm4b:s15+s1], $0x60, $0x38;
	[tilespmem:$0x1FE00] =	vst v63  }
0x77: {  	_ =	swait.ge [sflag:s8], $0x3000  }
0x78: {  	[sflag:s8] =	ssyncset.done $0x0  }
0x79: {  	[sflag:s8] =	ssyncadd.s32 $0xFFFFD000  }
0x7a: {  	[spmem:s23] =	stream.indirect.scatter.add.f32 [tilespmem:s5], [sflag:$0x3], $0x80, s1, s9, $0xb8;
	[tilespmem:$0x1FE00] =	vst v63  }
0x7b: {  	_ =	swait.ge [sflag:s0], $0x3000  }
0x7c: {  	[sflag:s0] =	ssyncset.done $0x0  }
0x7d: {  	[sflag:s0] =	ssyncadd.s32 $0xFFFFD000  }
0x7e: {  	_ =	swait.ge [sflag:s4], $0x60  }
0x7f: {  	[sflag:s4] =	ssyncset.done $0x0  }
0x80: {  	[sflag:s4] =	ssyncadd.s32 $0xFFFFFFA0  }
0x81: {  	[tilespmem:s10], [sflag:$0x2] =	stream.linear.gather [hbm4b:s14+s1], $0x3000, $0x38;
	[tilespmem:$0x1FE00] =	vst v63  }
0x82: {  	s16 =	sadd.s32 $0x0, s18  }
0x83: {  	[tilespmem:s1], [sflag:$0x1] =	stream.linear.gather [hbm4b:s16+s1], $0x60, $0x38;
	[tilespmem:$0x1FE00] =	vst v63  }
0x84: {  	_ =	swait.ge [sflag:s8], $0x3000  }
0x85: {  	[sflag:s8] =	ssyncset.done $0x0  }
0x86: {  	[sflag:s8] =	ssyncadd.s32 $0xFFFFD000  }
0x87: {  	[spmem:s23] =	stream.indirect.scatter.add.f32 [tilespmem:s6], [sflag:$0x3], $0x80, s20, s9, $0xb8;
	[tilespmem:$0x1FE00] =	vst v63  }
0x88: {  	_ =	swait.ge [sflag:s0], $0x3000  }
0x89: {  	s31 =	smov.u32 s14;
	s13 =	simm.s32 $0x30;
	[sflag:s0] =	ssyncset.done $0x0  }
.LBB2_2:
0x8a: {  	p0 =	sne.s32 s13, $0x450;
	[sflag:s0] =	ssyncadd.s32 $0xFFFFD000;
	s31 =	sadd.s32 $0x1800, s31  }
0x8b: {  	s15 =	smov.u32 s13;
	s13 =	sadd.s32 $0x30, s13;
	_ =	swait.ge [sflag:s4], $0x60  }
0x8c: {  	[sflag:s4] =	ssyncset.done $0x0  }
0x8d: {  	s16 =	sadd.s32 $0xFFFFEE00, s31;
	[sflag:s4] =	ssyncadd.s32 $0xFFFFFFA0  }
0x8e: {  	[tilespmem:s5], [sflag:$0x2] =	stream.linear.gather [hbm4b:s16+s1], $0x3000, $0x38;
	[tilespmem:$0x1FE00] =	vst v63  }
0x8f: {  	s16 =	sadd.s32 s15, s24  }
0x90: {  	[tilespmem:s20], [sflag:$0x1] =	stream.linear.gather [hbm4b:s16+s1], $0x60, $0x38;
	[tilespmem:$0x1FE00] =	vst v63  }
0x91: {  	_ =	swait.ge [sflag:s8], $0x3000  }
0x92: {  	[sflag:s8] =	ssyncset.done $0x0  }
0x93: {  	[sflag:s8] =	ssyncadd.s32 $0xFFFFD000  }
0x94: {  	[spmem:s23] =	stream.indirect.scatter.add.f32 [tilespmem:s2], [sflag:$0x3], $0x80, s3, s9, $0xb8;
	[tilespmem:$0x1FE00] =	vst v63  }
0x95: {  	_ =	swait.ge [sflag:s0], $0x3000  }
0x96: {  	[sflag:s0] =	ssyncset.done $0x0  }
0x97: {  	[sflag:s0] =	ssyncadd.s32 $0xFFFFD000  }
0x98: {  	_ =	swait.ge [sflag:s4], $0x60  }
0x99: {  	[sflag:s4] =	ssyncset.done $0x0  }
0x9a: {  	s16 =	sadd.s32 $0xFFFFF400, s31;
	[sflag:s4] =	ssyncadd.s32 $0xFFFFFFA0  }
0x9b: {  	[tilespmem:s6], [sflag:$0x2] =	stream.linear.gather [hbm4b:s16+s1], $0x3000, $0x38;
	[tilespmem:$0x1FE00] =	vst v63  }
0x9c: {  	s16 =	sadd.s32 s15, s22  }
0x9d: {  	[tilespmem:s3], [sflag:$0x1] =	stream.linear.gather [hbm4b:s16+s1], $0x60, $0x38;
	[tilespmem:$0x1FE00] =	vst v63  }
0x9e: {  	_ =	swait.ge [sflag:s8], $0x3000  }
0x9f: {  	[sflag:s8] =	ssyncset.done $0x0  }
0xa0: {  	[sflag:s8] =	ssyncadd.s32 $0xFFFFD000  }
0xa1: {  	[spmem:s23] =	stream.indirect.scatter.add.f32 [tilespmem:s10], [sflag:$0x3], $0x80, s7, s9, $0xb8;
	[tilespmem:$0x1FE00] =	vst v63  }
0xa2: {  	_ =	swait.ge [sflag:s0], $0x3000  }
0xa3: {  	[sflag:s0] =	ssyncset.done $0x0  }
0xa4: {  	[sflag:s0] =	ssyncadd.s32 $0xFFFFD000  }
0xa5: {  	_ =	swait.ge [sflag:s4], $0x60  }
0xa6: {  	[sflag:s4] =	ssyncset.done $0x0  }
0xa7: {  	s16 =	sadd.s32 $0xFFFFFA00, s31;
	[sflag:s4] =	ssyncadd.s32 $0xFFFFFFA0  }
0xa8: {  	[tilespmem:s2], [sflag:$0x2] =	stream.linear.gather [hbm4b:s16+s1], $0x3000, $0x38;
	[tilespmem:$0x1FE00] =	vst v63  }
0xa9: {  	s16 =	sadd.s32 s15, s19  }
0xaa: {  	[tilespmem:s7], [sflag:$0x1] =	stream.linear.gather [hbm4b:s16+s1], $0x60, $0x38;
	[tilespmem:$0x1FE00] =	vst v63  }
0xab: {  	_ =	swait.ge [sflag:s8], $0x3000  }
0xac: {  	[sflag:s8] =	ssyncset.done $0x0  }
0xad: {  	[sflag:s8] =	ssyncadd.s32 $0xFFFFD000  }
0xae: {  	[spmem:s23] =	stream.indirect.scatter.add.f32 [tilespmem:s5], [sflag:$0x3], $0x80, s1, s9, $0xb8;
	[tilespmem:$0x1FE00] =	vst v63  }
0xaf: {  	_ =	swait.ge [sflag:s0], $0x3000  }
0xb0: {  	[sflag:s0] =	ssyncset.done $0x0  }
0xb1: {  	[sflag:s0] =	ssyncadd.s32 $0xFFFFD000  }
0xb2: {  	_ =	swait.ge [sflag:s4], $0x60  }
0xb3: {  	[sflag:s4] =	ssyncset.done $0x0  }
0xb4: {  	[sflag:s4] =	ssyncadd.s32 $0xFFFFFFA0  }
0xb5: {  	[tilespmem:s10], [sflag:$0x2] =	stream.linear.gather [hbm4b:s31+s1], $0x3000, $0x38;
	[tilespmem:$0x1FE00] =	vst v63  }
0xb6: {  	s15 =	sadd.s32 s15, s18  }
0xb7: {  	[tilespmem:s1], [sflag:$0x1] =	stream.linear.gather [hbm4b:s15+s1], $0x60, $0x38;
	[tilespmem:$0x1FE00] =	vst v63  }
0xb8: {  	_ =	swait.ge [sflag:s8], $0x3000  }
.Ltmp0:
0xb9: {  	[sflag:s8] =	ssyncset.done $0x0;
	(pc) =	sbr.rel @p0 .LBB2_2-.Ltmp0, $4  }
0xba: {  	[sflag:s8] =	ssyncadd.s32 $0xFFFFD000  }
0xbb: {  	[spmem:s23] =	stream.indirect.scatter.add.f32 [tilespmem:s6], [sflag:$0x3], $0x80, s20, s9, $0xb8;
	[tilespmem:$0x1FE00] =	vst v63  }
0xbc: {  	_ =	swait.ge [sflag:s0], $0x3000  }
0xbd: {  	[sflag:s0] =	ssyncset.done $0x0  }
0xbe: {  	[sflag:s0] =	ssyncadd.s32 $0xFFFFD000  }
0xbf: {  	_ =	swait.ge [sflag:s4], $0x60  }
0xc0: {  	[sflag:s4] =	ssyncset.done $0x0  }
0xc1: {  	[sflag:s4] =	ssyncadd.s32 $0xFFFFFFA0  }
0xc2: {  	[tilespmem:s5], [sflag:$0x2] =	stream.linear.gather [hbm4b:s28+s1], $0x3000, $0x38;
	[tilespmem:$0x1FE00] =	vst v63  }
0xc3: {  	s13 =	rddreg [dreg:$0xb]  }
0xc4: {  	[tilespmem:s20], [sflag:$0x1] =	stream.linear.gather [hbm4b:s13+s1], $0x60, $0x38;
	[tilespmem:$0x1FE00] =	vst v63  }
0xc5: {  	_ =	swait.ge [sflag:s8], $0x3000  }
0xc6: {  	[sflag:s8] =	ssyncset.done $0x0  }
0xc7: {  	[sflag:s8] =	ssyncadd.s32 $0xFFFFD000  }
0xc8: {  	[spmem:s23] =	stream.indirect.scatter.add.f32 [tilespmem:s2], [sflag:$0x3], $0x80, s3, s9, $0xb8;
	[tilespmem:$0x1FE00] =	vst v63  }
0xc9: {  	_ =	swait.ge [sflag:s0], $0x3000  }
0xca: {  	[sflag:s0] =	ssyncset.done $0x0  }
0xcb: {  	[sflag:s0] =	ssyncadd.s32 $0xFFFFD000  }
0xcc: {  	_ =	swait.ge [sflag:s4], $0x60  }
0xcd: {  	[sflag:s4] =	ssyncset.done $0x0  }
0xce: {  	s31 =	rddreg [dreg:$0xc];
	[sflag:s4] =	ssyncadd.s32 $0xFFFFFFA0  }
0xcf: {  	[tilespmem:s6], [sflag:$0x2] =	stream.linear.gather [hbm4b:s31+s1], $0x3000, $0x38;
	[tilespmem:$0x1FE00] =	vst v63  }
0xd0: {  	s15 =	rddreg [dreg:$0xd]  }
0xd1: {  	[tilespmem:s3], [sflag:$0x1] =	stream.linear.gather [hbm4b:s15+s1], $0x60, $0x38;
	[tilespmem:$0x1FE00] =	vst v63  }
0xd2: {  	_ =	swait.ge [sflag:s8], $0x3000  }
0xd3: {  	[sflag:s8] =	ssyncset.done $0x0  }
0xd4: {  	[sflag:s8] =	ssyncadd.s32 $0xFFFFD000  }
0xd5: {  	[spmem:s23] =	stream.indirect.scatter.add.f32 [tilespmem:s10], [sflag:$0x3], $0x80, s7, s9, $0xb8;
	[tilespmem:$0x1FE00] =	vst v63  }
0xd6: {  	_ =	swait.ge [sflag:s0], $0x3000  }
0xd7: {  	[sflag:s0] =	ssyncset.done $0x0  }
0xd8: {  	[sflag:s0] =	ssyncadd.s32 $0xFFFFD000  }
0xd9: {  	_ =	swait.ge [sflag:s4], $0x60  }
0xda: {  	[sflag:s4] =	ssyncset.done $0x0  }
0xdb: {  	s16 =	rddreg [dreg:$0xe];
	[sflag:s4] =	ssyncadd.s32 $0xFFFFFFA0  }
0xdc: {  	[tilespmem:s2], [sflag:$0x2] =	stream.linear.gather [hbm4b:s16+s1], $0x3000, $0x38;
	[tilespmem:$0x1FE00] =	vst v63  }
0xdd: {  	s31 =	rddreg [dreg:$0xf]  }
0xde: {  	[tilespmem:s7], [sflag:$0x1] =	stream.linear.gather [hbm4b:s31+s1], $0x60, $0x38;
	[tilespmem:$0x1FE00] =	vst v63  }
0xdf: {  	_ =	swait.ge [sflag:s8], $0x3000  }
0xe0: {  	[sflag:s8] =	ssyncset.done $0x0  }
0xe1: {  	[sflag:s8] =	ssyncadd.s32 $0xFFFFD000  }
0xe2: {  	[spmem:s23] =	stream.indirect.scatter.add.f32 [tilespmem:s5], [sflag:$0x3], $0x80, s1, s9, $0xb8;
	[tilespmem:$0x1FE00] =	vst v63  }
0xe3: {  	_ =	swait.ge [sflag:s0], $0x3000  }
0xe4: {  	[sflag:s0] =	ssyncset.done $0x0  }
0xe5: {  	[sflag:s0] =	ssyncadd.s32 $0xFFFFD000  }
0xe6: {  	_ =	swait.ge [sflag:s4], $0x60  }
0xe7: {  	[sflag:s4] =	ssyncset.done $0x0  }
0xe8: {  	s15 =	rddreg [dreg:$0x10];
	[sflag:s4] =	ssyncadd.s32 $0xFFFFFFA0  }
0xe9: {  	[tilespmem:s10], [sflag:$0x2] =	stream.linear.gather [hbm4b:s15+s1], $0x3000, $0x38;
	[tilespmem:$0x1FE00] =	vst v63  }
0xea: {  	s16 =	rddreg [dreg:$0x11]  }
0xeb: {  	[tilespmem:s1], [sflag:$0x1] =	stream.linear.gather [hbm4b:s16+s1], $0x60, $0x38;
	[tilespmem:$0x1FE00] =	vst v63  }
0xec: {  	_ =	swait.ge [sflag:s8], $0x3000  }
0xed: {  	[sflag:s8] =	ssyncset.done $0x0  }
0xee: {  	[sflag:s8] =	ssyncadd.s32 $0xFFFFD000  }
0xef: {  	[spmem:s23] =	stream.indirect.scatter.add.f32 [tilespmem:s6], [sflag:$0x3], $0x80, s20, s9, $0xb8;
	[tilespmem:$0x1FE00] =	vst v63  }
0xf0: {  	_ =	swait.ge [sflag:s0], $0x3000  }
0xf1: {  	[sflag:s0] =	ssyncset.done $0x0  }
0xf2: {  	[sflag:s0] =	ssyncadd.s32 $0xFFFFD000  }
0xf3: {  	_ =	swait.ge [sflag:s4], $0x60  }
0xf4: {  	[sflag:s4] =	ssyncset.done $0x0  }
0xf5: {  	s31 =	rddreg [dreg:$0x12];
	[sflag:s4] =	ssyncadd.s32 $0xFFFFFFA0  }
0xf6: {  	[tilespmem:s5], [sflag:$0x2] =	stream.linear.gather [hbm4b:s31+s1], $0x3000, $0x38;
	[tilespmem:$0x1FE00] =	vst v63  }
0xf7: {  	_ =	swait.ge [sflag:s8], $0x3000  }
0xf8: {  	[sflag:s8] =	ssyncset.done $0x0  }
0xf9: {  	[sflag:s8] =	ssyncadd.s32 $0xFFFFD000  }
0xfa: {  	[spmem:s23] =	stream.indirect.scatter.add.f32 [tilespmem:s2], [sflag:$0x3], $0x80, s3, s9, $0xb8;
	[tilespmem:$0x1FE00] =	vst v63  }
0xfb: {  	_ =	swait.ge [sflag:s0], $0x3000  }
0xfc: {  	[sflag:s0] =	ssyncset.done $0x0  }
0xfd: {  	[sflag:s0] =	ssyncadd.s32 $0xFFFFD000  }
0xfe: {  	_ =	swait.ge [sflag:s8], $0x3000  }
0xff: {  	[sflag:s8] =	ssyncset.done $0x0  }
0x100: {  	[sflag:s8] =	ssyncadd.s32 $0xFFFFD000  }
0x101: {  	[spmem:s23] =	stream.indirect.scatter.add.f32 [tilespmem:s10], [sflag:$0x3], $0x80, s7, s9, $0xb8;
	[tilespmem:$0x1FE00] =	vst v63  }
0x102: {  	_ =	swait.ge [sflag:s0], $0x3000  }
0x103: {  	[sflag:s0] =	ssyncset.done $0x0  }
0x104: {  	[sflag:s0] =	ssyncadd.s32 $0xFFFFD000  }
0x105: {  	_ =	swait.ge [sflag:s8], $0x3000  }
0x106: {  	[sflag:s8] =	ssyncset.done $0x0  }
0x107: {  	[sflag:s8] =	ssyncadd.s32 $0xFFFFD000  }
0x108: {  	[spmem:s23] =	stream.indirect.scatter.add.f32 [tilespmem:s5], [sflag:$0x3], $0x80, s1, s9, $0xb8;
	[tilespmem:$0x1FE00] =	vst v63  }
0x109: {  	_ =	swait.ge [sflag:s0], $0x3000  }
0x10a: {  	s11 =	sadd.s32 $0x1, s11;
	[sflag:s0] =	ssyncset.done $0x0  }
0x10b: {  	p0 =	sne.s32 s11, s30;
	[sflag:s0] =	ssyncadd.s32 $0xFFFFD000  }
.Ltmp1:
0x10c: {  	[bflag:$0x0] =	sbarrier.arrive $0xFFFF;
	(pc) =	sbr.rel @p0 .LBB2_1-.Ltmp1, $4  }
0x10d: {  	[hbm:s29], [sflag:s26] =	dma.local [spmem:s12], $0x2780  }
0x10e: {  	_ =	swait.ge [sflag:s0], $0x2780  }
0x10f: {  	[sflag:s0] =	ssyncset.done $0x0  }
0x110: {  	[sflag:s0] =	ssyncadd.s32 $0xFFFFD880  }
0x111: {  	_ =	sfence.sel $0x180000  }
0x112: {  	[bflag:$0x0] =	sbarrier.arrive $0xFFFF  }
0x113: {  	_ =	strace $0x9000004A  }
0x114: {  	s0 =	stileid.u32;
	[bflag:$0x2] =	sbarrier.arrive $0xFFFF  }
0x115: {  	p0 =	sne.s32 s0, $0x0;
	s0 =	rddreg [dreg:$0x3]  }
0x116: {  	s0 =	sadd.s32 @!p0 $0x100000, s0  }
0x117: {  	[sflag:s0] =	ssyncadd.tile.s32 @!p0 $0x1;
	_ =	shalt  }
.Lfunc_end2:
_tile_overlayer_lowered:
.L_overlay_start_2:
0x118: {  	(tag) =	ssettag $0x2  }
0x119: {  	s0 =	rddreg [dreg:$0x0];
	s2 =	stileid.u32  }
0x11a: {  	s1 =	rddreg [dreg:$0x1];
	p0 =	sne.s32 s2, $0x0  }
0x11b: {  	s3 =	rddreg [dreg:$0x2];
	[bflag:$0x3] =	sbarrier.arrive $0xFFFF;
	s2 =	simm.s32 @!p0 $0x1C03  }
0x11c: {  	[timem:s3], [sflag:s2] =	dma.local @!p0 [hbm:s0], s1  }
0x11d: {  	s0 =	simm.s32 @!p0 $0x3  }
0x11e: {  	_ =	swait.ge @!p0 [sflag:s0], s1  }
0x11f: {  	s1 =	ssub.s32 @!p0 $0x0, s1;
	[sflag:s0] =	ssyncset.done @!p0 $0x0  }
0x120: {  	[sflag:s0] =	ssyncadd.s32 @!p0 s1  }
0x121: {  	[bflag:$0x3] =	sbarrier.arrive $0xFFFF  }
0x122: {  	_ =	shalt  }

// kernel: kernel.15.cloned.1.call-start
scs
__scs_entry_jumppad:
0x0: {  	(pc) =	sbr.rel $0x88, $3  }
0x1: {  	(tag) =	ssettag $0x0;
	lr =	simm.s32 $0x1  }
0x2: {  	[smem:$0x3F96] =	sst lr;
	_ =	strace $0xD0000000  }
0x3: {  	_ = 	snop  }
0x4: {  	_ = 	snop  }
0x5: {  	_ = 	snop  }
0x6: {  	_ = 	snop  }
0x7: {  	_ = 	snop  }
__scs_overlays_trampoline_lowered:
0x8: {  	[smem:$0x3FA5] =	sst s0  }
0x9: {  	[smem:$0x3FA6] =	sst s1  }
0xa: {  	[smem:$0x3FA7] =	sst s2  }
0xb: {  	[smem:$0x3FA8] =	sst s3  }
0xc: {  	[smem:$0x3FA9] =	sst s4  }
0xd: {  	[smem:$0x3FAA] =	sst s5  }
0xe: {  	[smem:$0x3FAB] =	sst s6  }
0xf: {  	[smem:$0x3FAC] =	sst s7  }
0x10: {  	[smem:$0x3FAD] =	sst s8  }
0x11: {  	[smem:$0x3FAE] =	sst s9;
	s0 =	simm.s32 @!p0 $0x0  }
0x12: {  	s1 =	sld [smem:$0x3F94];
	s0 =	simm.s32 @p0 $0x1  }
0x13: {  	[smem:$0x3FAF] =	sst s0;
	s0 =	simm.s32 @!p1 $0x0  }
0x14: {  	s2 =	sld [smem:$0x3F93];
	s0 =	simm.s32 @p1 $0x1  }
0x15: {  	[smem:$0x3FB0] =	sst s0;
	s0 =	simm.s32 @!p2 $0x0  }
0x16: {  	s3 =	sld [smem:$0x3FDB];
	s0 =	simm.s32 @p2 $0x1  }
0x17: {  	s4 =	simm.s32 $0x1BF5;
	[smem:$0x3FB2] =	sst s0  }
0x18: {  	s0 =	sld [smem:$0x3F95];
	_ =	swait.ge [sflag:s4], $0x0  }
0x19: {  	s7 =	sld [smem:$0x3F96]  }
0x1a: {  	s8 =	sadd.s32 $0xFFFFE003, lr  }
0x1b: {  	s9 =	sadd.s32 $0xFFFFFEF7, lr;
	s5 =	simm.s32 $0xFFFFFFFF;
	p2 =	slt.u32 s8, $0xFFFFF086  }
0x1c: {  	p1 =	slt.u32 s9, $0xF7A;
	s5 =	simm.s32 @!p2 $0x0  }
0x1d: {  	s5 =	simm.s32 @p1 $0x1;
	p0 =	seq.s32 s7, s2  }
0x1e: {  	s7 =	smul.u32 @!p0 $0xF7A, s2;
	p2 =	seq.s32 @!p0 s5, $0x0  }
0x1f: {  	s9 =	smul.u32 $0xF7A, s1;
	s8 =	simm.s32 @!p0 $0x1BF5;
	p2 =	por !p2, p0  }
0x20: {  	[sflag:s8] =	ssyncset.s32 @!p0 $0xFFFFF086;
	s6 =	sadd.s32 @!p0 s3, s7;
	s7 =	simm.s32 @!p0 $0x108  }
0x21: {  	s3 =	sadd.s32 s3, s9;
	s6 =	sadd.s32 @!p0 $0x88, s6;
	s7 =	simm.s32 @p2 $0x1082  }
0x22: {  	[simem:s7], [sflag:s8] =	dma.local @!p0 [hbm:s6], $0xF7A  }
0x23: {  	s9 =	sor.u32 $0xD0000000, s2;
	s6 =	simm.s32 $0x108;
	_ =	swait.ge @!p0 [sflag:s8], $0x0  }
0x24: {  	s3 =	sadd.s32 $0x88, s3;
	s6 =	simm.s32 @!p1 $0x1082;
	[sflag:s4] =	ssyncset.s32 $0xFFFFF086  }
0x25: {  	[simem:s6], [sflag:s4] =	dma.local [hbm:s3], $0xF7A  }
0x26: {  	[smem:$0x3F96] =	sst s1;
	(tag) =	ssettag s2;
	_ =	strace s9  }
0x27: {  	s1 =	sld [smem:$0x3FA6]  }
0x28: {  	s2 =	sld [smem:$0x3FA7]  }
0x29: {  	s4 =	sld [smem:$0x3FA9]  }
0x2a: {  	p0 =	seq.s32 s5, $0x0;
	s5 =	sld [smem:$0x3FAA]  }
0x2b: {  	s6 =	sld [smem:$0x3FAB]  }
0x2c: {  	s7 =	sld [smem:$0x3FAC]  }
0x2d: {  	s3 =	simm.s32 $0x108;
	s8 =	sld [smem:$0x3FAD]  }
0x2e: {  	s3 =	simm.s32 @!p0 $0x1082;
	s9 =	sld [smem:$0x3FAE]  }
0x2f: {  	lr =	sadd.s32 s0, s3;
	s0 =	sld [smem:$0x3FA5]  }
0x30: {  	s3 =	sld [smem:$0x3FA8]  }
0x31: {  	[smem:$0x3FB1] =	sst s10  }
0x32: {  	s10 =	sld [smem:$0x3FAF];
	_ =	sdelay $0x3  }
0x33: {  	p0 =	seq.s32 s10, $0x1;
	s10 =	sld [smem:$0x3FB1];
	_ =	sdelay $0x3  }
0x34: {  	[smem:$0x3FB1] =	sst s10  }
0x35: {  	s10 =	sld [smem:$0x3FB0];
	_ =	sdelay $0x3  }
0x36: {  	p1 =	seq.s32 s10, $0x1;
	s10 =	sld [smem:$0x3FB1];
	_ =	sdelay $0x3  }
0x37: {  	[smem:$0x3FB1] =	sst s10  }
0x38: {  	s10 =	sld [smem:$0x3FB2]  }
0x39: {  	_ = 	snop;
	(pc) =	sbr.ind lr, $3  }
0x3a: {  	_ = 	snop  }
0x3b: {  	_ = 	snop  }
0x3c: {  	p2 =	seq.s32 s10, $0x1;
	s10 =	sld [smem:$0x3FB1]  }
0x3d: {  	_ =	shalt  }
0x3e: {  	_ =	shalt  }
0x3f: {  	_ =	shalt  }
0x40: {  	_ =	shalt  }
0x41: {  	_ =	shalt  }
0x42: {  	_ =	shalt  }
0x43: {  	_ =	shalt  }
0x44: {  	_ =	shalt  }
0x45: {  	_ =	shalt  }
0x46: {  	_ =	shalt  }
0x47: {  	_ =	shalt  }
0x48: {  	_ =	shalt  }
0x49: {  	_ =	shalt  }
0x4a: {  	_ =	shalt  }
0x4b: {  	_ =	shalt  }
0x4c: {  	_ =	shalt  }
0x4d: {  	_ =	shalt  }
0x4e: {  	_ =	shalt  }
0x4f: {  	_ =	shalt  }
0x50: {  	_ =	shalt  }
0x51: {  	_ =	shalt  }
0x52: {  	_ =	shalt  }
0x53: {  	_ =	shalt  }
0x54: {  	_ =	shalt  }
0x55: {  	_ =	shalt  }
0x56: {  	_ =	shalt  }
0x57: {  	_ =	shalt  }
0x58: {  	_ =	shalt  }
0x59: {  	_ =	shalt  }
0x5a: {  	_ =	shalt  }
0x5b: {  	_ =	shalt  }
0x5c: {  	_ =	shalt  }
0x5d: {  	_ =	shalt  }
0x5e: {  	_ =	shalt  }
0x5f: {  	_ =	shalt  }
0x60: {  	_ =	shalt  }
0x61: {  	_ =	shalt  }
0x62: {  	_ =	shalt  }
0x63: {  	_ =	shalt  }
0x64: {  	_ =	shalt  }
0x65: {  	_ =	shalt  }
0x66: {  	_ =	shalt  }
0x67: {  	_ =	shalt  }
0x68: {  	_ =	shalt  }
0x69: {  	_ =	shalt  }
0x6a: {  	_ =	shalt  }
0x6b: {  	_ =	shalt  }
0x6c: {  	_ =	shalt  }
0x6d: {  	_ =	shalt  }
0x6e: {  	_ =	shalt  }
0x6f: {  	_ =	shalt  }
0x70: {  	_ =	shalt  }
0x71: {  	_ =	shalt  }
0x72: {  	_ =	shalt  }
0x73: {  	_ =	shalt  }
0x74: {  	_ =	shalt  }
0x75: {  	_ =	shalt  }
0x76: {  	_ =	shalt  }
0x77: {  	_ =	shalt  }
0x78: {  	_ =	shalt  }
0x79: {  	_ =	shalt  }
0x7a: {  	_ =	shalt  }
0x7b: {  	_ =	shalt  }
0x7c: {  	_ =	shalt  }
0x7d: {  	_ =	shalt  }
0x7e: {  	_ =	shalt  }
0x7f: {  	_ =	shalt  }
0x80: {  	_ =	shalt  }
0x81: {  	_ =	shalt  }
0x82: {  	_ =	shalt  }
0x83: {  	_ =	shalt  }
0x84: {  	_ =	shalt  }
0x85: {  	_ =	shalt  }
0x86: {  	_ =	shalt  }
0x87: {  	_ =	shalt  }
.Lfunc_end0:
.L_simem_size_0:
called_computation.2_lowered:
.L_overlay_start_0:
0x88: {  	s2 =	sld [smem:$0x3FD9]  }
0x89: {  	s3 =	sld [smem:$0x3FFE];
	_ =	sdelay $0x1  }
0x8a: {  	s1 =	srdreg.scid  }
0x8b: {  	s0 =	sand.u32 $0x1, s1  }
0x8c: {  	s17 =	sshll.u32 s0, $0xA;
	s2 =	sadd.s32 s3, s2  }
0x8d: {  	s2 =	sadd.s32 s2, s17  }
0x8e: {  	[smem:$0x3FBD] =	sst s2  }
0x8f: {  	_ = 	snop  }
0x90: {  	s2 =	sld [smem:$0x3FD0];
	(tm) =	ssettm $0x1  }
0x91: {  	s18 =	sld [smem:$0x3FFB];
	_ =	sdelay $0x3  }
0x92: {  	_ =	strace s18  }
0x93: {  	s3 =	sld [smem:$0x3FFC];
	_ =	sdelay $0x3  }
0x94: {  	_ =	strace s3  }
0x95: {  	s3 =	sld [smem:$0x3FFD];
	_ =	sdelay $0x3  }
0x96: {  	_ =	strace s3  }
0x97: {  	_ =	strace $0x8FFFFFFF  }
0x98: {  	s19 =	sld [smem:$0x3FDB];
	_ =	sdelay $0x1  }
0x99: {  	s4 =	simm.s32 $_scs_section_size  }
0x9a: {  	s5 =	simm.s32 $_size__tile_overlayer_lowered;
	s6 =	simm.s32 $_tile_overlayer_lowered  }
0x9b: {  	s22 =	simm.s32 $0x1BFF;
	s21 =	sshll.u32 s6, $0x1;
	s3 =	sadd.s32 s4, s19  }
0x9c: {  	s7 =	simm.s32 $0x0;
	s20 =	sshll.u32 s5, $0x1;
	s5 =	sadd.s32 s21, s3  }
0x9d: {  	[timem:s7], [sflag:s22] =	dma.local [hbm:s5], s20  }
0x9e: {  	_ =	swait.ge [sflag:s22], s20  }
0x9f: {  	s4 =	ssub.s32 $0x0, s20;
	[sflag:s22] =	ssyncset.done $0x0  }
0xa0: {  	[sflag:s22] =	ssyncadd.s32 s4;
	_ =	sdelay $0x1  }
0xa1: {  	s23 =	simm.s32 $0x1B8B  }
0xa2: {  	_ =	swait.ge [sflag:s23], $0x1  }
0xa3: {  	[sflag:s23] =	ssyncset.done $0x0  }
0xa4: {  	s25 =	simm.s32 $0x1B8E;
	s24 =	sld [smem:$0x3FFE];
	[sflag:s23] =	ssyncadd.s32 $0xFFFFFFFF  }
0xa5: {  	s26 =	simm.s32 $execute0_lowered;
	[smem:$0x3FD2] =	sst s25  }
0xa6: {  	s5 =	sshll.u32 s26, $0x1;
	_ =	strace $0x8000004C;
	[dreg:$0x1] =	wrdreg $0xFFFFFFFF  }
0xa7: {  	s28 =	simm.s32 $_size_execute0_lowered;
	s3 =	sadd.s32 s3, s5;
	[dreg:$0x0] =	wrdreg $0x0  }
0xa8: {  	s5 =	sshll.u32 s28, $0x1;
	[dreg:$0x2] =	wrdreg s3  }
0xa9: {  	[dreg:$0x3] =	wrdreg s5  }
0xaa: {  	[dreg:$0x4] =	wrdreg $0xC0  }
0xab: {  	_ =	task [dreg:s7], $0x5FFFF  }
0xac: {  	[dreg:$0x1] =	wrdreg $0xFFFFFFFF  }
0xad: {  	[dreg:$0x0] =	wrdreg $0x60  }
0xae: {  	[dreg:$0x2] =	wrdreg s24  }
0xaf: {  	[dreg:$0x3] =	wrdreg s2  }
0xb0: {  	[dreg:$0x4] =	wrdreg $0xC4000  }
0xb1: {  	[dreg:$0x5] =	wrdreg $0x9  }
0xb2: {  	_ =	task.clear_ibuf [dreg:s7], $0x6FFFF;
	_ =	strace $0x9000004C  }
0xb3: {  	s29 =	simm.s32 $0x9;
	_ =	strace $0x8000004E  }
0xb4: {  	_ =	swait.ge [sflag:s29], $0x1  }
0xb5: {  	[sflag:s29] =	ssyncadd.s32 $0xFFFFFFFF  }
0xb6: {  	_ =	strace $0x9000004E  }
0xb7: {  	_ =	sfence  }
0xb8: {  	s30 =	sld [smem:$0x0];
	_ =	sdelay $0x2  }
0xb9: {  	s31 =	sshll.u32 s1, $0xD;
	s1 =	sshrl.u32 s1, $0x2  }
0xba: {  	s3 =	sand.u32 $0x4000, s31;
	s1 =	sadd.s32 s1, s30  }
0xbb: {  	s0 =	sor.u32 s3, s0;
	s1 =	sshll.u32 s1, $0x11  }
0xbc: {  	s0 =	sor.u32 s1, s0  }
0xbd: {  	s0 =	sadd.s32 $0x8F2B, s0  }
0xbe: {  	[sflag:s0] =	ssyncadd.remote.s32 $0x1  }
0xbf: {  	_ =	sfence.sel $0xFFFF  }
0xc0: {  	[dreg:$0x0] =	wrdreg $0xFFFFFFFF;
	(pc) =	sbr.abs _section_cstart, $3  }
0xc1: {  	[dreg:$0x1] =	wrdreg $0xFFFFFFFF  }
0xc2: {  	_ =	task.clear_ibuf [dreg:s7], $0x2FFFF;
	_ =	strace $0x9FFFFFFF  }
0xc3: {  	(tm) =	ssettm $0x7FFFFFFF  }
tec
execute0_lowered:
.L_overlay_start_1:
0x0: {  	(tag) =	ssettag $0x1  }
0x1: {  	s0 =	rddreg [dreg:$0x0]  }
0x2: {  	s3 =	rddreg [dreg:$0x2];
	s12 =	stileid.u32  }
0x3: {  	s1 =	srdreg.scid;
	s4 =	simm.s32 $0x0;
	s6 =	smul.u32 $0x13C00, s12  }
0x4: {  	s1 =	sand.u32 $0x1, s1;
	s5 =	sshll.u32 s12, $0x1;
	s24 =	smul.u32 $0x4EC0, s12  }
0x5: {  	[smem:$0x7FF] =	sst s4;
	s8 =	sadd.s32 $0xE600, s0;
	s2 =	smul.u32 $0x140000, s1  }
0x6: {  	s5 =	sor.u32 s1, s5;
	s7 =	ssub.s32 $0x2, s1;
	s1 =	smul.u32 $0x2760, s1  }
0x7: {  	s9 =	sadd.s32 $0x4800, s0;
	s28 =	sadd.s32 $0x18400, s0;
	s5 =	smul.u32 $0x2760, s5  }
0x8: {  	_ =	strace $0x8000004D;
	s10 =	sshrl.u32 s7, $0x1;
	s2 =	sadd.s32 s6, s2  }
0x9: {  	s6 =	ssub.s32 s7, s10;
	s1 =	sadd.s32 s1, s24;
	s5 =	sshrl.u32 s5, $0x3  }
0xa: {  	s15 =	sadd.s32 $0x300, s1;
	s19 =	sadd.s32 $0x2A0, s1;
	s22 =	sadd.s32 s9, s5  }
0xb: {  	s23 =	sadd.s32 s8, s5;
	s25 =	sadd.s32 $0xC, s5;
	s11 =	sadd.s32 $0x18, s5  }
0xc: {  	s14 =	sadd.s32 $0x30, s5;
	s17 =	sshrl.u32 s15, $0x3;
	[dreg:$0x8] =	wrdreg s22  }
0xd: {  	s21 =	sshrl.u32 s19, $0x3;
	[dreg:$0x9] =	wrdreg s23;
	s13 =	sadd.s32 s9, s25  }
0xe: {  	s19 =	smul.u32 $0x4F000, s12;
	s10 =	sadd.s32 s8, s25;
	[dreg:$0xa] =	wrdreg s13  }
0xf: {  	s26 =	sadd.s32 s9, s11;
	s29 =	sadd.s32 s8, s11;
	[dreg:$0xb] =	wrdreg s10  }
0x10: {  	s11 =	sadd.s32 $0x24, s5;
	s16 =	sadd.s32 s9, s14;
	[dreg:$0xc] =	wrdreg s26  }
0x11: {  	s7 =	sadd.s32 s8, s14;
	s18 =	sadd.s32 s17, s8;
	[dreg:$0xd] =	wrdreg s29  }
0x12: {  	s20 =	sadd.s32 s17, s9;
	s22 =	sadd.s32 $0x4BC, s5;
	[dreg:$0x10] =	wrdreg s16  }
0x13: {  	s23 =	sadd.s32 s21, s8;
	s25 =	sadd.s32 s21, s9;
	[dreg:$0x11] =	wrdreg s7  }
0x14: {  	s14 =	sadd.s32 $0x4D4, s5;
	s13 =	sadd.s32 s9, s11;
	[dreg:$0x4] =	wrdreg s18  }
0x15: {  	s10 =	sadd.s32 s8, s11;
	[dreg:$0x5] =	wrdreg s20;
	s24 =	sadd.s32 s9, s22  }
0x16: {  	[dreg:$0x6] =	wrdreg s23;
	s26 =	sadd.s32 s8, s22;
	s29 =	sadd.s32 $0x4C8, s5  }
0x17: {  	[dreg:$0x7] =	wrdreg s25;
	s5 =	sadd.s32 $0x4E0, s5;
	s15 =	sadd.s32 s9, s14  }
0x18: {  	s16 =	sadd.s32 $0x240, s1;
	s7 =	sadd.s32 s8, s14;
	[dreg:$0xe] =	wrdreg s13  }
0x19: {  	s1 =	sadd.s32 $0x1E0, s1;
	s20 =	sshrl.u32 s2, $0x3;
	[dreg:$0xf] =	wrdreg s10  }
0x1a: {  	s21 =	sshrl.u32 s19, $0x2;
	s22 =	sshll.u32 s12, $0x6;
	[dreg:$0x12] =	wrdreg s24  }
0x1b: {  	s2 =	simm.s32 $0x200;
	s12 =	simm.s32 $0x3400;
	[dreg:$0x13] =	wrdreg s26  }
0x1c: {  	s14 =	simm.s32 $0x380;
	s11 =	sadd.s32 s9, s29;
	[dreg:$0x16] =	wrdreg s15  }
0x1d: {  	s13 =	sadd.s32 s8, s29;
	[dreg:$0x17] =	wrdreg s7;
	s17 =	sshrl.u32 s16, $0x3  }
0x1e: {  	s18 =	sadd.s32 s9, s5;
	s5 =	sadd.s32 s8, s5;
	s1 =	sshrl.u32 s1, $0x3  }
0x1f: {  	s29 =	sadd.s32 s21, s3;
	s30 =	sor.u32 $0x1C03, s22;
	[dreg:$0x14] =	wrdreg s11  }
0x20: {  	s7 =	simm.s32 $0x300;
	s10 =	simm.s32 $0x60;
	[dreg:$0x15] =	wrdreg s13  }
0x21: {  	s15 =	simm.s32 $0x180;
	s16 =	simm.s32 $0x2;
	[dreg:$0x18] =	wrdreg s18  }
0x22: {  	[dreg:$0x19] =	wrdreg s5;
	s23 =	sadd.s32 s17, s8;
	s24 =	sadd.s32 s17, s9  }
0x23: {  	s25 =	sadd.s32 s1, s8;
	s26 =	sadd.s32 s1, s9;
	s1 =	sadd.s32 s20, s0  }
0x24: {  	[dreg:$0x1a] =	wrdreg s29;
	s0 =	smax.u32 s6, $0x1;
	s5 =	simm.s32 $0x280  }
0x25: {  	s6 =	simm.s32 $0x80;
	s8 =	simm.s32 $0x100;
	s9 =	simm.s32 $0x1  }
0x26: {  	s11 =	simm.s32 $0x400;
	s13 =	simm.s32 $0x6400;
	s17 =	simm.s32 $0x9400  }
0x27: {  	s18 =	simm.s32 $0x0;
	s31 =	sadd.s32 $0x40400, s1;
	s1 =	simm.s32 $0x3  }
.LBB2_1:
0x28: {  	s19 =	rddreg [dreg:$0x1a]  }
0x29: {  	s20 =	rddreg [dreg:$0x1];
	s19 =	sshrl.u32 s19, $0x3  }
0x2a: {  	[spmem:s19], [sflag:s30] =	dma.local [hbm:s20], $0x2780  }
0x2b: {  	_ =	swait.ge [sflag:s1], $0x2780  }
0x2c: {  	[sflag:s1] =	ssyncset.done $0x0  }
0x2d: {  	[sflag:s1] =	ssyncadd.s32 $0xFFFFD880  }
0x2e: {  	[bflag:$0x0] =	sbarrier.arrive $0xFFFF  }
0x2f: {  	s29 =	rddreg [dreg:$0x8]  }
0x30: {  	[tilespmem:s2], [sflag:$0x1] =	stream.linear.gather [hbm4b:s29+s4], $0x60, $0x38;
	v63 =	vld [tilespmem:$0x0]  }
0x31: {  	s21 =	rddreg [dreg:$0x9]  }
0x32: {  	[tilespmem:s4], [sflag:$0x1] =	stream.linear.gather [hbm4b:s21+s4], $0x60, $0x38;
	v63 =	vld [tilespmem:$0x0]  }
0x33: {  	s22 =	rddreg [dreg:$0xa]  }
0x34: {  	[tilespmem:s5], [sflag:$0x1] =	stream.linear.gather [hbm4b:s22+s4], $0x60, $0x38;
	v63 =	vld [tilespmem:$0x0]  }
0x35: {  	s29 =	rddreg [dreg:$0xb]  }
0x36: {  	[tilespmem:s6], [sflag:$0x1] =	stream.linear.gather [hbm4b:s29+s4], $0x60, $0x38;
	v63 =	vld [tilespmem:$0x0]  }
0x37: {  	s21 =	rddreg [dreg:$0xc]  }
0x38: {  	[tilespmem:s7], [sflag:$0x1] =	stream.linear.gather [hbm4b:s21+s4], $0x60, $0x38;
	v63 =	vld [tilespmem:$0x0]  }
0x39: {  	s22 =	rddreg [dreg:$0xd]  }
0x3a: {  	[tilespmem:s8], [sflag:$0x1] =	stream.linear.gather [hbm4b:s22+s4], $0x60, $0x38;
	v63 =	vld [tilespmem:$0x0]  }
0x3b: {  	_ =	swait.ge [sflag:s9], $0x60  }
0x3c: {  	[sflag:s9] =	ssyncset.done $0x0  }
0x3d: {  	[sflag:s9] =	ssyncadd.s32 $0xFFFFFFA0  }
0x3e: {  	_ =	swait.ge [sflag:s9], $0x60  }
0x3f: {  	[sflag:s9] =	ssyncset.done $0x0  }
0x40: {  	[sflag:s9] =	ssyncadd.s32 $0xFFFFFFA0  }
0x41: {  	[tilespmem:s11], [sflag:$0x2] =	stream.indirect.gather [hbm4b:s28+s10], $0x80, s4, s10, $0xb8;
	v63 =	vld [tilespmem:$0x0]  }
0x42: {  	_ =	swait.ge [sflag:s9], $0x60  }
0x43: {  	[sflag:s9] =	ssyncset.done $0x0  }
0x44: {  	[sflag:s9] =	ssyncadd.s32 $0xFFFFFFA0  }
0x45: {  	_ =	swait.ge [sflag:s9], $0x60  }
0x46: {  	[sflag:s9] =	ssyncset.done $0x0  }
0x47: {  	[sflag:s9] =	ssyncadd.s32 $0xFFFFFFA0  }
0x48: {  	[tilespmem:s12], [sflag:$0x2] =	stream.indirect.gather [hbm4b:s28+s10], $0x80, s6, s10, $0xb8;
	v63 =	vld [tilespmem:$0x0]  }
0x49: {  	_ =	swait.ge [sflag:s9], $0x60  }
0x4a: {  	[sflag:s9] =	ssyncset.done $0x0  }
0x4b: {  	[sflag:s9] =	ssyncadd.s32 $0xFFFFFFA0  }
0x4c: {  	_ =	swait.ge [sflag:s9], $0x60  }
0x4d: {  	[sflag:s9] =	ssyncset.done $0x0  }
0x4e: {  	[sflag:s9] =	ssyncadd.s32 $0xFFFFFFA0  }
0x4f: {  	[tilespmem:s13], [sflag:$0x2] =	stream.indirect.gather [hbm4b:s28+s10], $0x80, s8, s10, $0xb8;
	v63 =	vld [tilespmem:$0x0]  }
0x50: {  	s29 =	rddreg [dreg:$0xe]  }
0x51: {  	[tilespmem:s14], [sflag:$0x1] =	stream.linear.gather [hbm4b:s29+s4], $0x60, $0x38;
	v63 =	vld [tilespmem:$0x0]  }
0x52: {  	s21 =	rddreg [dreg:$0xf]  }
0x53: {  	[tilespmem:s15], [sflag:$0x1] =	stream.linear.gather [hbm4b:s21+s4], $0x60, $0x38;
	v63 =	vld [tilespmem:$0x0]  }
0x54: {  	_ =	swait.ge [sflag:s16], $0x3000  }
0x55: {  	[sflag:s16] =	ssyncset.done $0x0  }
0x56: {  	[sflag:s16] =	ssyncadd.s32 $0xFFFFD000  }
0x57: {  	[spmem:s3] =	stream.indirect.scatter.add.f32 [tilespmem:s11], [sflag:$0x3], $0x80, s2, s10, $0xb8;
	v63 =	vld [tilespmem:$0x0]  }
0x58: {  	_ =	swait.ge [sflag:s1], $0x3000  }
0x59: {  	[sflag:s1] =	ssyncset.done $0x0  }
0x5a: {  	[sflag:s1] =	ssyncadd.s32 $0xFFFFD000  }
0x5b: {  	_ =	swait.ge [sflag:s9], $0x60  }
0x5c: {  	[sflag:s9] =	ssyncset.done $0x0  }
0x5d: {  	[sflag:s9] =	ssyncadd.s32 $0xFFFFFFA0  }
0x5e: {  	_ =	swait.ge [sflag:s9], $0x60  }
0x5f: {  	[sflag:s9] =	ssyncset.done $0x0  }
0x60: {  	[sflag:s9] =	ssyncadd.s32 $0xFFFFFFA0  }
0x61: {  	[tilespmem:s17], [sflag:$0x2] =	stream.indirect.gather [hbm4b:s28+s10], $0x80, s15, s10, $0xb8;
	v63 =	vld [tilespmem:$0x0]  }
0x62: {  	s22 =	rddreg [dreg:$0x10]  }
0x63: {  	[tilespmem:s2], [sflag:$0x1] =	stream.linear.gather [hbm4b:s22+s4], $0x60, $0x38;
	v63 =	vld [tilespmem:$0x0]  }
0x64: {  	s29 =	rddreg [dreg:$0x11]  }
0x65: {  	[tilespmem:s4], [sflag:$0x1] =	stream.linear.gather [hbm4b:s29+s4], $0x60, $0x38;
	v63 =	vld [tilespmem:$0x0]  }
0x66: {  	_ =	swait.ge [sflag:s16], $0x3000  }
0x67: {  	[sflag:s16] =	ssyncset.done $0x0  }
0x68: {  	[sflag:s16] =	ssyncadd.s32 $0xFFFFD000  }
0x69: {  	[spmem:s3] =	stream.indirect.scatter.add.f32 [tilespmem:s12], [sflag:$0x3], $0x80, s5, s10, $0xb8;
	v63 =	vld [tilespmem:$0x0]  }
0x6a: {  	_ =	swait.ge [sflag:s1], $0x3000  }
0x6b: {  	[sflag:s1] =	ssyncset.done $0x0  }
0x6c: {  	[sflag:s1] =	ssyncadd.s32 $0xFFFFD000  }
0x6d: {  	_ =	swait.ge [sflag:s9], $0x60  }
0x6e: {  	[sflag:s9] =	ssyncset.done $0x0  }
0x6f: {  	[sflag:s9] =	ssyncadd.s32 $0xFFFFFFA0  }
0x70: {  	_ =	swait.ge [sflag:s9], $0x60  }
0x71: {  	[sflag:s9] =	ssyncset.done $0x0  }
0x72: {  	[sflag:s9] =	ssyncadd.s32 $0xFFFFFFA0  }
0x73: {  	[tilespmem:s11], [sflag:$0x2] =	stream.indirect.gather [hbm4b:s28+s10], $0x80, s4, s10, $0xb8;
	v63 =	vld [tilespmem:$0x0]  }
0x74: {  	s21 =	sadd.s32 $0x0, s26  }
0x75: {  	[tilespmem:s5], [sflag:$0x1] =	stream.linear.gather [hbm4b:s21+s4], $0x60, $0x38;
	v63 =	vld [tilespmem:$0x0]  }
0x76: {  	s22 =	sadd.s32 $0x0, s25  }
0x77: {  	[tilespmem:s6], [sflag:$0x1] =	stream.linear.gather [hbm4b:s22+s4], $0x60, $0x38;
	v63 =	vld [tilespmem:$0x0]  }
0x78: {  	_ =	swait.ge [sflag:s16], $0x3000  }
0x79: {  	[sflag:s16] =	ssyncset.done $0x0  }
0x7a: {  	[sflag:s16] =	ssyncadd.s32 $0xFFFFD000  }
0x7b: {  	[spmem:s3] =	stream.indirect.scatter.add.f32 [tilespmem:s13], [sflag:$0x3], $0x80, s7, s10, $0xb8;
	v63 =	vld [tilespmem:$0x0]  }
0x7c: {  	_ =	swait.ge [sflag:s1], $0x3000  }
0x7d: {  	[sflag:s1] =	ssyncset.done $0x0  }
0x7e: {  	[sflag:s1] =	ssyncadd.s32 $0xFFFFD000  }
0x7f: {  	_ =	swait.ge [sflag:s9], $0x60  }
0x80: {  	[sflag:s9] =	ssyncset.done $0x0  }
0x81: {  	[sflag:s9] =	ssyncadd.s32 $0xFFFFFFA0  }
0x82: {  	_ =	swait.ge [sflag:s9], $0x60  }
0x83: {  	[sflag:s9] =	ssyncset.done $0x0  }
0x84: {  	[sflag:s9] =	ssyncadd.s32 $0xFFFFFFA0  }
0x85: {  	[tilespmem:s12], [sflag:$0x2] =	stream.indirect.gather [hbm4b:s28+s10], $0x80, s6, s10, $0xb8;
	v63 =	vld [tilespmem:$0x0]  }
0x86: {  	s29 =	sadd.s32 $0x0, s24  }
0x87: {  	[tilespmem:s7], [sflag:$0x1] =	stream.linear.gather [hbm4b:s29+s4], $0x60, $0x38;
	v63 =	vld [tilespmem:$0x0]  }
0x88: {  	s21 =	sadd.s32 $0x0, s23  }
0x89: {  	[tilespmem:s8], [sflag:$0x1] =	stream.linear.gather [hbm4b:s21+s4], $0x60, $0x38;
	v63 =	vld [tilespmem:$0x0]  }
0x8a: {  	_ =	swait.ge [sflag:s16], $0x3000  }
0x8b: {  	[sflag:s16] =	ssyncset.done $0x0  }
0x8c: {  	[sflag:s16] =	ssyncadd.s32 $0xFFFFD000  }
0x8d: {  	[spmem:s3] =	stream.indirect.scatter.add.f32 [tilespmem:s17], [sflag:$0x3], $0x80, s14, s10, $0xb8;
	v63 =	vld [tilespmem:$0x0]  }
0x8e: {  	_ =	swait.ge [sflag:s1], $0x3000  }
0x8f: {  	[sflag:s1] =	ssyncset.done $0x0  }
0x90: {  	[sflag:s1] =	ssyncadd.s32 $0xFFFFD000  }
0x91: {  	_ =	swait.ge [sflag:s9], $0x60  }
0x92: {  	[sflag:s9] =	ssyncset.done $0x0  }
0x93: {  	[sflag:s9] =	ssyncadd.s32 $0xFFFFFFA0  }
0x94: {  	_ =	swait.ge [sflag:s9], $0x60  }
0x95: {  	[sflag:s9] =	ssyncset.done $0x0  }
0x96: {  	s22 =	rddreg [dreg:$0x7];
	[sflag:s9] =	ssyncadd.s32 $0xFFFFFFA0  }
0x97: {  	[tilespmem:s13], [sflag:$0x2] =	stream.indirect.gather [hbm4b:s28+s10], $0x80, s8, s10, $0xb8;
	v63 =	vld [tilespmem:$0x0]  }
0x98: {  	s21 =	rddreg [dreg:$0x6];
	s20 =	sadd.s32 $0x0, s22  }
0x99: {  	[tilespmem:s14], [sflag:$0x1] =	stream.linear.gather [hbm4b:s20+s4], $0x60, $0x38;
	v63 =	vld [tilespmem:$0x0]  }
0x9a: {  	s29 =	sadd.s32 $0x0, s21  }
0x9b: {  	[tilespmem:s15], [sflag:$0x1] =	stream.linear.gather [hbm4b:s29+s4], $0x60, $0x38;
	v63 =	vld [tilespmem:$0x0]  }
0x9c: {  	_ =	swait.ge [sflag:s16], $0x3000  }
0x9d: {  	[sflag:s16] =	ssyncset.done $0x0  }
0x9e: {  	[sflag:s16] =	ssyncadd.s32 $0xFFFFD000  }
0x9f: {  	[spmem:s3] =	stream.indirect.scatter.add.f32 [tilespmem:s11], [sflag:$0x3], $0x80, s2, s10, $0xb8;
	v63 =	vld [tilespmem:$0x0]  }
0xa0: {  	_ =	swait.ge [sflag:s1], $0x3000  }
0xa1: {  	[sflag:s1] =	ssyncset.done $0x0  }
0xa2: {  	[sflag:s1] =	ssyncadd.s32 $0xFFFFD000  }
0xa3: {  	_ =	swait.ge [sflag:s9], $0x60  }
0xa4: {  	[sflag:s9] =	ssyncset.done $0x0  }
0xa5: {  	[sflag:s9] =	ssyncadd.s32 $0xFFFFFFA0  }
0xa6: {  	_ =	swait.ge [sflag:s9], $0x60  }
0xa7: {  	[sflag:s9] =	ssyncset.done $0x0  }
0xa8: {  	s21 =	rddreg [dreg:$0x5];
	[sflag:s9] =	ssyncadd.s32 $0xFFFFFFA0  }
0xa9: {  	[tilespmem:s17], [sflag:$0x2] =	stream.indirect.gather [hbm4b:s28+s10], $0x80, s15, s10, $0xb8;
	v63 =	vld [tilespmem:$0x0]  }
0xaa: {  	s22 =	rddreg [dreg:$0x4];
	s20 =	sadd.s32 $0x0, s21  }
0xab: {  	[tilespmem:s2], [sflag:$0x1] =	stream.linear.gather [hbm4b:s20+s4], $0x60, $0x38;
	v63 =	vld [tilespmem:$0x0]  }
0xac: {  	s29 =	sadd.s32 $0x0, s22  }
0xad: {  	[tilespmem:s4], [sflag:$0x1] =	stream.linear.gather [hbm4b:s29+s4], $0x60, $0x38;
	v63 =	vld [tilespmem:$0x0]  }
0xae: {  	_ =	swait.ge [sflag:s16], $0x3000  }
0xaf: {  	[sflag:s16] =	ssyncset.done $0x0  }
0xb0: {  	[sflag:s16] =	ssyncadd.s32 $0xFFFFD000  }
0xb1: {  	[spmem:s3] =	stream.indirect.scatter.add.f32 [tilespmem:s12], [sflag:$0x3], $0x80, s5, s10, $0xb8;
	v63 =	vld [tilespmem:$0x0]  }
0xb2: {  	_ =	swait.ge [sflag:s1], $0x3000  }
0xb3: {  	s20 =	simm.s32 $0x30;
	[sflag:s1] =	ssyncset.done $0x0  }
.LBB2_2:
0xb4: {  	[sflag:s1] =	ssyncadd.s32 $0xFFFFD000  }
0xb5: {  	_ =	swait.ge [sflag:s9], $0x60  }
0xb6: {  	[sflag:s9] =	ssyncset.done $0x0  }
0xb7: {  	[sflag:s9] =	ssyncadd.s32 $0xFFFFFFA0  }
0xb8: {  	_ =	swait.ge [sflag:s9], $0x60  }
0xb9: {  	[sflag:s9] =	ssyncset.done $0x0  }
0xba: {  	s21 =	smov.u32 s20;
	[sflag:s9] =	ssyncadd.s32 $0xFFFFFFA0  }
0xbb: {  	[tilespmem:s11], [sflag:$0x2] =	stream.indirect.gather [hbm4b:s28+s10], $0x80, s4, s10, $0xb8;
	v63 =	vld [tilespmem:$0x0]  }
0xbc: {  	s22 =	sadd.s32 s21, s26  }
0xbd: {  	[tilespmem:s5], [sflag:$0x1] =	stream.linear.gather [hbm4b:s22+s4], $0x60, $0x38;
	v63 =	vld [tilespmem:$0x0]  }
0xbe: {  	s29 =	sadd.s32 s21, s25  }
0xbf: {  	[tilespmem:s6], [sflag:$0x1] =	stream.linear.gather [hbm4b:s29+s4], $0x60, $0x38;
	v63 =	vld [tilespmem:$0x0]  }
0xc0: {  	_ =	swait.ge [sflag:s16], $0x3000  }
0xc1: {  	[sflag:s16] =	ssyncset.done $0x0  }
0xc2: {  	[sflag:s16] =	ssyncadd.s32 $0xFFFFD000  }
0xc3: {  	[spmem:s3] =	stream.indirect.scatter.add.f32 [tilespmem:s13], [sflag:$0x3], $0x80, s7, s10, $0xb8;
	v63 =	vld [tilespmem:$0x0]  }
0xc4: {  	_ =	swait.ge [sflag:s1], $0x3000  }
0xc5: {  	[sflag:s1] =	ssyncset.done $0x0  }
0xc6: {  	[sflag:s1] =	ssyncadd.s32 $0xFFFFD000  }
0xc7: {  	_ =	swait.ge [sflag:s9], $0x60  }
0xc8: {  	[sflag:s9] =	ssyncset.done $0x0  }
0xc9: {  	[sflag:s9] =	ssyncadd.s32 $0xFFFFFFA0  }
0xca: {  	_ =	swait.ge [sflag:s9], $0x60  }
0xcb: {  	[sflag:s9] =	ssyncset.done $0x0  }
0xcc: {  	[sflag:s9] =	ssyncadd.s32 $0xFFFFFFA0  }
0xcd: {  	[tilespmem:s12], [sflag:$0x2] =	stream.indirect.gather [hbm4b:s28+s10], $0x80, s6, s10, $0xb8;
	v63 =	vld [tilespmem:$0x0]  }
0xce: {  	s29 =	sadd.s32 s21, s24  }
0xcf: {  	[tilespmem:s7], [sflag:$0x1] =	stream.linear.gather [hbm4b:s29+s4], $0x60, $0x38;
	v63 =	vld [tilespmem:$0x0]  }
0xd0: {  	s29 =	sadd.s32 s21, s23  }
0xd1: {  	[tilespmem:s8], [sflag:$0x1] =	stream.linear.gather [hbm4b:s29+s4], $0x60, $0x38;
	v63 =	vld [tilespmem:$0x0]  }
0xd2: {  	_ =	swait.ge [sflag:s16], $0x3000  }
0xd3: {  	[sflag:s16] =	ssyncset.done $0x0  }
0xd4: {  	[sflag:s16] =	ssyncadd.s32 $0xFFFFD000  }
0xd5: {  	[spmem:s3] =	stream.indirect.scatter.add.f32 [tilespmem:s17], [sflag:$0x3], $0x80, s14, s10, $0xb8;
	v63 =	vld [tilespmem:$0x0]  }
0xd6: {  	_ =	swait.ge [sflag:s1], $0x3000  }
0xd7: {  	[sflag:s1] =	ssyncset.done $0x0  }
0xd8: {  	[sflag:s1] =	ssyncadd.s32 $0xFFFFD000  }
0xd9: {  	_ =	swait.ge [sflag:s9], $0x60  }
0xda: {  	[sflag:s9] =	ssyncset.done $0x0  }
0xdb: {  	[sflag:s9] =	ssyncadd.s32 $0xFFFFFFA0  }
0xdc: {  	_ =	swait.ge [sflag:s9], $0x60  }
0xdd: {  	[sflag:s9] =	ssyncset.done $0x0  }
0xde: {  	s22 =	rddreg [dreg:$0x7];
	[sflag:s9] =	ssyncadd.s32 $0xFFFFFFA0  }
0xdf: {  	[tilespmem:s13], [sflag:$0x2] =	stream.indirect.gather [hbm4b:s28+s10], $0x80, s8, s10, $0xb8;
	v63 =	vld [tilespmem:$0x0]  }
0xe0: {  	s29 =	rddreg [dreg:$0x6];
	s22 =	sadd.s32 s21, s22  }
0xe1: {  	[tilespmem:s14], [sflag:$0x1] =	stream.linear.gather [hbm4b:s22+s4], $0x60, $0x38;
	v63 =	vld [tilespmem:$0x0]  }
0xe2: {  	s29 =	sadd.s32 s21, s29  }
0xe3: {  	[tilespmem:s15], [sflag:$0x1] =	stream.linear.gather [hbm4b:s29+s4], $0x60, $0x38;
	v63 =	vld [tilespmem:$0x0]  }
0xe4: {  	_ =	swait.ge [sflag:s16], $0x3000  }
0xe5: {  	[sflag:s16] =	ssyncset.done $0x0  }
0xe6: {  	[sflag:s16] =	ssyncadd.s32 $0xFFFFD000  }
0xe7: {  	[spmem:s3] =	stream.indirect.scatter.add.f32 [tilespmem:s11], [sflag:$0x3], $0x80, s2, s10, $0xb8;
	v63 =	vld [tilespmem:$0x0]  }
0xe8: {  	_ =	swait.ge [sflag:s1], $0x3000  }
0xe9: {  	[sflag:s1] =	ssyncset.done $0x0  }
0xea: {  	[sflag:s1] =	ssyncadd.s32 $0xFFFFD000  }
0xeb: {  	_ =	swait.ge [sflag:s9], $0x60  }
0xec: {  	[sflag:s9] =	ssyncset.done $0x0  }
0xed: {  	[sflag:s9] =	ssyncadd.s32 $0xFFFFFFA0  }
0xee: {  	_ =	swait.ge [sflag:s9], $0x60  }
0xef: {  	[sflag:s9] =	ssyncset.done $0x0  }
0xf0: {  	s22 =	rddreg [dreg:$0x5];
	[sflag:s9] =	ssyncadd.s32 $0xFFFFFFA0  }
0xf1: {  	[tilespmem:s17], [sflag:$0x2] =	stream.indirect.gather [hbm4b:s28+s10], $0x80, s15, s10, $0xb8;
	v63 =	vld [tilespmem:$0x0]  }
0xf2: {  	s29 =	rddreg [dreg:$0x4];
	s22 =	sadd.s32 s21, s22  }
0xf3: {  	[tilespmem:s2], [sflag:$0x1] =	stream.linear.gather [hbm4b:s22+s4], $0x60, $0x38;
	v63 =	vld [tilespmem:$0x0]  }
0xf4: {  	s21 =	sadd.s32 s21, s29  }
0xf5: {  	[tilespmem:s4], [sflag:$0x1] =	stream.linear.gather [hbm4b:s21+s4], $0x60, $0x38;
	v63 =	vld [tilespmem:$0x0]  }
0xf6: {  	p0 =	sne.s32 s20, $0x450;
	_ =	swait.ge [sflag:s16], $0x3000  }
.Ltmp0:
0xf7: {  	[sflag:s16] =	ssyncset.done $0x0;
	(pc) =	sbr.rel @p0 .LBB2_2-.Ltmp0, $4  }
0xf8: {  	[sflag:s16] =	ssyncadd.s32 $0xFFFFD000  }
0xf9: {  	[spmem:s3] =	stream.indirect.scatter.add.f32 [tilespmem:s12], [sflag:$0x3], $0x80, s5, s10, $0xb8;
	v63 =	vld [tilespmem:$0x0]  }
0xfa: {  	_ =	swait.ge [sflag:s1], $0x3000  }
0xfb: {  	s20 =	sadd.s32 $0x30, s20;
	[sflag:s1] =	ssyncset.done $0x0  }
0xfc: {  	[sflag:s1] =	ssyncadd.s32 $0xFFFFD000  }
0xfd: {  	_ =	swait.ge [sflag:s9], $0x60  }
0xfe: {  	[sflag:s9] =	ssyncset.done $0x0  }
0xff: {  	[sflag:s9] =	ssyncadd.s32 $0xFFFFFFA0  }
0x100: {  	_ =	swait.ge [sflag:s9], $0x60  }
0x101: {  	[sflag:s9] =	ssyncset.done $0x0  }
0x102: {  	[sflag:s9] =	ssyncadd.s32 $0xFFFFFFA0  }
0x103: {  	[tilespmem:s11], [sflag:$0x2] =	stream.indirect.gather [hbm4b:s28+s10], $0x80, s4, s10, $0xb8;
	v63 =	vld [tilespmem:$0x0]  }
0x104: {  	s20 =	rddreg [dreg:$0x12]  }
0x105: {  	[tilespmem:s5], [sflag:$0x1] =	stream.linear.gather [hbm4b:s20+s4], $0x60, $0x38;
	v63 =	vld [tilespmem:$0x0]  }
0x106: {  	s29 =	rddreg [dreg:$0x13]  }
0x107: {  	[tilespmem:s6], [sflag:$0x1] =	stream.linear.gather [hbm4b:s29+s4], $0x60, $0x38;
	v63 =	vld [tilespmem:$0x0]  }
0x108: {  	_ =	swait.ge [sflag:s16], $0x3000  }
0x109: {  	[sflag:s16] =	ssyncset.done $0x0  }
0x10a: {  	[sflag:s16] =	ssyncadd.s32 $0xFFFFD000  }
0x10b: {  	[spmem:s3] =	stream.indirect.scatter.add.f32 [tilespmem:s13], [sflag:$0x3], $0x80, s7, s10, $0xb8;
	v63 =	vld [tilespmem:$0x0]  }
0x10c: {  	_ =	swait.ge [sflag:s1], $0x3000  }
0x10d: {  	[sflag:s1] =	ssyncset.done $0x0  }
0x10e: {  	[sflag:s1] =	ssyncadd.s32 $0xFFFFD000  }
0x10f: {  	_ =	swait.ge [sflag:s9], $0x60  }
0x110: {  	[sflag:s9] =	ssyncset.done $0x0  }
0x111: {  	[sflag:s9] =	ssyncadd.s32 $0xFFFFFFA0  }
0x112: {  	_ =	swait.ge [sflag:s9], $0x60  }
0x113: {  	[sflag:s9] =	ssyncset.done $0x0  }
0x114: {  	[sflag:s9] =	ssyncadd.s32 $0xFFFFFFA0  }
0x115: {  	[tilespmem:s12], [sflag:$0x2] =	stream.indirect.gather [hbm4b:s28+s10], $0x80, s6, s10, $0xb8;
	v63 =	vld [tilespmem:$0x0]  }
0x116: {  	s21 =	rddreg [dreg:$0x14]  }
0x117: {  	[tilespmem:s7], [sflag:$0x1] =	stream.linear.gather [hbm4b:s21+s4], $0x60, $0x38;
	v63 =	vld [tilespmem:$0x0]  }
0x118: {  	s22 =	rddreg [dreg:$0x15]  }
0x119: {  	[tilespmem:s8], [sflag:$0x1] =	stream.linear.gather [hbm4b:s22+s4], $0x60, $0x38;
	v63 =	vld [tilespmem:$0x0]  }
0x11a: {  	_ =	swait.ge [sflag:s16], $0x3000  }
0x11b: {  	[sflag:s16] =	ssyncset.done $0x0  }
0x11c: {  	[sflag:s16] =	ssyncadd.s32 $0xFFFFD000  }
0x11d: {  	[spmem:s3] =	stream.indirect.scatter.add.f32 [tilespmem:s17], [sflag:$0x3], $0x80, s14, s10, $0xb8;
	v63 =	vld [tilespmem:$0x0]  }
0x11e: {  	_ =	swait.ge [sflag:s1], $0x3000  }
0x11f: {  	[sflag:s1] =	ssyncset.done $0x0  }
0x120: {  	[sflag:s1] =	ssyncadd.s32 $0xFFFFD000  }
0x121: {  	_ =	swait.ge [sflag:s9], $0x60  }
0x122: {  	[sflag:s9] =	ssyncset.done $0x0  }
0x123: {  	[sflag:s9] =	ssyncadd.s32 $0xFFFFFFA0  }
0x124: {  	_ =	swait.ge [sflag:s9], $0x60  }
0x125: {  	[sflag:s9] =	ssyncset.done $0x0  }
0x126: {  	[sflag:s9] =	ssyncadd.s32 $0xFFFFFFA0  }
0x127: {  	[tilespmem:s13], [sflag:$0x2] =	stream.indirect.gather [hbm4b:s28+s10], $0x80, s8, s10, $0xb8;
	v63 =	vld [tilespmem:$0x0]  }
0x128: {  	s29 =	rddreg [dreg:$0x16]  }
0x129: {  	[tilespmem:s14], [sflag:$0x1] =	stream.linear.gather [hbm4b:s29+s4], $0x60, $0x38;
	v63 =	vld [tilespmem:$0x0]  }
0x12a: {  	s21 =	rddreg [dreg:$0x17]  }
0x12b: {  	[tilespmem:s15], [sflag:$0x1] =	stream.linear.gather [hbm4b:s21+s4], $0x60, $0x38;
	v63 =	vld [tilespmem:$0x0]  }
0x12c: {  	_ =	swait.ge [sflag:s16], $0x3000  }
0x12d: {  	[sflag:s16] =	ssyncset.done $0x0  }
0x12e: {  	[sflag:s16] =	ssyncadd.s32 $0xFFFFD000  }
0x12f: {  	[spmem:s3] =	stream.indirect.scatter.add.f32 [tilespmem:s11], [sflag:$0x3], $0x80, s2, s10, $0xb8;
	v63 =	vld [tilespmem:$0x0]  }
0x130: {  	_ =	swait.ge [sflag:s1], $0x3000  }
0x131: {  	[sflag:s1] =	ssyncset.done $0x0  }
0x132: {  	[sflag:s1] =	ssyncadd.s32 $0xFFFFD000  }
0x133: {  	_ =	swait.ge [sflag:s9], $0x60  }
0x134: {  	[sflag:s9] =	ssyncset.done $0x0  }
0x135: {  	[sflag:s9] =	ssyncadd.s32 $0xFFFFFFA0  }
0x136: {  	_ =	swait.ge [sflag:s9], $0x60  }
0x137: {  	[sflag:s9] =	ssyncset.done $0x0  }
0x138: {  	[sflag:s9] =	ssyncadd.s32 $0xFFFFFFA0  }
0x139: {  	[tilespmem:s17], [sflag:$0x2] =	stream.indirect.gather [hbm4b:s28+s10], $0x80, s15, s10, $0xb8;
	v63 =	vld [tilespmem:$0x0]  }
0x13a: {  	s22 =	rddreg [dreg:$0x18]  }
0x13b: {  	[tilespmem:s2], [sflag:$0x1] =	stream.linear.gather [hbm4b:s22+s4], $0x60, $0x38;
	v63 =	vld [tilespmem:$0x0]  }
0x13c: {  	s29 =	rddreg [dreg:$0x19]  }
0x13d: {  	[tilespmem:s4], [sflag:$0x1] =	stream.linear.gather [hbm4b:s29+s4], $0x60, $0x38;
	v63 =	vld [tilespmem:$0x0]  }
0x13e: {  	_ =	swait.ge [sflag:s16], $0x3000  }
0x13f: {  	[sflag:s16] =	ssyncset.done $0x0  }
0x140: {  	[sflag:s16] =	ssyncadd.s32 $0xFFFFD000  }
0x141: {  	[spmem:s3] =	stream.indirect.scatter.add.f32 [tilespmem:s12], [sflag:$0x3], $0x80, s5, s10, $0xb8;
	v63 =	vld [tilespmem:$0x0]  }
0x142: {  	_ =	swait.ge [sflag:s1], $0x3000  }
0x143: {  	[sflag:s1] =	ssyncset.done $0x0  }
0x144: {  	[sflag:s1] =	ssyncadd.s32 $0xFFFFD000  }
0x145: {  	_ =	swait.ge [sflag:s9], $0x60  }
0x146: {  	[sflag:s9] =	ssyncset.done $0x0  }
0x147: {  	[sflag:s9] =	ssyncadd.s32 $0xFFFFFFA0  }
0x148: {  	_ =	swait.ge [sflag:s9], $0x60  }
0x149: {  	[sflag:s9] =	ssyncset.done $0x0  }
0x14a: {  	[sflag:s9] =	ssyncadd.s32 $0xFFFFFFA0  }
0x14b: {  	[tilespmem:s11], [sflag:$0x2] =	stream.indirect.gather [hbm4b:s28+s10], $0x80, s4, s10, $0xb8;
	v63 =	vld [tilespmem:$0x0]  }
0x14c: {  	_ =	swait.ge [sflag:s16], $0x3000  }
0x14d: {  	[sflag:s16] =	ssyncset.done $0x0  }
0x14e: {  	[sflag:s16] =	ssyncadd.s32 $0xFFFFD000  }
0x14f: {  	[spmem:s3] =	stream.indirect.scatter.add.f32 [tilespmem:s13], [sflag:$0x3], $0x80, s7, s10, $0xb8;
	v63 =	vld [tilespmem:$0x0]  }
0x150: {  	_ =	swait.ge [sflag:s1], $0x3000  }
0x151: {  	[sflag:s1] =	ssyncset.done $0x0  }
0x152: {  	[sflag:s1] =	ssyncadd.s32 $0xFFFFD000  }
0x153: {  	_ =	swait.ge [sflag:s16], $0x3000  }
0x154: {  	[sflag:s16] =	ssyncset.done $0x0  }
0x155: {  	[sflag:s16] =	ssyncadd.s32 $0xFFFFD000  }
0x156: {  	[spmem:s3] =	stream.indirect.scatter.add.f32 [tilespmem:s17], [sflag:$0x3], $0x80, s14, s10, $0xb8;
	v63 =	vld [tilespmem:$0x0]  }
0x157: {  	_ =	swait.ge [sflag:s1], $0x3000  }
0x158: {  	[sflag:s1] =	ssyncset.done $0x0  }
0x159: {  	[sflag:s1] =	ssyncadd.s32 $0xFFFFD000  }
0x15a: {  	_ =	swait.ge [sflag:s16], $0x3000  }
0x15b: {  	[sflag:s16] =	ssyncset.done $0x0  }
0x15c: {  	[sflag:s16] =	ssyncadd.s32 $0xFFFFD000  }
0x15d: {  	[spmem:s3] =	stream.indirect.scatter.add.f32 [tilespmem:s11], [sflag:$0x3], $0x80, s2, s10, $0xb8;
	v63 =	vld [tilespmem:$0x0]  }
0x15e: {  	_ =	swait.ge [sflag:s1], $0x3000  }
0x15f: {  	s18 =	sadd.s32 $0x1, s18;
	[sflag:s1] =	ssyncset.done $0x0  }
0x160: {  	p0 =	sne.s32 s18, s0;
	[sflag:s1] =	ssyncadd.s32 $0xFFFFD000  }
.Ltmp1:
0x161: {  	[bflag:$0x0] =	sbarrier.arrive $0xFFFF;
	(pc) =	sbr.rel @p0 .LBB2_1-.Ltmp1, $4  }
0x162: {  	[hbm:s31], [sflag:s30] =	dma.local [spmem:s19], $0x2780  }
0x163: {  	_ =	swait.ge [sflag:s1], $0x2780  }
0x164: {  	[sflag:s1] =	ssyncset.done $0x0  }
0x165: {  	[sflag:s1] =	ssyncadd.s32 $0xFFFFD880  }
0x166: {  	_ =	sfence.sel $0x180000  }
0x167: {  	[bflag:$0x0] =	sbarrier.arrive $0xFFFF  }
0x168: {  	_ =	strace $0x9000004D  }
0x169: {  	s0 =	stileid.u32;
	[bflag:$0x2] =	sbarrier.arrive $0xFFFF  }
0x16a: {  	p0 =	sne.s32 s0, $0x0;
	s0 =	rddreg [dreg:$0x3]  }
0x16b: {  	s0 =	sadd.s32 @!p0 $0x100000, s0  }
0x16c: {  	[sflag:s0] =	ssyncadd.tile.s32 @!p0 $0x1;
	_ =	shalt  }
.Lfunc_end2:
_tile_overlayer_lowered:
.L_overlay_start_2:
0x16d: {  	(tag) =	ssettag $0x2  }
0x16e: {  	s0 =	rddreg [dreg:$0x0];
	s2 =	stileid.u32  }
0x16f: {  	s1 =	rddreg [dreg:$0x1];
	p0 =	sne.s32 s2, $0x0  }
0x170: {  	s3 =	rddreg [dreg:$0x2];
	[bflag:$0x3] =	sbarrier.arrive $0xFFFF;
	s2 =	simm.s32 @!p0 $0x1C03  }
0x171: {  	[timem:s3], [sflag:s2] =	dma.local @!p0 [hbm:s0], s1  }
0x172: {  	s0 =	simm.s32 @!p0 $0x3  }
0x173: {  	_ =	swait.ge @!p0 [sflag:s0], s1  }
0x174: {  	s1 =	ssub.s32 @!p0 $0x0, s1;
	[sflag:s0] =	ssyncset.done @!p0 $0x0  }
0x175: {  	[sflag:s0] =	ssyncadd.s32 @!p0 s1  }
0x176: {  	[bflag:$0x3] =	sbarrier.arrive $0xFFFF  }
0x177: {  	_ =	shalt  }

// kernel: kernel.18.cloned.1.call-start
scs
__scs_entry_jumppad:
0x0: {  	(pc) =	sbr.rel $0x88, $3  }
0x1: {  	(tag) =	ssettag $0x0;
	lr =	simm.s32 $0x1  }
0x2: {  	[smem:$0x3F96] =	sst lr;
	_ =	strace $0xD0000000  }
0x3: {  	_ = 	snop  }
0x4: {  	_ = 	snop  }
0x5: {  	_ = 	snop  }
0x6: {  	_ = 	snop  }
0x7: {  	_ = 	snop  }
__scs_overlays_trampoline_lowered:
0x8: {  	[smem:$0x3FA5] =	sst s0  }
0x9: {  	[smem:$0x3FA6] =	sst s1  }
0xa: {  	[smem:$0x3FA7] =	sst s2  }
0xb: {  	[smem:$0x3FA8] =	sst s3  }
0xc: {  	[smem:$0x3FA9] =	sst s4  }
0xd: {  	[smem:$0x3FAA] =	sst s5  }
0xe: {  	[smem:$0x3FAB] =	sst s6  }
0xf: {  	[smem:$0x3FAC] =	sst s7  }
0x10: {  	[smem:$0x3FAD] =	sst s8  }
0x11: {  	[smem:$0x3FAE] =	sst s9;
	s0 =	simm.s32 @!p0 $0x0  }
0x12: {  	s1 =	sld [smem:$0x3F94];
	s0 =	simm.s32 @p0 $0x1  }
0x13: {  	[smem:$0x3FAF] =	sst s0;
	s0 =	simm.s32 @!p1 $0x0  }
0x14: {  	s2 =	sld [smem:$0x3F93];
	s0 =	simm.s32 @p1 $0x1  }
0x15: {  	[smem:$0x3FB0] =	sst s0;
	s0 =	simm.s32 @!p2 $0x0  }
0x16: {  	s3 =	sld [smem:$0x3FDB];
	s0 =	simm.s32 @p2 $0x1  }
0x17: {  	s4 =	simm.s32 $0x1BF5;
	[smem:$0x3FB2] =	sst s0  }
0x18: {  	s0 =	sld [smem:$0x3F95];
	_ =	swait.ge [sflag:s4], $0x0  }
0x19: {  	s7 =	sld [smem:$0x3F96]  }
0x1a: {  	s8 =	sadd.s32 $0xFFFFE003, lr  }
0x1b: {  	s9 =	sadd.s32 $0xFFFFFEF7, lr;
	s5 =	simm.s32 $0xFFFFFFFF;
	p2 =	slt.u32 s8, $0xFFFFF086  }
0x1c: {  	p1 =	slt.u32 s9, $0xF7A;
	s5 =	simm.s32 @!p2 $0x0  }
0x1d: {  	s5 =	simm.s32 @p1 $0x1;
	p0 =	seq.s32 s7, s2  }
0x1e: {  	s7 =	smul.u32 @!p0 $0xF7A, s2;
	p2 =	seq.s32 @!p0 s5, $0x0  }
0x1f: {  	s9 =	smul.u32 $0xF7A, s1;
	s8 =	simm.s32 @!p0 $0x1BF5;
	p2 =	por !p2, p0  }
0x20: {  	[sflag:s8] =	ssyncset.s32 @!p0 $0xFFFFF086;
	s6 =	sadd.s32 @!p0 s3, s7;
	s7 =	simm.s32 @!p0 $0x108  }
0x21: {  	s3 =	sadd.s32 s3, s9;
	s6 =	sadd.s32 @!p0 $0x88, s6;
	s7 =	simm.s32 @p2 $0x1082  }
0x22: {  	[simem:s7], [sflag:s8] =	dma.local @!p0 [hbm:s6], $0xF7A  }
0x23: {  	s9 =	sor.u32 $0xD0000000, s2;
	s6 =	simm.s32 $0x108;
	_ =	swait.ge @!p0 [sflag:s8], $0x0  }
0x24: {  	s3 =	sadd.s32 $0x88, s3;
	s6 =	simm.s32 @!p1 $0x1082;
	[sflag:s4] =	ssyncset.s32 $0xFFFFF086  }
0x25: {  	[simem:s6], [sflag:s4] =	dma.local [hbm:s3], $0xF7A  }
0x26: {  	[smem:$0x3F96] =	sst s1;
	(tag) =	ssettag s2;
	_ =	strace s9  }
0x27: {  	s1 =	sld [smem:$0x3FA6]  }
0x28: {  	s2 =	sld [smem:$0x3FA7]  }
0x29: {  	s4 =	sld [smem:$0x3FA9]  }
0x2a: {  	p0 =	seq.s32 s5, $0x0;
	s5 =	sld [smem:$0x3FAA]  }
0x2b: {  	s6 =	sld [smem:$0x3FAB]  }
0x2c: {  	s7 =	sld [smem:$0x3FAC]  }
0x2d: {  	s3 =	simm.s32 $0x108;
	s8 =	sld [smem:$0x3FAD]  }
0x2e: {  	s3 =	simm.s32 @!p0 $0x1082;
	s9 =	sld [smem:$0x3FAE]  }
0x2f: {  	lr =	sadd.s32 s0, s3;
	s0 =	sld [smem:$0x3FA5]  }
0x30: {  	s3 =	sld [smem:$0x3FA8]  }
0x31: {  	[smem:$0x3FB1] =	sst s10  }
0x32: {  	s10 =	sld [smem:$0x3FAF];
	_ =	sdelay $0x3  }
0x33: {  	p0 =	seq.s32 s10, $0x1;
	s10 =	sld [smem:$0x3FB1];
	_ =	sdelay $0x3  }
0x34: {  	[smem:$0x3FB1] =	sst s10  }
0x35: {  	s10 =	sld [smem:$0x3FB0];
	_ =	sdelay $0x3  }
0x36: {  	p1 =	seq.s32 s10, $0x1;
	s10 =	sld [smem:$0x3FB1];
	_ =	sdelay $0x3  }
0x37: {  	[smem:$0x3FB1] =	sst s10  }
0x38: {  	s10 =	sld [smem:$0x3FB2]  }
0x39: {  	_ = 	snop;
	(pc) =	sbr.ind lr, $3  }
0x3a: {  	_ = 	snop  }
0x3b: {  	_ = 	snop  }
0x3c: {  	p2 =	seq.s32 s10, $0x1;
	s10 =	sld [smem:$0x3FB1]  }
0x3d: {  	_ =	shalt  }
0x3e: {  	_ =	shalt  }
0x3f: {  	_ =	shalt  }
0x40: {  	_ =	shalt  }
0x41: {  	_ =	shalt  }
0x42: {  	_ =	shalt  }
0x43: {  	_ =	shalt  }
0x44: {  	_ =	shalt  }
0x45: {  	_ =	shalt  }
0x46: {  	_ =	shalt  }
0x47: {  	_ =	shalt  }
0x48: {  	_ =	shalt  }
0x49: {  	_ =	shalt  }
0x4a: {  	_ =	shalt  }
0x4b: {  	_ =	shalt  }
0x4c: {  	_ =	shalt  }
0x4d: {  	_ =	shalt  }
0x4e: {  	_ =	shalt  }
0x4f: {  	_ =	shalt  }
0x50: {  	_ =	shalt  }
0x51: {  	_ =	shalt  }
0x52: {  	_ =	shalt  }
0x53: {  	_ =	shalt  }
0x54: {  	_ =	shalt  }
0x55: {  	_ =	shalt  }
0x56: {  	_ =	shalt  }
0x57: {  	_ =	shalt  }
0x58: {  	_ =	shalt  }
0x59: {  	_ =	shalt  }
0x5a: {  	_ =	shalt  }
0x5b: {  	_ =	shalt  }
0x5c: {  	_ =	shalt  }
0x5d: {  	_ =	shalt  }
0x5e: {  	_ =	shalt  }
0x5f: {  	_ =	shalt  }
0x60: {  	_ =	shalt  }
0x61: {  	_ =	shalt  }
0x62: {  	_ =	shalt  }
0x63: {  	_ =	shalt  }
0x64: {  	_ =	shalt  }
0x65: {  	_ =	shalt  }
0x66: {  	_ =	shalt  }
0x67: {  	_ =	shalt  }
0x68: {  	_ =	shalt  }
0x69: {  	_ =	shalt  }
0x6a: {  	_ =	shalt  }
0x6b: {  	_ =	shalt  }
0x6c: {  	_ =	shalt  }
0x6d: {  	_ =	shalt  }
0x6e: {  	_ =	shalt  }
0x6f: {  	_ =	shalt  }
0x70: {  	_ =	shalt  }
0x71: {  	_ =	shalt  }
0x72: {  	_ =	shalt  }
0x73: {  	_ =	shalt  }
0x74: {  	_ =	shalt  }
0x75: {  	_ =	shalt  }
0x76: {  	_ =	shalt  }
0x77: {  	_ =	shalt  }
0x78: {  	_ =	shalt  }
0x79: {  	_ =	shalt  }
0x7a: {  	_ =	shalt  }
0x7b: {  	_ =	shalt  }
0x7c: {  	_ =	shalt  }
0x7d: {  	_ =	shalt  }
0x7e: {  	_ =	shalt  }
0x7f: {  	_ =	shalt  }
0x80: {  	_ =	shalt  }
0x81: {  	_ =	shalt  }
0x82: {  	_ =	shalt  }
0x83: {  	_ =	shalt  }
0x84: {  	_ =	shalt  }
0x85: {  	_ =	shalt  }
0x86: {  	_ =	shalt  }
0x87: {  	_ =	shalt  }
.Lfunc_end0:
.L_simem_size_0:
called_computation.3_lowered:
.L_overlay_start_0:
0x88: {  	s2 =	sld [smem:$0x3FD9]  }
0x89: {  	s3 =	sld [smem:$0x3FFE];
	_ =	sdelay $0x1  }
0x8a: {  	s1 =	srdreg.scid  }
0x8b: {  	s0 =	sand.u32 $0x1, s1  }
0x8c: {  	s17 =	sshll.u32 s0, $0xA;
	s2 =	sadd.s32 s3, s2  }
0x8d: {  	s2 =	sadd.s32 s2, s17  }
0x8e: {  	[smem:$0x3FBD] =	sst s2  }
0x8f: {  	_ = 	snop  }
0x90: {  	s2 =	sld [smem:$0x3FD0];
	(tm) =	ssettm $0x1  }
0x91: {  	s18 =	sld [smem:$0x3FFB];
	_ =	sdelay $0x3  }
0x92: {  	_ =	strace s18  }
0x93: {  	s3 =	sld [smem:$0x3FFC];
	_ =	sdelay $0x3  }
0x94: {  	_ =	strace s3  }
0x95: {  	s3 =	sld [smem:$0x3FFD];
	_ =	sdelay $0x3  }
0x96: {  	_ =	strace s3  }
0x97: {  	_ =	strace $0x8FFFFFFF  }
0x98: {  	s19 =	sld [smem:$0x3FDB];
	_ =	sdelay $0x1  }
0x99: {  	s4 =	simm.s32 $_scs_section_size  }
0x9a: {  	s5 =	simm.s32 $_size__tile_overlayer_lowered;
	s6 =	simm.s32 $_tile_overlayer_lowered  }
0x9b: {  	s22 =	simm.s32 $0x1BFF;
	s21 =	sshll.u32 s6, $0x1;
	s3 =	sadd.s32 s4, s19  }
0x9c: {  	s7 =	simm.s32 $0x0;
	s20 =	sshll.u32 s5, $0x1;
	s5 =	sadd.s32 s21, s3  }
0x9d: {  	[timem:s7], [sflag:s22] =	dma.local [hbm:s5], s20  }
0x9e: {  	_ =	swait.ge [sflag:s22], s20  }
0x9f: {  	s4 =	ssub.s32 $0x0, s20;
	[sflag:s22] =	ssyncset.done $0x0  }
0xa0: {  	[sflag:s22] =	ssyncadd.s32 s4;
	_ =	sdelay $0x1  }
0xa1: {  	s23 =	simm.s32 $0x1B8B  }
0xa2: {  	_ =	swait.ge [sflag:s23], $0x1  }
0xa3: {  	[sflag:s23] =	ssyncset.done $0x0  }
0xa4: {  	s25 =	simm.s32 $0x1B8E;
	s24 =	sld [smem:$0x3FFE];
	[sflag:s23] =	ssyncadd.s32 $0xFFFFFFFF  }
0xa5: {  	s26 =	simm.s32 $execute0_lowered;
	[smem:$0x3FD2] =	sst s25  }
0xa6: {  	s5 =	sshll.u32 s26, $0x1;
	_ =	strace $0x8000004F;
	[dreg:$0x1] =	wrdreg $0xFFFFFFFF  }
0xa7: {  	s28 =	simm.s32 $_size_execute0_lowered;
	s3 =	sadd.s32 s3, s5;
	[dreg:$0x0] =	wrdreg $0x0  }
0xa8: {  	s5 =	sshll.u32 s28, $0x1;
	[dreg:$0x2] =	wrdreg s3  }
0xa9: {  	[dreg:$0x3] =	wrdreg s5  }
0xaa: {  	[dreg:$0x4] =	wrdreg $0xC0  }
0xab: {  	_ =	task [dreg:s7], $0x5FFFF  }
0xac: {  	[dreg:$0x1] =	wrdreg $0xFFFFFFFF  }
0xad: {  	[dreg:$0x0] =	wrdreg $0x60  }
0xae: {  	[dreg:$0x2] =	wrdreg s24  }
0xaf: {  	[dreg:$0x3] =	wrdreg s2  }
0xb0: {  	[dreg:$0x4] =	wrdreg $0xC4000  }
0xb1: {  	[dreg:$0x5] =	wrdreg $0x9  }
0xb2: {  	_ =	task.clear_ibuf [dreg:s7], $0x6FFFF;
	_ =	strace $0x9000004F  }
0xb3: {  	s29 =	simm.s32 $0x9;
	_ =	strace $0x80000051  }
0xb4: {  	_ =	swait.ge [sflag:s29], $0x1  }
0xb5: {  	[sflag:s29] =	ssyncadd.s32 $0xFFFFFFFF  }
0xb6: {  	_ =	strace $0x90000051  }
0xb7: {  	_ =	sfence  }
0xb8: {  	s30 =	sld [smem:$0x0];
	_ =	sdelay $0x2  }
0xb9: {  	s31 =	sshll.u32 s1, $0xD;
	s1 =	sshrl.u32 s1, $0x2  }
0xba: {  	s3 =	sand.u32 $0x4000, s31;
	s1 =	sadd.s32 s1, s30  }
0xbb: {  	s0 =	sor.u32 s3, s0;
	s1 =	sshll.u32 s1, $0x11  }
0xbc: {  	s0 =	sor.u32 s1, s0  }
0xbd: {  	s0 =	sadd.s32 $0x8F2B, s0  }
0xbe: {  	[sflag:s0] =	ssyncadd.remote.s32 $0x1  }
0xbf: {  	_ =	sfence.sel $0xFFFF  }
0xc0: {  	[dreg:$0x0] =	wrdreg $0xFFFFFFFF;
	(pc) =	sbr.abs _section_cstart, $3  }
0xc1: {  	[dreg:$0x1] =	wrdreg $0xFFFFFFFF  }
0xc2: {  	_ =	task.clear_ibuf [dreg:s7], $0x2FFFF;
	_ =	strace $0x9FFFFFFF  }
0xc3: {  	(tm) =	ssettm $0x7FFFFFFF  }
tec
execute0_lowered:
.L_overlay_start_1:
0x0: {  	(tag) =	ssettag $0x1  }
0x1: {  	s0 =	rddreg [dreg:$0x0]  }
0x2: {  	s3 =	rddreg [dreg:$0x2];
	s12 =	stileid.u32  }
0x3: {  	s1 =	srdreg.scid;
	s4 =	simm.s32 $0x0;
	s6 =	smul.u32 $0x13C00, s12  }
0x4: {  	s1 =	sand.u32 $0x1, s1;
	s5 =	sshll.u32 s12, $0x1;
	s24 =	smul.u32 $0x4EC0, s12  }
0x5: {  	[smem:$0x7FF] =	sst s4;
	s8 =	sadd.s32 $0xE600, s0;
	s2 =	smul.u32 $0x140000, s1  }
0x6: {  	s5 =	sor.u32 s1, s5;
	s7 =	ssub.s32 $0x2, s1;
	s1 =	smul.u32 $0x2760, s1  }
0x7: {  	s9 =	sadd.s32 $0x4800, s0;
	s28 =	sadd.s32 $0x18400, s0;
	s5 =	smul.u32 $0x2760, s5  }
0x8: {  	_ =	strace $0x80000050;
	s10 =	sshrl.u32 s7, $0x1;
	s2 =	sadd.s32 s6, s2  }
0x9: {  	s6 =	ssub.s32 s7, s10;
	s1 =	sadd.s32 s1, s24;
	s5 =	sshrl.u32 s5, $0x3  }
0xa: {  	s15 =	sadd.s32 $0x300, s1;
	s19 =	sadd.s32 $0x2A0, s1;
	s22 =	sadd.s32 s9, s5  }
0xb: {  	s23 =	sadd.s32 s8, s5;
	s25 =	sadd.s32 $0xC, s5;
	s11 =	sadd.s32 $0x18, s5  }
0xc: {  	s14 =	sadd.s32 $0x30, s5;
	s17 =	sshrl.u32 s15, $0x3;
	[dreg:$0x8] =	wrdreg s22  }
0xd: {  	s21 =	sshrl.u32 s19, $0x3;
	[dreg:$0x9] =	wrdreg s23;
	s13 =	sadd.s32 s9, s25  }
0xe: {  	s19 =	smul.u32 $0x4F000, s12;
	s10 =	sadd.s32 s8, s25;
	[dreg:$0xa] =	wrdreg s13  }
0xf: {  	s26 =	sadd.s32 s9, s11;
	s29 =	sadd.s32 s8, s11;
	[dreg:$0xb] =	wrdreg s10  }
0x10: {  	s11 =	sadd.s32 $0x24, s5;
	s16 =	sadd.s32 s9, s14;
	[dreg:$0xc] =	wrdreg s26  }
0x11: {  	s7 =	sadd.s32 s8, s14;
	s18 =	sadd.s32 s17, s8;
	[dreg:$0xd] =	wrdreg s29  }
0x12: {  	s20 =	sadd.s32 s17, s9;
	s22 =	sadd.s32 $0x4BC, s5;
	[dreg:$0x10] =	wrdreg s16  }
0x13: {  	s23 =	sadd.s32 s21, s8;
	s25 =	sadd.s32 s21, s9;
	[dreg:$0x11] =	wrdreg s7  }
0x14: {  	s14 =	sadd.s32 $0x4D4, s5;
	s13 =	sadd.s32 s9, s11;
	[dreg:$0x4] =	wrdreg s18  }
0x15: {  	s10 =	sadd.s32 s8, s11;
	[dreg:$0x5] =	wrdreg s20;
	s24 =	sadd.s32 s9, s22  }
0x16: {  	[dreg:$0x6] =	wrdreg s23;
	s26 =	sadd.s32 s8, s22;
	s29 =	sadd.s32 $0x4C8, s5  }
0x17: {  	[dreg:$0x7] =	wrdreg s25;
	s5 =	sadd.s32 $0x4E0, s5;
	s15 =	sadd.s32 s9, s14  }
0x18: {  	s16 =	sadd.s32 $0x240, s1;
	s7 =	sadd.s32 s8, s14;
	[dreg:$0xe] =	wrdreg s13  }
0x19: {  	s1 =	sadd.s32 $0x1E0, s1;
	s20 =	sshrl.u32 s2, $0x3;
	[dreg:$0xf] =	wrdreg s10  }
0x1a: {  	s21 =	sshrl.u32 s19, $0x2;
	s22 =	sshll.u32 s12, $0x6;
	[dreg:$0x12] =	wrdreg s24  }
0x1b: {  	s2 =	simm.s32 $0x200;
	s12 =	simm.s32 $0x3400;
	[dreg:$0x13] =	wrdreg s26  }
0x1c: {  	s14 =	simm.s32 $0x380;
	s11 =	sadd.s32 s9, s29;
	[dreg:$0x16] =	wrdreg s15  }
0x1d: {  	s13 =	sadd.s32 s8, s29;
	[dreg:$0x17] =	wrdreg s7;
	s17 =	sshrl.u32 s16, $0x3  }
0x1e: {  	s18 =	sadd.s32 s9, s5;
	s5 =	sadd.s32 s8, s5;
	s1 =	sshrl.u32 s1, $0x3  }
0x1f: {  	s29 =	sadd.s32 s21, s3;
	s30 =	sor.u32 $0x1C03, s22;
	[dreg:$0x14] =	wrdreg s11  }
0x20: {  	s7 =	simm.s32 $0x300;
	s10 =	simm.s32 $0x60;
	[dreg:$0x15] =	wrdreg s13  }
0x21: {  	s15 =	simm.s32 $0x180;
	s16 =	simm.s32 $0x2;
	[dreg:$0x18] =	wrdreg s18  }
0x22: {  	[dreg:$0x19] =	wrdreg s5;
	s23 =	sadd.s32 s17, s8;
	s24 =	sadd.s32 s17, s9  }
0x23: {  	s25 =	sadd.s32 s1, s8;
	s26 =	sadd.s32 s1, s9;
	s1 =	sadd.s32 s20, s0  }
0x24: {  	[dreg:$0x1a] =	wrdreg s29;
	s0 =	smax.u32 s6, $0x1;
	s5 =	simm.s32 $0x280  }
0x25: {  	s6 =	simm.s32 $0x80;
	s8 =	simm.s32 $0x100;
	s9 =	simm.s32 $0x1  }
0x26: {  	s11 =	simm.s32 $0x400;
	s13 =	simm.s32 $0x6400;
	s17 =	simm.s32 $0x9400  }
0x27: {  	s18 =	simm.s32 $0x0;
	s31 =	sadd.s32 $0x40400, s1;
	s1 =	simm.s32 $0x3  }
.LBB2_1:
0x28: {  	s19 =	rddreg [dreg:$0x1a]  }
0x29: {  	s20 =	rddreg [dreg:$0x1];
	s19 =	sshrl.u32 s19, $0x3  }
0x2a: {  	[spmem:s19], [sflag:s30] =	dma.local [hbm:s20], $0x2780  }
0x2b: {  	_ =	swait.ge [sflag:s1], $0x2780  }
0x2c: {  	[sflag:s1] =	ssyncset.done $0x0  }
0x2d: {  	[sflag:s1] =	ssyncadd.s32 $0xFFFFD880  }
0x2e: {  	[bflag:$0x0] =	sbarrier.arrive $0xFFFF  }
0x2f: {  	s29 =	rddreg [dreg:$0x8]  }
0x30: {  	[tilespmem:s2], [sflag:$0x1] =	stream.linear.gather [hbm4b:s29+s4], $0x60, $0x38;
	v63 =	vld [tilespmem:$0x0]  }
0x31: {  	s21 =	rddreg [dreg:$0x9]  }
0x32: {  	[tilespmem:s4], [sflag:$0x1] =	stream.linear.gather [hbm4b:s21+s4], $0x60, $0x38;
	v63 =	vld [tilespmem:$0x0]  }
0x33: {  	s22 =	rddreg [dreg:$0xa]  }
0x34: {  	[tilespmem:s5], [sflag:$0x1] =	stream.linear.gather [hbm4b:s22+s4], $0x60, $0x38;
	v63 =	vld [tilespmem:$0x0]  }
0x35: {  	s29 =	rddreg [dreg:$0xb]  }
0x36: {  	[tilespmem:s6], [sflag:$0x1] =	stream.linear.gather [hbm4b:s29+s4], $0x60, $0x38;
	v63 =	vld [tilespmem:$0x0]  }
0x37: {  	s21 =	rddreg [dreg:$0xc]  }
0x38: {  	[tilespmem:s7], [sflag:$0x1] =	stream.linear.gather [hbm4b:s21+s4], $0x60, $0x38;
	v63 =	vld [tilespmem:$0x0]  }
0x39: {  	s22 =	rddreg [dreg:$0xd]  }
0x3a: {  	[tilespmem:s8], [sflag:$0x1] =	stream.linear.gather [hbm4b:s22+s4], $0x60, $0x38;
	v63 =	vld [tilespmem:$0x0]  }
0x3b: {  	_ =	swait.ge [sflag:s9], $0x60  }
0x3c: {  	[sflag:s9] =	ssyncset.done $0x0  }
0x3d: {  	[sflag:s9] =	ssyncadd.s32 $0xFFFFFFA0  }
0x3e: {  	_ =	swait.ge [sflag:s9], $0x60  }
0x3f: {  	[sflag:s9] =	ssyncset.done $0x0  }
0x40: {  	[sflag:s9] =	ssyncadd.s32 $0xFFFFFFA0  }
0x41: {  	[tilespmem:s11], [sflag:$0x2] =	stream.indirect.gather [hbm4b:s28+s10], $0x80, s4, s10, $0xb8;
	v63 =	vld [tilespmem:$0x0]  }
0x42: {  	_ =	swait.ge [sflag:s9], $0x60  }
0x43: {  	[sflag:s9] =	ssyncset.done $0x0  }
0x44: {  	[sflag:s9] =	ssyncadd.s32 $0xFFFFFFA0  }
0x45: {  	_ =	swait.ge [sflag:s9], $0x60  }
0x46: {  	[sflag:s9] =	ssyncset.done $0x0  }
0x47: {  	[sflag:s9] =	ssyncadd.s32 $0xFFFFFFA0  }
0x48: {  	[tilespmem:s12], [sflag:$0x2] =	stream.indirect.gather [hbm4b:s28+s10], $0x80, s6, s10, $0xb8;
	v63 =	vld [tilespmem:$0x0]  }
0x49: {  	_ =	swait.ge [sflag:s9], $0x60  }
0x4a: {  	[sflag:s9] =	ssyncset.done $0x0  }
0x4b: {  	[sflag:s9] =	ssyncadd.s32 $0xFFFFFFA0  }
0x4c: {  	_ =	swait.ge [sflag:s9], $0x60  }
0x4d: {  	[sflag:s9] =	ssyncset.done $0x0  }
0x4e: {  	[sflag:s9] =	ssyncadd.s32 $0xFFFFFFA0  }
0x4f: {  	[tilespmem:s13], [sflag:$0x2] =	stream.indirect.gather [hbm4b:s28+s10], $0x80, s8, s10, $0xb8;
	v63 =	vld [tilespmem:$0x0]  }
0x50: {  	s29 =	rddreg [dreg:$0xe]  }
0x51: {  	[tilespmem:s14], [sflag:$0x1] =	stream.linear.gather [hbm4b:s29+s4], $0x60, $0x38;
	v63 =	vld [tilespmem:$0x0]  }
0x52: {  	s21 =	rddreg [dreg:$0xf]  }
0x53: {  	[tilespmem:s15], [sflag:$0x1] =	stream.linear.gather [hbm4b:s21+s4], $0x60, $0x38;
	v63 =	vld [tilespmem:$0x0]  }
0x54: {  	_ =	swait.ge [sflag:s16], $0x3000  }
0x55: {  	[sflag:s16] =	ssyncset.done $0x0  }
0x56: {  	[sflag:s16] =	ssyncadd.s32 $0xFFFFD000  }
0x57: {  	[spmem:s3] =	stream.indirect.scatter.add.f32 [tilespmem:s11], [sflag:$0x3], $0x80, s2, s10, $0xb8;
	v63 =	vld [tilespmem:$0x0]  }
0x58: {  	_ =	swait.ge [sflag:s1], $0x3000  }
0x59: {  	[sflag:s1] =	ssyncset.done $0x0  }
0x5a: {  	[sflag:s1] =	ssyncadd.s32 $0xFFFFD000  }
0x5b: {  	_ =	swait.ge [sflag:s9], $0x60  }
0x5c: {  	[sflag:s9] =	ssyncset.done $0x0  }
0x5d: {  	[sflag:s9] =	ssyncadd.s32 $0xFFFFFFA0  }
0x5e: {  	_ =	swait.ge [sflag:s9], $0x60  }
0x5f: {  	[sflag:s9] =	ssyncset.done $0x0  }
0x60: {  	[sflag:s9] =	ssyncadd.s32 $0xFFFFFFA0  }
0x61: {  	[tilespmem:s17], [sflag:$0x2] =	stream.indirect.gather [hbm4b:s28+s10], $0x80, s15, s10, $0xb8;
	v63 =	vld [tilespmem:$0x0]  }
0x62: {  	s22 =	rddreg [dreg:$0x10]  }
0x63: {  	[tilespmem:s2], [sflag:$0x1] =	stream.linear.gather [hbm4b:s22+s4], $0x60, $0x38;
	v63 =	vld [tilespmem:$0x0]  }
0x64: {  	s29 =	rddreg [dreg:$0x11]  }
0x65: {  	[tilespmem:s4], [sflag:$0x1] =	stream.linear.gather [hbm4b:s29+s4], $0x60, $0x38;
	v63 =	vld [tilespmem:$0x0]  }
0x66: {  	_ =	swait.ge [sflag:s16], $0x3000  }
0x67: {  	[sflag:s16] =	ssyncset.done $0x0  }
0x68: {  	[sflag:s16] =	ssyncadd.s32 $0xFFFFD000  }
0x69: {  	[spmem:s3] =	stream.indirect.scatter.add.f32 [tilespmem:s12], [sflag:$0x3], $0x80, s5, s10, $0xb8;
	v63 =	vld [tilespmem:$0x0]  }
0x6a: {  	_ =	swait.ge [sflag:s1], $0x3000  }
0x6b: {  	[sflag:s1] =	ssyncset.done $0x0  }
0x6c: {  	[sflag:s1] =	ssyncadd.s32 $0xFFFFD000  }
0x6d: {  	_ =	swait.ge [sflag:s9], $0x60  }
0x6e: {  	[sflag:s9] =	ssyncset.done $0x0  }
0x6f: {  	[sflag:s9] =	ssyncadd.s32 $0xFFFFFFA0  }
0x70: {  	_ =	swait.ge [sflag:s9], $0x60  }
0x71: {  	[sflag:s9] =	ssyncset.done $0x0  }
0x72: {  	[sflag:s9] =	ssyncadd.s32 $0xFFFFFFA0  }
0x73: {  	[tilespmem:s11], [sflag:$0x2] =	stream.indirect.gather [hbm4b:s28+s10], $0x80, s4, s10, $0xb8;
	v63 =	vld [tilespmem:$0x0]  }
0x74: {  	s21 =	sadd.s32 $0x0, s26  }
0x75: {  	[tilespmem:s5], [sflag:$0x1] =	stream.linear.gather [hbm4b:s21+s4], $0x60, $0x38;
	v63 =	vld [tilespmem:$0x0]  }
0x76: {  	s22 =	sadd.s32 $0x0, s25  }
0x77: {  	[tilespmem:s6], [sflag:$0x1] =	stream.linear.gather [hbm4b:s22+s4], $0x60, $0x38;
	v63 =	vld [tilespmem:$0x0]  }
0x78: {  	_ =	swait.ge [sflag:s16], $0x3000  }
0x79: {  	[sflag:s16] =	ssyncset.done $0x0  }
0x7a: {  	[sflag:s16] =	ssyncadd.s32 $0xFFFFD000  }
0x7b: {  	[spmem:s3] =	stream.indirect.scatter.add.f32 [tilespmem:s13], [sflag:$0x3], $0x80, s7, s10, $0xb8;
	v63 =	vld [tilespmem:$0x0]  }
0x7c: {  	_ =	swait.ge [sflag:s1], $0x3000  }
0x7d: {  	[sflag:s1] =	ssyncset.done $0x0  }
0x7e: {  	[sflag:s1] =	ssyncadd.s32 $0xFFFFD000  }
0x7f: {  	_ =	swait.ge [sflag:s9], $0x60  }
0x80: {  	[sflag:s9] =	ssyncset.done $0x0  }
0x81: {  	[sflag:s9] =	ssyncadd.s32 $0xFFFFFFA0  }
0x82: {  	_ =	swait.ge [sflag:s9], $0x60  }
0x83: {  	[sflag:s9] =	ssyncset.done $0x0  }
0x84: {  	[sflag:s9] =	ssyncadd.s32 $0xFFFFFFA0  }
0x85: {  	[tilespmem:s12], [sflag:$0x2] =	stream.indirect.gather [hbm4b:s28+s10], $0x80, s6, s10, $0xb8;
	v63 =	vld [tilespmem:$0x0]  }
0x86: {  	s29 =	sadd.s32 $0x0, s24  }
0x87: {  	[tilespmem:s7], [sflag:$0x1] =	stream.linear.gather [hbm4b:s29+s4], $0x60, $0x38;
	v63 =	vld [tilespmem:$0x0]  }
0x88: {  	s21 =	sadd.s32 $0x0, s23  }
0x89: {  	[tilespmem:s8], [sflag:$0x1] =	stream.linear.gather [hbm4b:s21+s4], $0x60, $0x38;
	v63 =	vld [tilespmem:$0x0]  }
0x8a: {  	_ =	swait.ge [sflag:s16], $0x3000  }
0x8b: {  	[sflag:s16] =	ssyncset.done $0x0  }
0x8c: {  	[sflag:s16] =	ssyncadd.s32 $0xFFFFD000  }
0x8d: {  	[spmem:s3] =	stream.indirect.scatter.add.f32 [tilespmem:s17], [sflag:$0x3], $0x80, s14, s10, $0xb8;
	v63 =	vld [tilespmem:$0x0]  }
0x8e: {  	_ =	swait.ge [sflag:s1], $0x3000  }
0x8f: {  	[sflag:s1] =	ssyncset.done $0x0  }
0x90: {  	[sflag:s1] =	ssyncadd.s32 $0xFFFFD000  }
0x91: {  	_ =	swait.ge [sflag:s9], $0x60  }
0x92: {  	[sflag:s9] =	ssyncset.done $0x0  }
0x93: {  	[sflag:s9] =	ssyncadd.s32 $0xFFFFFFA0  }
0x94: {  	_ =	swait.ge [sflag:s9], $0x60  }
0x95: {  	[sflag:s9] =	ssyncset.done $0x0  }
0x96: {  	s22 =	rddreg [dreg:$0x7];
	[sflag:s9] =	ssyncadd.s32 $0xFFFFFFA0  }
0x97: {  	[tilespmem:s13], [sflag:$0x2] =	stream.indirect.gather [hbm4b:s28+s10], $0x80, s8, s10, $0xb8;
	v63 =	vld [tilespmem:$0x0]  }
0x98: {  	s21 =	rddreg [dreg:$0x6];
	s20 =	sadd.s32 $0x0, s22  }
0x99: {  	[tilespmem:s14], [sflag:$0x1] =	stream.linear.gather [hbm4b:s20+s4], $0x60, $0x38;
	v63 =	vld [tilespmem:$0x0]  }
0x9a: {  	s29 =	sadd.s32 $0x0, s21  }
0x9b: {  	[tilespmem:s15], [sflag:$0x1] =	stream.linear.gather [hbm4b:s29+s4], $0x60, $0x38;
	v63 =	vld [tilespmem:$0x0]  }
0x9c: {  	_ =	swait.ge [sflag:s16], $0x3000  }
0x9d: {  	[sflag:s16] =	ssyncset.done $0x0  }
0x9e: {  	[sflag:s16] =	ssyncadd.s32 $0xFFFFD000  }
0x9f: {  	[spmem:s3] =	stream.indirect.scatter.add.f32 [tilespmem:s11], [sflag:$0x3], $0x80, s2, s10, $0xb8;
	v63 =	vld [tilespmem:$0x0]  }
0xa0: {  	_ =	swait.ge [sflag:s1], $0x3000  }
0xa1: {  	[sflag:s1] =	ssyncset.done $0x0  }
0xa2: {  	[sflag:s1] =	ssyncadd.s32 $0xFFFFD000  }
0xa3: {  	_ =	swait.ge [sflag:s9], $0x60  }
0xa4: {  	[sflag:s9] =	ssyncset.done $0x0  }
0xa5: {  	[sflag:s9] =	ssyncadd.s32 $0xFFFFFFA0  }
0xa6: {  	_ =	swait.ge [sflag:s9], $0x60  }
0xa7: {  	[sflag:s9] =	ssyncset.done $0x0  }
0xa8: {  	s21 =	rddreg [dreg:$0x5];
	[sflag:s9] =	ssyncadd.s32 $0xFFFFFFA0  }
0xa9: {  	[tilespmem:s17], [sflag:$0x2] =	stream.indirect.gather [hbm4b:s28+s10], $0x80, s15, s10, $0xb8;
	v63 =	vld [tilespmem:$0x0]  }
0xaa: {  	s22 =	rddreg [dreg:$0x4];
	s20 =	sadd.s32 $0x0, s21  }
0xab: {  	[tilespmem:s2], [sflag:$0x1] =	stream.linear.gather [hbm4b:s20+s4], $0x60, $0x38;
	v63 =	vld [tilespmem:$0x0]  }
0xac: {  	s29 =	sadd.s32 $0x0, s22  }
0xad: {  	[tilespmem:s4], [sflag:$0x1] =	stream.linear.gather [hbm4b:s29+s4], $0x60, $0x38;
	v63 =	vld [tilespmem:$0x0]  }
0xae: {  	_ =	swait.ge [sflag:s16], $0x3000  }
0xaf: {  	[sflag:s16] =	ssyncset.done $0x0  }
0xb0: {  	[sflag:s16] =	ssyncadd.s32 $0xFFFFD000  }
0xb1: {  	[spmem:s3] =	stream.indirect.scatter.add.f32 [tilespmem:s12], [sflag:$0x3], $0x80, s5, s10, $0xb8;
	v63 =	vld [tilespmem:$0x0]  }
0xb2: {  	_ =	swait.ge [sflag:s1], $0x3000  }
0xb3: {  	s20 =	simm.s32 $0x30;
	[sflag:s1] =	ssyncset.done $0x0  }
.LBB2_2:
0xb4: {  	[sflag:s1] =	ssyncadd.s32 $0xFFFFD000  }
0xb5: {  	_ =	swait.ge [sflag:s9], $0x60  }
0xb6: {  	[sflag:s9] =	ssyncset.done $0x0  }
0xb7: {  	[sflag:s9] =	ssyncadd.s32 $0xFFFFFFA0  }
0xb8: {  	_ =	swait.ge [sflag:s9], $0x60  }
0xb9: {  	[sflag:s9] =	ssyncset.done $0x0  }
0xba: {  	s21 =	smov.u32 s20;
	[sflag:s9] =	ssyncadd.s32 $0xFFFFFFA0  }
0xbb: {  	[tilespmem:s11], [sflag:$0x2] =	stream.indirect.gather [hbm4b:s28+s10], $0x80, s4, s10, $0xb8;
	v63 =	vld [tilespmem:$0x0]  }
0xbc: {  	s22 =	sadd.s32 s21, s26  }
0xbd: {  	[tilespmem:s5], [sflag:$0x1] =	stream.linear.gather [hbm4b:s22+s4], $0x60, $0x38;
	v63 =	vld [tilespmem:$0x0]  }
0xbe: {  	s29 =	sadd.s32 s21, s25  }
0xbf: {  	[tilespmem:s6], [sflag:$0x1] =	stream.linear.gather [hbm4b:s29+s4], $0x60, $0x38;
	v63 =	vld [tilespmem:$0x0]  }
0xc0: {  	_ =	swait.ge [sflag:s16], $0x3000  }
0xc1: {  	[sflag:s16] =	ssyncset.done $0x0  }
0xc2: {  	[sflag:s16] =	ssyncadd.s32 $0xFFFFD000  }
0xc3: {  	[spmem:s3] =	stream.indirect.scatter.add.f32 [tilespmem:s13], [sflag:$0x3], $0x80, s7, s10, $0xb8;
	v63 =	vld [tilespmem:$0x0]  }
0xc4: {  	_ =	swait.ge [sflag:s1], $0x3000  }
0xc5: {  	[sflag:s1] =	ssyncset.done $0x0  }
0xc6: {  	[sflag:s1] =	ssyncadd.s32 $0xFFFFD000  }
0xc7: {  	_ =	swait.ge [sflag:s9], $0x60  }
0xc8: {  	[sflag:s9] =	ssyncset.done $0x0  }
0xc9: {  	[sflag:s9] =	ssyncadd.s32 $0xFFFFFFA0  }
0xca: {  	_ =	swait.ge [sflag:s9], $0x60  }
0xcb: {  	[sflag:s9] =	ssyncset.done $0x0  }
0xcc: {  	[sflag:s9] =	ssyncadd.s32 $0xFFFFFFA0  }
0xcd: {  	[tilespmem:s12], [sflag:$0x2] =	stream.indirect.gather [hbm4b:s28+s10], $0x80, s6, s10, $0xb8;
	v63 =	vld [tilespmem:$0x0]  }
0xce: {  	s29 =	sadd.s32 s21, s24  }
0xcf: {  	[tilespmem:s7], [sflag:$0x1] =	stream.linear.gather [hbm4b:s29+s4], $0x60, $0x38;
	v63 =	vld [tilespmem:$0x0]  }
0xd0: {  	s29 =	sadd.s32 s21, s23  }
0xd1: {  	[tilespmem:s8], [sflag:$0x1] =	stream.linear.gather [hbm4b:s29+s4], $0x60, $0x38;
	v63 =	vld [tilespmem:$0x0]  }
0xd2: {  	_ =	swait.ge [sflag:s16], $0x3000  }
0xd3: {  	[sflag:s16] =	ssyncset.done $0x0  }
0xd4: {  	[sflag:s16] =	ssyncadd.s32 $0xFFFFD000  }
0xd5: {  	[spmem:s3] =	stream.indirect.scatter.add.f32 [tilespmem:s17], [sflag:$0x3], $0x80, s14, s10, $0xb8;
	v63 =	vld [tilespmem:$0x0]  }
0xd6: {  	_ =	swait.ge [sflag:s1], $0x3000  }
0xd7: {  	[sflag:s1] =	ssyncset.done $0x0  }
0xd8: {  	[sflag:s1] =	ssyncadd.s32 $0xFFFFD000  }
0xd9: {  	_ =	swait.ge [sflag:s9], $0x60  }
0xda: {  	[sflag:s9] =	ssyncset.done $0x0  }
0xdb: {  	[sflag:s9] =	ssyncadd.s32 $0xFFFFFFA0  }
0xdc: {  	_ =	swait.ge [sflag:s9], $0x60  }
0xdd: {  	[sflag:s9] =	ssyncset.done $0x0  }
0xde: {  	s22 =	rddreg [dreg:$0x7];
	[sflag:s9] =	ssyncadd.s32 $0xFFFFFFA0  }
0xdf: {  	[tilespmem:s13], [sflag:$0x2] =	stream.indirect.gather [hbm4b:s28+s10], $0x80, s8, s10, $0xb8;
	v63 =	vld [tilespmem:$0x0]  }
0xe0: {  	s29 =	rddreg [dreg:$0x6];
	s22 =	sadd.s32 s21, s22  }
0xe1: {  	[tilespmem:s14], [sflag:$0x1] =	stream.linear.gather [hbm4b:s22+s4], $0x60, $0x38;
	v63 =	vld [tilespmem:$0x0]  }
0xe2: {  	s29 =	sadd.s32 s21, s29  }
0xe3: {  	[tilespmem:s15], [sflag:$0x1] =	stream.linear.gather [hbm4b:s29+s4], $0x60, $0x38;
	v63 =	vld [tilespmem:$0x0]  }
0xe4: {  	_ =	swait.ge [sflag:s16], $0x3000  }
0xe5: {  	[sflag:s16] =	ssyncset.done $0x0  }
0xe6: {  	[sflag:s16] =	ssyncadd.s32 $0xFFFFD000  }
0xe7: {  	[spmem:s3] =	stream.indirect.scatter.add.f32 [tilespmem:s11], [sflag:$0x3], $0x80, s2, s10, $0xb8;
	v63 =	vld [tilespmem:$0x0]  }
0xe8: {  	_ =	swait.ge [sflag:s1], $0x3000  }
0xe9: {  	[sflag:s1] =	ssyncset.done $0x0  }
0xea: {  	[sflag:s1] =	ssyncadd.s32 $0xFFFFD000  }
0xeb: {  	_ =	swait.ge [sflag:s9], $0x60  }
0xec: {  	[sflag:s9] =	ssyncset.done $0x0  }
0xed: {  	[sflag:s9] =	ssyncadd.s32 $0xFFFFFFA0  }
0xee: {  	_ =	swait.ge [sflag:s9], $0x60  }
0xef: {  	[sflag:s9] =	ssyncset.done $0x0  }
0xf0: {  	s22 =	rddreg [dreg:$0x5];
	[sflag:s9] =	ssyncadd.s32 $0xFFFFFFA0  }
0xf1: {  	[tilespmem:s17], [sflag:$0x2] =	stream.indirect.gather [hbm4b:s28+s10], $0x80, s15, s10, $0xb8;
	v63 =	vld [tilespmem:$0x0]  }
0xf2: {  	s29 =	rddreg [dreg:$0x4];
	s22 =	sadd.s32 s21, s22  }
0xf3: {  	[tilespmem:s2], [sflag:$0x1] =	stream.linear.gather [hbm4b:s22+s4], $0x60, $0x38;
	v63 =	vld [tilespmem:$0x0]  }
0xf4: {  	s21 =	sadd.s32 s21, s29  }
0xf5: {  	[tilespmem:s4], [sflag:$0x1] =	stream.linear.gather [hbm4b:s21+s4], $0x60, $0x38;
	v63 =	vld [tilespmem:$0x0]  }
0xf6: {  	p0 =	sne.s32 s20, $0x450;
	_ =	swait.ge [sflag:s16], $0x3000  }
.Ltmp0:
0xf7: {  	[sflag:s16] =	ssyncset.done $0x0;
	(pc) =	sbr.rel @p0 .LBB2_2-.Ltmp0, $4  }
0xf8: {  	[sflag:s16] =	ssyncadd.s32 $0xFFFFD000  }
0xf9: {  	[spmem:s3] =	stream.indirect.scatter.add.f32 [tilespmem:s12], [sflag:$0x3], $0x80, s5, s10, $0xb8;
	v63 =	vld [tilespmem:$0x0]  }
0xfa: {  	_ =	swait.ge [sflag:s1], $0x3000  }
0xfb: {  	s20 =	sadd.s32 $0x30, s20;
	[sflag:s1] =	ssyncset.done $0x0  }
0xfc: {  	[sflag:s1] =	ssyncadd.s32 $0xFFFFD000  }
0xfd: {  	_ =	swait.ge [sflag:s9], $0x60  }
0xfe: {  	[sflag:s9] =	ssyncset.done $0x0  }
0xff: {  	[sflag:s9] =	ssyncadd.s32 $0xFFFFFFA0  }
0x100: {  	_ =	swait.ge [sflag:s9], $0x60  }
0x101: {  	[sflag:s9] =	ssyncset.done $0x0  }
0x102: {  	[sflag:s9] =	ssyncadd.s32 $0xFFFFFFA0  }
0x103: {  	[tilespmem:s11], [sflag:$0x2] =	stream.indirect.gather [hbm4b:s28+s10], $0x80, s4, s10, $0xb8;
	v63 =	vld [tilespmem:$0x0]  }
0x104: {  	s20 =	rddreg [dreg:$0x12]  }
0x105: {  	[tilespmem:s5], [sflag:$0x1] =	stream.linear.gather [hbm4b:s20+s4], $0x60, $0x38;
	v63 =	vld [tilespmem:$0x0]  }
0x106: {  	s29 =	rddreg [dreg:$0x13]  }
0x107: {  	[tilespmem:s6], [sflag:$0x1] =	stream.linear.gather [hbm4b:s29+s4], $0x60, $0x38;
	v63 =	vld [tilespmem:$0x0]  }
0x108: {  	_ =	swait.ge [sflag:s16], $0x3000  }
0x109: {  	[sflag:s16] =	ssyncset.done $0x0  }
0x10a: {  	[sflag:s16] =	ssyncadd.s32 $0xFFFFD000  }
0x10b: {  	[spmem:s3] =	stream.indirect.scatter.add.f32 [tilespmem:s13], [sflag:$0x3], $0x80, s7, s10, $0xb8;
	v63 =	vld [tilespmem:$0x0]  }
0x10c: {  	_ =	swait.ge [sflag:s1], $0x3000  }
0x10d: {  	[sflag:s1] =	ssyncset.done $0x0  }
0x10e: {  	[sflag:s1] =	ssyncadd.s32 $0xFFFFD000  }
0x10f: {  	_ =	swait.ge [sflag:s9], $0x60  }
0x110: {  	[sflag:s9] =	ssyncset.done $0x0  }
0x111: {  	[sflag:s9] =	ssyncadd.s32 $0xFFFFFFA0  }
0x112: {  	_ =	swait.ge [sflag:s9], $0x60  }
0x113: {  	[sflag:s9] =	ssyncset.done $0x0  }
0x114: {  	[sflag:s9] =	ssyncadd.s32 $0xFFFFFFA0  }
0x115: {  	[tilespmem:s12], [sflag:$0x2] =	stream.indirect.gather [hbm4b:s28+s10], $0x80, s6, s10, $0xb8;
	v63 =	vld [tilespmem:$0x0]  }
0x116: {  	s21 =	rddreg [dreg:$0x14]  }
0x117: {  	[tilespmem:s7], [sflag:$0x1] =	stream.linear.gather [hbm4b:s21+s4], $0x60, $0x38;
	v63 =	vld [tilespmem:$0x0]  }
0x118: {  	s22 =	rddreg [dreg:$0x15]  }
0x119: {  	[tilespmem:s8], [sflag:$0x1] =	stream.linear.gather [hbm4b:s22+s4], $0x60, $0x38;
	v63 =	vld [tilespmem:$0x0]  }
0x11a: {  	_ =	swait.ge [sflag:s16], $0x3000  }
0x11b: {  	[sflag:s16] =	ssyncset.done $0x0  }
0x11c: {  	[sflag:s16] =	ssyncadd.s32 $0xFFFFD000  }
0x11d: {  	[spmem:s3] =	stream.indirect.scatter.add.f32 [tilespmem:s17], [sflag:$0x3], $0x80, s14, s10, $0xb8;
	v63 =	vld [tilespmem:$0x0]  }
0x11e: {  	_ =	swait.ge [sflag:s1], $0x3000  }
0x11f: {  	[sflag:s1] =	ssyncset.done $0x0  }
0x120: {  	[sflag:s1] =	ssyncadd.s32 $0xFFFFD000  }
0x121: {  	_ =	swait.ge [sflag:s9], $0x60  }
0x122: {  	[sflag:s9] =	ssyncset.done $0x0  }
0x123: {  	[sflag:s9] =	ssyncadd.s32 $0xFFFFFFA0  }
0x124: {  	_ =	swait.ge [sflag:s9], $0x60  }
0x125: {  	[sflag:s9] =	ssyncset.done $0x0  }
0x126: {  	[sflag:s9] =	ssyncadd.s32 $0xFFFFFFA0  }
0x127: {  	[tilespmem:s13], [sflag:$0x2] =	stream.indirect.gather [hbm4b:s28+s10], $0x80, s8, s10, $0xb8;
	v63 =	vld [tilespmem:$0x0]  }
0x128: {  	s29 =	rddreg [dreg:$0x16]  }
0x129: {  	[tilespmem:s14], [sflag:$0x1] =	stream.linear.gather [hbm4b:s29+s4], $0x60, $0x38;
	v63 =	vld [tilespmem:$0x0]  }
0x12a: {  	s21 =	rddreg [dreg:$0x17]  }
0x12b: {  	[tilespmem:s15], [sflag:$0x1] =	stream.linear.gather [hbm4b:s21+s4], $0x60, $0x38;
	v63 =	vld [tilespmem:$0x0]  }
0x12c: {  	_ =	swait.ge [sflag:s16], $0x3000  }
0x12d: {  	[sflag:s16] =	ssyncset.done $0x0  }
0x12e: {  	[sflag:s16] =	ssyncadd.s32 $0xFFFFD000  }
0x12f: {  	[spmem:s3] =	stream.indirect.scatter.add.f32 [tilespmem:s11], [sflag:$0x3], $0x80, s2, s10, $0xb8;
	v63 =	vld [tilespmem:$0x0]  }
0x130: {  	_ =	swait.ge [sflag:s1], $0x3000  }
0x131: {  	[sflag:s1] =	ssyncset.done $0x0  }
0x132: {  	[sflag:s1] =	ssyncadd.s32 $0xFFFFD000  }
0x133: {  	_ =	swait.ge [sflag:s9], $0x60  }
0x134: {  	[sflag:s9] =	ssyncset.done $0x0  }
0x135: {  	[sflag:s9] =	ssyncadd.s32 $0xFFFFFFA0  }
0x136: {  	_ =	swait.ge [sflag:s9], $0x60  }
0x137: {  	[sflag:s9] =	ssyncset.done $0x0  }
0x138: {  	[sflag:s9] =	ssyncadd.s32 $0xFFFFFFA0  }
0x139: {  	[tilespmem:s17], [sflag:$0x2] =	stream.indirect.gather [hbm4b:s28+s10], $0x80, s15, s10, $0xb8;
	v63 =	vld [tilespmem:$0x0]  }
0x13a: {  	s22 =	rddreg [dreg:$0x18]  }
0x13b: {  	[tilespmem:s2], [sflag:$0x1] =	stream.linear.gather [hbm4b:s22+s4], $0x60, $0x38;
	v63 =	vld [tilespmem:$0x0]  }
0x13c: {  	s29 =	rddreg [dreg:$0x19]  }
0x13d: {  	[tilespmem:s4], [sflag:$0x1] =	stream.linear.gather [hbm4b:s29+s4], $0x60, $0x38;
	v63 =	vld [tilespmem:$0x0]  }
0x13e: {  	_ =	swait.ge [sflag:s16], $0x3000  }
0x13f: {  	[sflag:s16] =	ssyncset.done $0x0  }
0x140: {  	[sflag:s16] =	ssyncadd.s32 $0xFFFFD000  }
0x141: {  	[spmem:s3] =	stream.indirect.scatter.add.f32 [tilespmem:s12], [sflag:$0x3], $0x80, s5, s10, $0xb8;
	v63 =	vld [tilespmem:$0x0]  }
0x142: {  	_ =	swait.ge [sflag:s1], $0x3000  }
0x143: {  	[sflag:s1] =	ssyncset.done $0x0  }
0x144: {  	[sflag:s1] =	ssyncadd.s32 $0xFFFFD000  }
0x145: {  	_ =	swait.ge [sflag:s9], $0x60  }
0x146: {  	[sflag:s9] =	ssyncset.done $0x0  }
0x147: {  	[sflag:s9] =	ssyncadd.s32 $0xFFFFFFA0  }
0x148: {  	_ =	swait.ge [sflag:s9], $0x60  }
0x149: {  	[sflag:s9] =	ssyncset.done $0x0  }
0x14a: {  	[sflag:s9] =	ssyncadd.s32 $0xFFFFFFA0  }
0x14b: {  	[tilespmem:s11], [sflag:$0x2] =	stream.indirect.gather [hbm4b:s28+s10], $0x80, s4, s10, $0xb8;
	v63 =	vld [tilespmem:$0x0]  }
0x14c: {  	_ =	swait.ge [sflag:s16], $0x3000  }
0x14d: {  	[sflag:s16] =	ssyncset.done $0x0  }
0x14e: {  	[sflag:s16] =	ssyncadd.s32 $0xFFFFD000  }
0x14f: {  	[spmem:s3] =	stream.indirect.scatter.add.f32 [tilespmem:s13], [sflag:$0x3], $0x80, s7, s10, $0xb8;
	v63 =	vld [tilespmem:$0x0]  }
0x150: {  	_ =	swait.ge [sflag:s1], $0x3000  }
0x151: {  	[sflag:s1] =	ssyncset.done $0x0  }
0x152: {  	[sflag:s1] =	ssyncadd.s32 $0xFFFFD000  }
0x153: {  	_ =	swait.ge [sflag:s16], $0x3000  }
0x154: {  	[sflag:s16] =	ssyncset.done $0x0  }
0x155: {  	[sflag:s16] =	ssyncadd.s32 $0xFFFFD000  }
0x156: {  	[spmem:s3] =	stream.indirect.scatter.add.f32 [tilespmem:s17], [sflag:$0x3], $0x80, s14, s10, $0xb8;
	v63 =	vld [tilespmem:$0x0]  }
0x157: {  	_ =	swait.ge [sflag:s1], $0x3000  }
0x158: {  	[sflag:s1] =	ssyncset.done $0x0  }
0x159: {  	[sflag:s1] =	ssyncadd.s32 $0xFFFFD000  }
0x15a: {  	_ =	swait.ge [sflag:s16], $0x3000  }
0x15b: {  	[sflag:s16] =	ssyncset.done $0x0  }
0x15c: {  	[sflag:s16] =	ssyncadd.s32 $0xFFFFD000  }
0x15d: {  	[spmem:s3] =	stream.indirect.scatter.add.f32 [tilespmem:s11], [sflag:$0x3], $0x80, s2, s10, $0xb8;
	v63 =	vld [tilespmem:$0x0]  }
0x15e: {  	_ =	swait.ge [sflag:s1], $0x3000  }
0x15f: {  	s18 =	sadd.s32 $0x1, s18;
	[sflag:s1] =	ssyncset.done $0x0  }
0x160: {  	p0 =	sne.s32 s18, s0;
	[sflag:s1] =	ssyncadd.s32 $0xFFFFD000  }
.Ltmp1:
0x161: {  	[bflag:$0x0] =	sbarrier.arrive $0xFFFF;
	(pc) =	sbr.rel @p0 .LBB2_1-.Ltmp1, $4  }
0x162: {  	[hbm:s31], [sflag:s30] =	dma.local [spmem:s19], $0x2780  }
0x163: {  	_ =	swait.ge [sflag:s1], $0x2780  }
0x164: {  	[sflag:s1] =	ssyncset.done $0x0  }
0x165: {  	[sflag:s1] =	ssyncadd.s32 $0xFFFFD880  }
0x166: {  	_ =	sfence.sel $0x180000  }
0x167: {  	[bflag:$0x0] =	sbarrier.arrive $0xFFFF  }
0x168: {  	_ =	strace $0x90000050  }
0x169: {  	s0 =	stileid.u32;
	[bflag:$0x2] =	sbarrier.arrive $0xFFFF  }
0x16a: {  	p0 =	sne.s32 s0, $0x0;
	s0 =	rddreg [dreg:$0x3]  }
0x16b: {  	s0 =	sadd.s32 @!p0 $0x100000, s0  }
0x16c: {  	[sflag:s0] =	ssyncadd.tile.s32 @!p0 $0x1;
	_ =	shalt  }
.Lfunc_end2:
_tile_overlayer_lowered:
.L_overlay_start_2:
0x16d: {  	(tag) =	ssettag $0x2  }
0x16e: {  	s0 =	rddreg [dreg:$0x0];
	s2 =	stileid.u32  }
0x16f: {  	s1 =	rddreg [dreg:$0x1];
	p0 =	sne.s32 s2, $0x0  }
0x170: {  	s3 =	rddreg [dreg:$0x2];
	[bflag:$0x3] =	sbarrier.arrive $0xFFFF;
	s2 =	simm.s32 @!p0 $0x1C03  }
0x171: {  	[timem:s3], [sflag:s2] =	dma.local @!p0 [hbm:s0], s1  }
0x172: {  	s0 =	simm.s32 @!p0 $0x3  }
0x173: {  	_ =	swait.ge @!p0 [sflag:s0], s1  }
0x174: {  	s1 =	ssub.s32 @!p0 $0x0, s1;
	[sflag:s0] =	ssyncset.done @!p0 $0x0  }
0x175: {  	[sflag:s0] =	ssyncadd.s32 @!p0 s1  }
0x176: {  	[bflag:$0x3] =	sbarrier.arrive $0xFFFF  }
0x177: {  	_ =	shalt  }

// kernel: kernel.9.cloned.1.call-start
scs
__scs_entry_jumppad:
0x0: {  	(pc) =	sbr.rel $0x88, $3  }
0x1: {  	(tag) =	ssettag $0x0;
	lr =	simm.s32 $0x1  }
0x2: {  	[smem:$0x3F96] =	sst lr;
	_ =	strace $0xD0000000  }
0x3: {  	_ = 	snop  }
0x4: {  	_ = 	snop  }
0x5: {  	_ = 	snop  }
0x6: {  	_ = 	snop  }
0x7: {  	_ = 	snop  }
__scs_overlays_trampoline_lowered:
0x8: {  	[smem:$0x3FA5] =	sst s0  }
0x9: {  	[smem:$0x3FA6] =	sst s1  }
0xa: {  	[smem:$0x3FA7] =	sst s2  }
0xb: {  	[smem:$0x3FA8] =	sst s3  }
0xc: {  	[smem:$0x3FA9] =	sst s4  }
0xd: {  	[smem:$0x3FAA] =	sst s5  }
0xe: {  	[smem:$0x3FAB] =	sst s6  }
0xf: {  	[smem:$0x3FAC] =	sst s7  }
0x10: {  	[smem:$0x3FAD] =	sst s8  }
0x11: {  	[smem:$0x3FAE] =	sst s9;
	s0 =	simm.s32 @!p0 $0x0  }
0x12: {  	s1 =	sld [smem:$0x3F94];
	s0 =	simm.s32 @p0 $0x1  }
0x13: {  	[smem:$0x3FAF] =	sst s0;
	s0 =	simm.s32 @!p1 $0x0  }
0x14: {  	s2 =	sld [smem:$0x3F93];
	s0 =	simm.s32 @p1 $0x1  }
0x15: {  	[smem:$0x3FB0] =	sst s0;
	s0 =	simm.s32 @!p2 $0x0  }
0x16: {  	s3 =	sld [smem:$0x3FDB];
	s0 =	simm.s32 @p2 $0x1  }
0x17: {  	s4 =	simm.s32 $0x1BF5;
	[smem:$0x3FB2] =	sst s0  }
0x18: {  	s0 =	sld [smem:$0x3F95];
	_ =	swait.ge [sflag:s4], $0x0  }
0x19: {  	s7 =	sld [smem:$0x3F96]  }
0x1a: {  	s8 =	sadd.s32 $0xFFFFE003, lr  }
0x1b: {  	s9 =	sadd.s32 $0xFFFFFEF7, lr;
	s5 =	simm.s32 $0xFFFFFFFF;
	p2 =	slt.u32 s8, $0xFFFFF086  }
0x1c: {  	p1 =	slt.u32 s9, $0xF7A;
	s5 =	simm.s32 @!p2 $0x0  }
0x1d: {  	s5 =	simm.s32 @p1 $0x1;
	p0 =	seq.s32 s7, s2  }
0x1e: {  	s7 =	smul.u32 @!p0 $0xF7A, s2;
	p2 =	seq.s32 @!p0 s5, $0x0  }
0x1f: {  	s9 =	smul.u32 $0xF7A, s1;
	s8 =	simm.s32 @!p0 $0x1BF5;
	p2 =	por !p2, p0  }
0x20: {  	[sflag:s8] =	ssyncset.s32 @!p0 $0xFFFFF086;
	s6 =	sadd.s32 @!p0 s3, s7;
	s7 =	simm.s32 @!p0 $0x108  }
0x21: {  	s3 =	sadd.s32 s3, s9;
	s6 =	sadd.s32 @!p0 $0x88, s6;
	s7 =	simm.s32 @p2 $0x1082  }
0x22: {  	[simem:s7], [sflag:s8] =	dma.local @!p0 [hbm:s6], $0xF7A  }
0x23: {  	s9 =	sor.u32 $0xD0000000, s2;
	s6 =	simm.s32 $0x108;
	_ =	swait.ge @!p0 [sflag:s8], $0x0  }
0x24: {  	s3 =	sadd.s32 $0x88, s3;
	s6 =	simm.s32 @!p1 $0x1082;
	[sflag:s4] =	ssyncset.s32 $0xFFFFF086  }
0x25: {  	[simem:s6], [sflag:s4] =	dma.local [hbm:s3], $0xF7A  }
0x26: {  	[smem:$0x3F96] =	sst s1;
	(tag) =	ssettag s2;
	_ =	strace s9  }
0x27: {  	s1 =	sld [smem:$0x3FA6]  }
0x28: {  	s2 =	sld [smem:$0x3FA7]  }
0x29: {  	s4 =	sld [smem:$0x3FA9]  }
0x2a: {  	p0 =	seq.s32 s5, $0x0;
	s5 =	sld [smem:$0x3FAA]  }
0x2b: {  	s6 =	sld [smem:$0x3FAB]  }
0x2c: {  	s7 =	sld [smem:$0x3FAC]  }
0x2d: {  	s3 =	simm.s32 $0x108;
	s8 =	sld [smem:$0x3FAD]  }
0x2e: {  	s3 =	simm.s32 @!p0 $0x1082;
	s9 =	sld [smem:$0x3FAE]  }
0x2f: {  	lr =	sadd.s32 s0, s3;
	s0 =	sld [smem:$0x3FA5]  }
0x30: {  	s3 =	sld [smem:$0x3FA8]  }
0x31: {  	[smem:$0x3FB1] =	sst s10  }
0x32: {  	s10 =	sld [smem:$0x3FAF];
	_ =	sdelay $0x3  }
0x33: {  	p0 =	seq.s32 s10, $0x1;
	s10 =	sld [smem:$0x3FB1];
	_ =	sdelay $0x3  }
0x34: {  	[smem:$0x3FB1] =	sst s10  }
0x35: {  	s10 =	sld [smem:$0x3FB0];
	_ =	sdelay $0x3  }
0x36: {  	p1 =	seq.s32 s10, $0x1;
	s10 =	sld [smem:$0x3FB1];
	_ =	sdelay $0x3  }
0x37: {  	[smem:$0x3FB1] =	sst s10  }
0x38: {  	s10 =	sld [smem:$0x3FB2]  }
0x39: {  	_ = 	snop;
	(pc) =	sbr.ind lr, $3  }
0x3a: {  	_ = 	snop  }
0x3b: {  	_ = 	snop  }
0x3c: {  	p2 =	seq.s32 s10, $0x1;
	s10 =	sld [smem:$0x3FB1]  }
0x3d: {  	_ =	shalt  }
0x3e: {  	_ =	shalt  }
0x3f: {  	_ =	shalt  }
0x40: {  	_ =	shalt  }
0x41: {  	_ =	shalt  }
0x42: {  	_ =	shalt  }
0x43: {  	_ =	shalt  }
0x44: {  	_ =	shalt  }
0x45: {  	_ =	shalt  }
0x46: {  	_ =	shalt  }
0x47: {  	_ =	shalt  }
0x48: {  	_ =	shalt  }
0x49: {  	_ =	shalt  }
0x4a: {  	_ =	shalt  }
0x4b: {  	_ =	shalt  }
0x4c: {  	_ =	shalt  }
0x4d: {  	_ =	shalt  }
0x4e: {  	_ =	shalt  }
0x4f: {  	_ =	shalt  }
0x50: {  	_ =	shalt  }
0x51: {  	_ =	shalt  }
0x52: {  	_ =	shalt  }
0x53: {  	_ =	shalt  }
0x54: {  	_ =	shalt  }
0x55: {  	_ =	shalt  }
0x56: {  	_ =	shalt  }
0x57: {  	_ =	shalt  }
0x58: {  	_ =	shalt  }
0x59: {  	_ =	shalt  }
0x5a: {  	_ =	shalt  }
0x5b: {  	_ =	shalt  }
0x5c: {  	_ =	shalt  }
0x5d: {  	_ =	shalt  }
0x5e: {  	_ =	shalt  }
0x5f: {  	_ =	shalt  }
0x60: {  	_ =	shalt  }
0x61: {  	_ =	shalt  }
0x62: {  	_ =	shalt  }
0x63: {  	_ =	shalt  }
0x64: {  	_ =	shalt  }
0x65: {  	_ =	shalt  }
0x66: {  	_ =	shalt  }
0x67: {  	_ =	shalt  }
0x68: {  	_ =	shalt  }
0x69: {  	_ =	shalt  }
0x6a: {  	_ =	shalt  }
0x6b: {  	_ =	shalt  }
0x6c: {  	_ =	shalt  }
0x6d: {  	_ =	shalt  }
0x6e: {  	_ =	shalt  }
0x6f: {  	_ =	shalt  }
0x70: {  	_ =	shalt  }
0x71: {  	_ =	shalt  }
0x72: {  	_ =	shalt  }
0x73: {  	_ =	shalt  }
0x74: {  	_ =	shalt  }
0x75: {  	_ =	shalt  }
0x76: {  	_ =	shalt  }
0x77: {  	_ =	shalt  }
0x78: {  	_ =	shalt  }
0x79: {  	_ =	shalt  }
0x7a: {  	_ =	shalt  }
0x7b: {  	_ =	shalt  }
0x7c: {  	_ =	shalt  }
0x7d: {  	_ =	shalt  }
0x7e: {  	_ =	shalt  }
0x7f: {  	_ =	shalt  }
0x80: {  	_ =	shalt  }
0x81: {  	_ =	shalt  }
0x82: {  	_ =	shalt  }
0x83: {  	_ =	shalt  }
0x84: {  	_ =	shalt  }
0x85: {  	_ =	shalt  }
0x86: {  	_ =	shalt  }
0x87: {  	_ =	shalt  }
.Lfunc_end0:
.L_simem_size_0:
called_computation_lowered:
.L_overlay_start_0:
0x88: {  	s2 =	sld [smem:$0x3FD9]  }
0x89: {  	s3 =	sld [smem:$0x3FFE];
	_ =	sdelay $0x1  }
0x8a: {  	s1 =	srdreg.scid  }
0x8b: {  	s0 =	sand.u32 $0x1, s1  }
0x8c: {  	s17 =	sshll.u32 s0, $0xA;
	s2 =	sadd.s32 s3, s2  }
0x8d: {  	s2 =	sadd.s32 s2, s17  }
0x8e: {  	[smem:$0x3FBD] =	sst s2  }
0x8f: {  	_ = 	snop  }
0x90: {  	s2 =	sld [smem:$0x3FD0];
	(tm) =	ssettm $0x1  }
0x91: {  	s18 =	sld [smem:$0x3FFB];
	_ =	sdelay $0x3  }
0x92: {  	_ =	strace s18  }
0x93: {  	s3 =	sld [smem:$0x3FFC];
	_ =	sdelay $0x3  }
0x94: {  	_ =	strace s3  }
0x95: {  	s3 =	sld [smem:$0x3FFD];
	_ =	sdelay $0x3  }
0x96: {  	_ =	strace s3  }
0x97: {  	_ =	strace $0x8FFFFFFF  }
0x98: {  	s19 =	sld [smem:$0x3FDB];
	_ =	sdelay $0x1  }
0x99: {  	s4 =	simm.s32 $_scs_section_size  }
0x9a: {  	s5 =	simm.s32 $_size__tile_overlayer_lowered;
	s6 =	simm.s32 $_tile_overlayer_lowered  }
0x9b: {  	s22 =	simm.s32 $0x1BFF;
	s21 =	sshll.u32 s6, $0x1;
	s3 =	sadd.s32 s4, s19  }
0x9c: {  	s7 =	simm.s32 $0x0;
	s20 =	sshll.u32 s5, $0x1;
	s5 =	sadd.s32 s21, s3  }
0x9d: {  	[timem:s7], [sflag:s22] =	dma.local [hbm:s5], s20  }
0x9e: {  	_ =	swait.ge [sflag:s22], s20  }
0x9f: {  	s4 =	ssub.s32 $0x0, s20;
	[sflag:s22] =	ssyncset.done $0x0  }
0xa0: {  	[sflag:s22] =	ssyncadd.s32 s4;
	_ =	sdelay $0x1  }
0xa1: {  	s23 =	simm.s32 $0x1B8B  }
0xa2: {  	_ =	swait.ge [sflag:s23], $0x1  }
0xa3: {  	[sflag:s23] =	ssyncset.done $0x0  }
0xa4: {  	s25 =	simm.s32 $0x1B8E;
	s24 =	sld [smem:$0x3FFE];
	[sflag:s23] =	ssyncadd.s32 $0xFFFFFFFF  }
0xa5: {  	s26 =	simm.s32 $execute0_lowered;
	[smem:$0x3FD2] =	sst s25  }
0xa6: {  	s5 =	sshll.u32 s26, $0x1;
	_ =	strace $0x80000046;
	[dreg:$0x1] =	wrdreg $0xFFFFFFFF  }
0xa7: {  	s28 =	simm.s32 $_size_execute0_lowered;
	s3 =	sadd.s32 s3, s5;
	[dreg:$0x0] =	wrdreg $0x0  }
0xa8: {  	s5 =	sshll.u32 s28, $0x1;
	[dreg:$0x2] =	wrdreg s3  }
0xa9: {  	[dreg:$0x3] =	wrdreg s5  }
0xaa: {  	[dreg:$0x4] =	wrdreg $0xC0  }
0xab: {  	_ =	task [dreg:s7], $0x5FFFF  }
0xac: {  	[dreg:$0x1] =	wrdreg $0xFFFFFFFF  }
0xad: {  	[dreg:$0x0] =	wrdreg $0x60  }
0xae: {  	[dreg:$0x2] =	wrdreg s24  }
0xaf: {  	[dreg:$0x3] =	wrdreg s2  }
0xb0: {  	[dreg:$0x4] =	wrdreg $0xC4000  }
0xb1: {  	[dreg:$0x5] =	wrdreg $0x9  }
0xb2: {  	_ =	task.clear_ibuf [dreg:s7], $0x6FFFF;
	_ =	strace $0x90000046  }
0xb3: {  	s29 =	simm.s32 $0x9;
	_ =	strace $0x80000048  }
0xb4: {  	_ =	swait.ge [sflag:s29], $0x1  }
0xb5: {  	[sflag:s29] =	ssyncadd.s32 $0xFFFFFFFF  }
0xb6: {  	_ =	strace $0x90000048  }
0xb7: {  	_ =	sfence  }
0xb8: {  	s30 =	sld [smem:$0x0];
	_ =	sdelay $0x2  }
0xb9: {  	s31 =	sshll.u32 s1, $0xD;
	s1 =	sshrl.u32 s1, $0x2  }
0xba: {  	s3 =	sand.u32 $0x4000, s31;
	s1 =	sadd.s32 s1, s30  }
0xbb: {  	s0 =	sor.u32 s3, s0;
	s1 =	sshll.u32 s1, $0x11  }
0xbc: {  	s0 =	sor.u32 s1, s0  }
0xbd: {  	s0 =	sadd.s32 $0x8F2B, s0  }
0xbe: {  	[sflag:s0] =	ssyncadd.remote.s32 $0x1  }
0xbf: {  	_ =	sfence.sel $0xFFFF  }
0xc0: {  	[dreg:$0x0] =	wrdreg $0xFFFFFFFF;
	(pc) =	sbr.abs _section_cstart, $3  }
0xc1: {  	[dreg:$0x1] =	wrdreg $0xFFFFFFFF  }
0xc2: {  	_ =	task.clear_ibuf [dreg:s7], $0x2FFFF;
	_ =	strace $0x9FFFFFFF  }
0xc3: {  	(tm) =	ssettm $0x7FFFFFFF  }
tec
execute0_lowered:
.L_overlay_start_1:
0x0: {  	(tag) =	ssettag $0x1  }
0x1: {  	s0 =	rddreg [dreg:$0x0]  }
0x2: {  	s3 =	rddreg [dreg:$0x2];
	s12 =	stileid.u32  }
0x3: {  	s1 =	srdreg.scid;
	s4 =	simm.s32 $0x0;
	s6 =	smul.u32 $0x13C00, s12  }
0x4: {  	s1 =	sand.u32 $0x1, s1;
	s5 =	sshll.u32 s12, $0x1;
	s24 =	smul.u32 $0x4EC0, s12  }
0x5: {  	[smem:$0x7FF] =	sst s4;
	s8 =	sadd.s32 $0xE600, s0;
	s2 =	smul.u32 $0x140000, s1  }
0x6: {  	s5 =	sor.u32 s1, s5;
	s7 =	ssub.s32 $0x2, s1;
	s1 =	smul.u32 $0x2760, s1  }
0x7: {  	s9 =	sadd.s32 $0x4800, s0;
	s28 =	sadd.s32 $0x18400, s0;
	s5 =	smul.u32 $0x2760, s5  }
0x8: {  	_ =	strace $0x80000047;
	s10 =	sshrl.u32 s7, $0x1;
	s2 =	sadd.s32 s6, s2  }
0x9: {  	s6 =	ssub.s32 s7, s10;
	s1 =	sadd.s32 s1, s24;
	s5 =	sshrl.u32 s5, $0x3  }
0xa: {  	s15 =	sadd.s32 $0x300, s1;
	s19 =	sadd.s32 $0x2A0, s1;
	s22 =	sadd.s32 s9, s5  }
0xb: {  	s23 =	sadd.s32 s8, s5;
	s25 =	sadd.s32 $0xC, s5;
	s11 =	sadd.s32 $0x18, s5  }
0xc: {  	s14 =	sadd.s32 $0x30, s5;
	s17 =	sshrl.u32 s15, $0x3;
	[dreg:$0x8] =	wrdreg s22  }
0xd: {  	s21 =	sshrl.u32 s19, $0x3;
	[dreg:$0x9] =	wrdreg s23;
	s13 =	sadd.s32 s9, s25  }
0xe: {  	s19 =	smul.u32 $0x4F000, s12;
	s10 =	sadd.s32 s8, s25;
	[dreg:$0xa] =	wrdreg s13  }
0xf: {  	s26 =	sadd.s32 s9, s11;
	s29 =	sadd.s32 s8, s11;
	[dreg:$0xb] =	wrdreg s10  }
0x10: {  	s11 =	sadd.s32 $0x24, s5;
	s16 =	sadd.s32 s9, s14;
	[dreg:$0xc] =	wrdreg s26  }
0x11: {  	s7 =	sadd.s32 s8, s14;
	s18 =	sadd.s32 s17, s8;
	[dreg:$0xd] =	wrdreg s29  }
0x12: {  	s20 =	sadd.s32 s17, s9;
	s22 =	sadd.s32 $0x4BC, s5;
	[dreg:$0x10] =	wrdreg s16  }
0x13: {  	s23 =	sadd.s32 s21, s8;
	s25 =	sadd.s32 s21, s9;
	[dreg:$0x11] =	wrdreg s7  }
0x14: {  	s14 =	sadd.s32 $0x4D4, s5;
	s13 =	sadd.s32 s9, s11;
	[dreg:$0x4] =	wrdreg s18  }
0x15: {  	s10 =	sadd.s32 s8, s11;
	[dreg:$0x5] =	wrdreg s20;
	s24 =	sadd.s32 s9, s22  }
0x16: {  	[dreg:$0x6] =	wrdreg s23;
	s26 =	sadd.s32 s8, s22;
	s29 =	sadd.s32 $0x4C8, s5  }
0x17: {  	[dreg:$0x7] =	wrdreg s25;
	s5 =	sadd.s32 $0x4E0, s5;
	s15 =	sadd.s32 s9, s14  }
0x18: {  	s16 =	sadd.s32 $0x240, s1;
	s7 =	sadd.s32 s8, s14;
	[dreg:$0xe] =	wrdreg s13  }
0x19: {  	s1 =	sadd.s32 $0x1E0, s1;
	s20 =	sshrl.u32 s2, $0x3;
	[dreg:$0xf] =	wrdreg s10  }
0x1a: {  	s21 =	sshrl.u32 s19, $0x2;
	s22 =	sshll.u32 s12, $0x6;
	[dreg:$0x12] =	wrdreg s24  }
0x1b: {  	s2 =	simm.s32 $0x200;
	s12 =	simm.s32 $0x3400;
	[dreg:$0x13] =	wrdreg s26  }
0x1c: {  	s14 =	simm.s32 $0x380;
	s11 =	sadd.s32 s9, s29;
	[dreg:$0x16] =	wrdreg s15  }
0x1d: {  	s13 =	sadd.s32 s8, s29;
	[dreg:$0x17] =	wrdreg s7;
	s17 =	sshrl.u32 s16, $0x3  }
0x1e: {  	s18 =	sadd.s32 s9, s5;
	s5 =	sadd.s32 s8, s5;
	s1 =	sshrl.u32 s1, $0x3  }
0x1f: {  	s29 =	sadd.s32 s21, s3;
	s30 =	sor.u32 $0x1C03, s22;
	[dreg:$0x14] =	wrdreg s11  }
0x20: {  	s7 =	simm.s32 $0x300;
	s10 =	simm.s32 $0x60;
	[dreg:$0x15] =	wrdreg s13  }
0x21: {  	s15 =	simm.s32 $0x180;
	s16 =	simm.s32 $0x2;
	[dreg:$0x18] =	wrdreg s18  }
0x22: {  	[dreg:$0x19] =	wrdreg s5;
	s23 =	sadd.s32 s17, s8;
	s24 =	sadd.s32 s17, s9  }
0x23: {  	s25 =	sadd.s32 s1, s8;
	s26 =	sadd.s32 s1, s9;
	s1 =	sadd.s32 s20, s0  }
0x24: {  	[dreg:$0x1a] =	wrdreg s29;
	s0 =	smax.u32 s6, $0x1;
	s5 =	simm.s32 $0x280  }
0x25: {  	s6 =	simm.s32 $0x80;
	s8 =	simm.s32 $0x100;
	s9 =	simm.s32 $0x1  }
0x26: {  	s11 =	simm.s32 $0x400;
	s13 =	simm.s32 $0x6400;
	s17 =	simm.s32 $0x9400  }
0x27: {  	s18 =	simm.s32 $0x0;
	s31 =	sadd.s32 $0x40400, s1;
	s1 =	simm.s32 $0x3  }
.LBB2_1:
0x28: {  	s19 =	rddreg [dreg:$0x1a]  }
0x29: {  	s20 =	rddreg [dreg:$0x1];
	s19 =	sshrl.u32 s19, $0x3  }
0x2a: {  	[spmem:s19], [sflag:s30] =	dma.local [hbm:s20], $0x2780  }
0x2b: {  	_ =	swait.ge [sflag:s1], $0x2780  }
0x2c: {  	[sflag:s1] =	ssyncset.done $0x0  }
0x2d: {  	[sflag:s1] =	ssyncadd.s32 $0xFFFFD880  }
0x2e: {  	[bflag:$0x0] =	sbarrier.arrive $0xFFFF  }
0x2f: {  	s29 =	rddreg [dreg:$0x8]  }
0x30: {  	[tilespmem:s2], [sflag:$0x1] =	stream.linear.gather [hbm4b:s29+s4], $0x60, $0x38;
	v63 =	vld [tilespmem:$0x0]  }
0x31: {  	s21 =	rddreg [dreg:$0x9]  }
0x32: {  	[tilespmem:s4], [sflag:$0x1] =	stream.linear.gather [hbm4b:s21+s4], $0x60, $0x38;
	v63 =	vld [tilespmem:$0x0]  }
0x33: {  	s22 =	rddreg [dreg:$0xa]  }
0x34: {  	[tilespmem:s5], [sflag:$0x1] =	stream.linear.gather [hbm4b:s22+s4], $0x60, $0x38;
	v63 =	vld [tilespmem:$0x0]  }
0x35: {  	s29 =	rddreg [dreg:$0xb]  }
0x36: {  	[tilespmem:s6], [sflag:$0x1] =	stream.linear.gather [hbm4b:s29+s4], $0x60, $0x38;
	v63 =	vld [tilespmem:$0x0]  }
0x37: {  	s21 =	rddreg [dreg:$0xc]  }
0x38: {  	[tilespmem:s7], [sflag:$0x1] =	stream.linear.gather [hbm4b:s21+s4], $0x60, $0x38;
	v63 =	vld [tilespmem:$0x0]  }
0x39: {  	s22 =	rddreg [dreg:$0xd]  }
0x3a: {  	[tilespmem:s8], [sflag:$0x1] =	stream.linear.gather [hbm4b:s22+s4], $0x60, $0x38;
	v63 =	vld [tilespmem:$0x0]  }
0x3b: {  	_ =	swait.ge [sflag:s9], $0x60  }
0x3c: {  	[sflag:s9] =	ssyncset.done $0x0  }
0x3d: {  	[sflag:s9] =	ssyncadd.s32 $0xFFFFFFA0  }
0x3e: {  	_ =	swait.ge [sflag:s9], $0x60  }
0x3f: {  	[sflag:s9] =	ssyncset.done $0x0  }
0x40: {  	[sflag:s9] =	ssyncadd.s32 $0xFFFFFFA0  }
0x41: {  	[tilespmem:s11], [sflag:$0x2] =	stream.indirect.gather [hbm4b:s28+s10], $0x80, s4, s10, $0xb8;
	v63 =	vld [tilespmem:$0x0]  }
0x42: {  	_ =	swait.ge [sflag:s9], $0x60  }
0x43: {  	[sflag:s9] =	ssyncset.done $0x0  }
0x44: {  	[sflag:s9] =	ssyncadd.s32 $0xFFFFFFA0  }
0x45: {  	_ =	swait.ge [sflag:s9], $0x60  }
0x46: {  	[sflag:s9] =	ssyncset.done $0x0  }
0x47: {  	[sflag:s9] =	ssyncadd.s32 $0xFFFFFFA0  }
0x48: {  	[tilespmem:s12], [sflag:$0x2] =	stream.indirect.gather [hbm4b:s28+s10], $0x80, s6, s10, $0xb8;
	v63 =	vld [tilespmem:$0x0]  }
0x49: {  	_ =	swait.ge [sflag:s9], $0x60  }
0x4a: {  	[sflag:s9] =	ssyncset.done $0x0  }
0x4b: {  	[sflag:s9] =	ssyncadd.s32 $0xFFFFFFA0  }
0x4c: {  	_ =	swait.ge [sflag:s9], $0x60  }
0x4d: {  	[sflag:s9] =	ssyncset.done $0x0  }
0x4e: {  	[sflag:s9] =	ssyncadd.s32 $0xFFFFFFA0  }
0x4f: {  	[tilespmem:s13], [sflag:$0x2] =	stream.indirect.gather [hbm4b:s28+s10], $0x80, s8, s10, $0xb8;
	v63 =	vld [tilespmem:$0x0]  }
0x50: {  	s29 =	rddreg [dreg:$0xe]  }
0x51: {  	[tilespmem:s14], [sflag:$0x1] =	stream.linear.gather [hbm4b:s29+s4], $0x60, $0x38;
	v63 =	vld [tilespmem:$0x0]  }
0x52: {  	s21 =	rddreg [dreg:$0xf]  }
0x53: {  	[tilespmem:s15], [sflag:$0x1] =	stream.linear.gather [hbm4b:s21+s4], $0x60, $0x38;
	v63 =	vld [tilespmem:$0x0]  }
0x54: {  	_ =	swait.ge [sflag:s16], $0x3000  }
0x55: {  	[sflag:s16] =	ssyncset.done $0x0  }
0x56: {  	[sflag:s16] =	ssyncadd.s32 $0xFFFFD000  }
0x57: {  	[spmem:s3] =	stream.indirect.scatter.add.f32 [tilespmem:s11], [sflag:$0x3], $0x80, s2, s10, $0xb8;
	v63 =	vld [tilespmem:$0x0]  }
0x58: {  	_ =	swait.ge [sflag:s1], $0x3000  }
0x59: {  	[sflag:s1] =	ssyncset.done $0x0  }
0x5a: {  	[sflag:s1] =	ssyncadd.s32 $0xFFFFD000  }
0x5b: {  	_ =	swait.ge [sflag:s9], $0x60  }
0x5c: {  	[sflag:s9] =	ssyncset.done $0x0  }
0x5d: {  	[sflag:s9] =	ssyncadd.s32 $0xFFFFFFA0  }
0x5e: {  	_ =	swait.ge [sflag:s9], $0x60  }
0x5f: {  	[sflag:s9] =	ssyncset.done $0x0  }
0x60: {  	[sflag:s9] =	ssyncadd.s32 $0xFFFFFFA0  }
0x61: {  	[tilespmem:s17], [sflag:$0x2] =	stream.indirect.gather [hbm4b:s28+s10], $0x80, s15, s10, $0xb8;
	v63 =	vld [tilespmem:$0x0]  }
0x62: {  	s22 =	rddreg [dreg:$0x10]  }
0x63: {  	[tilespmem:s2], [sflag:$0x1] =	stream.linear.gather [hbm4b:s22+s4], $0x60, $0x38;
	v63 =	vld [tilespmem:$0x0]  }
0x64: {  	s29 =	rddreg [dreg:$0x11]  }
0x65: {  	[tilespmem:s4], [sflag:$0x1] =	stream.linear.gather [hbm4b:s29+s4], $0x60, $0x38;
	v63 =	vld [tilespmem:$0x0]  }
0x66: {  	_ =	swait.ge [sflag:s16], $0x3000  }
0x67: {  	[sflag:s16] =	ssyncset.done $0x0  }
0x68: {  	[sflag:s16] =	ssyncadd.s32 $0xFFFFD000  }
0x69: {  	[spmem:s3] =	stream.indirect.scatter.add.f32 [tilespmem:s12], [sflag:$0x3], $0x80, s5, s10, $0xb8;
	v63 =	vld [tilespmem:$0x0]  }
0x6a: {  	_ =	swait.ge [sflag:s1], $0x3000  }
0x6b: {  	[sflag:s1] =	ssyncset.done $0x0  }
0x6c: {  	[sflag:s1] =	ssyncadd.s32 $0xFFFFD000  }
0x6d: {  	_ =	swait.ge [sflag:s9], $0x60  }
0x6e: {  	[sflag:s9] =	ssyncset.done $0x0  }
0x6f: {  	[sflag:s9] =	ssyncadd.s32 $0xFFFFFFA0  }
0x70: {  	_ =	swait.ge [sflag:s9], $0x60  }
0x71: {  	[sflag:s9] =	ssyncset.done $0x0  }
0x72: {  	[sflag:s9] =	ssyncadd.s32 $0xFFFFFFA0  }
0x73: {  	[tilespmem:s11], [sflag:$0x2] =	stream.indirect.gather [hbm4b:s28+s10], $0x80, s4, s10, $0xb8;
	v63 =	vld [tilespmem:$0x0]  }
0x74: {  	s21 =	sadd.s32 $0x0, s26  }
0x75: {  	[tilespmem:s5], [sflag:$0x1] =	stream.linear.gather [hbm4b:s21+s4], $0x60, $0x38;
	v63 =	vld [tilespmem:$0x0]  }
0x76: {  	s22 =	sadd.s32 $0x0, s25  }
0x77: {  	[tilespmem:s6], [sflag:$0x1] =	stream.linear.gather [hbm4b:s22+s4], $0x60, $0x38;
	v63 =	vld [tilespmem:$0x0]  }
0x78: {  	_ =	swait.ge [sflag:s16], $0x3000  }
0x79: {  	[sflag:s16] =	ssyncset.done $0x0  }
0x7a: {  	[sflag:s16] =	ssyncadd.s32 $0xFFFFD000  }
0x7b: {  	[spmem:s3] =	stream.indirect.scatter.add.f32 [tilespmem:s13], [sflag:$0x3], $0x80, s7, s10, $0xb8;
	v63 =	vld [tilespmem:$0x0]  }
0x7c: {  	_ =	swait.ge [sflag:s1], $0x3000  }
0x7d: {  	[sflag:s1] =	ssyncset.done $0x0  }
0x7e: {  	[sflag:s1] =	ssyncadd.s32 $0xFFFFD000  }
0x7f: {  	_ =	swait.ge [sflag:s9], $0x60  }
0x80: {  	[sflag:s9] =	ssyncset.done $0x0  }
0x81: {  	[sflag:s9] =	ssyncadd.s32 $0xFFFFFFA0  }
0x82: {  	_ =	swait.ge [sflag:s9], $0x60  }
0x83: {  	[sflag:s9] =	ssyncset.done $0x0  }
0x84: {  	[sflag:s9] =	ssyncadd.s32 $0xFFFFFFA0  }
0x85: {  	[tilespmem:s12], [sflag:$0x2] =	stream.indirect.gather [hbm4b:s28+s10], $0x80, s6, s10, $0xb8;
	v63 =	vld [tilespmem:$0x0]  }
0x86: {  	s29 =	sadd.s32 $0x0, s24  }
0x87: {  	[tilespmem:s7], [sflag:$0x1] =	stream.linear.gather [hbm4b:s29+s4], $0x60, $0x38;
	v63 =	vld [tilespmem:$0x0]  }
0x88: {  	s21 =	sadd.s32 $0x0, s23  }
0x89: {  	[tilespmem:s8], [sflag:$0x1] =	stream.linear.gather [hbm4b:s21+s4], $0x60, $0x38;
	v63 =	vld [tilespmem:$0x0]  }
0x8a: {  	_ =	swait.ge [sflag:s16], $0x3000  }
0x8b: {  	[sflag:s16] =	ssyncset.done $0x0  }
0x8c: {  	[sflag:s16] =	ssyncadd.s32 $0xFFFFD000  }
0x8d: {  	[spmem:s3] =	stream.indirect.scatter.add.f32 [tilespmem:s17], [sflag:$0x3], $0x80, s14, s10, $0xb8;
	v63 =	vld [tilespmem:$0x0]  }
0x8e: {  	_ =	swait.ge [sflag:s1], $0x3000  }
0x8f: {  	[sflag:s1] =	ssyncset.done $0x0  }
0x90: {  	[sflag:s1] =	ssyncadd.s32 $0xFFFFD000  }
0x91: {  	_ =	swait.ge [sflag:s9], $0x60  }
0x92: {  	[sflag:s9] =	ssyncset.done $0x0  }
0x93: {  	[sflag:s9] =	ssyncadd.s32 $0xFFFFFFA0  }
0x94: {  	_ =	swait.ge [sflag:s9], $0x60  }
0x95: {  	[sflag:s9] =	ssyncset.done $0x0  }
0x96: {  	s22 =	rddreg [dreg:$0x7];
	[sflag:s9] =	ssyncadd.s32 $0xFFFFFFA0  }
0x97: {  	[tilespmem:s13], [sflag:$0x2] =	stream.indirect.gather [hbm4b:s28+s10], $0x80, s8, s10, $0xb8;
	v63 =	vld [tilespmem:$0x0]  }
0x98: {  	s21 =	rddreg [dreg:$0x6];
	s20 =	sadd.s32 $0x0, s22  }
0x99: {  	[tilespmem:s14], [sflag:$0x1] =	stream.linear.gather [hbm4b:s20+s4], $0x60, $0x38;
	v63 =	vld [tilespmem:$0x0]  }
0x9a: {  	s29 =	sadd.s32 $0x0, s21  }
0x9b: {  	[tilespmem:s15], [sflag:$0x1] =	stream.linear.gather [hbm4b:s29+s4], $0x60, $0x38;
	v63 =	vld [tilespmem:$0x0]  }
0x9c: {  	_ =	swait.ge [sflag:s16], $0x3000  }
0x9d: {  	[sflag:s16] =	ssyncset.done $0x0  }
0x9e: {  	[sflag:s16] =	ssyncadd.s32 $0xFFFFD000  }
0x9f: {  	[spmem:s3] =	stream.indirect.scatter.add.f32 [tilespmem:s11], [sflag:$0x3], $0x80, s2, s10, $0xb8;
	v63 =	vld [tilespmem:$0x0]  }
0xa0: {  	_ =	swait.ge [sflag:s1], $0x3000  }
0xa1: {  	[sflag:s1] =	ssyncset.done $0x0  }
0xa2: {  	[sflag:s1] =	ssyncadd.s32 $0xFFFFD000  }
0xa3: {  	_ =	swait.ge [sflag:s9], $0x60  }
0xa4: {  	[sflag:s9] =	ssyncset.done $0x0  }
0xa5: {  	[sflag:s9] =	ssyncadd.s32 $0xFFFFFFA0  }
0xa6: {  	_ =	swait.ge [sflag:s9], $0x60  }
0xa7: {  	[sflag:s9] =	ssyncset.done $0x0  }
0xa8: {  	s21 =	rddreg [dreg:$0x5];
	[sflag:s9] =	ssyncadd.s32 $0xFFFFFFA0  }
0xa9: {  	[tilespmem:s17], [sflag:$0x2] =	stream.indirect.gather [hbm4b:s28+s10], $0x80, s15, s10, $0xb8;
	v63 =	vld [tilespmem:$0x0]  }
0xaa: {  	s22 =	rddreg [dreg:$0x4];
	s20 =	sadd.s32 $0x0, s21  }
0xab: {  	[tilespmem:s2], [sflag:$0x1] =	stream.linear.gather [hbm4b:s20+s4], $0x60, $0x38;
	v63 =	vld [tilespmem:$0x0]  }
0xac: {  	s29 =	sadd.s32 $0x0, s22  }
0xad: {  	[tilespmem:s4], [sflag:$0x1] =	stream.linear.gather [hbm4b:s29+s4], $0x60, $0x38;
	v63 =	vld [tilespmem:$0x0]  }
0xae: {  	_ =	swait.ge [sflag:s16], $0x3000  }
0xaf: {  	[sflag:s16] =	ssyncset.done $0x0  }
0xb0: {  	[sflag:s16] =	ssyncadd.s32 $0xFFFFD000  }
0xb1: {  	[spmem:s3] =	stream.indirect.scatter.add.f32 [tilespmem:s12], [sflag:$0x3], $0x80, s5, s10, $0xb8;
	v63 =	vld [tilespmem:$0x0]  }
0xb2: {  	_ =	swait.ge [sflag:s1], $0x3000  }
0xb3: {  	s20 =	simm.s32 $0x30;
	[sflag:s1] =	ssyncset.done $0x0  }
.LBB2_2:
0xb4: {  	[sflag:s1] =	ssyncadd.s32 $0xFFFFD000  }
0xb5: {  	_ =	swait.ge [sflag:s9], $0x60  }
0xb6: {  	[sflag:s9] =	ssyncset.done $0x0  }
0xb7: {  	[sflag:s9] =	ssyncadd.s32 $0xFFFFFFA0  }
0xb8: {  	_ =	swait.ge [sflag:s9], $0x60  }
0xb9: {  	[sflag:s9] =	ssyncset.done $0x0  }
0xba: {  	s21 =	smov.u32 s20;
	[sflag:s9] =	ssyncadd.s32 $0xFFFFFFA0  }
0xbb: {  	[tilespmem:s11], [sflag:$0x2] =	stream.indirect.gather [hbm4b:s28+s10], $0x80, s4, s10, $0xb8;
	v63 =	vld [tilespmem:$0x0]  }
0xbc: {  	s22 =	sadd.s32 s21, s26  }
0xbd: {  	[tilespmem:s5], [sflag:$0x1] =	stream.linear.gather [hbm4b:s22+s4], $0x60, $0x38;
	v63 =	vld [tilespmem:$0x0]  }
0xbe: {  	s29 =	sadd.s32 s21, s25  }
0xbf: {  	[tilespmem:s6], [sflag:$0x1] =	stream.linear.gather [hbm4b:s29+s4], $0x60, $0x38;
	v63 =	vld [tilespmem:$0x0]  }
0xc0: {  	_ =	swait.ge [sflag:s16], $0x3000  }
0xc1: {  	[sflag:s16] =	ssyncset.done $0x0  }
0xc2: {  	[sflag:s16] =	ssyncadd.s32 $0xFFFFD000  }
0xc3: {  	[spmem:s3] =	stream.indirect.scatter.add.f32 [tilespmem:s13], [sflag:$0x3], $0x80, s7, s10, $0xb8;
	v63 =	vld [tilespmem:$0x0]  }
0xc4: {  	_ =	swait.ge [sflag:s1], $0x3000  }
0xc5: {  	[sflag:s1] =	ssyncset.done $0x0  }
0xc6: {  	[sflag:s1] =	ssyncadd.s32 $0xFFFFD000  }
0xc7: {  	_ =	swait.ge [sflag:s9], $0x60  }
0xc8: {  	[sflag:s9] =	ssyncset.done $0x0  }
0xc9: {  	[sflag:s9] =	ssyncadd.s32 $0xFFFFFFA0  }
0xca: {  	_ =	swait.ge [sflag:s9], $0x60  }
0xcb: {  	[sflag:s9] =	ssyncset.done $0x0  }
0xcc: {  	[sflag:s9] =	ssyncadd.s32 $0xFFFFFFA0  }
0xcd: {  	[tilespmem:s12], [sflag:$0x2] =	stream.indirect.gather [hbm4b:s28+s10], $0x80, s6, s10, $0xb8;
	v63 =	vld [tilespmem:$0x0]  }
0xce: {  	s29 =	sadd.s32 s21, s24  }
0xcf: {  	[tilespmem:s7], [sflag:$0x1] =	stream.linear.gather [hbm4b:s29+s4], $0x60, $0x38;
	v63 =	vld [tilespmem:$0x0]  }
0xd0: {  	s29 =	sadd.s32 s21, s23  }
0xd1: {  	[tilespmem:s8], [sflag:$0x1] =	stream.linear.gather [hbm4b:s29+s4], $0x60, $0x38;
	v63 =	vld [tilespmem:$0x0]  }
0xd2: {  	_ =	swait.ge [sflag:s16], $0x3000  }
0xd3: {  	[sflag:s16] =	ssyncset.done $0x0  }
0xd4: {  	[sflag:s16] =	ssyncadd.s32 $0xFFFFD000  }
0xd5: {  	[spmem:s3] =	stream.indirect.scatter.add.f32 [tilespmem:s17], [sflag:$0x3], $0x80, s14, s10, $0xb8;
	v63 =	vld [tilespmem:$0x0]  }
0xd6: {  	_ =	swait.ge [sflag:s1], $0x3000  }
0xd7: {  	[sflag:s1] =	ssyncset.done $0x0  }
0xd8: {  	[sflag:s1] =	ssyncadd.s32 $0xFFFFD000  }
0xd9: {  	_ =	swait.ge [sflag:s9], $0x60  }
0xda: {  	[sflag:s9] =	ssyncset.done $0x0  }
0xdb: {  	[sflag:s9] =	ssyncadd.s32 $0xFFFFFFA0  }
0xdc: {  	_ =	swait.ge [sflag:s9], $0x60  }
0xdd: {  	[sflag:s9] =	ssyncset.done $0x0  }
0xde: {  	s22 =	rddreg [dreg:$0x7];
	[sflag:s9] =	ssyncadd.s32 $0xFFFFFFA0  }
0xdf: {  	[tilespmem:s13], [sflag:$0x2] =	stream.indirect.gather [hbm4b:s28+s10], $0x80, s8, s10, $0xb8;
	v63 =	vld [tilespmem:$0x0]  }
0xe0: {  	s29 =	rddreg [dreg:$0x6];
	s22 =	sadd.s32 s21, s22  }
0xe1: {  	[tilespmem:s14], [sflag:$0x1] =	stream.linear.gather [hbm4b:s22+s4], $0x60, $0x38;
	v63 =	vld [tilespmem:$0x0]  }
0xe2: {  	s29 =	sadd.s32 s21, s29  }
0xe3: {  	[tilespmem:s15], [sflag:$0x1] =	stream.linear.gather [hbm4b:s29+s4], $0x60, $0x38;
	v63 =	vld [tilespmem:$0x0]  }
0xe4: {  	_ =	swait.ge [sflag:s16], $0x3000  }
0xe5: {  	[sflag:s16] =	ssyncset.done $0x0  }
0xe6: {  	[sflag:s16] =	ssyncadd.s32 $0xFFFFD000  }
0xe7: {  	[spmem:s3] =	stream.indirect.scatter.add.f32 [tilespmem:s11], [sflag:$0x3], $0x80, s2, s10, $0xb8;
	v63 =	vld [tilespmem:$0x0]  }
0xe8: {  	_ =	swait.ge [sflag:s1], $0x3000  }
0xe9: {  	[sflag:s1] =	ssyncset.done $0x0  }
0xea: {  	[sflag:s1] =	ssyncadd.s32 $0xFFFFD000  }
0xeb: {  	_ =	swait.ge [sflag:s9], $0x60  }
0xec: {  	[sflag:s9] =	ssyncset.done $0x0  }
0xed: {  	[sflag:s9] =	ssyncadd.s32 $0xFFFFFFA0  }
0xee: {  	_ =	swait.ge [sflag:s9], $0x60  }
0xef: {  	[sflag:s9] =	ssyncset.done $0x0  }
0xf0: {  	s22 =	rddreg [dreg:$0x5];
	[sflag:s9] =	ssyncadd.s32 $0xFFFFFFA0  }
0xf1: {  	[tilespmem:s17], [sflag:$0x2] =	stream.indirect.gather [hbm4b:s28+s10], $0x80, s15, s10, $0xb8;
	v63 =	vld [tilespmem:$0x0]  }
0xf2: {  	s29 =	rddreg [dreg:$0x4];
	s22 =	sadd.s32 s21, s22  }
0xf3: {  	[tilespmem:s2], [sflag:$0x1] =	stream.linear.gather [hbm4b:s22+s4], $0x60, $0x38;
	v63 =	vld [tilespmem:$0x0]  }
0xf4: {  	s21 =	sadd.s32 s21, s29  }
0xf5: {  	[tilespmem:s4], [sflag:$0x1] =	stream.linear.gather [hbm4b:s21+s4], $0x60, $0x38;
	v63 =	vld [tilespmem:$0x0]  }
0xf6: {  	p0 =	sne.s32 s20, $0x450;
	_ =	swait.ge [sflag:s16], $0x3000  }
.Ltmp0:
0xf7: {  	[sflag:s16] =	ssyncset.done $0x0;
	(pc) =	sbr.rel @p0 .LBB2_2-.Ltmp0, $4  }
0xf8: {  	[sflag:s16] =	ssyncadd.s32 $0xFFFFD000  }
0xf9: {  	[spmem:s3] =	stream.indirect.scatter.add.f32 [tilespmem:s12], [sflag:$0x3], $0x80, s5, s10, $0xb8;
	v63 =	vld [tilespmem:$0x0]  }
0xfa: {  	_ =	swait.ge [sflag:s1], $0x3000  }
0xfb: {  	s20 =	sadd.s32 $0x30, s20;
	[sflag:s1] =	ssyncset.done $0x0  }
0xfc: {  	[sflag:s1] =	ssyncadd.s32 $0xFFFFD000  }
0xfd: {  	_ =	swait.ge [sflag:s9], $0x60  }
0xfe: {  	[sflag:s9] =	ssyncset.done $0x0  }
0xff: {  	[sflag:s9] =	ssyncadd.s32 $0xFFFFFFA0  }
0x100: {  	_ =	swait.ge [sflag:s9], $0x60  }
0x101: {  	[sflag:s9] =	ssyncset.done $0x0  }
0x102: {  	[sflag:s9] =	ssyncadd.s32 $0xFFFFFFA0  }
0x103: {  	[tilespmem:s11], [sflag:$0x2] =	stream.indirect.gather [hbm4b:s28+s10], $0x80, s4, s10, $0xb8;
	v63 =	vld [tilespmem:$0x0]  }
0x104: {  	s20 =	rddreg [dreg:$0x12]  }
0x105: {  	[tilespmem:s5], [sflag:$0x1] =	stream.linear.gather [hbm4b:s20+s4], $0x60, $0x38;
	v63 =	vld [tilespmem:$0x0]  }
0x106: {  	s29 =	rddreg [dreg:$0x13]  }
0x107: {  	[tilespmem:s6], [sflag:$0x1] =	stream.linear.gather [hbm4b:s29+s4], $0x60, $0x38;
	v63 =	vld [tilespmem:$0x0]  }
0x108: {  	_ =	swait.ge [sflag:s16], $0x3000  }
0x109: {  	[sflag:s16] =	ssyncset.done $0x0  }
0x10a: {  	[sflag:s16] =	ssyncadd.s32 $0xFFFFD000  }
0x10b: {  	[spmem:s3] =	stream.indirect.scatter.add.f32 [tilespmem:s13], [sflag:$0x3], $0x80, s7, s10, $0xb8;
	v63 =	vld [tilespmem:$0x0]  }
0x10c: {  	_ =	swait.ge [sflag:s1], $0x3000  }
0x10d: {  	[sflag:s1] =	ssyncset.done $0x0  }
0x10e: {  	[sflag:s1] =	ssyncadd.s32 $0xFFFFD000  }
0x10f: {  	_ =	swait.ge [sflag:s9], $0x60  }
0x110: {  	[sflag:s9] =	ssyncset.done $0x0  }
0x111: {  	[sflag:s9] =	ssyncadd.s32 $0xFFFFFFA0  }
0x112: {  	_ =	swait.ge [sflag:s9], $0x60  }
0x113: {  	[sflag:s9] =	ssyncset.done $0x0  }
0x114: {  	[sflag:s9] =	ssyncadd.s32 $0xFFFFFFA0  }
0x115: {  	[tilespmem:s12], [sflag:$0x2] =	stream.indirect.gather [hbm4b:s28+s10], $0x80, s6, s10, $0xb8;
	v63 =	vld [tilespmem:$0x0]  }
0x116: {  	s21 =	rddreg [dreg:$0x14]  }
0x117: {  	[tilespmem:s7], [sflag:$0x1] =	stream.linear.gather [hbm4b:s21+s4], $0x60, $0x38;
	v63 =	vld [tilespmem:$0x0]  }
0x118: {  	s22 =	rddreg [dreg:$0x15]  }
0x119: {  	[tilespmem:s8], [sflag:$0x1] =	stream.linear.gather [hbm4b:s22+s4], $0x60, $0x38;
	v63 =	vld [tilespmem:$0x0]  }
0x11a: {  	_ =	swait.ge [sflag:s16], $0x3000  }
0x11b: {  	[sflag:s16] =	ssyncset.done $0x0  }
0x11c: {  	[sflag:s16] =	ssyncadd.s32 $0xFFFFD000  }
0x11d: {  	[spmem:s3] =	stream.indirect.scatter.add.f32 [tilespmem:s17], [sflag:$0x3], $0x80, s14, s10, $0xb8;
	v63 =	vld [tilespmem:$0x0]  }
0x11e: {  	_ =	swait.ge [sflag:s1], $0x3000  }
0x11f: {  	[sflag:s1] =	ssyncset.done $0x0  }
0x120: {  	[sflag:s1] =	ssyncadd.s32 $0xFFFFD000  }
0x121: {  	_ =	swait.ge [sflag:s9], $0x60  }
0x122: {  	[sflag:s9] =	ssyncset.done $0x0  }
0x123: {  	[sflag:s9] =	ssyncadd.s32 $0xFFFFFFA0  }
0x124: {  	_ =	swait.ge [sflag:s9], $0x60  }
0x125: {  	[sflag:s9] =	ssyncset.done $0x0  }
0x126: {  	[sflag:s9] =	ssyncadd.s32 $0xFFFFFFA0  }
0x127: {  	[tilespmem:s13], [sflag:$0x2] =	stream.indirect.gather [hbm4b:s28+s10], $0x80, s8, s10, $0xb8;
	v63 =	vld [tilespmem:$0x0]  }
0x128: {  	s29 =	rddreg [dreg:$0x16]  }
0x129: {  	[tilespmem:s14], [sflag:$0x1] =	stream.linear.gather [hbm4b:s29+s4], $0x60, $0x38;
	v63 =	vld [tilespmem:$0x0]  }
0x12a: {  	s21 =	rddreg [dreg:$0x17]  }
0x12b: {  	[tilespmem:s15], [sflag:$0x1] =	stream.linear.gather [hbm4b:s21+s4], $0x60, $0x38;
	v63 =	vld [tilespmem:$0x0]  }
0x12c: {  	_ =	swait.ge [sflag:s16], $0x3000  }
0x12d: {  	[sflag:s16] =	ssyncset.done $0x0  }
0x12e: {  	[sflag:s16] =	ssyncadd.s32 $0xFFFFD000  }
0x12f: {  	[spmem:s3] =	stream.indirect.scatter.add.f32 [tilespmem:s11], [sflag:$0x3], $0x80, s2, s10, $0xb8;
	v63 =	vld [tilespmem:$0x0]  }
0x130: {  	_ =	swait.ge [sflag:s1], $0x3000  }
0x131: {  	[sflag:s1] =	ssyncset.done $0x0  }
0x132: {  	[sflag:s1] =	ssyncadd.s32 $0xFFFFD000  }
0x133: {  	_ =	swait.ge [sflag:s9], $0x60  }
0x134: {  	[sflag:s9] =	ssyncset.done $0x0  }
0x135: {  	[sflag:s9] =	ssyncadd.s32 $0xFFFFFFA0  }
0x136: {  	_ =	swait.ge [sflag:s9], $0x60  }
0x137: {  	[sflag:s9] =	ssyncset.done $0x0  }
0x138: {  	[sflag:s9] =	ssyncadd.s32 $0xFFFFFFA0  }
0x139: {  	[tilespmem:s17], [sflag:$0x2] =	stream.indirect.gather [hbm4b:s28+s10], $0x80, s15, s10, $0xb8;
	v63 =	vld [tilespmem:$0x0]  }
0x13a: {  	s22 =	rddreg [dreg:$0x18]  }
0x13b: {  	[tilespmem:s2], [sflag:$0x1] =	stream.linear.gather [hbm4b:s22+s4], $0x60, $0x38;
	v63 =	vld [tilespmem:$0x0]  }
0x13c: {  	s29 =	rddreg [dreg:$0x19]  }
0x13d: {  	[tilespmem:s4], [sflag:$0x1] =	stream.linear.gather [hbm4b:s29+s4], $0x60, $0x38;
	v63 =	vld [tilespmem:$0x0]  }
0x13e: {  	_ =	swait.ge [sflag:s16], $0x3000  }
0x13f: {  	[sflag:s16] =	ssyncset.done $0x0  }
0x140: {  	[sflag:s16] =	ssyncadd.s32 $0xFFFFD000  }
0x141: {  	[spmem:s3] =	stream.indirect.scatter.add.f32 [tilespmem:s12], [sflag:$0x3], $0x80, s5, s10, $0xb8;
	v63 =	vld [tilespmem:$0x0]  }
0x142: {  	_ =	swait.ge [sflag:s1], $0x3000  }
0x143: {  	[sflag:s1] =	ssyncset.done $0x0  }
0x144: {  	[sflag:s1] =	ssyncadd.s32 $0xFFFFD000  }
0x145: {  	_ =	swait.ge [sflag:s9], $0x60  }
0x146: {  	[sflag:s9] =	ssyncset.done $0x0  }
0x147: {  	[sflag:s9] =	ssyncadd.s32 $0xFFFFFFA0  }
0x148: {  	_ =	swait.ge [sflag:s9], $0x60  }
0x149: {  	[sflag:s9] =	ssyncset.done $0x0  }
0x14a: {  	[sflag:s9] =	ssyncadd.s32 $0xFFFFFFA0  }
0x14b: {  	[tilespmem:s11], [sflag:$0x2] =	stream.indirect.gather [hbm4b:s28+s10], $0x80, s4, s10, $0xb8;
	v63 =	vld [tilespmem:$0x0]  }
0x14c: {  	_ =	swait.ge [sflag:s16], $0x3000  }
0x14d: {  	[sflag:s16] =	ssyncset.done $0x0  }
0x14e: {  	[sflag:s16] =	ssyncadd.s32 $0xFFFFD000  }
0x14f: {  	[spmem:s3] =	stream.indirect.scatter.add.f32 [tilespmem:s13], [sflag:$0x3], $0x80, s7, s10, $0xb8;
	v63 =	vld [tilespmem:$0x0]  }
0x150: {  	_ =	swait.ge [sflag:s1], $0x3000  }
0x151: {  	[sflag:s1] =	ssyncset.done $0x0  }
0x152: {  	[sflag:s1] =	ssyncadd.s32 $0xFFFFD000  }
0x153: {  	_ =	swait.ge [sflag:s16], $0x3000  }
0x154: {  	[sflag:s16] =	ssyncset.done $0x0  }
0x155: {  	[sflag:s16] =	ssyncadd.s32 $0xFFFFD000  }
0x156: {  	[spmem:s3] =	stream.indirect.scatter.add.f32 [tilespmem:s17], [sflag:$0x3], $0x80, s14, s10, $0xb8;
	v63 =	vld [tilespmem:$0x0]  }
0x157: {  	_ =	swait.ge [sflag:s1], $0x3000  }
0x158: {  	[sflag:s1] =	ssyncset.done $0x0  }
0x159: {  	[sflag:s1] =	ssyncadd.s32 $0xFFFFD000  }
0x15a: {  	_ =	swait.ge [sflag:s16], $0x3000  }
0x15b: {  	[sflag:s16] =	ssyncset.done $0x0  }
0x15c: {  	[sflag:s16] =	ssyncadd.s32 $0xFFFFD000  }
0x15d: {  	[spmem:s3] =	stream.indirect.scatter.add.f32 [tilespmem:s11], [sflag:$0x3], $0x80, s2, s10, $0xb8;
	v63 =	vld [tilespmem:$0x0]  }
0x15e: {  	_ =	swait.ge [sflag:s1], $0x3000  }
0x15f: {  	s18 =	sadd.s32 $0x1, s18;
	[sflag:s1] =	ssyncset.done $0x0  }
0x160: {  	p0 =	sne.s32 s18, s0;
	[sflag:s1] =	ssyncadd.s32 $0xFFFFD000  }
.Ltmp1:
0x161: {  	[bflag:$0x0] =	sbarrier.arrive $0xFFFF;
	(pc) =	sbr.rel @p0 .LBB2_1-.Ltmp1, $4  }
0x162: {  	[hbm:s31], [sflag:s30] =	dma.local [spmem:s19], $0x2780  }
0x163: {  	_ =	swait.ge [sflag:s1], $0x2780  }
0x164: {  	[sflag:s1] =	ssyncset.done $0x0  }
0x165: {  	[sflag:s1] =	ssyncadd.s32 $0xFFFFD880  }
0x166: {  	_ =	sfence.sel $0x180000  }
0x167: {  	[bflag:$0x0] =	sbarrier.arrive $0xFFFF  }
0x168: {  	_ =	strace $0x90000047  }
0x169: {  	s0 =	stileid.u32;
	[bflag:$0x2] =	sbarrier.arrive $0xFFFF  }
0x16a: {  	p0 =	sne.s32 s0, $0x0;
	s0 =	rddreg [dreg:$0x3]  }
0x16b: {  	s0 =	sadd.s32 @!p0 $0x100000, s0  }
0x16c: {  	[sflag:s0] =	ssyncadd.tile.s32 @!p0 $0x1;
	_ =	shalt  }
.Lfunc_end2:
_tile_overlayer_lowered:
.L_overlay_start_2:
0x16d: {  	(tag) =	ssettag $0x2  }
0x16e: {  	s0 =	rddreg [dreg:$0x0];
	s2 =	stileid.u32  }
0x16f: {  	s1 =	rddreg [dreg:$0x1];
	p0 =	sne.s32 s2, $0x0  }
0x170: {  	s3 =	rddreg [dreg:$0x2];
	[bflag:$0x3] =	sbarrier.arrive $0xFFFF;
	s2 =	simm.s32 @!p0 $0x1C03  }
0x171: {  	[timem:s3], [sflag:s2] =	dma.local @!p0 [hbm:s0], s1  }
0x172: {  	s0 =	simm.s32 @!p0 $0x3  }
0x173: {  	_ =	swait.ge @!p0 [sflag:s0], s1  }
0x174: {  	s1 =	ssub.s32 @!p0 $0x0, s1;
	[sflag:s0] =	ssyncset.done @!p0 $0x0  }
0x175: {  	[sflag:s0] =	ssyncadd.s32 @!p0 s1  }
0x176: {  	[bflag:$0x3] =	sbarrier.arrive $0xFFFF  }
0x177: {  	_ =	shalt  }

</sc_bundles>
